<compile_context>
chip_gen: v7x
topology: tpu7x:2x2x1
jax: 0.10.2.dev20260603
libtpu: 0.0.44.dev20260713+nightly
codegen_flags: <defaults>
</compile_context>

<pallas_src>
import jax
import jax.numpy as jnp
from jax import lax
from jax.experimental import pallas as pl
from jax.experimental.pallas import tpu as pltpu
from jax.experimental.pallas import tpu_sc as plsc

N_ATOMS = 32768
N_BLOCKS = 16
RBF_DIM = 16
L = 16
NC = 2
NS = 16
CH1 = N_ATOMS // NS
CH3 = N_ATOMS // (NC * NS)
G3 = CH3 // L

_MAGIC = 0x5F3759DF


def _rsqrt(s):
    i = plsc.bitcast(s, jnp.int32)
    i = jnp.int32(_MAGIC) - lax.shift_right_logical(i, 1)
    y = plsc.bitcast(i, jnp.float32)
    h = s * 0.5
    for _ in range(2):
        y = y * (1.5 - (h * y) * y)
    return y


def _geom_body(pos_hbm, bid_hbm, cen_hbm, wid_hbm,
               cent_out, rel_out, dist_out, rbf_out,
               ids1_v, pos1_v, accx_v, accy_v, accz_v, accn_v,
               part_v, allp_v, shared_v, cent_v, cw_v,
               rel_v, dist_v, rbf_v, centout_v, sem):
    cid = lax.axis_index("c")
    sid = lax.axis_index("s")

    lanes = lax.broadcasted_iota(jnp.int32, (L,), 0)
    ones = jnp.ones((L,), jnp.float32)

    base1 = sid * CH1
    in1 = pltpu.async_copy(bid_hbm.at[pl.ds(base1, CH1)], ids1_v, sem)
    in2 = pltpu.async_copy(pos_hbm.at[:, pl.ds(base1, CH1)], pos1_v, sem)
    in3 = pltpu.async_copy(cen_hbm, cw_v.at[pl.ds(0, RBF_DIM)], sem)
    in4 = pltpu.async_copy(wid_hbm, cw_v.at[pl.ds(RBF_DIM, RBF_DIM)], sem)

    zero = jnp.zeros((L,), jnp.float32)
    for r in range(L):
        accx_v[pl.ds(r * N_BLOCKS, N_BLOCKS)] = zero
        accy_v[pl.ds(r * N_BLOCKS, N_BLOCKS)] = zero
        accz_v[pl.ds(r * N_BLOCKS, N_BLOCKS)] = zero
        accn_v[pl.ds(r * N_BLOCKS, N_BLOCKS)] = zero
    in1.wait()
    in2.wait()
    in3.wait()
    in4.wait()

    lane_slot = lanes * N_BLOCKS

    @plsc.parallel_loop(0, CH1 // L, unroll=8)
    def _(g):
        idx = ids1_v[pl.ds(g * L, L)]
        xv = pos1_v[0, pl.ds(g * L, L)]
        yv = pos1_v[1, pl.ds(g * L, L)]
        zv = pos1_v[2, pl.ds(g * L, L)]
        slot = lane_slot + idx
        plsc.addupdate_scatter(accx_v, [slot], xv)
        plsc.addupdate_scatter(accy_v, [slot], yv)
        plsc.addupdate_scatter(accz_v, [slot], zv)
        plsc.addupdate_scatter(accn_v, [slot], ones)

    px = accx_v[pl.ds(0, L)]
    py = accy_v[pl.ds(0, L)]
    pz = accz_v[pl.ds(0, L)]
    pn = accn_v[pl.ds(0, L)]
    for r in range(1, L):
        px = px + accx_v[pl.ds(r * N_BLOCKS, N_BLOCKS)]
        py = py + accy_v[pl.ds(r * N_BLOCKS, N_BLOCKS)]
        pz = pz + accz_v[pl.ds(r * N_BLOCKS, N_BLOCKS)]
        pn = pn + accn_v[pl.ds(r * N_BLOCKS, N_BLOCKS)]
    part_v[pl.ds(0, L)] = px
    part_v[pl.ds(L, L)] = py
    part_v[pl.ds(2 * L, L)] = pz
    part_v[pl.ds(3 * L, L)] = pn

    pltpu.sync_copy(part_v, shared_v.at[pl.ds(sid * 4 * N_BLOCKS, 4 * N_BLOCKS)])
    plsc.subcore_barrier()
    pltpu.sync_copy(shared_v, allp_v)

    tx = allp_v[pl.ds(0, L)]
    ty = allp_v[pl.ds(L, L)]
    tz = allp_v[pl.ds(2 * L, L)]
    tn = allp_v[pl.ds(3 * L, L)]
    for t in range(1, NS):
        b = t * 4 * N_BLOCKS
        tx = tx + allp_v[pl.ds(b, L)]
        ty = ty + allp_v[pl.ds(b + L, L)]
        tz = tz + allp_v[pl.ds(b + 2 * L, L)]
        tn = tn + allp_v[pl.ds(b + 3 * L, L)]
    inv = 1.0 / jnp.maximum(tn, 1.0)
    cx = tx * inv
    cy = ty * inv
    cz = tz * inv
    cent_v[pl.ds(0, L)] = cx
    cent_v[pl.ds(L, L)] = cy
    cent_v[pl.ds(2 * L, L)] = cz

    @pl.when(jnp.logical_and(cid == 0, sid == 0))
    def _():
        centout_v[0, pl.ds(0, L)] = cx
        centout_v[1, pl.ds(0, L)] = cy
        centout_v[2, pl.ds(0, L)] = cz
        pltpu.sync_copy(centout_v, cent_out)

    cvec = cw_v[pl.ds(0, L)]
    wvec = cw_v[pl.ds(L, L)]
    nwvec = -0.5 / (wvec * wvec)

    off3 = cid * CH3
    base3 = base1 + off3

    @plsc.parallel_loop(0, G3, unroll=4)
    def _(g):
        s16 = off3 + g * L
        idx = ids1_v[pl.ds(s16, L)]
        xv = pos1_v[0, pl.ds(s16, L)]
        yv = pos1_v[1, pl.ds(s16, L)]
        zv = pos1_v[2, pl.ds(s16, L)]
        gx = plsc.load_gather(cent_v, [idx])
        gy = plsc.load_gather(cent_v, [idx + L])
        gz = plsc.load_gather(cent_v, [idx + 2 * L])
        rx = xv - gx
        ry = yv - gy
        rz = zv - gz
        t = g // 8
        k0 = (g % 8) * L
        rel_v[t, 0, pl.ds(k0, L)] = rx
        rel_v[t, 1, pl.ds(k0, L)] = ry
        rel_v[t, 2, pl.ds(k0, L)] = rz
        s = rx * rx + ry * ry + rz * rz
        dist_v[pl.ds(g * L, L)] = s * _rsqrt(s)

    o_rel = pltpu.async_copy(
        rel_v, rel_out.at[pl.ds(base3 // 128, CH3 // 128)], sem)
    o_dist = pltpu.async_copy(dist_v, dist_out.at[pl.ds(base3, CH3)], sem)

    for j in range(RBF_DIM):
        cj = jnp.full((L,), cvec[j], jnp.float32)
        nj = jnp.full((L,), nwvec[j], jnp.float32)

        @plsc.parallel_loop(0, G3, unroll=8)
        def _(g, cj=cj, nj=nj, j=j):
            d = dist_v[pl.ds(g * L, L)]
            t = d - cj
            rbf_v[j // 8, g // 8, j % 8, pl.ds((g % 8) * L, L)] = (
                jnp.exp(t * t * nj))

    tibase = base3 // 128
    o_rbf0 = pltpu.async_copy(
        rbf_v.at[0], rbf_out.at[0, pl.ds(tibase, CH3 // 128)], sem)
    o_rbf1 = pltpu.async_copy(
        rbf_v.at[1], rbf_out.at[1, pl.ds(tibase, CH3 // 128)], sem)
    o_rel.wait()
    o_dist.wait()
    o_rbf0.wait()
    o_rbf1.wait()


_sc_geom = pl.kernel(
    _geom_body,
    out_type=(
        jax.ShapeDtypeStruct((4, 128), jnp.float32),
        jax.ShapeDtypeStruct((N_ATOMS // 128, 4, 128), jnp.float32),
        jax.ShapeDtypeStruct((N_ATOMS,), jnp.float32),
        jax.ShapeDtypeStruct((2, N_ATOMS // 128, 8, 128), jnp.float32),
    ),
    mesh=plsc.VectorSubcoreMesh(
        core_axis_name="c", subcore_axis_name="s",
        num_cores=NC, num_subcores=NS),
    compiler_params=pltpu.CompilerParams(
        needs_layout_passes=False, use_tc_tiling_on_sc=False),
    scratch_types=[
        pltpu.VMEM((CH1,), jnp.int32),
        pltpu.VMEM((3, CH1), jnp.float32),
        pltpu.VMEM((L * N_BLOCKS,), jnp.float32),
        pltpu.VMEM((L * N_BLOCKS,), jnp.float32),
        pltpu.VMEM((L * N_BLOCKS,), jnp.float32),
        pltpu.VMEM((L * N_BLOCKS,), jnp.float32),
        pltpu.VMEM((4 * N_BLOCKS,), jnp.float32),
        pltpu.VMEM((NS * 4 * N_BLOCKS,), jnp.float32),
        pltpu.VMEM_SHARED((NS * 4 * N_BLOCKS,), jnp.float32),
        pltpu.VMEM((3 * N_BLOCKS,), jnp.float32),
        pltpu.VMEM((2 * RBF_DIM,), jnp.float32),
        pltpu.VMEM((CH3 // 128, 4, 128), jnp.float32),
        pltpu.VMEM((CH3,), jnp.float32),
        pltpu.VMEM((2, CH3 // 128, 8, 128), jnp.float32),
        pltpu.VMEM((4, 128), jnp.float32),
        pltpu.SemaphoreType.DMA,
    ],
)


@jax.jit
def kernel(atom_positions, block_id, centers, widths):
    cent4, rel3, dist, rbf4 = _sc_geom(
        atom_positions.T, block_id.astype(jnp.int32), centers, widths)
    cents = jnp.transpose(cent4, (1, 0))[:N_BLOCKS, :3]
    rel = jnp.transpose(rel3, (0, 2, 1)).reshape(N_ATOMS, 4)[:, :3]
    rbf = jnp.transpose(rbf4, (1, 3, 0, 2)).reshape(N_ATOMS, RBF_DIM)
    return cents, rel, dist, rbf

# --- scband reference (transcript-rebuilt; emitter-appended) ---
"""Pipeline reference for scband-batched-geometry-computation-16939351015985 (READ-ONLY COPY).

The authoritative reference and input builder live on the scoring server;
editing this copy changes nothing except your own understanding.
"""

import jax, jax.numpy as jnp
import numpy as np

RBF_DIM = 16
CUTOFF = 10.0
N_ATOMS = 32768
N_BLOCKS = 16


def setup_inputs(seed: int = 0) -> dict:
    key = jax.random.key(seed)
    k1, k2 = jax.random.split(key)
    atom_positions = jax.random.normal(k1, (N_ATOMS, 3), dtype=jnp.float32)
    block_id = jnp.sort(jax.random.randint(k2, (N_ATOMS,), 0, N_BLOCKS, dtype=jnp.int32))
    # learned parameters per __init__
    centers = jnp.linspace(0.0, CUTOFF, RBF_DIM).astype(jnp.float32)
    widths = (jnp.ones((RBF_DIM,), dtype=jnp.float32) * (CUTOFF / RBF_DIM))
    return {"atom_positions": atom_positions, "block_id": block_id, "centers": centers, "widths": widths}


def reference(atom_positions, block_id, centers, widths):
    # Faithful translation of batch_compute_geometry. The torch code loops over
    # unique blocks and builds ragged per-block lists; since block_id is sorted,
    # concatenating those per-block lists equals these flat segment-ordered arrays.
    seg = block_id.astype(jnp.int32)
    n = atom_positions.shape[0]
    # per-block centroid = mean of positions in the block (segment mean)
    sums = jax.ops.segment_sum(atom_positions, seg, num_segments=N_BLOCKS)
    counts = jax.ops.segment_sum(jnp.ones((n, 1), dtype=atom_positions.dtype), seg, num_segments=N_BLOCKS)
    centroids = sums / jnp.maximum(counts, 1.0)
    # rel_pos = block_positions - centroid[block]  (gather centroid back per atom)
    rel_positions = atom_positions - centroids[seg]
    # distances = ||rel_pos||
    distances = jnp.linalg.norm(rel_positions, axis=1)
    # compute_rbf: exp(-(d - c)^2 / (2 w^2))
    d = distances[:, None]
    c = centers[None, :]
    w = widths[None, :]
    rbf_features = jnp.exp(-((d - c) ** 2) / (2.0 * w ** 2))
    return centroids, rel_positions, distances, rbf_features

if __name__ == "__main__":
    import jax
    _d = setup_inputs()
    print(jax.jit(kernel)(*tuple(_d.values())))

</pallas_src>

<mosaic_0001>
#map = affine_map<(d0, d1) -> (0, 0)>
#map1 = affine_map<(d0, d1) -> (0)>
#map2 = affine_map<(d0, d1) -> (0, 0, 0)>
#map3 = affine_map<(d0, d1) -> (0, 0, 0, 0)>
module attributes {stable_mosaic.version = 14 : i64} {
  func.func @_geom_body(%arg0: i32, %arg1: i32, %arg2: memref<3x32768xf32, #tpu.memory_space<hbm>>, %arg3: memref<32768xi32, #tpu.memory_space<hbm>>, %arg4: memref<16xf32, #tpu.memory_space<hbm>>, %arg5: memref<16xf32, #tpu.memory_space<hbm>>, %arg6: memref<4x128xf32, #tpu.memory_space<hbm>>, %arg7: memref<256x4x128xf32, #tpu.memory_space<hbm>>, %arg8: memref<32768xf32, #tpu.memory_space<hbm>>, %arg9: memref<2x256x8x128xf32, #tpu.memory_space<hbm>>, %arg10: memref<2048xi32, #tpu.memory_space<vmem>>, %arg11: memref<3x2048xf32, #tpu.memory_space<vmem>>, %arg12: memref<256xf32, #tpu.memory_space<vmem>>, %arg13: memref<256xf32, #tpu.memory_space<vmem>>, %arg14: memref<256xf32, #tpu.memory_space<vmem>>, %arg15: memref<256xf32, #tpu.memory_space<vmem>>, %arg16: memref<64xf32, #tpu.memory_space<vmem>>, %arg17: memref<1024xf32, #tpu.memory_space<vmem>>, %arg18: memref<1024xf32, #tpu.memory_space<vmem_shared>>, %arg19: memref<48xf32, #tpu.memory_space<vmem>>, %arg20: memref<32xf32, #tpu.memory_space<vmem>>, %arg21: memref<8x4x128xf32, #tpu.memory_space<vmem>>, %arg22: memref<1024xf32, #tpu.memory_space<vmem>>, %arg23: memref<2x8x8x128xf32, #tpu.memory_space<vmem>>, %arg24: memref<4x128xf32, #tpu.memory_space<vmem>>, %arg25: memref<!tpu.dma_semaphore, #tpu.memory_space<semaphore_mem>>) attributes {dimension_semantics = [#tpu.dimension_semantics<core_parallel>, #tpu.dimension_semantics<subcore_parallel>], iteration_bounds = array<i64: 2, 16>, scalar_prefetch = 0 : i64, scratch_operands = 16 : i64, tpu.core_type = #tpu.core_type<sc_vector_subcore>, window_params = [{transform_indices = #map}, {transform_indices = #map1}, {transform_indices = #map1}, {transform_indices = #map1}, {transform_indices = #map}, {transform_indices = #map2}, {transform_indices = #map1}, {transform_indices = #map3}]} {
    %iota3A = tpu.iota {dimensions = array<i32: 0>} : vector<16xi32>
    %broadcast_in_dim3A = arith.constant 1.000000e+00 : f32
    %broadcast_in_dim3A_0 = vector.broadcast %broadcast_in_dim3A : f32 to vector<16xf32>
    %mul3A = arith.constant 2048 : i32
    %mul3A_1 = arith.muli %arg1, %mul3A : i32
    %dma_start3A = tpu.memref_slice %arg3[%mul3A_1] : memref<32768xi32, #tpu.memory_space<hbm>> -> memref<2048xi32, #tpu.memory_space<hbm>>
    %dma_start3A_2 = tpu.memref_slice %arg3[%mul3A_1] : memref<32768xi32, #tpu.memory_space<hbm>> -> memref<2048xi32, #tpu.memory_space<hbm>>
    tpu.enqueue_dma source(%dma_start3A_2 : memref<2048xi32, #tpu.memory_space<hbm>>) target(%arg10 : memref<2048xi32, #tpu.memory_space<vmem>>) target_semaphore(%arg25 : memref<!tpu.dma_semaphore, #tpu.memory_space<semaphore_mem>>)
    %dma_start3A_3 = arith.constant 0 : i32
    %dma_start3A_4 = tpu.memref_slice %arg2[%dma_start3A_3, %mul3A_1] : memref<3x32768xf32, #tpu.memory_space<hbm>> -> memref<3x2048xf32, #tpu.memory_space<hbm>>
    %dma_start3A_5 = arith.constant 0 : i32
    %dma_start3A_6 = tpu.memref_slice %arg2[%dma_start3A_5, %mul3A_1] : memref<3x32768xf32, #tpu.memory_space<hbm>> -> memref<3x2048xf32, #tpu.memory_space<hbm>>
    tpu.enqueue_dma source(%dma_start3A_6 : memref<3x2048xf32, #tpu.memory_space<hbm>>) target(%arg11 : memref<3x2048xf32, #tpu.memory_space<vmem>>) target_semaphore(%arg25 : memref<!tpu.dma_semaphore, #tpu.memory_space<semaphore_mem>>)
    %dma_start3A_7 = arith.constant 0 : i32
    %dma_start3A_8 = tpu.memref_slice %arg20[%dma_start3A_7] : memref<32xf32, #tpu.memory_space<vmem>> -> memref<16xf32, #tpu.memory_space<vmem>>
    %dma_start3A_9 = arith.constant 0 : i32
    %dma_start3A_10 = tpu.memref_slice %arg20[%dma_start3A_9] : memref<32xf32, #tpu.memory_space<vmem>> -> memref<16xf32, #tpu.memory_space<vmem>>
    tpu.enqueue_dma source(%arg4 : memref<16xf32, #tpu.memory_space<hbm>>) target(%dma_start3A_10 : memref<16xf32, #tpu.memory_space<vmem>>) target_semaphore(%arg25 : memref<!tpu.dma_semaphore, #tpu.memory_space<semaphore_mem>>)
    %dma_start3A_11 = arith.constant 16 : i32
    %dma_start3A_12 = tpu.memref_slice %arg20[%dma_start3A_11] : memref<32xf32, #tpu.memory_space<vmem>> -> memref<16xf32, #tpu.memory_space<vmem>>
    %dma_start3A_13 = arith.constant 16 : i32
    %dma_start3A_14 = tpu.memref_slice %arg20[%dma_start3A_13] : memref<32xf32, #tpu.memory_space<vmem>> -> memref<16xf32, #tpu.memory_space<vmem>>
    tpu.enqueue_dma source(%arg5 : memref<16xf32, #tpu.memory_space<hbm>>) target(%dma_start3A_14 : memref<16xf32, #tpu.memory_space<vmem>>) target_semaphore(%arg25 : memref<!tpu.dma_semaphore, #tpu.memory_space<semaphore_mem>>)
    %broadcast_in_dim3A_15 = arith.constant 0.000000e+00 : f32
    %broadcast_in_dim3A_16 = vector.broadcast %broadcast_in_dim3A_15 : f32 to vector<16xf32>
    %swap3A = arith.constant 0 : index
    %swap3A_17 = tpu.vector_load %arg12[%swap3A] {strides = array<i32>} : memref<256xf32, #tpu.memory_space<vmem>>, vector<16xf32>,
    tpu.vector_store %arg12[%swap3A], %broadcast_in_dim3A_16 {strides = array<i32>} : memref<256xf32, #tpu.memory_space<vmem>>, vector<16xf32>,
    %swap3A_18 = arith.constant 0 : index
    %swap3A_19 = tpu.vector_load %arg13[%swap3A_18] {strides = array<i32>} : memref<256xf32, #tpu.memory_space<vmem>>, vector<16xf32>,
    tpu.vector_store %arg13[%swap3A_18], %broadcast_in_dim3A_16 {strides = array<i32>} : memref<256xf32, #tpu.memory_space<vmem>>, vector<16xf32>,
    %swap3A_20 = arith.constant 0 : index
    %swap3A_21 = tpu.vector_load %arg14[%swap3A_20] {strides = array<i32>} : memref<256xf32, #tpu.memory_space<vmem>>, vector<16xf32>,
    tpu.vector_store %arg14[%swap3A_20], %broadcast_in_dim3A_16 {strides = array<i32>} : memref<256xf32, #tpu.memory_space<vmem>>, vector<16xf32>,
    %swap3A_22 = arith.constant 0 : index
    %swap3A_23 = tpu.vector_load %arg15[%swap3A_22] {strides = array<i32>} : memref<256xf32, #tpu.memory_space<vmem>>, vector<16xf32>,
    tpu.vector_store %arg15[%swap3A_22], %broadcast_in_dim3A_16 {strides = array<i32>} : memref<256xf32, #tpu.memory_space<vmem>>, vector<16xf32>,
    %swap3A_24 = arith.constant 16 : index
    %swap3A_25 = tpu.vector_load %arg12[%swap3A_24] {strides = array<i32>} : memref<256xf32, #tpu.memory_space<vmem>>, vector<16xf32>,
    tpu.vector_store %arg12[%swap3A_24], %broadcast_in_dim3A_16 {strides = array<i32>} : memref<256xf32, #tpu.memory_space<vmem>>, vector<16xf32>,
    %swap3A_26 = arith.constant 16 : index
    %swap3A_27 = tpu.vector_load %arg13[%swap3A_26] {strides = array<i32>} : memref<256xf32, #tpu.memory_space<vmem>>, vector<16xf32>,
    tpu.vector_store %arg13[%swap3A_26], %broadcast_in_dim3A_16 {strides = array<i32>} : memref<256xf32, #tpu.memory_space<vmem>>, vector<16xf32>,
    %swap3A_28 = arith.constant 16 : index
    %swap3A_29 = tpu.vector_load %arg14[%swap3A_28] {strides = array<i32>} : memref<256xf32, #tpu.memory_space<vmem>>, vector<16xf32>,
    tpu.vector_store %arg14[%swap3A_28], %broadcast_in_dim3A_16 {strides = array<i32>} : memref<256xf32, #tpu.memory_space<vmem>>, vector<16xf32>,
    %swap3A_30 = arith.constant 16 : index
    %swap3A_31 = tpu.vector_load %arg15[%swap3A_30] {strides = array<i32>} : memref<256xf32, #tpu.memory_space<vmem>>, vector<16xf32>,
    tpu.vector_store %arg15[%swap3A_30], %broadcast_in_dim3A_16 {strides = array<i32>} : memref<256xf32, #tpu.memory_space<vmem>>, vector<16xf32>,
    %swap3A_32 = arith.constant 32 : index
    %swap3A_33 = tpu.vector_load %arg12[%swap3A_32] {strides = array<i32>} : memref<256xf32, #tpu.memory_space<vmem>>, vector<16xf32>,
    tpu.vector_store %arg12[%swap3A_32], %broadcast_in_dim3A_16 {strides = array<i32>} : memref<256xf32, #tpu.memory_space<vmem>>, vector<16xf32>,
    %swap3A_34 = arith.constant 32 : index
    %swap3A_35 = tpu.vector_load %arg13[%swap3A_34] {strides = array<i32>} : memref<256xf32, #tpu.memory_space<vmem>>, vector<16xf32>,
    tpu.vector_store %arg13[%swap3A_34], %broadcast_in_dim3A_16 {strides = array<i32>} : memref<256xf32, #tpu.memory_space<vmem>>, vector<16xf32>,
    %swap3A_36 = arith.constant 32 : index
    %swap3A_37 = tpu.vector_load %arg14[%swap3A_36] {strides = array<i32>} : memref<256xf32, #tpu.memory_space<vmem>>, vector<16xf32>,
    tpu.vector_store %arg14[%swap3A_36], %broadcast_in_dim3A_16 {strides = array<i32>} : memref<256xf32, #tpu.memory_space<vmem>>, vector<16xf32>,
    %swap3A_38 = arith.constant 32 : index
    %swap3A_39 = tpu.vector_load %arg15[%swap3A_38] {strides = array<i32>} : memref<256xf32, #tpu.memory_space<vmem>>, vector<16xf32>,
    tpu.vector_store %arg15[%swap3A_38], %broadcast_in_dim3A_16 {strides = array<i32>} : memref<256xf32, #tpu.memory_space<vmem>>, vector<16xf32>,
    %swap3A_40 = arith.constant 48 : index
    %swap3A_41 = tpu.vector_load %arg12[%swap3A_40] {strides = array<i32>} : memref<256xf32, #tpu.memory_space<vmem>>, vector<16xf32>,
    tpu.vector_store %arg12[%swap3A_40], %broadcast_in_dim3A_16 {strides = array<i32>} : memref<256xf32, #tpu.memory_space<vmem>>, vector<16xf32>,
    %swap3A_42 = arith.constant 48 : index
    %swap3A_43 = tpu.vector_load %arg13[%swap3A_42] {strides = array<i32>} : memref<256xf32, #tpu.memory_space<vmem>>, vector<16xf32>,
    tpu.vector_store %arg13[%swap3A_42], %broadcast_in_dim3A_16 {strides = array<i32>} : memref<256xf32, #tpu.memory_space<vmem>>, vector<16xf32>,
    %swap3A_44 = arith.constant 48 : index
    %swap3A_45 = tpu.vector_load %arg14[%swap3A_44] {strides = array<i32>} : memref<256xf32, #tpu.memory_space<vmem>>, vector<16xf32>,
    tpu.vector_store %arg14[%swap3A_44], %broadcast_in_dim3A_16 {strides = array<i32>} : memref<256xf32, #tpu.memory_space<vmem>>, vector<16xf32>,
    %swap3A_46 = arith.constant 48 : index
    %swap3A_47 = tpu.vector_load %arg15[%swap3A_46] {strides = array<i32>} : memref<256xf32, #tpu.memory_space<vmem>>, vector<16xf32>,
    tpu.vector_store %arg15[%swap3A_46], %broadcast_in_dim3A_16 {strides = array<i32>} : memref<256xf32, #tpu.memory_space<vmem>>, vector<16xf32>,
    %swap3A_48 = arith.constant 64 : index
    %swap3A_49 = tpu.vector_load %arg12[%swap3A_48] {strides = array<i32>} : memref<256xf32, #tpu.memory_space<vmem>>, vector<16xf32>,
    tpu.vector_store %arg12[%swap3A_48], %broadcast_in_dim3A_16 {strides = array<i32>} : memref<256xf32, #tpu.memory_space<vmem>>, vector<16xf32>,
    %swap3A_50 = arith.constant 64 : index
    %swap3A_51 = tpu.vector_load %arg13[%swap3A_50] {strides = array<i32>} : memref<256xf32, #tpu.memory_space<vmem>>, vector<16xf32>,
    tpu.vector_store %arg13[%swap3A_50], %broadcast_in_dim3A_16 {strides = array<i32>} : memref<256xf32, #tpu.memory_space<vmem>>, vector<16xf32>,
    %swap3A_52 = arith.constant 64 : index
    %swap3A_53 = tpu.vector_load %arg14[%swap3A_52] {strides = array<i32>} : memref<256xf32, #tpu.memory_space<vmem>>, vector<16xf32>,
    tpu.vector_store %arg14[%swap3A_52], %broadcast_in_dim3A_16 {strides = array<i32>} : memref<256xf32, #tpu.memory_space<vmem>>, vector<16xf32>,
    %swap3A_54 = arith.constant 64 : index
    %swap3A_55 = tpu.vector_load %arg15[%swap3A_54] {strides = array<i32>} : memref<256xf32, #tpu.memory_space<vmem>>, vector<16xf32>,
    tpu.vector_store %arg15[%swap3A_54], %broadcast_in_dim3A_16 {strides = array<i32>} : memref<256xf32, #tpu.memory_space<vmem>>, vector<16xf32>,
    %swap3A_56 = arith.constant 80 : index
    %swap3A_57 = tpu.vector_load %arg12[%swap3A_56] {strides = array<i32>} : memref<256xf32, #tpu.memory_space<vmem>>, vector<16xf32>,
    tpu.vector_store %arg12[%swap3A_56], %broadcast_in_dim3A_16 {strides = array<i32>} : memref<256xf32, #tpu.memory_space<vmem>>, vector<16xf32>,
    %swap3A_58 = arith.constant 80 : index
    %swap3A_59 = tpu.vector_load %arg13[%swap3A_58] {strides = array<i32>} : memref<256xf32, #tpu.memory_space<vmem>>, vector<16xf32>,
    tpu.vector_store %arg13[%swap3A_58], %broadcast_in_dim3A_16 {strides = array<i32>} : memref<256xf32, #tpu.memory_space<vmem>>, vector<16xf32>,
    %swap3A_60 = arith.constant 80 : index
    %swap3A_61 = tpu.vector_load %arg14[%swap3A_60] {strides = array<i32>} : memref<256xf32, #tpu.memory_space<vmem>>, vector<16xf32>,
    tpu.vector_store %arg14[%swap3A_60], %broadcast_in_dim3A_16 {strides = array<i32>} : memref<256xf32, #tpu.memory_space<vmem>>, vector<16xf32>,
    %swap3A_62 = arith.constant 80 : index
    %swap3A_63 = tpu.vector_load %arg15[%swap3A_62] {strides = array<i32>} : memref<256xf32, #tpu.memory_space<vmem>>, vector<16xf32>,
    tpu.vector_store %arg15[%swap3A_62], %broadcast_in_dim3A_16 {strides = array<i32>} : memref<256xf32, #tpu.memory_space<vmem>>, vector<16xf32>,
    %swap3A_64 = arith.constant 96 : index
    %swap3A_65 = tpu.vector_load %arg12[%swap3A_64] {strides = array<i32>} : memref<256xf32, #tpu.memory_space<vmem>>, vector<16xf32>,
    tpu.vector_store %arg12[%swap3A_64], %broadcast_in_dim3A_16 {strides = array<i32>} : memref<256xf32, #tpu.memory_space<vmem>>, vector<16xf32>,
    %swap3A_66 = arith.constant 96 : index
    %swap3A_67 = tpu.vector_load %arg13[%swap3A_66] {strides = array<i32>} : memref<256xf32, #tpu.memory_space<vmem>>, vector<16xf32>,
    tpu.vector_store %arg13[%swap3A_66], %broadcast_in_dim3A_16 {strides = array<i32>} : memref<256xf32, #tpu.memory_space<vmem>>, vector<16xf32>,
    %swap3A_68 = arith.constant 96 : index
    %swap3A_69 = tpu.vector_load %arg14[%swap3A_68] {strides = array<i32>} : memref<256xf32, #tpu.memory_space<vmem>>, vector<16xf32>,
    tpu.vector_store %arg14[%swap3A_68], %broadcast_in_dim3A_16 {strides = array<i32>} : memref<256xf32, #tpu.memory_space<vmem>>, vector<16xf32>,
    %swap3A_70 = arith.constant 96 : index
    %swap3A_71 = tpu.vector_load %arg15[%swap3A_70] {strides = array<i32>} : memref<256xf32, #tpu.memory_space<vmem>>, vector<16xf32>,
    tpu.vector_store %arg15[%swap3A_70], %broadcast_in_dim3A_16 {strides = array<i32>} : memref<256xf32, #tpu.memory_space<vmem>>, vector<16xf32>,
    %swap3A_72 = arith.constant 112 : index
    %swap3A_73 = tpu.vector_load %arg12[%swap3A_72] {strides = array<i32>} : memref<256xf32, #tpu.memory_space<vmem>>, vector<16xf32>,
    tpu.vector_store %arg12[%swap3A_72], %broadcast_in_dim3A_16 {strides = array<i32>} : memref<256xf32, #tpu.memory_space<vmem>>, vector<16xf32>,
    %swap3A_74 = arith.constant 112 : index
    %swap3A_75 = tpu.vector_load %arg13[%swap3A_74] {strides = array<i32>} : memref<256xf32, #tpu.memory_space<vmem>>, vector<16xf32>,
    tpu.vector_store %arg13[%swap3A_74], %broadcast_in_dim3A_16 {strides = array<i32>} : memref<256xf32, #tpu.memory_space<vmem>>, vector<16xf32>,
    %swap3A_76 = arith.constant 112 : index
    %swap3A_77 = tpu.vector_load %arg14[%swap3A_76] {strides = array<i32>} : memref<256xf32, #tpu.memory_space<vmem>>, vector<16xf32>,
    tpu.vector_store %arg14[%swap3A_76], %broadcast_in_dim3A_16 {strides = array<i32>} : memref<256xf32, #tpu.memory_space<vmem>>, vector<16xf32>,
    %swap3A_78 = arith.constant 112 : index
    %swap3A_79 = tpu.vector_load %arg15[%swap3A_78] {strides = array<i32>} : memref<256xf32, #tpu.memory_space<vmem>>, vector<16xf32>,
    tpu.vector_store %arg15[%swap3A_78], %broadcast_in_dim3A_16 {strides = array<i32>} : memref<256xf32, #tpu.memory_space<vmem>>, vector<16xf32>,
    %swap3A_80 = arith.constant 128 : index
    %swap3A_81 = tpu.vector_load %arg12[%swap3A_80] {strides = array<i32>} : memref<256xf32, #tpu.memory_space<vmem>>, vector<16xf32>,
    tpu.vector_store %arg12[%swap3A_80], %broadcast_in_dim3A_16 {strides = array<i32>} : memref<256xf32, #tpu.memory_space<vmem>>, vector<16xf32>,
    %swap3A_82 = arith.constant 128 : index
    %swap3A_83 = tpu.vector_load %arg13[%swap3A_82] {strides = array<i32>} : memref<256xf32, #tpu.memory_space<vmem>>, vector<16xf32>,
    tpu.vector_store %arg13[%swap3A_82], %broadcast_in_dim3A_16 {strides = array<i32>} : memref<256xf32, #tpu.memory_space<vmem>>, vector<16xf32>,
    %swap3A_84 = arith.constant 128 : index
    %swap3A_85 = tpu.vector_load %arg14[%swap3A_84] {strides = array<i32>} : memref<256xf32, #tpu.memory_space<vmem>>, vector<16xf32>,
    tpu.vector_store %arg14[%swap3A_84], %broadcast_in_dim3A_16 {strides = array<i32>} : memref<256xf32, #tpu.memory_space<vmem>>, vector<16xf32>,
    %swap3A_86 = arith.constant 128 : index
    %swap3A_87 = tpu.vector_load %arg15[%swap3A_86] {strides = array<i32>} : memref<256xf32, #tpu.memory_space<vmem>>, vector<16xf32>,
    tpu.vector_store %arg15[%swap3A_86], %broadcast_in_dim3A_16 {strides = array<i32>} : memref<256xf32, #tpu.memory_space<vmem>>, vector<16xf32>,
    %swap3A_88 = arith.constant 144 : index
    %swap3A_89 = tpu.vector_load %arg12[%swap3A_88] {strides = array<i32>} : memref<256xf32, #tpu.memory_space<vmem>>, vector<16xf32>,
    tpu.vector_store %arg12[%swap3A_88], %broadcast_in_dim3A_16 {strides = array<i32>} : memref<256xf32, #tpu.memory_space<vmem>>, vector<16xf32>,
    %swap3A_90 = arith.constant 144 : index
    %swap3A_91 = tpu.vector_load %arg13[%swap3A_90] {strides = array<i32>} : memref<256xf32, #tpu.memory_space<vmem>>, vector<16xf32>,
    tpu.vector_store %arg13[%swap3A_90], %broadcast_in_dim3A_16 {strides = array<i32>} : memref<256xf32, #tpu.memory_space<vmem>>, vector<16xf32>,
    %swap3A_92 = arith.constant 144 : index
    %swap3A_93 = tpu.vector_load %arg14[%swap3A_92] {strides = array<i32>} : memref<256xf32, #tpu.memory_space<vmem>>, vector<16xf32>,
    tpu.vector_store %arg14[%swap3A_92], %broadcast_in_dim3A_16 {strides = array<i32>} : memref<256xf32, #tpu.memory_space<vmem>>, vector<16xf32>,
    %swap3A_94 = arith.constant 144 : index
    %swap3A_95 = tpu.vector_load %arg15[%swap3A_94] {strides = array<i32>} : memref<256xf32, #tpu.memory_space<vmem>>, vector<16xf32>,
    tpu.vector_store %arg15[%swap3A_94], %broadcast_in_dim3A_16 {strides = array<i32>} : memref<256xf32, #tpu.memory_space<vmem>>, vector<16xf32>,
    %swap3A_96 = arith.constant 160 : index
    %swap3A_97 = tpu.vector_load %arg12[%swap3A_96] {strides = array<i32>} : memref<256xf32, #tpu.memory_space<vmem>>, vector<16xf32>,
    tpu.vector_store %arg12[%swap3A_96], %broadcast_in_dim3A_16 {strides = array<i32>} : memref<256xf32, #tpu.memory_space<vmem>>, vector<16xf32>,
    %swap3A_98 = arith.constant 160 : index
    %swap3A_99 = tpu.vector_load %arg13[%swap3A_98] {strides = array<i32>} : memref<256xf32, #tpu.memory_space<vmem>>, vector<16xf32>,
    tpu.vector_store %arg13[%swap3A_98], %broadcast_in_dim3A_16 {strides = array<i32>} : memref<256xf32, #tpu.memory_space<vmem>>, vector<16xf32>,
    %swap3A_100 = arith.constant 160 : index
    %swap3A_101 = tpu.vector_load %arg14[%swap3A_100] {strides = array<i32>} : memref<256xf32, #tpu.memory_space<vmem>>, vector<16xf32>,
    tpu.vector_store %arg14[%swap3A_100], %broadcast_in_dim3A_16 {strides = array<i32>} : memref<256xf32, #tpu.memory_space<vmem>>, vector<16xf32>,
    %swap3A_102 = arith.constant 160 : index
    %swap3A_103 = tpu.vector_load %arg15[%swap3A_102] {strides = array<i32>} : memref<256xf32, #tpu.memory_space<vmem>>, vector<16xf32>,
    tpu.vector_store %arg15[%swap3A_102], %broadcast_in_dim3A_16 {strides = array<i32>} : memref<256xf32, #tpu.memory_space<vmem>>, vector<16xf32>,
    %swap3A_104 = arith.constant 176 : index
    %swap3A_105 = tpu.vector_load %arg12[%swap3A_104] {strides = array<i32>} : memref<256xf32, #tpu.memory_space<vmem>>, vector<16xf32>,
    tpu.vector_store %arg12[%swap3A_104], %broadcast_in_dim3A_16 {strides = array<i32>} : memref<256xf32, #tpu.memory_space<vmem>>, vector<16xf32>,
    %swap3A_106 = arith.constant 176 : index
    %swap3A_107 = tpu.vector_load %arg13[%swap3A_106] {strides = array<i32>} : memref<256xf32, #tpu.memory_space<vmem>>, vector<16xf32>,
    tpu.vector_store %arg13[%swap3A_106], %broadcast_in_dim3A_16 {strides = array<i32>} : memref<256xf32, #tpu.memory_space<vmem>>, vector<16xf32>,
    %swap3A_108 = arith.constant 176 : index
    %swap3A_109 = tpu.vector_load %arg14[%swap3A_108] {strides = array<i32>} : memref<256xf32, #tpu.memory_space<vmem>>, vector<16xf32>,
    tpu.vector_store %arg14[%swap3A_108], %broadcast_in_dim3A_16 {strides = array<i32>} : memref<256xf32, #tpu.memory_space<vmem>>, vector<16xf32>,
    %swap3A_110 = arith.constant 176 : index
    %swap3A_111 = tpu.vector_load %arg15[%swap3A_110] {strides = array<i32>} : memref<256xf32, #tpu.memory_space<vmem>>, vector<16xf32>,
    tpu.vector_store %arg15[%swap3A_110], %broadcast_in_dim3A_16 {strides = array<i32>} : memref<256xf32, #tpu.memory_space<vmem>>, vector<16xf32>,
    %swap3A_112 = arith.constant 192 : index
    %swap3A_113 = tpu.vector_load %arg12[%swap3A_112] {strides = array<i32>} : memref<256xf32, #tpu.memory_space<vmem>>, vector<16xf32>,
    tpu.vector_store %arg12[%swap3A_112], %broadcast_in_dim3A_16 {strides = array<i32>} : memref<256xf32, #tpu.memory_space<vmem>>, vector<16xf32>,
    %swap3A_114 = arith.constant 192 : index
    %swap3A_115 = tpu.vector_load %arg13[%swap3A_114] {strides = array<i32>} : memref<256xf32, #tpu.memory_space<vmem>>, vector<16xf32>,
    tpu.vector_store %arg13[%swap3A_114], %broadcast_in_dim3A_16 {strides = array<i32>} : memref<256xf32, #tpu.memory_space<vmem>>, vector<16xf32>,
    %swap3A_116 = arith.constant 192 : index
    %swap3A_117 = tpu.vector_load %arg14[%swap3A_116] {strides = array<i32>} : memref<256xf32, #tpu.memory_space<vmem>>, vector<16xf32>,
    tpu.vector_store %arg14[%swap3A_116], %broadcast_in_dim3A_16 {strides = array<i32>} : memref<256xf32, #tpu.memory_space<vmem>>, vector<16xf32>,
    %swap3A_118 = arith.constant 192 : index
    %swap3A_119 = tpu.vector_load %arg15[%swap3A_118] {strides = array<i32>} : memref<256xf32, #tpu.memory_space<vmem>>, vector<16xf32>,
    tpu.vector_store %arg15[%swap3A_118], %broadcast_in_dim3A_16 {strides = array<i32>} : memref<256xf32, #tpu.memory_space<vmem>>, vector<16xf32>,
    %swap3A_120 = arith.constant 208 : index
    %swap3A_121 = tpu.vector_load %arg12[%swap3A_120] {strides = array<i32>} : memref<256xf32, #tpu.memory_space<vmem>>, vector<16xf32>,
    tpu.vector_store %arg12[%swap3A_120], %broadcast_in_dim3A_16 {strides = array<i32>} : memref<256xf32, #tpu.memory_space<vmem>>, vector<16xf32>,
    %swap3A_122 = arith.constant 208 : index
    %swap3A_123 = tpu.vector_load %arg13[%swap3A_122] {strides = array<i32>} : memref<256xf32, #tpu.memory_space<vmem>>, vector<16xf32>,
    tpu.vector_store %arg13[%swap3A_122], %broadcast_in_dim3A_16 {strides = array<i32>} : memref<256xf32, #tpu.memory_space<vmem>>, vector<16xf32>,
    %swap3A_124 = arith.constant 208 : index
    %swap3A_125 = tpu.vector_load %arg14[%swap3A_124] {strides = array<i32>} : memref<256xf32, #tpu.memory_space<vmem>>, vector<16xf32>,
    tpu.vector_store %arg14[%swap3A_124], %broadcast_in_dim3A_16 {strides = array<i32>} : memref<256xf32, #tpu.memory_space<vmem>>, vector<16xf32>,
    %swap3A_126 = arith.constant 208 : index
    %swap3A_127 = tpu.vector_load %arg15[%swap3A_126] {strides = array<i32>} : memref<256xf32, #tpu.memory_space<vmem>>, vector<16xf32>,
    tpu.vector_store %arg15[%swap3A_126], %broadcast_in_dim3A_16 {strides = array<i32>} : memref<256xf32, #tpu.memory_space<vmem>>, vector<16xf32>,
    %swap3A_128 = arith.constant 224 : index
    %swap3A_129 = tpu.vector_load %arg12[%swap3A_128] {strides = array<i32>} : memref<256xf32, #tpu.memory_space<vmem>>, vector<16xf32>,
    tpu.vector_store %arg12[%swap3A_128], %broadcast_in_dim3A_16 {strides = array<i32>} : memref<256xf32, #tpu.memory_space<vmem>>, vector<16xf32>,
    %swap3A_130 = arith.constant 224 : index
    %swap3A_131 = tpu.vector_load %arg13[%swap3A_130] {strides = array<i32>} : memref<256xf32, #tpu.memory_space<vmem>>, vector<16xf32>,
    tpu.vector_store %arg13[%swap3A_130], %broadcast_in_dim3A_16 {strides = array<i32>} : memref<256xf32, #tpu.memory_space<vmem>>, vector<16xf32>,
    %swap3A_132 = arith.constant 224 : index
    %swap3A_133 = tpu.vector_load %arg14[%swap3A_132] {strides = array<i32>} : memref<256xf32, #tpu.memory_space<vmem>>, vector<16xf32>,
    tpu.vector_store %arg14[%swap3A_132], %broadcast_in_dim3A_16 {strides = array<i32>} : memref<256xf32, #tpu.memory_space<vmem>>, vector<16xf32>,
    %swap3A_134 = arith.constant 224 : index
    %swap3A_135 = tpu.vector_load %arg15[%swap3A_134] {strides = array<i32>} : memref<256xf32, #tpu.memory_space<vmem>>, vector<16xf32>,
    tpu.vector_store %arg15[%swap3A_134], %broadcast_in_dim3A_16 {strides = array<i32>} : memref<256xf32, #tpu.memory_space<vmem>>, vector<16xf32>,
    %swap3A_136 = arith.constant 240 : index
    %swap3A_137 = tpu.vector_load %arg12[%swap3A_136] {strides = array<i32>} : memref<256xf32, #tpu.memory_space<vmem>>, vector<16xf32>,
    tpu.vector_store %arg12[%swap3A_136], %broadcast_in_dim3A_16 {strides = array<i32>} : memref<256xf32, #tpu.memory_space<vmem>>, vector<16xf32>,
    %swap3A_138 = arith.constant 240 : index
    %swap3A_139 = tpu.vector_load %arg13[%swap3A_138] {strides = array<i32>} : memref<256xf32, #tpu.memory_space<vmem>>, vector<16xf32>,
    tpu.vector_store %arg13[%swap3A_138], %broadcast_in_dim3A_16 {strides = array<i32>} : memref<256xf32, #tpu.memory_space<vmem>>, vector<16xf32>,
    %swap3A_140 = arith.constant 240 : index
    %swap3A_141 = tpu.vector_load %arg14[%swap3A_140] {strides = array<i32>} : memref<256xf32, #tpu.memory_space<vmem>>, vector<16xf32>,
    tpu.vector_store %arg14[%swap3A_140], %broadcast_in_dim3A_16 {strides = array<i32>} : memref<256xf32, #tpu.memory_space<vmem>>, vector<16xf32>,
    %swap3A_142 = arith.constant 240 : index
    %swap3A_143 = tpu.vector_load %arg15[%swap3A_142] {strides = array<i32>} : memref<256xf32, #tpu.memory_space<vmem>>, vector<16xf32>,
    tpu.vector_store %arg15[%swap3A_142], %broadcast_in_dim3A_16 {strides = array<i32>} : memref<256xf32, #tpu.memory_space<vmem>>, vector<16xf32>,
    %dma_wait3A = tpu.memref_slice %arg3[%mul3A_1] : memref<32768xi32, #tpu.memory_space<hbm>> -> memref<2048xi32, #tpu.memory_space<hbm>>
    %dma_wait3A_144 = tpu.memref_slice %arg3[%mul3A_1] : memref<32768xi32, #tpu.memory_space<hbm>> -> memref<2048xi32, #tpu.memory_space<hbm>>
    tpu.wait_dma2 semaphore(%arg25 : memref<!tpu.dma_semaphore, #tpu.memory_space<semaphore_mem>>) src(%dma_wait3A_144 : memref<2048xi32, #tpu.memory_space<hbm>>) dst(%arg10 : memref<2048xi32, #tpu.memory_space<vmem>>)
    %dma_wait3A_145 = arith.constant 0 : i32
    %dma_wait3A_146 = tpu.memref_slice %arg2[%dma_wait3A_145, %mul3A_1] : memref<3x32768xf32, #tpu.memory_space<hbm>> -> memref<3x2048xf32, #tpu.memory_space<hbm>>
    %dma_wait3A_147 = arith.constant 0 : i32
    %dma_wait3A_148 = tpu.memref_slice %arg2[%dma_wait3A_147, %mul3A_1] : memref<3x32768xf32, #tpu.memory_space<hbm>> -> memref<3x2048xf32, #tpu.memory_space<hbm>>
    tpu.wait_dma2 semaphore(%arg25 : memref<!tpu.dma_semaphore, #tpu.memory_space<semaphore_mem>>) src(%dma_wait3A_148 : memref<3x2048xf32, #tpu.memory_space<hbm>>) dst(%arg11 : memref<3x2048xf32, #tpu.memory_space<vmem>>)
    %dma_wait3A_149 = arith.constant 0 : i32
    %dma_wait3A_150 = tpu.memref_slice %arg20[%dma_wait3A_149] : memref<32xf32, #tpu.memory_space<vmem>> -> memref<16xf32, #tpu.memory_space<vmem>>
    %dma_wait3A_151 = arith.constant 0 : i32
    %dma_wait3A_152 = tpu.memref_slice %arg20[%dma_wait3A_151] : memref<32xf32, #tpu.memory_space<vmem>> -> memref<16xf32, #tpu.memory_space<vmem>>
    tpu.wait_dma2 semaphore(%arg25 : memref<!tpu.dma_semaphore, #tpu.memory_space<semaphore_mem>>) src(%arg4 : memref<16xf32, #tpu.memory_space<hbm>>) dst(%dma_wait3A_152 : memref<16xf32, #tpu.memory_space<vmem>>)
    %dma_wait3A_153 = arith.constant 16 : i32
    %dma_wait3A_154 = tpu.memref_slice %arg20[%dma_wait3A_153] : memref<32xf32, #tpu.memory_space<vmem>> -> memref<16xf32, #tpu.memory_space<vmem>>
    %dma_wait3A_155 = arith.constant 16 : i32
    %dma_wait3A_156 = tpu.memref_slice %arg20[%dma_wait3A_155] : memref<32xf32, #tpu.memory_space<vmem>> -> memref<16xf32, #tpu.memory_space<vmem>>
    tpu.wait_dma2 semaphore(%arg25 : memref<!tpu.dma_semaphore, #tpu.memory_space<semaphore_mem>>) src(%arg5 : memref<16xf32, #tpu.memory_space<hbm>>) dst(%dma_wait3A_156 : memref<16xf32, #tpu.memory_space<vmem>>)
    %mul3A_157 = arith.constant 16 : i32
    %mul3A_158 = vector.broadcast %mul3A_157 : i32 to vector<16xi32>
    %mul3A_159 = arith.muli %iota3A, %mul3A_158 : vector<16xi32>
    %parallel_loop3A = arith.constant 0 : i32
    %parallel_loop3A_160 = arith.constant 128 : i32
    %parallel_loop3A_161 = arith.constant 1 : i32
    scf.for %parallel_loop3A_859 = %parallel_loop3A to %parallel_loop3A_160 step %parallel_loop3A_161  : i32 {
      %parallel_loop3A_860 = arith.constant 16 : i32
      %parallel_loop3A_861 = arith.muli %parallel_loop3A_859, %parallel_loop3A_860 : i32
      %parallel_loop3A_862 = arith.index_cast %parallel_loop3A_861 : i32 to index
      %parallel_loop3A_863 = tpu.vector_load %arg10[%parallel_loop3A_862] {strides = array<i32>} : memref<2048xi32, #tpu.memory_space<vmem>>, vector<16xi32>,
      %parallel_loop3A_864 = arith.constant 16 : i32
      %parallel_loop3A_865 = arith.muli %parallel_loop3A_859, %parallel_loop3A_864 : i32
      %parallel_loop3A_866 = arith.constant 0 : i32
      %parallel_loop3A_867 = arith.index_cast %parallel_loop3A_866 : i32 to index
      %parallel_loop3A_868 = arith.index_cast %parallel_loop3A_865 : i32 to index
      %parallel_loop3A_869 = tpu.vector_load %arg11[%parallel_loop3A_867, %parallel_loop3A_868] {strides = array<i32>} : memref<3x2048xf32, #tpu.memory_space<vmem>>, vector<16xf32>,
      %parallel_loop3A_870 = arith.constant 16 : i32
      %parallel_loop3A_871 = arith.muli %parallel_loop3A_859, %parallel_loop3A_870 : i32
      %parallel_loop3A_872 = arith.constant 1 : i32
      %parallel_loop3A_873 = arith.index_cast %parallel_loop3A_872 : i32 to index
      %parallel_loop3A_874 = arith.index_cast %parallel_loop3A_871 : i32 to index
      %parallel_loop3A_875 = tpu.vector_load %arg11[%parallel_loop3A_873, %parallel_loop3A_874] {strides = array<i32>} : memref<3x2048xf32, #tpu.memory_space<vmem>>, vector<16xf32>,
      %parallel_loop3A_876 = arith.constant 16 : i32
      %parallel_loop3A_877 = arith.muli %parallel_loop3A_859, %parallel_loop3A_876 : i32
      %parallel_loop3A_878 = arith.constant 2 : i32
      %parallel_loop3A_879 = arith.index_cast %parallel_loop3A_878 : i32 to index
      %parallel_loop3A_880 = arith.index_cast %parallel_loop3A_877 : i32 to index
      %parallel_loop3A_881 = tpu.vector_load %arg11[%parallel_loop3A_879, %parallel_loop3A_880] {strides = array<i32>} : memref<3x2048xf32, #tpu.memory_space<vmem>>, vector<16xf32>,
      %parallel_loop3A_882 = arith.addi %mul3A_159, %parallel_loop3A_863 : vector<16xi32>
      tpu.vector_store_idx %arg12[%parallel_loop3A_882], %parallel_loop3A_869 {add = true} : memref<256xf32, #tpu.memory_space<vmem>>[vector<16xi32>], vector<16xf32>,
      tpu.vector_store_idx %arg13[%parallel_loop3A_882], %parallel_loop3A_875 {add = true} : memref<256xf32, #tpu.memory_space<vmem>>[vector<16xi32>], vector<16xf32>,
      tpu.vector_store_idx %arg14[%parallel_loop3A_882], %parallel_loop3A_881 {add = true} : memref<256xf32, #tpu.memory_space<vmem>>[vector<16xi32>], vector<16xf32>,
      tpu.vector_store_idx %arg15[%parallel_loop3A_882], %broadcast_in_dim3A_0 {add = true} : memref<256xf32, #tpu.memory_space<vmem>>[vector<16xi32>], vector<16xf32>,
    } {sc.loop_unroll_factor = 8 : i64, sc.parallel_access}
    %get3A = arith.constant 0 : index
    %get3A_162 = tpu.vector_load %arg12[%get3A] {strides = array<i32>} : memref<256xf32, #tpu.memory_space<vmem>>, vector<16xf32>,
    %get3A_163 = arith.constant 0 : index
    %get3A_164 = tpu.vector_load %arg13[%get3A_163] {strides = array<i32>} : memref<256xf32, #tpu.memory_space<vmem>>, vector<16xf32>,
    %get3A_165 = arith.constant 0 : index
    %get3A_166 = tpu.vector_load %arg14[%get3A_165] {strides = array<i32>} : memref<256xf32, #tpu.memory_space<vmem>>, vector<16xf32>,
    %get3A_167 = arith.constant 0 : index
    %get3A_168 = tpu.vector_load %arg15[%get3A_167] {strides = array<i32>} : memref<256xf32, #tpu.memory_space<vmem>>, vector<16xf32>,
    %get3A_169 = arith.constant 16 : index
    %get3A_170 = tpu.vector_load %arg12[%get3A_169] {strides = array<i32>} : memref<256xf32, #tpu.memory_space<vmem>>, vector<16xf32>,
    %add3A = arith.addf %get3A_162, %get3A_170 : vector<16xf32>
    %get3A_171 = arith.constant 16 : index
    %get3A_172 = tpu.vector_load %arg13[%get3A_171] {strides = array<i32>} : memref<256xf32, #tpu.memory_space<vmem>>, vector<16xf32>,
    %add3A_173 = arith.addf %get3A_164, %get3A_172 : vector<16xf32>
    %get3A_174 = arith.constant 16 : index
    %get3A_175 = tpu.vector_load %arg14[%get3A_174] {strides = array<i32>} : memref<256xf32, #tpu.memory_space<vmem>>, vector<16xf32>,
    %add3A_176 = arith.addf %get3A_166, %get3A_175 : vector<16xf32>
    %get3A_177 = arith.constant 16 : index
    %get3A_178 = tpu.vector_load %arg15[%get3A_177] {strides = array<i32>} : memref<256xf32, #tpu.memory_space<vmem>>, vector<16xf32>,
    %add3A_179 = arith.addf %get3A_168, %get3A_178 : vector<16xf32>
    %get3A_180 = arith.constant 32 : index
    %get3A_181 = tpu.vector_load %arg12[%get3A_180] {strides = array<i32>} : memref<256xf32, #tpu.memory_space<vmem>>, vector<16xf32>,
    %add3A_182 = arith.addf %add3A, %get3A_181 : vector<16xf32>
    %get3A_183 = arith.constant 32 : index
    %get3A_184 = tpu.vector_load %arg13[%get3A_183] {strides = array<i32>} : memref<256xf32, #tpu.memory_space<vmem>>, vector<16xf32>,
    %add3A_185 = arith.addf %add3A_173, %get3A_184 : vector<16xf32>
    %get3A_186 = arith.constant 32 : index
    %get3A_187 = tpu.vector_load %arg14[%get3A_186] {strides = array<i32>} : memref<256xf32, #tpu.memory_space<vmem>>, vector<16xf32>,
    %add3A_188 = arith.addf %add3A_176, %get3A_187 : vector<16xf32>
    %get3A_189 = arith.constant 32 : index
    %get3A_190 = tpu.vector_load %arg15[%get3A_189] {strides = array<i32>} : memref<256xf32, #tpu.memory_space<vmem>>, vector<16xf32>,
    %add3A_191 = arith.addf %add3A_179, %get3A_190 : vector<16xf32>
    %get3A_192 = arith.constant 48 : index
    %get3A_193 = tpu.vector_load %arg12[%get3A_192] {strides = array<i32>} : memref<256xf32, #tpu.memory_space<vmem>>, vector<16xf32>,
    %add3A_194 = arith.addf %add3A_182, %get3A_193 : vector<16xf32>
    %get3A_195 = arith.constant 48 : index
    %get3A_196 = tpu.vector_load %arg13[%get3A_195] {strides = array<i32>} : memref<256xf32, #tpu.memory_space<vmem>>, vector<16xf32>,
    %add3A_197 = arith.addf %add3A_185, %get3A_196 : vector<16xf32>
    %get3A_198 = arith.constant 48 : index
    %get3A_199 = tpu.vector_load %arg14[%get3A_198] {strides = array<i32>} : memref<256xf32, #tpu.memory_space<vmem>>, vector<16xf32>,
    %add3A_200 = arith.addf %add3A_188, %get3A_199 : vector<16xf32>
    %get3A_201 = arith.constant 48 : index
    %get3A_202 = tpu.vector_load %arg15[%get3A_201] {strides = array<i32>} : memref<256xf32, #tpu.memory_space<vmem>>, vector<16xf32>,
    %add3A_203 = arith.addf %add3A_191, %get3A_202 : vector<16xf32>
    %get3A_204 = arith.constant 64 : index
    %get3A_205 = tpu.vector_load %arg12[%get3A_204] {strides = array<i32>} : memref<256xf32, #tpu.memory_space<vmem>>, vector<16xf32>,
    %add3A_206 = arith.addf %add3A_194, %get3A_205 : vector<16xf32>
    %get3A_207 = arith.constant 64 : index
    %get3A_208 = tpu.vector_load %arg13[%get3A_207] {strides = array<i32>} : memref<256xf32, #tpu.memory_space<vmem>>, vector<16xf32>,
    %add3A_209 = arith.addf %add3A_197, %get3A_208 : vector<16xf32>
    %get3A_210 = arith.constant 64 : index
    %get3A_211 = tpu.vector_load %arg14[%get3A_210] {strides = array<i32>} : memref<256xf32, #tpu.memory_space<vmem>>, vector<16xf32>,
    %add3A_212 = arith.addf %add3A_200, %get3A_211 : vector<16xf32>
    %get3A_213 = arith.constant 64 : index
    %get3A_214 = tpu.vector_load %arg15[%get3A_213] {strides = array<i32>} : memref<256xf32, #tpu.memory_space<vmem>>, vector<16xf32>,
    %add3A_215 = arith.addf %add3A_203, %get3A_214 : vector<16xf32>
    %get3A_216 = arith.constant 80 : index
    %get3A_217 = tpu.vector_load %arg12[%get3A_216] {strides = array<i32>} : memref<256xf32, #tpu.memory_space<vmem>>, vector<16xf32>,
    %add3A_218 = arith.addf %add3A_206, %get3A_217 : vector<16xf32>
    %get3A_219 = arith.constant 80 : index
    %get3A_220 = tpu.vector_load %arg13[%get3A_219] {strides = array<i32>} : memref<256xf32, #tpu.memory_space<vmem>>, vector<16xf32>,
    %add3A_221 = arith.addf %add3A_209, %get3A_220 : vector<16xf32>
    %get3A_222 = arith.constant 80 : index
    %get3A_223 = tpu.vector_load %arg14[%get3A_222] {strides = array<i32>} : memref<256xf32, #tpu.memory_space<vmem>>, vector<16xf32>,
    %add3A_224 = arith.addf %add3A_212, %get3A_223 : vector<16xf32>
    %get3A_225 = arith.constant 80 : index
    %get3A_226 = tpu.vector_load %arg15[%get3A_225] {strides = array<i32>} : memref<256xf32, #tpu.memory_space<vmem>>, vector<16xf32>,
    %add3A_227 = arith.addf %add3A_215, %get3A_226 : vector<16xf32>
    %get3A_228 = arith.constant 96 : index
    %get3A_229 = tpu.vector_load %arg12[%get3A_228] {strides = array<i32>} : memref<256xf32, #tpu.memory_space<vmem>>, vector<16xf32>,
    %add3A_230 = arith.addf %add3A_218, %get3A_229 : vector<16xf32>
    %get3A_231 = arith.constant 96 : index
    %get3A_232 = tpu.vector_load %arg13[%get3A_231] {strides = array<i32>} : memref<256xf32, #tpu.memory_space<vmem>>, vector<16xf32>,
    %add3A_233 = arith.addf %add3A_221, %get3A_232 : vector<16xf32>
    %get3A_234 = arith.constant 96 : index
    %get3A_235 = tpu.vector_load %arg14[%get3A_234] {strides = array<i32>} : memref<256xf32, #tpu.memory_space<vmem>>, vector<16xf32>,
    %add3A_236 = arith.addf %add3A_224, %get3A_235 : vector<16xf32>
    %get3A_237 = arith.constant 96 : index
    %get3A_238 = tpu.vector_load %arg15[%get3A_237] {strides = array<i32>} : memref<256xf32, #tpu.memory_space<vmem>>, vector<16xf32>,
    %add3A_239 = arith.addf %add3A_227, %get3A_238 : vector<16xf32>
    %get3A_240 = arith.constant 112 : index
    %get3A_241 = tpu.vector_load %arg12[%get3A_240] {strides = array<i32>} : memref<256xf32, #tpu.memory_space<vmem>>, vector<16xf32>,
    %add3A_242 = arith.addf %add3A_230, %get3A_241 : vector<16xf32>
    %get3A_243 = arith.constant 112 : index
    %get3A_244 = tpu.vector_load %arg13[%get3A_243] {strides = array<i32>} : memref<256xf32, #tpu.memory_space<vmem>>, vector<16xf32>,
    %add3A_245 = arith.addf %add3A_233, %get3A_244 : vector<16xf32>
    %get3A_246 = arith.constant 112 : index
    %get3A_247 = tpu.vector_load %arg14[%get3A_246] {strides = array<i32>} : memref<256xf32, #tpu.memory_space<vmem>>, vector<16xf32>,
    %add3A_248 = arith.addf %add3A_236, %get3A_247 : vector<16xf32>
    %get3A_249 = arith.constant 112 : index
    %get3A_250 = tpu.vector_load %arg15[%get3A_249] {strides = array<i32>} : memref<256xf32, #tpu.memory_space<vmem>>, vector<16xf32>,
    %add3A_251 = arith.addf %add3A_239, %get3A_250 : vector<16xf32>
    %get3A_252 = arith.constant 128 : index
    %get3A_253 = tpu.vector_load %arg12[%get3A_252] {strides = array<i32>} : memref<256xf32, #tpu.memory_space<vmem>>, vector<16xf32>,
    %add3A_254 = arith.addf %add3A_242, %get3A_253 : vector<16xf32>
    %get3A_255 = arith.constant 128 : index
    %get3A_256 = tpu.vector_load %arg13[%get3A_255] {strides = array<i32>} : memref<256xf32, #tpu.memory_space<vmem>>, vector<16xf32>,
    %add3A_257 = arith.addf %add3A_245, %get3A_256 : vector<16xf32>
    %get3A_258 = arith.constant 128 : index
    %get3A_259 = tpu.vector_load %arg14[%get3A_258] {strides = array<i32>} : memref<256xf32, #tpu.memory_space<vmem>>, vector<16xf32>,
    %add3A_260 = arith.addf %add3A_248, %get3A_259 : vector<16xf32>
    %get3A_261 = arith.constant 128 : index
    %get3A_262 = tpu.vector_load %arg15[%get3A_261] {strides = array<i32>} : memref<256xf32, #tpu.memory_space<vmem>>, vector<16xf32>,
    %add3A_263 = arith.addf %add3A_251, %get3A_262 : vector<16xf32>
    %get3A_264 = arith.constant 144 : index
    %get3A_265 = tpu.vector_load %arg12[%get3A_264] {strides = array<i32>} : memref<256xf32, #tpu.memory_space<vmem>>, vector<16xf32>,
    %add3A_266 = arith.addf %add3A_254, %get3A_265 : vector<16xf32>
    %get3A_267 = arith.constant 144 : index
    %get3A_268 = tpu.vector_load %arg13[%get3A_267] {strides = array<i32>} : memref<256xf32, #tpu.memory_space<vmem>>, vector<16xf32>,
    %add3A_269 = arith.addf %add3A_257, %get3A_268 : vector<16xf32>
    %get3A_270 = arith.constant 144 : index
    %get3A_271 = tpu.vector_load %arg14[%get3A_270] {strides = array<i32>} : memref<256xf32, #tpu.memory_space<vmem>>, vector<16xf32>,
    %add3A_272 = arith.addf %add3A_260, %get3A_271 : vector<16xf32>
    %get3A_273 = arith.constant 144 : index
    %get3A_274 = tpu.vector_load %arg15[%get3A_273] {strides = array<i32>} : memref<256xf32, #tpu.memory_space<vmem>>, vector<16xf32>,
    %add3A_275 = arith.addf %add3A_263, %get3A_274 : vector<16xf32>
    %get3A_276 = arith.constant 160 : index
    %get3A_277 = tpu.vector_load %arg12[%get3A_276] {strides = array<i32>} : memref<256xf32, #tpu.memory_space<vmem>>, vector<16xf32>,
    %add3A_278 = arith.addf %add3A_266, %get3A_277 : vector<16xf32>
    %get3A_279 = arith.constant 160 : index
    %get3A_280 = tpu.vector_load %arg13[%get3A_279] {strides = array<i32>} : memref<256xf32, #tpu.memory_space<vmem>>, vector<16xf32>,
    %add3A_281 = arith.addf %add3A_269, %get3A_280 : vector<16xf32>
    %get3A_282 = arith.constant 160 : index
    %get3A_283 = tpu.vector_load %arg14[%get3A_282] {strides = array<i32>} : memref<256xf32, #tpu.memory_space<vmem>>, vector<16xf32>,
    %add3A_284 = arith.addf %add3A_272, %get3A_283 : vector<16xf32>
    %get3A_285 = arith.constant 160 : index
    %get3A_286 = tpu.vector_load %arg15[%get3A_285] {strides = array<i32>} : memref<256xf32, #tpu.memory_space<vmem>>, vector<16xf32>,
    %add3A_287 = arith.addf %add3A_275, %get3A_286 : vector<16xf32>
    %get3A_288 = arith.constant 176 : index
    %get3A_289 = tpu.vector_load %arg12[%get3A_288] {strides = array<i32>} : memref<256xf32, #tpu.memory_space<vmem>>, vector<16xf32>,
    %add3A_290 = arith.addf %add3A_278, %get3A_289 : vector<16xf32>
    %get3A_291 = arith.constant 176 : index
    %get3A_292 = tpu.vector_load %arg13[%get3A_291] {strides = array<i32>} : memref<256xf32, #tpu.memory_space<vmem>>, vector<16xf32>,
    %add3A_293 = arith.addf %add3A_281, %get3A_292 : vector<16xf32>
    %get3A_294 = arith.constant 176 : index
    %get3A_295 = tpu.vector_load %arg14[%get3A_294] {strides = array<i32>} : memref<256xf32, #tpu.memory_space<vmem>>, vector<16xf32>,
    %add3A_296 = arith.addf %add3A_284, %get3A_295 : vector<16xf32>
    %get3A_297 = arith.constant 176 : index
    %get3A_298 = tpu.vector_load %arg15[%get3A_297] {strides = array<i32>} : memref<256xf32, #tpu.memory_space<vmem>>, vector<16xf32>,
    %add3A_299 = arith.addf %add3A_287, %get3A_298 : vector<16xf32>
    %get3A_300 = arith.constant 192 : index
    %get3A_301 = tpu.vector_load %arg12[%get3A_300] {strides = array<i32>} : memref<256xf32, #tpu.memory_space<vmem>>, vector<16xf32>,
    %add3A_302 = arith.addf %add3A_290, %get3A_301 : vector<16xf32>
    %get3A_303 = arith.constant 192 : index
    %get3A_304 = tpu.vector_load %arg13[%get3A_303] {strides = array<i32>} : memref<256xf32, #tpu.memory_space<vmem>>, vector<16xf32>,
    %add3A_305 = arith.addf %add3A_293, %get3A_304 : vector<16xf32>
    %get3A_306 = arith.constant 192 : index
    %get3A_307 = tpu.vector_load %arg14[%get3A_306] {strides = array<i32>} : memref<256xf32, #tpu.memory_space<vmem>>, vector<16xf32>,
    %add3A_308 = arith.addf %add3A_296, %get3A_307 : vector<16xf32>
    %get3A_309 = arith.constant 192 : index
    %get3A_310 = tpu.vector_load %arg15[%get3A_309] {strides = array<i32>} : memref<256xf32, #tpu.memory_space<vmem>>, vector<16xf32>,
    %add3A_311 = arith.addf %add3A_299, %get3A_310 : vector<16xf32>
    %get3A_312 = arith.constant 208 : index
    %get3A_313 = tpu.vector_load %arg12[%get3A_312] {strides = array<i32>} : memref<256xf32, #tpu.memory_space<vmem>>, vector<16xf32>,
    %add3A_314 = arith.addf %add3A_302, %get3A_313 : vector<16xf32>
    %get3A_315 = arith.constant 208 : index
    %get3A_316 = tpu.vector_load %arg13[%get3A_315] {strides = array<i32>} : memref<256xf32, #tpu.memory_space<vmem>>, vector<16xf32>,
    %add3A_317 = arith.addf %add3A_305, %get3A_316 : vector<16xf32>
    %get3A_318 = arith.constant 208 : index
    %get3A_319 = tpu.vector_load %arg14[%get3A_318] {strides = array<i32>} : memref<256xf32, #tpu.memory_space<vmem>>, vector<16xf32>,
    %add3A_320 = arith.addf %add3A_308, %get3A_319 : vector<16xf32>
    %get3A_321 = arith.constant 208 : index
    %get3A_322 = tpu.vector_load %arg15[%get3A_321] {strides = array<i32>} : memref<256xf32, #tpu.memory_space<vmem>>, vector<16xf32>,
    %add3A_323 = arith.addf %add3A_311, %get3A_322 : vector<16xf32>
    %get3A_324 = arith.constant 224 : index
    %get3A_325 = tpu.vector_load %arg12[%get3A_324] {strides = array<i32>} : memref<256xf32, #tpu.memory_space<vmem>>, vector<16xf32>,
    %add3A_326 = arith.addf %add3A_314, %get3A_325 : vector<16xf32>
    %get3A_327 = arith.constant 224 : index
    %get3A_328 = tpu.vector_load %arg13[%get3A_327] {strides = array<i32>} : memref<256xf32, #tpu.memory_space<vmem>>, vector<16xf32>,
    %add3A_329 = arith.addf %add3A_317, %get3A_328 : vector<16xf32>
    %get3A_330 = arith.constant 224 : index
    %get3A_331 = tpu.vector_load %arg14[%get3A_330] {strides = array<i32>} : memref<256xf32, #tpu.memory_space<vmem>>, vector<16xf32>,
    %add3A_332 = arith.addf %add3A_320, %get3A_331 : vector<16xf32>
    %get3A_333 = arith.constant 224 : index
    %get3A_334 = tpu.vector_load %arg15[%get3A_333] {strides = array<i32>} : memref<256xf32, #tpu.memory_space<vmem>>, vector<16xf32>,
    %add3A_335 = arith.addf %add3A_323, %get3A_334 : vector<16xf32>
    %get3A_336 = arith.constant 240 : index
    %get3A_337 = tpu.vector_load %arg12[%get3A_336] {strides = array<i32>} : memref<256xf32, #tpu.memory_space<vmem>>, vector<16xf32>,
    %add3A_338 = arith.addf %add3A_326, %get3A_337 : vector<16xf32>
    %get3A_339 = arith.constant 240 : index
    %get3A_340 = tpu.vector_load %arg13[%get3A_339] {strides = array<i32>} : memref<256xf32, #tpu.memory_space<vmem>>, vector<16xf32>,
    %add3A_341 = arith.addf %add3A_329, %get3A_340 : vector<16xf32>
    %get3A_342 = arith.constant 240 : index
    %get3A_343 = tpu.vector_load %arg14[%get3A_342] {strides = array<i32>} : memref<256xf32, #tpu.memory_space<vmem>>, vector<16xf32>,
    %add3A_344 = arith.addf %add3A_332, %get3A_343 : vector<16xf32>
    %get3A_345 = arith.constant 240 : index
    %get3A_346 = tpu.vector_load %arg15[%get3A_345] {strides = array<i32>} : memref<256xf32, #tpu.memory_space<vmem>>, vector<16xf32>,
    %add3A_347 = arith.addf %add3A_335, %get3A_346 : vector<16xf32>
    %swap3A_348 = arith.constant 0 : index
    %swap3A_349 = tpu.vector_load %arg16[%swap3A_348] {strides = array<i32>} : memref<64xf32, #tpu.memory_space<vmem>>, vector<16xf32>,
    tpu.vector_store %arg16[%swap3A_348], %add3A_338 {strides = array<i32>} : memref<64xf32, #tpu.memory_space<vmem>>, vector<16xf32>,
    %swap3A_350 = arith.constant 16 : index
    %swap3A_351 = tpu.vector_load %arg16[%swap3A_350] {strides = array<i32>} : memref<64xf32, #tpu.memory_space<vmem>>, vector<16xf32>,
    tpu.vector_store %arg16[%swap3A_350], %add3A_341 {strides = array<i32>} : memref<64xf32, #tpu.memory_space<vmem>>, vector<16xf32>,
    %swap3A_352 = arith.constant 32 : index
    %swap3A_353 = tpu.vector_load %arg16[%swap3A_352] {strides = array<i32>} : memref<64xf32, #tpu.memory_space<vmem>>, vector<16xf32>,
    tpu.vector_store %arg16[%swap3A_352], %add3A_344 {strides = array<i32>} : memref<64xf32, #tpu.memory_space<vmem>>, vector<16xf32>,
    %swap3A_354 = arith.constant 48 : index
    %swap3A_355 = tpu.vector_load %arg16[%swap3A_354] {strides = array<i32>} : memref<64xf32, #tpu.memory_space<vmem>>, vector<16xf32>,
    tpu.vector_store %arg16[%swap3A_354], %add3A_347 {strides = array<i32>} : memref<64xf32, #tpu.memory_space<vmem>>, vector<16xf32>,
    %mul3A_356 = arith.constant 4 : i32
    %mul3A_357 = arith.muli %arg1, %mul3A_356 : i32
    %mul3A_358 = arith.constant 16 : i32
    %mul3A_359 = arith.muli %mul3A_357, %mul3A_358 : i32
    "tpu.region"() ({
      %run_scoped3A = tpu.sem_alloc : memref<!tpu.dma_semaphore, #tpu.memory_space<semaphore_mem>>
      %dma_start3A_859 = tpu.memref_slice %arg18[%mul3A_359] : memref<1024xf32, #tpu.memory_space<vmem_shared>> -> memref<64xf32, #tpu.memory_space<vmem_shared>>
      %dma_start3A_860 = tpu.memref_slice %arg18[%mul3A_359] : memref<1024xf32, #tpu.memory_space<vmem_shared>> -> memref<64xf32, #tpu.memory_space<vmem_shared>>
      tpu.enqueue_dma source(%arg16 : memref<64xf32, #tpu.memory_space<vmem>>) target(%dma_start3A_860 : memref<64xf32, #tpu.memory_space<vmem_shared>>) target_semaphore(%run_scoped3A : memref<!tpu.dma_semaphore, #tpu.memory_space<semaphore_mem>>)
      %dma_wait3A_861 = tpu.memref_slice %arg18[%mul3A_359] : memref<1024xf32, #tpu.memory_space<vmem_shared>> -> memref<64xf32, #tpu.memory_space<vmem_shared>>
      %dma_wait3A_862 = tpu.memref_slice %arg18[%mul3A_359] : memref<1024xf32, #tpu.memory_space<vmem_shared>> -> memref<64xf32, #tpu.memory_space<vmem_shared>>
      tpu.wait_dma2 semaphore(%run_scoped3A : memref<!tpu.dma_semaphore, #tpu.memory_space<semaphore_mem>>) src(%arg16 : memref<64xf32, #tpu.memory_space<vmem>>) dst(%dma_wait3A_862 : memref<64xf32, #tpu.memory_space<vmem_shared>>)
      tpu.yield
    }) : () -> ()
    %barrier3A = arith.constant 0 : index
    tpu.barrier barrier_id(%barrier3A)
    "tpu.region"() ({
      %run_scoped3A = tpu.sem_alloc : memref<!tpu.dma_semaphore, #tpu.memory_space<semaphore_mem>>
      tpu.enqueue_dma source(%arg18 : memref<1024xf32, #tpu.memory_space<vmem_shared>>) target(%arg17 : memref<1024xf32, #tpu.memory_space<vmem>>) target_semaphore(%run_scoped3A : memref<!tpu.dma_semaphore, #tpu.memory_space<semaphore_mem>>)
      tpu.wait_dma2 semaphore(%run_scoped3A : memref<!tpu.dma_semaphore, #tpu.memory_space<semaphore_mem>>) src(%arg18 : memref<1024xf32, #tpu.memory_space<vmem_shared>>) dst(%arg17 : memref<1024xf32, #tpu.memory_space<vmem>>)
      tpu.yield
    }) : () -> ()
    %get3A_360 = arith.constant 0 : index
    %get3A_361 = tpu.vector_load %arg17[%get3A_360] {strides = array<i32>} : memref<1024xf32, #tpu.memory_space<vmem>>, vector<16xf32>,
    %get3A_362 = arith.constant 16 : index
    %get3A_363 = tpu.vector_load %arg17[%get3A_362] {strides = array<i32>} : memref<1024xf32, #tpu.memory_space<vmem>>, vector<16xf32>,
    %get3A_364 = arith.constant 32 : index
    %get3A_365 = tpu.vector_load %arg17[%get3A_364] {strides = array<i32>} : memref<1024xf32, #tpu.memory_space<vmem>>, vector<16xf32>,
    %get3A_366 = arith.constant 48 : index
    %get3A_367 = tpu.vector_load %arg17[%get3A_366] {strides = array<i32>} : memref<1024xf32, #tpu.memory_space<vmem>>, vector<16xf32>,
    %get3A_368 = arith.constant 64 : index
    %get3A_369 = tpu.vector_load %arg17[%get3A_368] {strides = array<i32>} : memref<1024xf32, #tpu.memory_space<vmem>>, vector<16xf32>,
    %add3A_370 = arith.addf %get3A_361, %get3A_369 : vector<16xf32>
    %get3A_371 = arith.constant 80 : index
    %get3A_372 = tpu.vector_load %arg17[%get3A_371] {strides = array<i32>} : memref<1024xf32, #tpu.memory_space<vmem>>, vector<16xf32>,
    %add3A_373 = arith.addf %get3A_363, %get3A_372 : vector<16xf32>
    %get3A_374 = arith.constant 96 : index
    %get3A_375 = tpu.vector_load %arg17[%get3A_374] {strides = array<i32>} : memref<1024xf32, #tpu.memory_space<vmem>>, vector<16xf32>,
    %add3A_376 = arith.addf %get3A_365, %get3A_375 : vector<16xf32>
    %get3A_377 = arith.constant 112 : index
    %get3A_378 = tpu.vector_load %arg17[%get3A_377] {strides = array<i32>} : memref<1024xf32, #tpu.memory_space<vmem>>, vector<16xf32>,
    %add3A_379 = arith.addf %get3A_367, %get3A_378 : vector<16xf32>
    %get3A_380 = arith.constant 128 : index
    %get3A_381 = tpu.vector_load %arg17[%get3A_380] {strides = array<i32>} : memref<1024xf32, #tpu.memory_space<vmem>>, vector<16xf32>,
    %add3A_382 = arith.addf %add3A_370, %get3A_381 : vector<16xf32>
    %get3A_383 = arith.constant 144 : index
    %get3A_384 = tpu.vector_load %arg17[%get3A_383] {strides = array<i32>} : memref<1024xf32, #tpu.memory_space<vmem>>, vector<16xf32>,
    %add3A_385 = arith.addf %add3A_373, %get3A_384 : vector<16xf32>
    %get3A_386 = arith.constant 160 : index
    %get3A_387 = tpu.vector_load %arg17[%get3A_386] {strides = array<i32>} : memref<1024xf32, #tpu.memory_space<vmem>>, vector<16xf32>,
    %add3A_388 = arith.addf %add3A_376, %get3A_387 : vector<16xf32>
    %get3A_389 = arith.constant 176 : index
    %get3A_390 = tpu.vector_load %arg17[%get3A_389] {strides = array<i32>} : memref<1024xf32, #tpu.memory_space<vmem>>, vector<16xf32>,
    %add3A_391 = arith.addf %add3A_379, %get3A_390 : vector<16xf32>
    %get3A_392 = arith.constant 192 : index
    %get3A_393 = tpu.vector_load %arg17[%get3A_392] {strides = array<i32>} : memref<1024xf32, #tpu.memory_space<vmem>>, vector<16xf32>,
    %add3A_394 = arith.addf %add3A_382, %get3A_393 : vector<16xf32>
    %get3A_395 = arith.constant 208 : index
    %get3A_396 = tpu.vector_load %arg17[%get3A_395] {strides = array<i32>} : memref<1024xf32, #tpu.memory_space<vmem>>, vector<16xf32>,
    %add3A_397 = arith.addf %add3A_385, %get3A_396 : vector<16xf32>
    %get3A_398 = arith.constant 224 : index
    %get3A_399 = tpu.vector_load %arg17[%get3A_398] {strides = array<i32>} : memref<1024xf32, #tpu.memory_space<vmem>>, vector<16xf32>,
    %add3A_400 = arith.addf %add3A_388, %get3A_399 : vector<16xf32>
    %get3A_401 = arith.constant 240 : index
    %get3A_402 = tpu.vector_load %arg17[%get3A_401] {strides = array<i32>} : memref<1024xf32, #tpu.memory_space<vmem>>, vector<16xf32>,
    %add3A_403 = arith.addf %add3A_391, %get3A_402 : vector<16xf32>
    %get3A_404 = arith.constant 256 : index
    %get3A_405 = tpu.vector_load %arg17[%get3A_404] {strides = array<i32>} : memref<1024xf32, #tpu.memory_space<vmem>>, vector<16xf32>,
    %add3A_406 = arith.addf %add3A_394, %get3A_405 : vector<16xf32>
    %get3A_407 = arith.constant 272 : index
    %get3A_408 = tpu.vector_load %arg17[%get3A_407] {strides = array<i32>} : memref<1024xf32, #tpu.memory_space<vmem>>, vector<16xf32>,
    %add3A_409 = arith.addf %add3A_397, %get3A_408 : vector<16xf32>
    %get3A_410 = arith.constant 288 : index
    %get3A_411 = tpu.vector_load %arg17[%get3A_410] {strides = array<i32>} : memref<1024xf32, #tpu.memory_space<vmem>>, vector<16xf32>,
    %add3A_412 = arith.addf %add3A_400, %get3A_411 : vector<16xf32>
    %get3A_413 = arith.constant 304 : index
    %get3A_414 = tpu.vector_load %arg17[%get3A_413] {strides = array<i32>} : memref<1024xf32, #tpu.memory_space<vmem>>, vector<16xf32>,
    %add3A_415 = arith.addf %add3A_403, %get3A_414 : vector<16xf32>
    %get3A_416 = arith.constant 320 : index
    %get3A_417 = tpu.vector_load %arg17[%get3A_416] {strides = array<i32>} : memref<1024xf32, #tpu.memory_space<vmem>>, vector<16xf32>,
    %add3A_418 = arith.addf %add3A_406, %get3A_417 : vector<16xf32>
    %get3A_419 = arith.constant 336 : index
    %get3A_420 = tpu.vector_load %arg17[%get3A_419] {strides = array<i32>} : memref<1024xf32, #tpu.memory_space<vmem>>, vector<16xf32>,
    %add3A_421 = arith.addf %add3A_409, %get3A_420 : vector<16xf32>
    %get3A_422 = arith.constant 352 : index
    %get3A_423 = tpu.vector_load %arg17[%get3A_422] {strides = array<i32>} : memref<1024xf32, #tpu.memory_space<vmem>>, vector<16xf32>,
    %add3A_424 = arith.addf %add3A_412, %get3A_423 : vector<16xf32>
    %get3A_425 = arith.constant 368 : index
    %get3A_426 = tpu.vector_load %arg17[%get3A_425] {strides = array<i32>} : memref<1024xf32, #tpu.memory_space<vmem>>, vector<16xf32>,
    %add3A_427 = arith.addf %add3A_415, %get3A_426 : vector<16xf32>
    %get3A_428 = arith.constant 384 : index
    %get3A_429 = tpu.vector_load %arg17[%get3A_428] {strides = array<i32>} : memref<1024xf32, #tpu.memory_space<vmem>>, vector<16xf32>,
    %add3A_430 = arith.addf %add3A_418, %get3A_429 : vector<16xf32>
    %get3A_431 = arith.constant 400 : index
    %get3A_432 = tpu.vector_load %arg17[%get3A_431] {strides = array<i32>} : memref<1024xf32, #tpu.memory_space<vmem>>, vector<16xf32>,
    %add3A_433 = arith.addf %add3A_421, %get3A_432 : vector<16xf32>
    %get3A_434 = arith.constant 416 : index
    %get3A_435 = tpu.vector_load %arg17[%get3A_434] {strides = array<i32>} : memref<1024xf32, #tpu.memory_space<vmem>>, vector<16xf32>,
    %add3A_436 = arith.addf %add3A_424, %get3A_435 : vector<16xf32>
    %get3A_437 = arith.constant 432 : index
    %get3A_438 = tpu.vector_load %arg17[%get3A_437] {strides = array<i32>} : memref<1024xf32, #tpu.memory_space<vmem>>, vector<16xf32>,
    %add3A_439 = arith.addf %add3A_427, %get3A_438 : vector<16xf32>
    %get3A_440 = arith.constant 448 : index
    %get3A_441 = tpu.vector_load %arg17[%get3A_440] {strides = array<i32>} : memref<1024xf32, #tpu.memory_space<vmem>>, vector<16xf32>,
    %add3A_442 = arith.addf %add3A_430, %get3A_441 : vector<16xf32>
    %get3A_443 = arith.constant 464 : index
    %get3A_444 = tpu.vector_load %arg17[%get3A_443] {strides = array<i32>} : memref<1024xf32, #tpu.memory_space<vmem>>, vector<16xf32>,
    %add3A_445 = arith.addf %add3A_433, %get3A_444 : vector<16xf32>
    %get3A_446 = arith.constant 480 : index
    %get3A_447 = tpu.vector_load %arg17[%get3A_446] {strides = array<i32>} : memref<1024xf32, #tpu.memory_space<vmem>>, vector<16xf32>,
    %add3A_448 = arith.addf %add3A_436, %get3A_447 : vector<16xf32>
    %get3A_449 = arith.constant 496 : index
    %get3A_450 = tpu.vector_load %arg17[%get3A_449] {strides = array<i32>} : memref<1024xf32, #tpu.memory_space<vmem>>, vector<16xf32>,
    %add3A_451 = arith.addf %add3A_439, %get3A_450 : vector<16xf32>
    %get3A_452 = arith.constant 512 : index
    %get3A_453 = tpu.vector_load %arg17[%get3A_452] {strides = array<i32>} : memref<1024xf32, #tpu.memory_space<vmem>>, vector<16xf32>,
    %add3A_454 = arith.addf %add3A_442, %get3A_453 : vector<16xf32>
    %get3A_455 = arith.constant 528 : index
    %get3A_456 = tpu.vector_load %arg17[%get3A_455] {strides = array<i32>} : memref<1024xf32, #tpu.memory_space<vmem>>, vector<16xf32>,
    %add3A_457 = arith.addf %add3A_445, %get3A_456 : vector<16xf32>
    %get3A_458 = arith.constant 544 : index
    %get3A_459 = tpu.vector_load %arg17[%get3A_458] {strides = array<i32>} : memref<1024xf32, #tpu.memory_space<vmem>>, vector<16xf32>,
    %add3A_460 = arith.addf %add3A_448, %get3A_459 : vector<16xf32>
    %get3A_461 = arith.constant 560 : index
    %get3A_462 = tpu.vector_load %arg17[%get3A_461] {strides = array<i32>} : memref<1024xf32, #tpu.memory_space<vmem>>, vector<16xf32>,
    %add3A_463 = arith.addf %add3A_451, %get3A_462 : vector<16xf32>
    %get3A_464 = arith.constant 576 : index
    %get3A_465 = tpu.vector_load %arg17[%get3A_464] {strides = array<i32>} : memref<1024xf32, #tpu.memory_space<vmem>>, vector<16xf32>,
    %add3A_466 = arith.addf %add3A_454, %get3A_465 : vector<16xf32>
    %get3A_467 = arith.constant 592 : index
    %get3A_468 = tpu.vector_load %arg17[%get3A_467] {strides = array<i32>} : memref<1024xf32, #tpu.memory_space<vmem>>, vector<16xf32>,
    %add3A_469 = arith.addf %add3A_457, %get3A_468 : vector<16xf32>
    %get3A_470 = arith.constant 608 : index
    %get3A_471 = tpu.vector_load %arg17[%get3A_470] {strides = array<i32>} : memref<1024xf32, #tpu.memory_space<vmem>>, vector<16xf32>,
    %add3A_472 = arith.addf %add3A_460, %get3A_471 : vector<16xf32>
    %get3A_473 = arith.constant 624 : index
    %get3A_474 = tpu.vector_load %arg17[%get3A_473] {strides = array<i32>} : memref<1024xf32, #tpu.memory_space<vmem>>, vector<16xf32>,
    %add3A_475 = arith.addf %add3A_463, %get3A_474 : vector<16xf32>
    %get3A_476 = arith.constant 640 : index
    %get3A_477 = tpu.vector_load %arg17[%get3A_476] {strides = array<i32>} : memref<1024xf32, #tpu.memory_space<vmem>>, vector<16xf32>,
    %add3A_478 = arith.addf %add3A_466, %get3A_477 : vector<16xf32>
    %get3A_479 = arith.constant 656 : index
    %get3A_480 = tpu.vector_load %arg17[%get3A_479] {strides = array<i32>} : memref<1024xf32, #tpu.memory_space<vmem>>, vector<16xf32>,
    %add3A_481 = arith.addf %add3A_469, %get3A_480 : vector<16xf32>
    %get3A_482 = arith.constant 672 : index
    %get3A_483 = tpu.vector_load %arg17[%get3A_482] {strides = array<i32>} : memref<1024xf32, #tpu.memory_space<vmem>>, vector<16xf32>,
    %add3A_484 = arith.addf %add3A_472, %get3A_483 : vector<16xf32>
    %get3A_485 = arith.constant 688 : index
    %get3A_486 = tpu.vector_load %arg17[%get3A_485] {strides = array<i32>} : memref<1024xf32, #tpu.memory_space<vmem>>, vector<16xf32>,
    %add3A_487 = arith.addf %add3A_475, %get3A_486 : vector<16xf32>
    %get3A_488 = arith.constant 704 : index
    %get3A_489 = tpu.vector_load %arg17[%get3A_488] {strides = array<i32>} : memref<1024xf32, #tpu.memory_space<vmem>>, vector<16xf32>,
    %add3A_490 = arith.addf %add3A_478, %get3A_489 : vector<16xf32>
    %get3A_491 = arith.constant 720 : index
    %get3A_492 = tpu.vector_load %arg17[%get3A_491] {strides = array<i32>} : memref<1024xf32, #tpu.memory_space<vmem>>, vector<16xf32>,
    %add3A_493 = arith.addf %add3A_481, %get3A_492 : vector<16xf32>
    %get3A_494 = arith.constant 736 : index
    %get3A_495 = tpu.vector_load %arg17[%get3A_494] {strides = array<i32>} : memref<1024xf32, #tpu.memory_space<vmem>>, vector<16xf32>,
    %add3A_496 = arith.addf %add3A_484, %get3A_495 : vector<16xf32>
    %get3A_497 = arith.constant 752 : index
    %get3A_498 = tpu.vector_load %arg17[%get3A_497] {strides = array<i32>} : memref<1024xf32, #tpu.memory_space<vmem>>, vector<16xf32>,
    %add3A_499 = arith.addf %add3A_487, %get3A_498 : vector<16xf32>
    %get3A_500 = arith.constant 768 : index
    %get3A_501 = tpu.vector_load %arg17[%get3A_500] {strides = array<i32>} : memref<1024xf32, #tpu.memory_space<vmem>>, vector<16xf32>,
    %add3A_502 = arith.addf %add3A_490, %get3A_501 : vector<16xf32>
    %get3A_503 = arith.constant 784 : index
    %get3A_504 = tpu.vector_load %arg17[%get3A_503] {strides = array<i32>} : memref<1024xf32, #tpu.memory_space<vmem>>, vector<16xf32>,
    %add3A_505 = arith.addf %add3A_493, %get3A_504 : vector<16xf32>
    %get3A_506 = arith.constant 800 : index
    %get3A_507 = tpu.vector_load %arg17[%get3A_506] {strides = array<i32>} : memref<1024xf32, #tpu.memory_space<vmem>>, vector<16xf32>,
    %add3A_508 = arith.addf %add3A_496, %get3A_507 : vector<16xf32>
    %get3A_509 = arith.constant 816 : index
    %get3A_510 = tpu.vector_load %arg17[%get3A_509] {strides = array<i32>} : memref<1024xf32, #tpu.memory_space<vmem>>, vector<16xf32>,
    %add3A_511 = arith.addf %add3A_499, %get3A_510 : vector<16xf32>
    %get3A_512 = arith.constant 832 : index
    %get3A_513 = tpu.vector_load %arg17[%get3A_512] {strides = array<i32>} : memref<1024xf32, #tpu.memory_space<vmem>>, vector<16xf32>,
    %add3A_514 = arith.addf %add3A_502, %get3A_513 : vector<16xf32>
    %get3A_515 = arith.constant 848 : index
    %get3A_516 = tpu.vector_load %arg17[%get3A_515] {strides = array<i32>} : memref<1024xf32, #tpu.memory_space<vmem>>, vector<16xf32>,
    %add3A_517 = arith.addf %add3A_505, %get3A_516 : vector<16xf32>
    %get3A_518 = arith.constant 864 : index
    %get3A_519 = tpu.vector_load %arg17[%get3A_518] {strides = array<i32>} : memref<1024xf32, #tpu.memory_space<vmem>>, vector<16xf32>,
    %add3A_520 = arith.addf %add3A_508, %get3A_519 : vector<16xf32>
    %get3A_521 = arith.constant 880 : index
    %get3A_522 = tpu.vector_load %arg17[%get3A_521] {strides = array<i32>} : memref<1024xf32, #tpu.memory_space<vmem>>, vector<16xf32>,
    %add3A_523 = arith.addf %add3A_511, %get3A_522 : vector<16xf32>
    %get3A_524 = arith.constant 896 : index
    %get3A_525 = tpu.vector_load %arg17[%get3A_524] {strides = array<i32>} : memref<1024xf32, #tpu.memory_space<vmem>>, vector<16xf32>,
    %add3A_526 = arith.addf %add3A_514, %get3A_525 : vector<16xf32>
    %get3A_527 = arith.constant 912 : index
    %get3A_528 = tpu.vector_load %arg17[%get3A_527] {strides = array<i32>} : memref<1024xf32, #tpu.memory_space<vmem>>, vector<16xf32>,
    %add3A_529 = arith.addf %add3A_517, %get3A_528 : vector<16xf32>
    %get3A_530 = arith.constant 928 : index
    %get3A_531 = tpu.vector_load %arg17[%get3A_530] {strides = array<i32>} : memref<1024xf32, #tpu.memory_space<vmem>>, vector<16xf32>,
    %add3A_532 = arith.addf %add3A_520, %get3A_531 : vector<16xf32>
    %get3A_533 = arith.constant 944 : index
    %get3A_534 = tpu.vector_load %arg17[%get3A_533] {strides = array<i32>} : memref<1024xf32, #tpu.memory_space<vmem>>, vector<16xf32>,
    %add3A_535 = arith.addf %add3A_523, %get3A_534 : vector<16xf32>
    %get3A_536 = arith.constant 960 : index
    %get3A_537 = tpu.vector_load %arg17[%get3A_536] {strides = array<i32>} : memref<1024xf32, #tpu.memory_space<vmem>>, vector<16xf32>,
    %add3A_538 = arith.addf %add3A_526, %get3A_537 : vector<16xf32>
    %get3A_539 = arith.constant 976 : index
    %get3A_540 = tpu.vector_load %arg17[%get3A_539] {strides = array<i32>} : memref<1024xf32, #tpu.memory_space<vmem>>, vector<16xf32>,
    %add3A_541 = arith.addf %add3A_529, %get3A_540 : vector<16xf32>
    %get3A_542 = arith.constant 992 : index
    %get3A_543 = tpu.vector_load %arg17[%get3A_542] {strides = array<i32>} : memref<1024xf32, #tpu.memory_space<vmem>>, vector<16xf32>,
    %add3A_544 = arith.addf %add3A_532, %get3A_543 : vector<16xf32>
    %get3A_545 = arith.constant 1008 : index
    %get3A_546 = tpu.vector_load %arg17[%get3A_545] {strides = array<i32>} : memref<1024xf32, #tpu.memory_space<vmem>>, vector<16xf32>,
    %add3A_547 = arith.addf %add3A_535, %get3A_546 : vector<16xf32>
    %max3A = arith.constant 1.000000e+00 : f32
    %max3A_548 = vector.broadcast %max3A : f32 to vector<16xf32>
    %max3A_549 = arith.maximumf %add3A_547, %max3A_548 : vector<16xf32>
    %div3A = arith.constant 1.000000e+00 : f32
    %div3A_550 = vector.broadcast %div3A : f32 to vector<16xf32>
    %div3A_551 = arith.divf %div3A_550, %max3A_549 : vector<16xf32>
    %mul3A_552 = arith.mulf %add3A_538, %div3A_551 : vector<16xf32>
    %mul3A_553 = arith.mulf %add3A_541, %div3A_551 : vector<16xf32>
    %mul3A_554 = arith.mulf %add3A_544, %div3A_551 : vector<16xf32>
    %swap3A_555 = arith.constant 0 : index
    %swap3A_556 = tpu.vector_load %arg19[%swap3A_555] {strides = array<i32>} : memref<48xf32, #tpu.memory_space<vmem>>, vector<16xf32>,
    tpu.vector_store %arg19[%swap3A_555], %mul3A_552 {strides = array<i32>} : memref<48xf32, #tpu.memory_space<vmem>>, vector<16xf32>,
    %swap3A_557 = arith.constant 16 : index
    %swap3A_558 = tpu.vector_load %arg19[%swap3A_557] {strides = array<i32>} : memref<48xf32, #tpu.memory_space<vmem>>, vector<16xf32>,
    tpu.vector_store %arg19[%swap3A_557], %mul3A_553 {strides = array<i32>} : memref<48xf32, #tpu.memory_space<vmem>>, vector<16xf32>,
    %swap3A_559 = arith.constant 32 : index
    %swap3A_560 = tpu.vector_load %arg19[%swap3A_559] {strides = array<i32>} : memref<48xf32, #tpu.memory_space<vmem>>, vector<16xf32>,
    tpu.vector_store %arg19[%swap3A_559], %mul3A_554 {strides = array<i32>} : memref<48xf32, #tpu.memory_space<vmem>>, vector<16xf32>,
    %eq3A = arith.constant 0 : i32
    %eq3A_561 = arith.cmpi eq, %arg0, %eq3A : i32
    %eq3A_562 = arith.constant 0 : i32
    %eq3A_563 = arith.cmpi eq, %arg1, %eq3A_562 : i32
    %and3A = arith.andi %eq3A_561, %eq3A_563 : i1
    %convert_element_type3A = arith.extui %and3A : i1 to i32
    %cond3A = arith.constant 0 : i32
    %cond3A_564 = arith.cmpi ne, %convert_element_type3A, %cond3A : i32
    scf.if %cond3A_564 {
      %swap3A_859 = arith.constant 0 : i32
      %swap3A_860 = arith.index_cast %swap3A_859 : i32 to index
      %swap3A_861 = arith.constant 0 : index
      %swap3A_862 = tpu.vector_load %arg24[%swap3A_860, %swap3A_861] {strides = array<i32>} : memref<4x128xf32, #tpu.memory_space<vmem>>, vector<16xf32>,
      tpu.vector_store %arg24[%swap3A_860, %swap3A_861], %mul3A_552 {strides = array<i32>} : memref<4x128xf32, #tpu.memory_space<vmem>>, vector<16xf32>,
      %swap3A_863 = arith.constant 1 : i32
      %swap3A_864 = arith.index_cast %swap3A_863 : i32 to index
      %swap3A_865 = arith.constant 0 : index
      %swap3A_866 = tpu.vector_load %arg24[%swap3A_864, %swap3A_865] {strides = array<i32>} : memref<4x128xf32, #tpu.memory_space<vmem>>, vector<16xf32>,
      tpu.vector_store %arg24[%swap3A_864, %swap3A_865], %mul3A_553 {strides = array<i32>} : memref<4x128xf32, #tpu.memory_space<vmem>>, vector<16xf32>,
      %swap3A_867 = arith.constant 2 : i32
      %swap3A_868 = arith.index_cast %swap3A_867 : i32 to index
      %swap3A_869 = arith.constant 0 : index
      %swap3A_870 = tpu.vector_load %arg24[%swap3A_868, %swap3A_869] {strides = array<i32>} : memref<4x128xf32, #tpu.memory_space<vmem>>, vector<16xf32>,
      tpu.vector_store %arg24[%swap3A_868, %swap3A_869], %mul3A_554 {strides = array<i32>} : memref<4x128xf32, #tpu.memory_space<vmem>>, vector<16xf32>,
      "tpu.region"() ({
        %run_scoped3A = tpu.sem_alloc : memref<!tpu.dma_semaphore, #tpu.memory_space<semaphore_mem>>
        tpu.enqueue_dma source(%arg24 : memref<4x128xf32, #tpu.memory_space<vmem>>) target(%arg6 : memref<4x128xf32, #tpu.memory_space<hbm>>) target_semaphore(%run_scoped3A : memref<!tpu.dma_semaphore, #tpu.memory_space<semaphore_mem>>)
        tpu.wait_dma2 semaphore(%run_scoped3A : memref<!tpu.dma_semaphore, #tpu.memory_space<semaphore_mem>>) src(%arg24 : memref<4x128xf32, #tpu.memory_space<vmem>>) dst(%arg6 : memref<4x128xf32, #tpu.memory_space<hbm>>)
        tpu.yield
      }) : () -> ()
    } else {
    }
    %get3A_565 = arith.constant 0 : index
    %get3A_566 = tpu.vector_load %arg20[%get3A_565] {strides = array<i32>} : memref<32xf32, #tpu.memory_space<vmem>>, vector<16xf32>,
    %get3A_567 = arith.constant 16 : index
    %get3A_568 = tpu.vector_load %arg20[%get3A_567] {strides = array<i32>} : memref<32xf32, #tpu.memory_space<vmem>>, vector<16xf32>,
    %mul3A_569 = arith.mulf %get3A_568, %get3A_568 : vector<16xf32>
    %div3A_570 = arith.constant -5.000000e-01 : f32
    %div3A_571 = vector.broadcast %div3A_570 : f32 to vector<16xf32>
    %div3A_572 = arith.divf %div3A_571, %mul3A_569 : vector<16xf32>
    %mul3A_573 = arith.constant 1024 : i32
    %mul3A_574 = arith.muli %arg0, %mul3A_573 : i32
    %add3A_575 = arith.addi %mul3A_1, %mul3A_574 : i32
    %parallel_loop3A_576 = arith.constant 0 : i32
    %parallel_loop3A_577 = arith.constant 64 : i32
    %parallel_loop3A_578 = arith.constant 1 : i32
    scf.for %parallel_loop3A_859 = %parallel_loop3A_576 to %parallel_loop3A_577 step %parallel_loop3A_578  : i32 {
      %parallel_loop3A_860 = arith.constant 16 : i32
      %parallel_loop3A_861 = arith.muli %parallel_loop3A_859, %parallel_loop3A_860 : i32
      %parallel_loop3A_862 = arith.addi %mul3A_574, %parallel_loop3A_861 : i32
      %parallel_loop3A_863 = arith.index_cast %parallel_loop3A_862 : i32 to index
      %parallel_loop3A_864 = tpu.vector_load %arg10[%parallel_loop3A_863] {strides = array<i32>} : memref<2048xi32, #tpu.memory_space<vmem>>, vector<16xi32>,
      %parallel_loop3A_865 = arith.constant 0 : i32
      %parallel_loop3A_866 = arith.index_cast %parallel_loop3A_865 : i32 to index
      %parallel_loop3A_867 = arith.index_cast %parallel_loop3A_862 : i32 to index
      %parallel_loop3A_868 = tpu.vector_load %arg11[%parallel_loop3A_866, %parallel_loop3A_867] {strides = array<i32>} : memref<3x2048xf32, #tpu.memory_space<vmem>>, vector<16xf32>,
      %parallel_loop3A_869 = arith.constant 1 : i32
      %parallel_loop3A_870 = arith.index_cast %parallel_loop3A_869 : i32 to index
      %parallel_loop3A_871 = arith.index_cast %parallel_loop3A_862 : i32 to index
      %parallel_loop3A_872 = tpu.vector_load %arg11[%parallel_loop3A_870, %parallel_loop3A_871] {strides = array<i32>} : memref<3x2048xf32, #tpu.memory_space<vmem>>, vector<16xf32>,
      %parallel_loop3A_873 = arith.constant 2 : i32
      %parallel_loop3A_874 = arith.index_cast %parallel_loop3A_873 : i32 to index
      %parallel_loop3A_875 = arith.index_cast %parallel_loop3A_862 : i32 to index
      %parallel_loop3A_876 = tpu.vector_load %arg11[%parallel_loop3A_874, %parallel_loop3A_875] {strides = array<i32>} : memref<3x2048xf32, #tpu.memory_space<vmem>>, vector<16xf32>,
      %parallel_loop3A_877 = tpu.vector_load_idx %arg19[%parallel_loop3A_864] : memref<48xf32, #tpu.memory_space<vmem>>[vector<16xi32>], vector<16xf32>,
      %parallel_loop3A_878 = arith.constant 16 : i32
      %parallel_loop3A_879 = vector.broadcast %parallel_loop3A_878 : i32 to vector<16xi32>
      %parallel_loop3A_880 = arith.addi %parallel_loop3A_864, %parallel_loop3A_879 : vector<16xi32>
      %parallel_loop3A_881 = tpu.vector_load_idx %arg19[%parallel_loop3A_880] : memref<48xf32, #tpu.memory_space<vmem>>[vector<16xi32>], vector<16xf32>,
      %parallel_loop3A_882 = arith.constant 32 : i32
      %parallel_loop3A_883 = vector.broadcast %parallel_loop3A_882 : i32 to vector<16xi32>
      %parallel_loop3A_884 = arith.addi %parallel_loop3A_864, %parallel_loop3A_883 : vector<16xi32>
      %parallel_loop3A_885 = tpu.vector_load_idx %arg19[%parallel_loop3A_884] : memref<48xf32, #tpu.memory_space<vmem>>[vector<16xi32>], vector<16xf32>,
      %parallel_loop3A_886 = arith.subf %parallel_loop3A_868, %parallel_loop3A_877 : vector<16xf32>
      %parallel_loop3A_887 = arith.subf %parallel_loop3A_872, %parallel_loop3A_881 : vector<16xf32>
      %parallel_loop3A_888 = arith.subf %parallel_loop3A_876, %parallel_loop3A_885 : vector<16xf32>
      %parallel_loop3A_889 = arith.constant 8 : i32
      %parallel_loop3A_890 = arith.divsi %parallel_loop3A_859, %parallel_loop3A_889 : i32
      %parallel_loop3A_891 = arith.constant 0 : i32
      %parallel_loop3A_892 = arith.cmpi sgt, %parallel_loop3A_859, %parallel_loop3A_891 : i32
      %parallel_loop3A_893 = arith.extui %parallel_loop3A_892 : i1 to i32
      %parallel_loop3A_894 = arith.constant 0 : i32
      %parallel_loop3A_895 = arith.cmpi slt, %parallel_loop3A_859, %parallel_loop3A_894 : i32
      %parallel_loop3A_896 = arith.extui %parallel_loop3A_895 : i1 to i32
      %parallel_loop3A_897 = arith.subi %parallel_loop3A_893, %parallel_loop3A_896 : i32
      %parallel_loop3A_898 = arith.constant 0 : i32
      %parallel_loop3A_899 = arith.cmpi sgt, %parallel_loop3A_889, %parallel_loop3A_898 : i32
      %parallel_loop3A_900 = arith.extui %parallel_loop3A_899 : i1 to i32
      %parallel_loop3A_901 = arith.constant 0 : i32
      %parallel_loop3A_902 = arith.cmpi slt, %parallel_loop3A_889, %parallel_loop3A_901 : i32
      %parallel_loop3A_903 = arith.extui %parallel_loop3A_902 : i1 to i32
      %parallel_loop3A_904 = arith.subi %parallel_loop3A_900, %parallel_loop3A_903 : i32
      %parallel_loop3A_905 = arith.cmpi ne, %parallel_loop3A_897, %parallel_loop3A_904 : i32
      %parallel_loop3A_906 = arith.remsi %parallel_loop3A_859, %parallel_loop3A_889 : i32
      %parallel_loop3A_907 = arith.constant 0 : i32
      %parallel_loop3A_908 = arith.cmpi ne, %parallel_loop3A_906, %parallel_loop3A_907 : i32
      %parallel_loop3A_909 = arith.andi %parallel_loop3A_905, %parallel_loop3A_908 : i1
      %parallel_loop3A_910 = arith.constant 1 : i32
      %parallel_loop3A_911 = arith.subi %parallel_loop3A_890, %parallel_loop3A_910 : i32
      %parallel_loop3A_912 = arith.select %parallel_loop3A_909, %parallel_loop3A_911, %parallel_loop3A_890 : i32
      %parallel_loop3A_913 = arith.constant 8 : i32
      %parallel_loop3A_914 = arith.constant 0 : i32
      %parallel_loop3A_915 = arith.cmpi eq, %parallel_loop3A_913, %parallel_loop3A_914 : i32
      %parallel_loop3A_916 = arith.constant 1 : i32
      %parallel_loop3A_917 = arith.select %parallel_loop3A_915, %parallel_loop3A_916, %parallel_loop3A_913 : i32
      %parallel_loop3A_918 = arith.remsi %parallel_loop3A_859, %parallel_loop3A_917 : i32
      %parallel_loop3A_919 = arith.constant 0 : i32
      %parallel_loop3A_920 = arith.cmpi ne, %parallel_loop3A_918, %parallel_loop3A_919 : i32
      %parallel_loop3A_921 = arith.constant 0 : i32
      %parallel_loop3A_922 = arith.cmpi slt, %parallel_loop3A_918, %parallel_loop3A_921 : i32
      %parallel_loop3A_923 = arith.constant 0 : i32
      %parallel_loop3A_924 = arith.cmpi slt, %parallel_loop3A_917, %parallel_loop3A_923 : i32
      %parallel_loop3A_925 = arith.xori %parallel_loop3A_922, %parallel_loop3A_924 : i1
      %parallel_loop3A_926 = arith.andi %parallel_loop3A_925, %parallel_loop3A_920 : i1
      %parallel_loop3A_927 = arith.addi %parallel_loop3A_918, %parallel_loop3A_917 : i32
      %parallel_loop3A_928 = arith.select %parallel_loop3A_926, %parallel_loop3A_927, %parallel_loop3A_918 : i32
      %parallel_loop3A_929 = arith.constant 16 : i32
      %parallel_loop3A_930 = arith.muli %parallel_loop3A_928, %parallel_loop3A_929 : i32
      %parallel_loop3A_931 = arith.constant 0 : i32
      %parallel_loop3A_932 = arith.index_cast %parallel_loop3A_912 : i32 to index
      %parallel_loop3A_933 = arith.index_cast %parallel_loop3A_931 : i32 to index
      %parallel_loop3A_934 = arith.index_cast %parallel_loop3A_930 : i32 to index
      %parallel_loop3A_935 = tpu.vector_load %arg21[%parallel_loop3A_932, %parallel_loop3A_933, %parallel_loop3A_934] {strides = array<i32>} : memref<8x4x128xf32, #tpu.memory_space<vmem>>, vector<16xf32>,
      tpu.vector_store %arg21[%parallel_loop3A_932, %parallel_loop3A_933, %parallel_loop3A_934], %parallel_loop3A_886 {strides = array<i32>} : memref<8x4x128xf32, #tpu.memory_space<vmem>>, vector<16xf32>,
      %parallel_loop3A_936 = arith.constant 1 : i32
      %parallel_loop3A_937 = arith.index_cast %parallel_loop3A_912 : i32 to index
      %parallel_loop3A_938 = arith.index_cast %parallel_loop3A_936 : i32 to index
      %parallel_loop3A_939 = arith.index_cast %parallel_loop3A_930 : i32 to index
      %parallel_loop3A_940 = tpu.vector_load %arg21[%parallel_loop3A_937, %parallel_loop3A_938, %parallel_loop3A_939] {strides = array<i32>} : memref<8x4x128xf32, #tpu.memory_space<vmem>>, vector<16xf32>,
      tpu.vector_store %arg21[%parallel_loop3A_937, %parallel_loop3A_938, %parallel_loop3A_939], %parallel_loop3A_887 {strides = array<i32>} : memref<8x4x128xf32, #tpu.memory_space<vmem>>, vector<16xf32>,
      %parallel_loop3A_941 = arith.constant 2 : i32
      %parallel_loop3A_942 = arith.index_cast %parallel_loop3A_912 : i32 to index
      %parallel_loop3A_943 = arith.index_cast %parallel_loop3A_941 : i32 to index
      %parallel_loop3A_944 = arith.index_cast %parallel_loop3A_930 : i32 to index
      %parallel_loop3A_945 = tpu.vector_load %arg21[%parallel_loop3A_942, %parallel_loop3A_943, %parallel_loop3A_944] {strides = array<i32>} : memref<8x4x128xf32, #tpu.memory_space<vmem>>, vector<16xf32>,
      tpu.vector_store %arg21[%parallel_loop3A_942, %parallel_loop3A_943, %parallel_loop3A_944], %parallel_loop3A_888 {strides = array<i32>} : memref<8x4x128xf32, #tpu.memory_space<vmem>>, vector<16xf32>,
      %parallel_loop3A_946 = arith.mulf %parallel_loop3A_886, %parallel_loop3A_886 : vector<16xf32>
      %parallel_loop3A_947 = arith.mulf %parallel_loop3A_887, %parallel_loop3A_887 : vector<16xf32>
      %parallel_loop3A_948 = arith.addf %parallel_loop3A_946, %parallel_loop3A_947 : vector<16xf32>
      %parallel_loop3A_949 = arith.mulf %parallel_loop3A_888, %parallel_loop3A_888 : vector<16xf32>
      %parallel_loop3A_950 = arith.addf %parallel_loop3A_948, %parallel_loop3A_949 : vector<16xf32>
      %parallel_loop3A_951 = vector.bitcast %parallel_loop3A_950 : vector<16xf32> to vector<16xi32>
      %parallel_loop3A_952 = arith.constant 1 : i32
      %parallel_loop3A_953 = vector.broadcast %parallel_loop3A_952 : i32 to vector<16xi32>
      %parallel_loop3A_954 = arith.shrui %parallel_loop3A_951, %parallel_loop3A_953 : vector<16xi32>
      %parallel_loop3A_955 = arith.constant 1597463007 : i32
      %parallel_loop3A_956 = vector.broadcast %parallel_loop3A_955 : i32 to vector<16xi32>
      %parallel_loop3A_957 = arith.subi %parallel_loop3A_956, %parallel_loop3A_954 : vector<16xi32>
      %parallel_loop3A_958 = vector.bitcast %parallel_loop3A_957 : vector<16xi32> to vector<16xf32>
      %parallel_loop3A_959 = arith.constant 5.000000e-01 : f32
      %parallel_loop3A_960 = vector.broadcast %parallel_loop3A_959 : f32 to vector<16xf32>
      %parallel_loop3A_961 = arith.mulf %parallel_loop3A_950, %parallel_loop3A_960 : vector<16xf32>
      %parallel_loop3A_962 = arith.mulf %parallel_loop3A_961, %parallel_loop3A_958 : vector<16xf32>
      %parallel_loop3A_963 = arith.mulf %parallel_loop3A_962, %parallel_loop3A_958 : vector<16xf32>
      %parallel_loop3A_964 = arith.constant 1.500000e+00 : f32
      %parallel_loop3A_965 = vector.broadcast %parallel_loop3A_964 : f32 to vector<16xf32>
      %parallel_loop3A_966 = arith.subf %parallel_loop3A_965, %parallel_loop3A_963 : vector<16xf32>
      %parallel_loop3A_967 = arith.mulf %parallel_loop3A_958, %parallel_loop3A_966 : vector<16xf32>
      %parallel_loop3A_968 = arith.mulf %parallel_loop3A_961, %parallel_loop3A_967 : vector<16xf32>
      %parallel_loop3A_969 = arith.mulf %parallel_loop3A_968, %parallel_loop3A_967 : vector<16xf32>
      %parallel_loop3A_970 = arith.constant 1.500000e+00 : f32
      %parallel_loop3A_971 = vector.broadcast %parallel_loop3A_970 : f32 to vector<16xf32>
      %parallel_loop3A_972 = arith.subf %parallel_loop3A_971, %parallel_loop3A_969 : vector<16xf32>
      %parallel_loop3A_973 = arith.mulf %parallel_loop3A_967, %parallel_loop3A_972 : vector<16xf32>
      %parallel_loop3A_974 = arith.mulf %parallel_loop3A_950, %parallel_loop3A_973 : vector<16xf32>
      %parallel_loop3A_975 = arith.constant 16 : i32
      %parallel_loop3A_976 = arith.muli %parallel_loop3A_859, %parallel_loop3A_975 : i32
      %parallel_loop3A_977 = arith.index_cast %parallel_loop3A_976 : i32 to index
      %parallel_loop3A_978 = tpu.vector_load %arg22[%parallel_loop3A_977] {strides = array<i32>} : memref<1024xf32, #tpu.memory_space<vmem>>, vector<16xf32>,
      tpu.vector_store %arg22[%parallel_loop3A_977], %parallel_loop3A_974 {strides = array<i32>} : memref<1024xf32, #tpu.memory_space<vmem>>, vector<16xf32>,
    } {sc.loop_unroll_factor = 4 : i64, sc.parallel_access}
    %jit3A = arith.constant 128 : i32
    %div3A_579 = arith.divsi %add3A_575, %jit3A : i32
    %sign3A = arith.constant 0 : i32
    %sign3A_580 = arith.cmpi sgt, %add3A_575, %sign3A : i32
    %sign3A_581 = arith.extui %sign3A_580 : i1 to i32
    %sign3A_582 = arith.constant 0 : i32
    %sign3A_583 = arith.cmpi slt, %add3A_575, %sign3A_582 : i32
    %sign3A_584 = arith.extui %sign3A_583 : i1 to i32
    %sign3A_585 = arith.subi %sign3A_581, %sign3A_584 : i32
    %sign3A_586 = arith.constant 0 : i32
    %sign3A_587 = arith.cmpi sgt, %jit3A, %sign3A_586 : i32
    %sign3A_588 = arith.extui %sign3A_587 : i1 to i32
    %sign3A_589 = arith.constant 0 : i32
    %sign3A_590 = arith.cmpi slt, %jit3A, %sign3A_589 : i32
    %sign3A_591 = arith.extui %sign3A_590 : i1 to i32
    %sign3A_592 = arith.subi %sign3A_588, %sign3A_591 : i32
    %ne3A = arith.cmpi ne, %sign3A_585, %sign3A_592 : i32
    %rem3A = arith.remsi %add3A_575, %jit3A : i32
    %ne3A_593 = arith.constant 0 : i32
    %ne3A_594 = arith.cmpi ne, %rem3A, %ne3A_593 : i32
    %and3A_595 = arith.andi %ne3A, %ne3A_594 : i1
    %sub3A = arith.constant 1 : i32
    %sub3A_596 = arith.subi %div3A_579, %sub3A : i32
    %select_n3A = arith.select %and3A_595, %sub3A_596, %div3A_579 : i32
    %dma_start3A_597 = arith.constant 0 : i32
    %dma_start3A_598 = arith.constant 0 : i32
    %dma_start3A_599 = tpu.memref_slice %arg7[%select_n3A, %dma_start3A_597, %dma_start3A_598] : memref<256x4x128xf32, #tpu.memory_space<hbm>> -> memref<8x4x128xf32, #tpu.memory_space<hbm>>
    %dma_start3A_600 = arith.constant 0 : i32
    %dma_start3A_601 = arith.constant 0 : i32
    %dma_start3A_602 = tpu.memref_slice %arg7[%select_n3A, %dma_start3A_600, %dma_start3A_601] : memref<256x4x128xf32, #tpu.memory_space<hbm>> -> memref<8x4x128xf32, #tpu.memory_space<hbm>>
    tpu.enqueue_dma source(%arg21 : memref<8x4x128xf32, #tpu.memory_space<vmem>>) target(%dma_start3A_602 : memref<8x4x128xf32, #tpu.memory_space<hbm>>) target_semaphore(%arg25 : memref<!tpu.dma_semaphore, #tpu.memory_space<semaphore_mem>>)
    %dma_start3A_603 = tpu.memref_slice %arg8[%add3A_575] : memref<32768xf32, #tpu.memory_space<hbm>> -> memref<1024xf32, #tpu.memory_space<hbm>>
    %dma_start3A_604 = tpu.memref_slice %arg8[%add3A_575] : memref<32768xf32, #tpu.memory_space<hbm>> -> memref<1024xf32, #tpu.memory_space<hbm>>
    tpu.enqueue_dma source(%arg22 : memref<1024xf32, #tpu.memory_space<vmem>>) target(%dma_start3A_604 : memref<1024xf32, #tpu.memory_space<hbm>>) target_semaphore(%arg25 : memref<!tpu.dma_semaphore, #tpu.memory_space<semaphore_mem>>)
    %slice3A = vector.extract_strided_slice %get3A_566 {offsets = [0], sizes = [1], strides = [1]} : vector<16xf32> to vector<1xf32>
    %squeeze3A = vector.extract %slice3A[0] : f32 from vector<1xf32>
    %broadcast_in_dim3A_605 = vector.broadcast %squeeze3A : f32 to vector<16xf32>
    %slice3A_606 = vector.extract_strided_slice %div3A_572 {offsets = [0], sizes = [1], strides = [1]} : vector<16xf32> to vector<1xf32>
    %squeeze3A_607 = vector.extract %slice3A_606[0] : f32 from vector<1xf32>
    %broadcast_in_dim3A_608 = vector.broadcast %squeeze3A_607 : f32 to vector<16xf32>
    %parallel_loop3A_609 = arith.constant 0 : i32
    %parallel_loop3A_610 = arith.constant 64 : i32
    %parallel_loop3A_611 = arith.constant 1 : i32
    scf.for %parallel_loop3A_859 = %parallel_loop3A_609 to %parallel_loop3A_610 step %parallel_loop3A_611  : i32 {
      %parallel_loop3A_860 = arith.constant 16 : i32
      %parallel_loop3A_861 = arith.muli %parallel_loop3A_859, %parallel_loop3A_860 : i32
      %parallel_loop3A_862 = arith.index_cast %parallel_loop3A_861 : i32 to index
      %parallel_loop3A_863 = tpu.vector_load %arg22[%parallel_loop3A_862] {strides = array<i32>} : memref<1024xf32, #tpu.memory_space<vmem>>, vector<16xf32>,
      %parallel_loop3A_864 = arith.subf %parallel_loop3A_863, %broadcast_in_dim3A_605 : vector<16xf32>
      %parallel_loop3A_865 = arith.mulf %parallel_loop3A_864, %parallel_loop3A_864 : vector<16xf32>
      %parallel_loop3A_866 = arith.mulf %parallel_loop3A_865, %broadcast_in_dim3A_608 : vector<16xf32>
      %parallel_loop3A_867 = math.exp %parallel_loop3A_866 : vector<16xf32>
      %parallel_loop3A_868 = arith.constant 8 : i32
      %parallel_loop3A_869 = arith.divsi %parallel_loop3A_859, %parallel_loop3A_868 : i32
      %parallel_loop3A_870 = arith.constant 0 : i32
      %parallel_loop3A_871 = arith.cmpi sgt, %parallel_loop3A_859, %parallel_loop3A_870 : i32
      %parallel_loop3A_872 = arith.extui %parallel_loop3A_871 : i1 to i32
      %parallel_loop3A_873 = arith.constant 0 : i32
      %parallel_loop3A_874 = arith.cmpi slt, %parallel_loop3A_859, %parallel_loop3A_873 : i32
      %parallel_loop3A_875 = arith.extui %parallel_loop3A_874 : i1 to i32
      %parallel_loop3A_876 = arith.subi %parallel_loop3A_872, %parallel_loop3A_875 : i32
      %parallel_loop3A_877 = arith.constant 0 : i32
      %parallel_loop3A_878 = arith.cmpi sgt, %parallel_loop3A_868, %parallel_loop3A_877 : i32
      %parallel_loop3A_879 = arith.extui %parallel_loop3A_878 : i1 to i32
      %parallel_loop3A_880 = arith.constant 0 : i32
      %parallel_loop3A_881 = arith.cmpi slt, %parallel_loop3A_868, %parallel_loop3A_880 : i32
      %parallel_loop3A_882 = arith.extui %parallel_loop3A_881 : i1 to i32
      %parallel_loop3A_883 = arith.subi %parallel_loop3A_879, %parallel_loop3A_882 : i32
      %parallel_loop3A_884 = arith.cmpi ne, %parallel_loop3A_876, %parallel_loop3A_883 : i32
      %parallel_loop3A_885 = arith.remsi %parallel_loop3A_859, %parallel_loop3A_868 : i32
      %parallel_loop3A_886 = arith.constant 0 : i32
      %parallel_loop3A_887 = arith.cmpi ne, %parallel_loop3A_885, %parallel_loop3A_886 : i32
      %parallel_loop3A_888 = arith.andi %parallel_loop3A_884, %parallel_loop3A_887 : i1
      %parallel_loop3A_889 = arith.constant 1 : i32
      %parallel_loop3A_890 = arith.subi %parallel_loop3A_869, %parallel_loop3A_889 : i32
      %parallel_loop3A_891 = arith.select %parallel_loop3A_888, %parallel_loop3A_890, %parallel_loop3A_869 : i32
      %parallel_loop3A_892 = arith.constant 8 : i32
      %parallel_loop3A_893 = arith.constant 0 : i32
      %parallel_loop3A_894 = arith.cmpi eq, %parallel_loop3A_892, %parallel_loop3A_893 : i32
      %parallel_loop3A_895 = arith.constant 1 : i32
      %parallel_loop3A_896 = arith.select %parallel_loop3A_894, %parallel_loop3A_895, %parallel_loop3A_892 : i32
      %parallel_loop3A_897 = arith.remsi %parallel_loop3A_859, %parallel_loop3A_896 : i32
      %parallel_loop3A_898 = arith.constant 0 : i32
      %parallel_loop3A_899 = arith.cmpi ne, %parallel_loop3A_897, %parallel_loop3A_898 : i32
      %parallel_loop3A_900 = arith.constant 0 : i32
      %parallel_loop3A_901 = arith.cmpi slt, %parallel_loop3A_897, %parallel_loop3A_900 : i32
      %parallel_loop3A_902 = arith.constant 0 : i32
      %parallel_loop3A_903 = arith.cmpi slt, %parallel_loop3A_896, %parallel_loop3A_902 : i32
      %parallel_loop3A_904 = arith.xori %parallel_loop3A_901, %parallel_loop3A_903 : i1
      %parallel_loop3A_905 = arith.andi %parallel_loop3A_904, %parallel_loop3A_899 : i1
      %parallel_loop3A_906 = arith.addi %parallel_loop3A_897, %parallel_loop3A_896 : i32
      %parallel_loop3A_907 = arith.select %parallel_loop3A_905, %parallel_loop3A_906, %parallel_loop3A_897 : i32
      %parallel_loop3A_908 = arith.constant 16 : i32
      %parallel_loop3A_909 = arith.muli %parallel_loop3A_907, %parallel_loop3A_908 : i32
      %parallel_loop3A_910 = arith.constant 0 : i32
      %parallel_loop3A_911 = arith.constant 0 : i32
      %parallel_loop3A_912 = arith.index_cast %parallel_loop3A_910 : i32 to index
      %parallel_loop3A_913 = arith.index_cast %parallel_loop3A_891 : i32 to index
      %parallel_loop3A_914 = arith.index_cast %parallel_loop3A_911 : i32 to index
      %parallel_loop3A_915 = arith.index_cast %parallel_loop3A_909 : i32 to index
      %parallel_loop3A_916 = tpu.vector_load %arg23[%parallel_loop3A_912, %parallel_loop3A_913, %parallel_loop3A_914, %parallel_loop3A_915] {strides = array<i32>} : memref<2x8x8x128xf32, #tpu.memory_space<vmem>>, vector<16xf32>,
      tpu.vector_store %arg23[%parallel_loop3A_912, %parallel_loop3A_913, %parallel_loop3A_914, %parallel_loop3A_915], %parallel_loop3A_867 {strides = array<i32>} : memref<2x8x8x128xf32, #tpu.memory_space<vmem>>, vector<16xf32>,
    } {sc.loop_unroll_factor = 8 : i64, sc.parallel_access}
    %slice3A_612 = vector.extract_strided_slice %get3A_566 {offsets = [1], sizes = [1], strides = [1]} : vector<16xf32> to vector<1xf32>
    %squeeze3A_613 = vector.extract %slice3A_612[0] : f32 from vector<1xf32>
    %broadcast_in_dim3A_614 = vector.broadcast %squeeze3A_613 : f32 to vector<16xf32>
    %slice3A_615 = vector.extract_strided_slice %div3A_572 {offsets = [1], sizes = [1], strides = [1]} : vector<16xf32> to vector<1xf32>
    %squeeze3A_616 = vector.extract %slice3A_615[0] : f32 from vector<1xf32>
    %broadcast_in_dim3A_617 = vector.broadcast %squeeze3A_616 : f32 to vector<16xf32>
    %parallel_loop3A_618 = arith.constant 0 : i32
    %parallel_loop3A_619 = arith.constant 64 : i32
    %parallel_loop3A_620 = arith.constant 1 : i32
    scf.for %parallel_loop3A_859 = %parallel_loop3A_618 to %parallel_loop3A_619 step %parallel_loop3A_620  : i32 {
      %parallel_loop3A_860 = arith.constant 16 : i32
      %parallel_loop3A_861 = arith.muli %parallel_loop3A_859, %parallel_loop3A_860 : i32
      %parallel_loop3A_862 = arith.index_cast %parallel_loop3A_861 : i32 to index
      %parallel_loop3A_863 = tpu.vector_load %arg22[%parallel_loop3A_862] {strides = array<i32>} : memref<1024xf32, #tpu.memory_space<vmem>>, vector<16xf32>,
      %parallel_loop3A_864 = arith.subf %parallel_loop3A_863, %broadcast_in_dim3A_614 : vector<16xf32>
      %parallel_loop3A_865 = arith.mulf %parallel_loop3A_864, %parallel_loop3A_864 : vector<16xf32>
      %parallel_loop3A_866 = arith.mulf %parallel_loop3A_865, %broadcast_in_dim3A_617 : vector<16xf32>
      %parallel_loop3A_867 = math.exp %parallel_loop3A_866 : vector<16xf32>
      %parallel_loop3A_868 = arith.constant 8 : i32
      %parallel_loop3A_869 = arith.divsi %parallel_loop3A_859, %parallel_loop3A_868 : i32
      %parallel_loop3A_870 = arith.constant 0 : i32
      %parallel_loop3A_871 = arith.cmpi sgt, %parallel_loop3A_859, %parallel_loop3A_870 : i32
      %parallel_loop3A_872 = arith.extui %parallel_loop3A_871 : i1 to i32
      %parallel_loop3A_873 = arith.constant 0 : i32
      %parallel_loop3A_874 = arith.cmpi slt, %parallel_loop3A_859, %parallel_loop3A_873 : i32
      %parallel_loop3A_875 = arith.extui %parallel_loop3A_874 : i1 to i32
      %parallel_loop3A_876 = arith.subi %parallel_loop3A_872, %parallel_loop3A_875 : i32
      %parallel_loop3A_877 = arith.constant 0 : i32
      %parallel_loop3A_878 = arith.cmpi sgt, %parallel_loop3A_868, %parallel_loop3A_877 : i32
      %parallel_loop3A_879 = arith.extui %parallel_loop3A_878 : i1 to i32
      %parallel_loop3A_880 = arith.constant 0 : i32
      %parallel_loop3A_881 = arith.cmpi slt, %parallel_loop3A_868, %parallel_loop3A_880 : i32
      %parallel_loop3A_882 = arith.extui %parallel_loop3A_881 : i1 to i32
      %parallel_loop3A_883 = arith.subi %parallel_loop3A_879, %parallel_loop3A_882 : i32
      %parallel_loop3A_884 = arith.cmpi ne, %parallel_loop3A_876, %parallel_loop3A_883 : i32
      %parallel_loop3A_885 = arith.remsi %parallel_loop3A_859, %parallel_loop3A_868 : i32
      %parallel_loop3A_886 = arith.constant 0 : i32
      %parallel_loop3A_887 = arith.cmpi ne, %parallel_loop3A_885, %parallel_loop3A_886 : i32
      %parallel_loop3A_888 = arith.andi %parallel_loop3A_884, %parallel_loop3A_887 : i1
      %parallel_loop3A_889 = arith.constant 1 : i32
      %parallel_loop3A_890 = arith.subi %parallel_loop3A_869, %parallel_loop3A_889 : i32
      %parallel_loop3A_891 = arith.select %parallel_loop3A_888, %parallel_loop3A_890, %parallel_loop3A_869 : i32
      %parallel_loop3A_892 = arith.constant 8 : i32
      %parallel_loop3A_893 = arith.constant 0 : i32
      %parallel_loop3A_894 = arith.cmpi eq, %parallel_loop3A_892, %parallel_loop3A_893 : i32
      %parallel_loop3A_895 = arith.constant 1 : i32
      %parallel_loop3A_896 = arith.select %parallel_loop3A_894, %parallel_loop3A_895, %parallel_loop3A_892 : i32
      %parallel_loop3A_897 = arith.remsi %parallel_loop3A_859, %parallel_loop3A_896 : i32
      %parallel_loop3A_898 = arith.constant 0 : i32
      %parallel_loop3A_899 = arith.cmpi ne, %parallel_loop3A_897, %parallel_loop3A_898 : i32
      %parallel_loop3A_900 = arith.constant 0 : i32
      %parallel_loop3A_901 = arith.cmpi slt, %parallel_loop3A_897, %parallel_loop3A_900 : i32
      %parallel_loop3A_902 = arith.constant 0 : i32
      %parallel_loop3A_903 = arith.cmpi slt, %parallel_loop3A_896, %parallel_loop3A_902 : i32
      %parallel_loop3A_904 = arith.xori %parallel_loop3A_901, %parallel_loop3A_903 : i1
      %parallel_loop3A_905 = arith.andi %parallel_loop3A_904, %parallel_loop3A_899 : i1
      %parallel_loop3A_906 = arith.addi %parallel_loop3A_897, %parallel_loop3A_896 : i32
      %parallel_loop3A_907 = arith.select %parallel_loop3A_905, %parallel_loop3A_906, %parallel_loop3A_897 : i32
      %parallel_loop3A_908 = arith.constant 16 : i32
      %parallel_loop3A_909 = arith.muli %parallel_loop3A_907, %parallel_loop3A_908 : i32
      %parallel_loop3A_910 = arith.constant 0 : i32
      %parallel_loop3A_911 = arith.constant 1 : i32
      %parallel_loop3A_912 = arith.index_cast %parallel_loop3A_910 : i32 to index
      %parallel_loop3A_913 = arith.index_cast %parallel_loop3A_891 : i32 to index
      %parallel_loop3A_914 = arith.index_cast %parallel_loop3A_911 : i32 to index
      %parallel_loop3A_915 = arith.index_cast %parallel_loop3A_909 : i32 to index
      %parallel_loop3A_916 = tpu.vector_load %arg23[%parallel_loop3A_912, %parallel_loop3A_913, %parallel_loop3A_914, %parallel_loop3A_915] {strides = array<i32>} : memref<2x8x8x128xf32, #tpu.memory_space<vmem>>, vector<16xf32>,
      tpu.vector_store %arg23[%parallel_loop3A_912, %parallel_loop3A_913, %parallel_loop3A_914, %parallel_loop3A_915], %parallel_loop3A_867 {strides = array<i32>} : memref<2x8x8x128xf32, #tpu.memory_space<vmem>>, vector<16xf32>,
    } {sc.loop_unroll_factor = 8 : i64, sc.parallel_access}
    %slice3A_621 = vector.extract_strided_slice %get3A_566 {offsets = [2], sizes = [1], strides = [1]} : vector<16xf32> to vector<1xf32>
    %squeeze3A_622 = vector.extract %slice3A_621[0] : f32 from vector<1xf32>
    %broadcast_in_dim3A_623 = vector.broadcast %squeeze3A_622 : f32 to vector<16xf32>
    %slice3A_624 = vector.extract_strided_slice %div3A_572 {offsets = [2], sizes = [1], strides = [1]} : vector<16xf32> to vector<1xf32>
    %squeeze3A_625 = vector.extract %slice3A_624[0] : f32 from vector<1xf32>
    %broadcast_in_dim3A_626 = vector.broadcast %squeeze3A_625 : f32 to vector<16xf32>
    %parallel_loop3A_627 = arith.constant 0 : i32
    %parallel_loop3A_628 = arith.constant 64 : i32
    %parallel_loop3A_629 = arith.constant 1 : i32
    scf.for %parallel_loop3A_859 = %parallel_loop3A_627 to %parallel_loop3A_628 step %parallel_loop3A_629  : i32 {
      %parallel_loop3A_860 = arith.constant 16 : i32
      %parallel_loop3A_861 = arith.muli %parallel_loop3A_859, %parallel_loop3A_860 : i32
      %parallel_loop3A_862 = arith.index_cast %parallel_loop3A_861 : i32 to index
      %parallel_loop3A_863 = tpu.vector_load %arg22[%parallel_loop3A_862] {strides = array<i32>} : memref<1024xf32, #tpu.memory_space<vmem>>, vector<16xf32>,
      %parallel_loop3A_864 = arith.subf %parallel_loop3A_863, %broadcast_in_dim3A_623 : vector<16xf32>
      %parallel_loop3A_865 = arith.mulf %parallel_loop3A_864, %parallel_loop3A_864 : vector<16xf32>
      %parallel_loop3A_866 = arith.mulf %parallel_loop3A_865, %broadcast_in_dim3A_626 : vector<16xf32>
      %parallel_loop3A_867 = math.exp %parallel_loop3A_866 : vector<16xf32>
      %parallel_loop3A_868 = arith.constant 8 : i32
      %parallel_loop3A_869 = arith.divsi %parallel_loop3A_859, %parallel_loop3A_868 : i32
      %parallel_loop3A_870 = arith.constant 0 : i32
      %parallel_loop3A_871 = arith.cmpi sgt, %parallel_loop3A_859, %parallel_loop3A_870 : i32
      %parallel_loop3A_872 = arith.extui %parallel_loop3A_871 : i1 to i32
      %parallel_loop3A_873 = arith.constant 0 : i32
      %parallel_loop3A_874 = arith.cmpi slt, %parallel_loop3A_859, %parallel_loop3A_873 : i32
      %parallel_loop3A_875 = arith.extui %parallel_loop3A_874 : i1 to i32
      %parallel_loop3A_876 = arith.subi %parallel_loop3A_872, %parallel_loop3A_875 : i32
      %parallel_loop3A_877 = arith.constant 0 : i32
      %parallel_loop3A_878 = arith.cmpi sgt, %parallel_loop3A_868, %parallel_loop3A_877 : i32
      %parallel_loop3A_879 = arith.extui %parallel_loop3A_878 : i1 to i32
      %parallel_loop3A_880 = arith.constant 0 : i32
      %parallel_loop3A_881 = arith.cmpi slt, %parallel_loop3A_868, %parallel_loop3A_880 : i32
      %parallel_loop3A_882 = arith.extui %parallel_loop3A_881 : i1 to i32
      %parallel_loop3A_883 = arith.subi %parallel_loop3A_879, %parallel_loop3A_882 : i32
      %parallel_loop3A_884 = arith.cmpi ne, %parallel_loop3A_876, %parallel_loop3A_883 : i32
      %parallel_loop3A_885 = arith.remsi %parallel_loop3A_859, %parallel_loop3A_868 : i32
      %parallel_loop3A_886 = arith.constant 0 : i32
      %parallel_loop3A_887 = arith.cmpi ne, %parallel_loop3A_885, %parallel_loop3A_886 : i32
      %parallel_loop3A_888 = arith.andi %parallel_loop3A_884, %parallel_loop3A_887 : i1
      %parallel_loop3A_889 = arith.constant 1 : i32
      %parallel_loop3A_890 = arith.subi %parallel_loop3A_869, %parallel_loop3A_889 : i32
      %parallel_loop3A_891 = arith.select %parallel_loop3A_888, %parallel_loop3A_890, %parallel_loop3A_869 : i32
      %parallel_loop3A_892 = arith.constant 8 : i32
      %parallel_loop3A_893 = arith.constant 0 : i32
      %parallel_loop3A_894 = arith.cmpi eq, %parallel_loop3A_892, %parallel_loop3A_893 : i32
      %parallel_loop3A_895 = arith.constant 1 : i32
      %parallel_loop3A_896 = arith.select %parallel_loop3A_894, %parallel_loop3A_895, %parallel_loop3A_892 : i32
      %parallel_loop3A_897 = arith.remsi %parallel_loop3A_859, %parallel_loop3A_896 : i32
      %parallel_loop3A_898 = arith.constant 0 : i32
      %parallel_loop3A_899 = arith.cmpi ne, %parallel_loop3A_897, %parallel_loop3A_898 : i32
      %parallel_loop3A_900 = arith.constant 0 : i32
      %parallel_loop3A_901 = arith.cmpi slt, %parallel_loop3A_897, %parallel_loop3A_900 : i32
      %parallel_loop3A_902 = arith.constant 0 : i32
      %parallel_loop3A_903 = arith.cmpi slt, %parallel_loop3A_896, %parallel_loop3A_902 : i32
      %parallel_loop3A_904 = arith.xori %parallel_loop3A_901, %parallel_loop3A_903 : i1
      %parallel_loop3A_905 = arith.andi %parallel_loop3A_904, %parallel_loop3A_899 : i1
      %parallel_loop3A_906 = arith.addi %parallel_loop3A_897, %parallel_loop3A_896 : i32
      %parallel_loop3A_907 = arith.select %parallel_loop3A_905, %parallel_loop3A_906, %parallel_loop3A_897 : i32
      %parallel_loop3A_908 = arith.constant 16 : i32
      %parallel_loop3A_909 = arith.muli %parallel_loop3A_907, %parallel_loop3A_908 : i32
      %parallel_loop3A_910 = arith.constant 0 : i32
      %parallel_loop3A_911 = arith.constant 2 : i32
      %parallel_loop3A_912 = arith.index_cast %parallel_loop3A_910 : i32 to index
      %parallel_loop3A_913 = arith.index_cast %parallel_loop3A_891 : i32 to index
      %parallel_loop3A_914 = arith.index_cast %parallel_loop3A_911 : i32 to index
      %parallel_loop3A_915 = arith.index_cast %parallel_loop3A_909 : i32 to index
      %parallel_loop3A_916 = tpu.vector_load %arg23[%parallel_loop3A_912, %parallel_loop3A_913, %parallel_loop3A_914, %parallel_loop3A_915] {strides = array<i32>} : memref<2x8x8x128xf32, #tpu.memory_space<vmem>>, vector<16xf32>,
      tpu.vector_store %arg23[%parallel_loop3A_912, %parallel_loop3A_913, %parallel_loop3A_914, %parallel_loop3A_915], %parallel_loop3A_867 {strides = array<i32>} : memref<2x8x8x128xf32, #tpu.memory_space<vmem>>, vector<16xf32>,
    } {sc.loop_unroll_factor = 8 : i64, sc.parallel_access}
    %slice3A_630 = vector.extract_strided_slice %get3A_566 {offsets = [3], sizes = [1], strides = [1]} : vector<16xf32> to vector<1xf32>
    %squeeze3A_631 = vector.extract %slice3A_630[0] : f32 from vector<1xf32>
    %broadcast_in_dim3A_632 = vector.broadcast %squeeze3A_631 : f32 to vector<16xf32>
    %slice3A_633 = vector.extract_strided_slice %div3A_572 {offsets = [3], sizes = [1], strides = [1]} : vector<16xf32> to vector<1xf32>
    %squeeze3A_634 = vector.extract %slice3A_633[0] : f32 from vector<1xf32>
    %broadcast_in_dim3A_635 = vector.broadcast %squeeze3A_634 : f32 to vector<16xf32>
    %parallel_loop3A_636 = arith.constant 0 : i32
    %parallel_loop3A_637 = arith.constant 64 : i32
    %parallel_loop3A_638 = arith.constant 1 : i32
    scf.for %parallel_loop3A_859 = %parallel_loop3A_636 to %parallel_loop3A_637 step %parallel_loop3A_638  : i32 {
      %parallel_loop3A_860 = arith.constant 16 : i32
      %parallel_loop3A_861 = arith.muli %parallel_loop3A_859, %parallel_loop3A_860 : i32
      %parallel_loop3A_862 = arith.index_cast %parallel_loop3A_861 : i32 to index
      %parallel_loop3A_863 = tpu.vector_load %arg22[%parallel_loop3A_862] {strides = array<i32>} : memref<1024xf32, #tpu.memory_space<vmem>>, vector<16xf32>,
      %parallel_loop3A_864 = arith.subf %parallel_loop3A_863, %broadcast_in_dim3A_632 : vector<16xf32>
      %parallel_loop3A_865 = arith.mulf %parallel_loop3A_864, %parallel_loop3A_864 : vector<16xf32>
      %parallel_loop3A_866 = arith.mulf %parallel_loop3A_865, %broadcast_in_dim3A_635 : vector<16xf32>
      %parallel_loop3A_867 = math.exp %parallel_loop3A_866 : vector<16xf32>
      %parallel_loop3A_868 = arith.constant 8 : i32
      %parallel_loop3A_869 = arith.divsi %parallel_loop3A_859, %parallel_loop3A_868 : i32
      %parallel_loop3A_870 = arith.constant 0 : i32
      %parallel_loop3A_871 = arith.cmpi sgt, %parallel_loop3A_859, %parallel_loop3A_870 : i32
      %parallel_loop3A_872 = arith.extui %parallel_loop3A_871 : i1 to i32
      %parallel_loop3A_873 = arith.constant 0 : i32
      %parallel_loop3A_874 = arith.cmpi slt, %parallel_loop3A_859, %parallel_loop3A_873 : i32
      %parallel_loop3A_875 = arith.extui %parallel_loop3A_874 : i1 to i32
      %parallel_loop3A_876 = arith.subi %parallel_loop3A_872, %parallel_loop3A_875 : i32
      %parallel_loop3A_877 = arith.constant 0 : i32
      %parallel_loop3A_878 = arith.cmpi sgt, %parallel_loop3A_868, %parallel_loop3A_877 : i32
      %parallel_loop3A_879 = arith.extui %parallel_loop3A_878 : i1 to i32
      %parallel_loop3A_880 = arith.constant 0 : i32
      %parallel_loop3A_881 = arith.cmpi slt, %parallel_loop3A_868, %parallel_loop3A_880 : i32
      %parallel_loop3A_882 = arith.extui %parallel_loop3A_881 : i1 to i32
      %parallel_loop3A_883 = arith.subi %parallel_loop3A_879, %parallel_loop3A_882 : i32
      %parallel_loop3A_884 = arith.cmpi ne, %parallel_loop3A_876, %parallel_loop3A_883 : i32
      %parallel_loop3A_885 = arith.remsi %parallel_loop3A_859, %parallel_loop3A_868 : i32
      %parallel_loop3A_886 = arith.constant 0 : i32
      %parallel_loop3A_887 = arith.cmpi ne, %parallel_loop3A_885, %parallel_loop3A_886 : i32
      %parallel_loop3A_888 = arith.andi %parallel_loop3A_884, %parallel_loop3A_887 : i1
      %parallel_loop3A_889 = arith.constant 1 : i32
      %parallel_loop3A_890 = arith.subi %parallel_loop3A_869, %parallel_loop3A_889 : i32
      %parallel_loop3A_891 = arith.select %parallel_loop3A_888, %parallel_loop3A_890, %parallel_loop3A_869 : i32
      %parallel_loop3A_892 = arith.constant 8 : i32
      %parallel_loop3A_893 = arith.constant 0 : i32
      %parallel_loop3A_894 = arith.cmpi eq, %parallel_loop3A_892, %parallel_loop3A_893 : i32
      %parallel_loop3A_895 = arith.constant 1 : i32
      %parallel_loop3A_896 = arith.select %parallel_loop3A_894, %parallel_loop3A_895, %parallel_loop3A_892 : i32
      %parallel_loop3A_897 = arith.remsi %parallel_loop3A_859, %parallel_loop3A_896 : i32
      %parallel_loop3A_898 = arith.constant 0 : i32
      %parallel_loop3A_899 = arith.cmpi ne, %parallel_loop3A_897, %parallel_loop3A_898 : i32
      %parallel_loop3A_900 = arith.constant 0 : i32
      %parallel_loop3A_901 = arith.cmpi slt, %parallel_loop3A_897, %parallel_loop3A_900 : i32
      %parallel_loop3A_902 = arith.constant 0 : i32
      %parallel_loop3A_903 = arith.cmpi slt, %parallel_loop3A_896, %parallel_loop3A_902 : i32
      %parallel_loop3A_904 = arith.xori %parallel_loop3A_901, %parallel_loop3A_903 : i1
      %parallel_loop3A_905 = arith.andi %parallel_loop3A_904, %parallel_loop3A_899 : i1
      %parallel_loop3A_906 = arith.addi %parallel_loop3A_897, %parallel_loop3A_896 : i32
      %parallel_loop3A_907 = arith.select %parallel_loop3A_905, %parallel_loop3A_906, %parallel_loop3A_897 : i32
      %parallel_loop3A_908 = arith.constant 16 : i32
      %parallel_loop3A_909 = arith.muli %parallel_loop3A_907, %parallel_loop3A_908 : i32
      %parallel_loop3A_910 = arith.constant 0 : i32
      %parallel_loop3A_911 = arith.constant 3 : i32
      %parallel_loop3A_912 = arith.index_cast %parallel_loop3A_910 : i32 to index
      %parallel_loop3A_913 = arith.index_cast %parallel_loop3A_891 : i32 to index
      %parallel_loop3A_914 = arith.index_cast %parallel_loop3A_911 : i32 to index
      %parallel_loop3A_915 = arith.index_cast %parallel_loop3A_909 : i32 to index
      %parallel_loop3A_916 = tpu.vector_load %arg23[%parallel_loop3A_912, %parallel_loop3A_913, %parallel_loop3A_914, %parallel_loop3A_915] {strides = array<i32>} : memref<2x8x8x128xf32, #tpu.memory_space<vmem>>, vector<16xf32>,
      tpu.vector_store %arg23[%parallel_loop3A_912, %parallel_loop3A_913, %parallel_loop3A_914, %parallel_loop3A_915], %parallel_loop3A_867 {strides = array<i32>} : memref<2x8x8x128xf32, #tpu.memory_space<vmem>>, vector<16xf32>,
    } {sc.loop_unroll_factor = 8 : i64, sc.parallel_access}
    %slice3A_639 = vector.extract_strided_slice %get3A_566 {offsets = [4], sizes = [1], strides = [1]} : vector<16xf32> to vector<1xf32>
    %squeeze3A_640 = vector.extract %slice3A_639[0] : f32 from vector<1xf32>
    %broadcast_in_dim3A_641 = vector.broadcast %squeeze3A_640 : f32 to vector<16xf32>
    %slice3A_642 = vector.extract_strided_slice %div3A_572 {offsets = [4], sizes = [1], strides = [1]} : vector<16xf32> to vector<1xf32>
    %squeeze3A_643 = vector.extract %slice3A_642[0] : f32 from vector<1xf32>
    %broadcast_in_dim3A_644 = vector.broadcast %squeeze3A_643 : f32 to vector<16xf32>
    %parallel_loop3A_645 = arith.constant 0 : i32
    %parallel_loop3A_646 = arith.constant 64 : i32
    %parallel_loop3A_647 = arith.constant 1 : i32
    scf.for %parallel_loop3A_859 = %parallel_loop3A_645 to %parallel_loop3A_646 step %parallel_loop3A_647  : i32 {
      %parallel_loop3A_860 = arith.constant 16 : i32
      %parallel_loop3A_861 = arith.muli %parallel_loop3A_859, %parallel_loop3A_860 : i32
      %parallel_loop3A_862 = arith.index_cast %parallel_loop3A_861 : i32 to index
      %parallel_loop3A_863 = tpu.vector_load %arg22[%parallel_loop3A_862] {strides = array<i32>} : memref<1024xf32, #tpu.memory_space<vmem>>, vector<16xf32>,
      %parallel_loop3A_864 = arith.subf %parallel_loop3A_863, %broadcast_in_dim3A_641 : vector<16xf32>
      %parallel_loop3A_865 = arith.mulf %parallel_loop3A_864, %parallel_loop3A_864 : vector<16xf32>
      %parallel_loop3A_866 = arith.mulf %parallel_loop3A_865, %broadcast_in_dim3A_644 : vector<16xf32>
      %parallel_loop3A_867 = math.exp %parallel_loop3A_866 : vector<16xf32>
      %parallel_loop3A_868 = arith.constant 8 : i32
      %parallel_loop3A_869 = arith.divsi %parallel_loop3A_859, %parallel_loop3A_868 : i32
      %parallel_loop3A_870 = arith.constant 0 : i32
      %parallel_loop3A_871 = arith.cmpi sgt, %parallel_loop3A_859, %parallel_loop3A_870 : i32
      %parallel_loop3A_872 = arith.extui %parallel_loop3A_871 : i1 to i32
      %parallel_loop3A_873 = arith.constant 0 : i32
      %parallel_loop3A_874 = arith.cmpi slt, %parallel_loop3A_859, %parallel_loop3A_873 : i32
      %parallel_loop3A_875 = arith.extui %parallel_loop3A_874 : i1 to i32
      %parallel_loop3A_876 = arith.subi %parallel_loop3A_872, %parallel_loop3A_875 : i32
      %parallel_loop3A_877 = arith.constant 0 : i32
      %parallel_loop3A_878 = arith.cmpi sgt, %parallel_loop3A_868, %parallel_loop3A_877 : i32
      %parallel_loop3A_879 = arith.extui %parallel_loop3A_878 : i1 to i32
      %parallel_loop3A_880 = arith.constant 0 : i32
      %parallel_loop3A_881 = arith.cmpi slt, %parallel_loop3A_868, %parallel_loop3A_880 : i32
      %parallel_loop3A_882 = arith.extui %parallel_loop3A_881 : i1 to i32
      %parallel_loop3A_883 = arith.subi %parallel_loop3A_879, %parallel_loop3A_882 : i32
      %parallel_loop3A_884 = arith.cmpi ne, %parallel_loop3A_876, %parallel_loop3A_883 : i32
      %parallel_loop3A_885 = arith.remsi %parallel_loop3A_859, %parallel_loop3A_868 : i32
      %parallel_loop3A_886 = arith.constant 0 : i32
      %parallel_loop3A_887 = arith.cmpi ne, %parallel_loop3A_885, %parallel_loop3A_886 : i32
      %parallel_loop3A_888 = arith.andi %parallel_loop3A_884, %parallel_loop3A_887 : i1
      %parallel_loop3A_889 = arith.constant 1 : i32
      %parallel_loop3A_890 = arith.subi %parallel_loop3A_869, %parallel_loop3A_889 : i32
      %parallel_loop3A_891 = arith.select %parallel_loop3A_888, %parallel_loop3A_890, %parallel_loop3A_869 : i32
      %parallel_loop3A_892 = arith.constant 8 : i32
      %parallel_loop3A_893 = arith.constant 0 : i32
      %parallel_loop3A_894 = arith.cmpi eq, %parallel_loop3A_892, %parallel_loop3A_893 : i32
      %parallel_loop3A_895 = arith.constant 1 : i32
      %parallel_loop3A_896 = arith.select %parallel_loop3A_894, %parallel_loop3A_895, %parallel_loop3A_892 : i32
      %parallel_loop3A_897 = arith.remsi %parallel_loop3A_859, %parallel_loop3A_896 : i32
      %parallel_loop3A_898 = arith.constant 0 : i32
      %parallel_loop3A_899 = arith.cmpi ne, %parallel_loop3A_897, %parallel_loop3A_898 : i32
      %parallel_loop3A_900 = arith.constant 0 : i32
      %parallel_loop3A_901 = arith.cmpi slt, %parallel_loop3A_897, %parallel_loop3A_900 : i32
      %parallel_loop3A_902 = arith.constant 0 : i32
      %parallel_loop3A_903 = arith.cmpi slt, %parallel_loop3A_896, %parallel_loop3A_902 : i32
      %parallel_loop3A_904 = arith.xori %parallel_loop3A_901, %parallel_loop3A_903 : i1
      %parallel_loop3A_905 = arith.andi %parallel_loop3A_904, %parallel_loop3A_899 : i1
      %parallel_loop3A_906 = arith.addi %parallel_loop3A_897, %parallel_loop3A_896 : i32
      %parallel_loop3A_907 = arith.select %parallel_loop3A_905, %parallel_loop3A_906, %parallel_loop3A_897 : i32
      %parallel_loop3A_908 = arith.constant 16 : i32
      %parallel_loop3A_909 = arith.muli %parallel_loop3A_907, %parallel_loop3A_908 : i32
      %parallel_loop3A_910 = arith.constant 0 : i32
      %parallel_loop3A_911 = arith.constant 4 : i32
      %parallel_loop3A_912 = arith.index_cast %parallel_loop3A_910 : i32 to index
      %parallel_loop3A_913 = arith.index_cast %parallel_loop3A_891 : i32 to index
      %parallel_loop3A_914 = arith.index_cast %parallel_loop3A_911 : i32 to index
      %parallel_loop3A_915 = arith.index_cast %parallel_loop3A_909 : i32 to index
      %parallel_loop3A_916 = tpu.vector_load %arg23[%parallel_loop3A_912, %parallel_loop3A_913, %parallel_loop3A_914, %parallel_loop3A_915] {strides = array<i32>} : memref<2x8x8x128xf32, #tpu.memory_space<vmem>>, vector<16xf32>,
      tpu.vector_store %arg23[%parallel_loop3A_912, %parallel_loop3A_913, %parallel_loop3A_914, %parallel_loop3A_915], %parallel_loop3A_867 {strides = array<i32>} : memref<2x8x8x128xf32, #tpu.memory_space<vmem>>, vector<16xf32>,
    } {sc.loop_unroll_factor = 8 : i64, sc.parallel_access}
    %slice3A_648 = vector.extract_strided_slice %get3A_566 {offsets = [5], sizes = [1], strides = [1]} : vector<16xf32> to vector<1xf32>
    %squeeze3A_649 = vector.extract %slice3A_648[0] : f32 from vector<1xf32>
    %broadcast_in_dim3A_650 = vector.broadcast %squeeze3A_649 : f32 to vector<16xf32>
    %slice3A_651 = vector.extract_strided_slice %div3A_572 {offsets = [5], sizes = [1], strides = [1]} : vector<16xf32> to vector<1xf32>
    %squeeze3A_652 = vector.extract %slice3A_651[0] : f32 from vector<1xf32>
    %broadcast_in_dim3A_653 = vector.broadcast %squeeze3A_652 : f32 to vector<16xf32>
    %parallel_loop3A_654 = arith.constant 0 : i32
    %parallel_loop3A_655 = arith.constant 64 : i32
    %parallel_loop3A_656 = arith.constant 1 : i32
    scf.for %parallel_loop3A_859 = %parallel_loop3A_654 to %parallel_loop3A_655 step %parallel_loop3A_656  : i32 {
      %parallel_loop3A_860 = arith.constant 16 : i32
      %parallel_loop3A_861 = arith.muli %parallel_loop3A_859, %parallel_loop3A_860 : i32
      %parallel_loop3A_862 = arith.index_cast %parallel_loop3A_861 : i32 to index
      %parallel_loop3A_863 = tpu.vector_load %arg22[%parallel_loop3A_862] {strides = array<i32>} : memref<1024xf32, #tpu.memory_space<vmem>>, vector<16xf32>,
      %parallel_loop3A_864 = arith.subf %parallel_loop3A_863, %broadcast_in_dim3A_650 : vector<16xf32>
      %parallel_loop3A_865 = arith.mulf %parallel_loop3A_864, %parallel_loop3A_864 : vector<16xf32>
      %parallel_loop3A_866 = arith.mulf %parallel_loop3A_865, %broadcast_in_dim3A_653 : vector<16xf32>
      %parallel_loop3A_867 = math.exp %parallel_loop3A_866 : vector<16xf32>
      %parallel_loop3A_868 = arith.constant 8 : i32
      %parallel_loop3A_869 = arith.divsi %parallel_loop3A_859, %parallel_loop3A_868 : i32
      %parallel_loop3A_870 = arith.constant 0 : i32
      %parallel_loop3A_871 = arith.cmpi sgt, %parallel_loop3A_859, %parallel_loop3A_870 : i32
      %parallel_loop3A_872 = arith.extui %parallel_loop3A_871 : i1 to i32
      %parallel_loop3A_873 = arith.constant 0 : i32
      %parallel_loop3A_874 = arith.cmpi slt, %parallel_loop3A_859, %parallel_loop3A_873 : i32
      %parallel_loop3A_875 = arith.extui %parallel_loop3A_874 : i1 to i32
      %parallel_loop3A_876 = arith.subi %parallel_loop3A_872, %parallel_loop3A_875 : i32
      %parallel_loop3A_877 = arith.constant 0 : i32
      %parallel_loop3A_878 = arith.cmpi sgt, %parallel_loop3A_868, %parallel_loop3A_877 : i32
      %parallel_loop3A_879 = arith.extui %parallel_loop3A_878 : i1 to i32
      %parallel_loop3A_880 = arith.constant 0 : i32
      %parallel_loop3A_881 = arith.cmpi slt, %parallel_loop3A_868, %parallel_loop3A_880 : i32
      %parallel_loop3A_882 = arith.extui %parallel_loop3A_881 : i1 to i32
      %parallel_loop3A_883 = arith.subi %parallel_loop3A_879, %parallel_loop3A_882 : i32
      %parallel_loop3A_884 = arith.cmpi ne, %parallel_loop3A_876, %parallel_loop3A_883 : i32
      %parallel_loop3A_885 = arith.remsi %parallel_loop3A_859, %parallel_loop3A_868 : i32
      %parallel_loop3A_886 = arith.constant 0 : i32
      %parallel_loop3A_887 = arith.cmpi ne, %parallel_loop3A_885, %parallel_loop3A_886 : i32
      %parallel_loop3A_888 = arith.andi %parallel_loop3A_884, %parallel_loop3A_887 : i1
      %parallel_loop3A_889 = arith.constant 1 : i32
      %parallel_loop3A_890 = arith.subi %parallel_loop3A_869, %parallel_loop3A_889 : i32
      %parallel_loop3A_891 = arith.select %parallel_loop3A_888, %parallel_loop3A_890, %parallel_loop3A_869 : i32
      %parallel_loop3A_892 = arith.constant 8 : i32
      %parallel_loop3A_893 = arith.constant 0 : i32
      %parallel_loop3A_894 = arith.cmpi eq, %parallel_loop3A_892, %parallel_loop3A_893 : i32
      %parallel_loop3A_895 = arith.constant 1 : i32
      %parallel_loop3A_896 = arith.select %parallel_loop3A_894, %parallel_loop3A_895, %parallel_loop3A_892 : i32
      %parallel_loop3A_897 = arith.remsi %parallel_loop3A_859, %parallel_loop3A_896 : i32
      %parallel_loop3A_898 = arith.constant 0 : i32
      %parallel_loop3A_899 = arith.cmpi ne, %parallel_loop3A_897, %parallel_loop3A_898 : i32
      %parallel_loop3A_900 = arith.constant 0 : i32
      %parallel_loop3A_901 = arith.cmpi slt, %parallel_loop3A_897, %parallel_loop3A_900 : i32
      %parallel_loop3A_902 = arith.constant 0 : i32
      %parallel_loop3A_903 = arith.cmpi slt, %parallel_loop3A_896, %parallel_loop3A_902 : i32
      %parallel_loop3A_904 = arith.xori %parallel_loop3A_901, %parallel_loop3A_903 : i1
      %parallel_loop3A_905 = arith.andi %parallel_loop3A_904, %parallel_loop3A_899 : i1
      %parallel_loop3A_906 = arith.addi %parallel_loop3A_897, %parallel_loop3A_896 : i32
      %parallel_loop3A_907 = arith.select %parallel_loop3A_905, %parallel_loop3A_906, %parallel_loop3A_897 : i32
      %parallel_loop3A_908 = arith.constant 16 : i32
      %parallel_loop3A_909 = arith.muli %parallel_loop3A_907, %parallel_loop3A_908 : i32
      %parallel_loop3A_910 = arith.constant 0 : i32
      %parallel_loop3A_911 = arith.constant 5 : i32
      %parallel_loop3A_912 = arith.index_cast %parallel_loop3A_910 : i32 to index
      %parallel_loop3A_913 = arith.index_cast %parallel_loop3A_891 : i32 to index
      %parallel_loop3A_914 = arith.index_cast %parallel_loop3A_911 : i32 to index
      %parallel_loop3A_915 = arith.index_cast %parallel_loop3A_909 : i32 to index
      %parallel_loop3A_916 = tpu.vector_load %arg23[%parallel_loop3A_912, %parallel_loop3A_913, %parallel_loop3A_914, %parallel_loop3A_915] {strides = array<i32>} : memref<2x8x8x128xf32, #tpu.memory_space<vmem>>, vector<16xf32>,
      tpu.vector_store %arg23[%parallel_loop3A_912, %parallel_loop3A_913, %parallel_loop3A_914, %parallel_loop3A_915], %parallel_loop3A_867 {strides = array<i32>} : memref<2x8x8x128xf32, #tpu.memory_space<vmem>>, vector<16xf32>,
    } {sc.loop_unroll_factor = 8 : i64, sc.parallel_access}
    %slice3A_657 = vector.extract_strided_slice %get3A_566 {offsets = [6], sizes = [1], strides = [1]} : vector<16xf32> to vector<1xf32>
    %squeeze3A_658 = vector.extract %slice3A_657[0] : f32 from vector<1xf32>
    %broadcast_in_dim3A_659 = vector.broadcast %squeeze3A_658 : f32 to vector<16xf32>
    %slice3A_660 = vector.extract_strided_slice %div3A_572 {offsets = [6], sizes = [1], strides = [1]} : vector<16xf32> to vector<1xf32>
    %squeeze3A_661 = vector.extract %slice3A_660[0] : f32 from vector<1xf32>
    %broadcast_in_dim3A_662 = vector.broadcast %squeeze3A_661 : f32 to vector<16xf32>
    %parallel_loop3A_663 = arith.constant 0 : i32
    %parallel_loop3A_664 = arith.constant 64 : i32
    %parallel_loop3A_665 = arith.constant 1 : i32
    scf.for %parallel_loop3A_859 = %parallel_loop3A_663 to %parallel_loop3A_664 step %parallel_loop3A_665  : i32 {
      %parallel_loop3A_860 = arith.constant 16 : i32
      %parallel_loop3A_861 = arith.muli %parallel_loop3A_859, %parallel_loop3A_860 : i32
      %parallel_loop3A_862 = arith.index_cast %parallel_loop3A_861 : i32 to index
      %parallel_loop3A_863 = tpu.vector_load %arg22[%parallel_loop3A_862] {strides = array<i32>} : memref<1024xf32, #tpu.memory_space<vmem>>, vector<16xf32>,
      %parallel_loop3A_864 = arith.subf %parallel_loop3A_863, %broadcast_in_dim3A_659 : vector<16xf32>
      %parallel_loop3A_865 = arith.mulf %parallel_loop3A_864, %parallel_loop3A_864 : vector<16xf32>
      %parallel_loop3A_866 = arith.mulf %parallel_loop3A_865, %broadcast_in_dim3A_662 : vector<16xf32>
      %parallel_loop3A_867 = math.exp %parallel_loop3A_866 : vector<16xf32>
      %parallel_loop3A_868 = arith.constant 8 : i32
      %parallel_loop3A_869 = arith.divsi %parallel_loop3A_859, %parallel_loop3A_868 : i32
      %parallel_loop3A_870 = arith.constant 0 : i32
      %parallel_loop3A_871 = arith.cmpi sgt, %parallel_loop3A_859, %parallel_loop3A_870 : i32
      %parallel_loop3A_872 = arith.extui %parallel_loop3A_871 : i1 to i32
      %parallel_loop3A_873 = arith.constant 0 : i32
      %parallel_loop3A_874 = arith.cmpi slt, %parallel_loop3A_859, %parallel_loop3A_873 : i32
      %parallel_loop3A_875 = arith.extui %parallel_loop3A_874 : i1 to i32
      %parallel_loop3A_876 = arith.subi %parallel_loop3A_872, %parallel_loop3A_875 : i32
      %parallel_loop3A_877 = arith.constant 0 : i32
      %parallel_loop3A_878 = arith.cmpi sgt, %parallel_loop3A_868, %parallel_loop3A_877 : i32
      %parallel_loop3A_879 = arith.extui %parallel_loop3A_878 : i1 to i32
      %parallel_loop3A_880 = arith.constant 0 : i32
      %parallel_loop3A_881 = arith.cmpi slt, %parallel_loop3A_868, %parallel_loop3A_880 : i32
      %parallel_loop3A_882 = arith.extui %parallel_loop3A_881 : i1 to i32
      %parallel_loop3A_883 = arith.subi %parallel_loop3A_879, %parallel_loop3A_882 : i32
      %parallel_loop3A_884 = arith.cmpi ne, %parallel_loop3A_876, %parallel_loop3A_883 : i32
      %parallel_loop3A_885 = arith.remsi %parallel_loop3A_859, %parallel_loop3A_868 : i32
      %parallel_loop3A_886 = arith.constant 0 : i32
      %parallel_loop3A_887 = arith.cmpi ne, %parallel_loop3A_885, %parallel_loop3A_886 : i32
      %parallel_loop3A_888 = arith.andi %parallel_loop3A_884, %parallel_loop3A_887 : i1
      %parallel_loop3A_889 = arith.constant 1 : i32
      %parallel_loop3A_890 = arith.subi %parallel_loop3A_869, %parallel_loop3A_889 : i32
      %parallel_loop3A_891 = arith.select %parallel_loop3A_888, %parallel_loop3A_890, %parallel_loop3A_869 : i32
      %parallel_loop3A_892 = arith.constant 8 : i32
      %parallel_loop3A_893 = arith.constant 0 : i32
      %parallel_loop3A_894 = arith.cmpi eq, %parallel_loop3A_892, %parallel_loop3A_893 : i32
      %parallel_loop3A_895 = arith.constant 1 : i32
      %parallel_loop3A_896 = arith.select %parallel_loop3A_894, %parallel_loop3A_895, %parallel_loop3A_892 : i32
      %parallel_loop3A_897 = arith.remsi %parallel_loop3A_859, %parallel_loop3A_896 : i32
      %parallel_loop3A_898 = arith.constant 0 : i32
      %parallel_loop3A_899 = arith.cmpi ne, %parallel_loop3A_897, %parallel_loop3A_898 : i32
      %parallel_loop3A_900 = arith.constant 0 : i32
      %parallel_loop3A_901 = arith.cmpi slt, %parallel_loop3A_897, %parallel_loop3A_900 : i32
      %parallel_loop3A_902 = arith.constant 0 : i32
      %parallel_loop3A_903 = arith.cmpi slt, %parallel_loop3A_896, %parallel_loop3A_902 : i32
      %parallel_loop3A_904 = arith.xori %parallel_loop3A_901, %parallel_loop3A_903 : i1
      %parallel_loop3A_905 = arith.andi %parallel_loop3A_904, %parallel_loop3A_899 : i1
      %parallel_loop3A_906 = arith.addi %parallel_loop3A_897, %parallel_loop3A_896 : i32
      %parallel_loop3A_907 = arith.select %parallel_loop3A_905, %parallel_loop3A_906, %parallel_loop3A_897 : i32
      %parallel_loop3A_908 = arith.constant 16 : i32
      %parallel_loop3A_909 = arith.muli %parallel_loop3A_907, %parallel_loop3A_908 : i32
      %parallel_loop3A_910 = arith.constant 0 : i32
      %parallel_loop3A_911 = arith.constant 6 : i32
      %parallel_loop3A_912 = arith.index_cast %parallel_loop3A_910 : i32 to index
      %parallel_loop3A_913 = arith.index_cast %parallel_loop3A_891 : i32 to index
      %parallel_loop3A_914 = arith.index_cast %parallel_loop3A_911 : i32 to index
      %parallel_loop3A_915 = arith.index_cast %parallel_loop3A_909 : i32 to index
      %parallel_loop3A_916 = tpu.vector_load %arg23[%parallel_loop3A_912, %parallel_loop3A_913, %parallel_loop3A_914, %parallel_loop3A_915] {strides = array<i32>} : memref<2x8x8x128xf32, #tpu.memory_space<vmem>>, vector<16xf32>,
      tpu.vector_store %arg23[%parallel_loop3A_912, %parallel_loop3A_913, %parallel_loop3A_914, %parallel_loop3A_915], %parallel_loop3A_867 {strides = array<i32>} : memref<2x8x8x128xf32, #tpu.memory_space<vmem>>, vector<16xf32>,
    } {sc.loop_unroll_factor = 8 : i64, sc.parallel_access}
    %slice3A_666 = vector.extract_strided_slice %get3A_566 {offsets = [7], sizes = [1], strides = [1]} : vector<16xf32> to vector<1xf32>
    %squeeze3A_667 = vector.extract %slice3A_666[0] : f32 from vector<1xf32>
    %broadcast_in_dim3A_668 = vector.broadcast %squeeze3A_667 : f32 to vector<16xf32>
    %slice3A_669 = vector.extract_strided_slice %div3A_572 {offsets = [7], sizes = [1], strides = [1]} : vector<16xf32> to vector<1xf32>
    %squeeze3A_670 = vector.extract %slice3A_669[0] : f32 from vector<1xf32>
    %broadcast_in_dim3A_671 = vector.broadcast %squeeze3A_670 : f32 to vector<16xf32>
    %parallel_loop3A_672 = arith.constant 0 : i32
    %parallel_loop3A_673 = arith.constant 64 : i32
    %parallel_loop3A_674 = arith.constant 1 : i32
    scf.for %parallel_loop3A_859 = %parallel_loop3A_672 to %parallel_loop3A_673 step %parallel_loop3A_674  : i32 {
      %parallel_loop3A_860 = arith.constant 16 : i32
      %parallel_loop3A_861 = arith.muli %parallel_loop3A_859, %parallel_loop3A_860 : i32
      %parallel_loop3A_862 = arith.index_cast %parallel_loop3A_861 : i32 to index
      %parallel_loop3A_863 = tpu.vector_load %arg22[%parallel_loop3A_862] {strides = array<i32>} : memref<1024xf32, #tpu.memory_space<vmem>>, vector<16xf32>,
      %parallel_loop3A_864 = arith.subf %parallel_loop3A_863, %broadcast_in_dim3A_668 : vector<16xf32>
      %parallel_loop3A_865 = arith.mulf %parallel_loop3A_864, %parallel_loop3A_864 : vector<16xf32>
      %parallel_loop3A_866 = arith.mulf %parallel_loop3A_865, %broadcast_in_dim3A_671 : vector<16xf32>
      %parallel_loop3A_867 = math.exp %parallel_loop3A_866 : vector<16xf32>
      %parallel_loop3A_868 = arith.constant 8 : i32
      %parallel_loop3A_869 = arith.divsi %parallel_loop3A_859, %parallel_loop3A_868 : i32
      %parallel_loop3A_870 = arith.constant 0 : i32
      %parallel_loop3A_871 = arith.cmpi sgt, %parallel_loop3A_859, %parallel_loop3A_870 : i32
      %parallel_loop3A_872 = arith.extui %parallel_loop3A_871 : i1 to i32
      %parallel_loop3A_873 = arith.constant 0 : i32
      %parallel_loop3A_874 = arith.cmpi slt, %parallel_loop3A_859, %parallel_loop3A_873 : i32
      %parallel_loop3A_875 = arith.extui %parallel_loop3A_874 : i1 to i32
      %parallel_loop3A_876 = arith.subi %parallel_loop3A_872, %parallel_loop3A_875 : i32
      %parallel_loop3A_877 = arith.constant 0 : i32
      %parallel_loop3A_878 = arith.cmpi sgt, %parallel_loop3A_868, %parallel_loop3A_877 : i32
      %parallel_loop3A_879 = arith.extui %parallel_loop3A_878 : i1 to i32
      %parallel_loop3A_880 = arith.constant 0 : i32
      %parallel_loop3A_881 = arith.cmpi slt, %parallel_loop3A_868, %parallel_loop3A_880 : i32
      %parallel_loop3A_882 = arith.extui %parallel_loop3A_881 : i1 to i32
      %parallel_loop3A_883 = arith.subi %parallel_loop3A_879, %parallel_loop3A_882 : i32
      %parallel_loop3A_884 = arith.cmpi ne, %parallel_loop3A_876, %parallel_loop3A_883 : i32
      %parallel_loop3A_885 = arith.remsi %parallel_loop3A_859, %parallel_loop3A_868 : i32
      %parallel_loop3A_886 = arith.constant 0 : i32
      %parallel_loop3A_887 = arith.cmpi ne, %parallel_loop3A_885, %parallel_loop3A_886 : i32
      %parallel_loop3A_888 = arith.andi %parallel_loop3A_884, %parallel_loop3A_887 : i1
      %parallel_loop3A_889 = arith.constant 1 : i32
      %parallel_loop3A_890 = arith.subi %parallel_loop3A_869, %parallel_loop3A_889 : i32
      %parallel_loop3A_891 = arith.select %parallel_loop3A_888, %parallel_loop3A_890, %parallel_loop3A_869 : i32
      %parallel_loop3A_892 = arith.constant 8 : i32
      %parallel_loop3A_893 = arith.constant 0 : i32
      %parallel_loop3A_894 = arith.cmpi eq, %parallel_loop3A_892, %parallel_loop3A_893 : i32
      %parallel_loop3A_895 = arith.constant 1 : i32
      %parallel_loop3A_896 = arith.select %parallel_loop3A_894, %parallel_loop3A_895, %parallel_loop3A_892 : i32
      %parallel_loop3A_897 = arith.remsi %parallel_loop3A_859, %parallel_loop3A_896 : i32
      %parallel_loop3A_898 = arith.constant 0 : i32
      %parallel_loop3A_899 = arith.cmpi ne, %parallel_loop3A_897, %parallel_loop3A_898 : i32
      %parallel_loop3A_900 = arith.constant 0 : i32
      %parallel_loop3A_901 = arith.cmpi slt, %parallel_loop3A_897, %parallel_loop3A_900 : i32
      %parallel_loop3A_902 = arith.constant 0 : i32
      %parallel_loop3A_903 = arith.cmpi slt, %parallel_loop3A_896, %parallel_loop3A_902 : i32
      %parallel_loop3A_904 = arith.xori %parallel_loop3A_901, %parallel_loop3A_903 : i1
      %parallel_loop3A_905 = arith.andi %parallel_loop3A_904, %parallel_loop3A_899 : i1
      %parallel_loop3A_906 = arith.addi %parallel_loop3A_897, %parallel_loop3A_896 : i32
      %parallel_loop3A_907 = arith.select %parallel_loop3A_905, %parallel_loop3A_906, %parallel_loop3A_897 : i32
      %parallel_loop3A_908 = arith.constant 16 : i32
      %parallel_loop3A_909 = arith.muli %parallel_loop3A_907, %parallel_loop3A_908 : i32
      %parallel_loop3A_910 = arith.constant 0 : i32
      %parallel_loop3A_911 = arith.constant 7 : i32
      %parallel_loop3A_912 = arith.index_cast %parallel_loop3A_910 : i32 to index
      %parallel_loop3A_913 = arith.index_cast %parallel_loop3A_891 : i32 to index
      %parallel_loop3A_914 = arith.index_cast %parallel_loop3A_911 : i32 to index
      %parallel_loop3A_915 = arith.index_cast %parallel_loop3A_909 : i32 to index
      %parallel_loop3A_916 = tpu.vector_load %arg23[%parallel_loop3A_912, %parallel_loop3A_913, %parallel_loop3A_914, %parallel_loop3A_915] {strides = array<i32>} : memref<2x8x8x128xf32, #tpu.memory_space<vmem>>, vector<16xf32>,
      tpu.vector_store %arg23[%parallel_loop3A_912, %parallel_loop3A_913, %parallel_loop3A_914, %parallel_loop3A_915], %parallel_loop3A_867 {strides = array<i32>} : memref<2x8x8x128xf32, #tpu.memory_space<vmem>>, vector<16xf32>,
    } {sc.loop_unroll_factor = 8 : i64, sc.parallel_access}
    %slice3A_675 = vector.extract_strided_slice %get3A_566 {offsets = [8], sizes = [1], strides = [1]} : vector<16xf32> to vector<1xf32>
    %squeeze3A_676 = vector.extract %slice3A_675[0] : f32 from vector<1xf32>
    %broadcast_in_dim3A_677 = vector.broadcast %squeeze3A_676 : f32 to vector<16xf32>
    %slice3A_678 = vector.extract_strided_slice %div3A_572 {offsets = [8], sizes = [1], strides = [1]} : vector<16xf32> to vector<1xf32>
    %squeeze3A_679 = vector.extract %slice3A_678[0] : f32 from vector<1xf32>
    %broadcast_in_dim3A_680 = vector.broadcast %squeeze3A_679 : f32 to vector<16xf32>
    %parallel_loop3A_681 = arith.constant 0 : i32
    %parallel_loop3A_682 = arith.constant 64 : i32
    %parallel_loop3A_683 = arith.constant 1 : i32
    scf.for %parallel_loop3A_859 = %parallel_loop3A_681 to %parallel_loop3A_682 step %parallel_loop3A_683  : i32 {
      %parallel_loop3A_860 = arith.constant 16 : i32
      %parallel_loop3A_861 = arith.muli %parallel_loop3A_859, %parallel_loop3A_860 : i32
      %parallel_loop3A_862 = arith.index_cast %parallel_loop3A_861 : i32 to index
      %parallel_loop3A_863 = tpu.vector_load %arg22[%parallel_loop3A_862] {strides = array<i32>} : memref<1024xf32, #tpu.memory_space<vmem>>, vector<16xf32>,
      %parallel_loop3A_864 = arith.subf %parallel_loop3A_863, %broadcast_in_dim3A_677 : vector<16xf32>
      %parallel_loop3A_865 = arith.mulf %parallel_loop3A_864, %parallel_loop3A_864 : vector<16xf32>
      %parallel_loop3A_866 = arith.mulf %parallel_loop3A_865, %broadcast_in_dim3A_680 : vector<16xf32>
      %parallel_loop3A_867 = math.exp %parallel_loop3A_866 : vector<16xf32>
      %parallel_loop3A_868 = arith.constant 8 : i32
      %parallel_loop3A_869 = arith.divsi %parallel_loop3A_859, %parallel_loop3A_868 : i32
      %parallel_loop3A_870 = arith.constant 0 : i32
      %parallel_loop3A_871 = arith.cmpi sgt, %parallel_loop3A_859, %parallel_loop3A_870 : i32
      %parallel_loop3A_872 = arith.extui %parallel_loop3A_871 : i1 to i32
      %parallel_loop3A_873 = arith.constant 0 : i32
      %parallel_loop3A_874 = arith.cmpi slt, %parallel_loop3A_859, %parallel_loop3A_873 : i32
      %parallel_loop3A_875 = arith.extui %parallel_loop3A_874 : i1 to i32
      %parallel_loop3A_876 = arith.subi %parallel_loop3A_872, %parallel_loop3A_875 : i32
      %parallel_loop3A_877 = arith.constant 0 : i32
      %parallel_loop3A_878 = arith.cmpi sgt, %parallel_loop3A_868, %parallel_loop3A_877 : i32
      %parallel_loop3A_879 = arith.extui %parallel_loop3A_878 : i1 to i32
      %parallel_loop3A_880 = arith.constant 0 : i32
      %parallel_loop3A_881 = arith.cmpi slt, %parallel_loop3A_868, %parallel_loop3A_880 : i32
      %parallel_loop3A_882 = arith.extui %parallel_loop3A_881 : i1 to i32
      %parallel_loop3A_883 = arith.subi %parallel_loop3A_879, %parallel_loop3A_882 : i32
      %parallel_loop3A_884 = arith.cmpi ne, %parallel_loop3A_876, %parallel_loop3A_883 : i32
      %parallel_loop3A_885 = arith.remsi %parallel_loop3A_859, %parallel_loop3A_868 : i32
      %parallel_loop3A_886 = arith.constant 0 : i32
      %parallel_loop3A_887 = arith.cmpi ne, %parallel_loop3A_885, %parallel_loop3A_886 : i32
      %parallel_loop3A_888 = arith.andi %parallel_loop3A_884, %parallel_loop3A_887 : i1
      %parallel_loop3A_889 = arith.constant 1 : i32
      %parallel_loop3A_890 = arith.subi %parallel_loop3A_869, %parallel_loop3A_889 : i32
      %parallel_loop3A_891 = arith.select %parallel_loop3A_888, %parallel_loop3A_890, %parallel_loop3A_869 : i32
      %parallel_loop3A_892 = arith.constant 8 : i32
      %parallel_loop3A_893 = arith.constant 0 : i32
      %parallel_loop3A_894 = arith.cmpi eq, %parallel_loop3A_892, %parallel_loop3A_893 : i32
      %parallel_loop3A_895 = arith.constant 1 : i32
      %parallel_loop3A_896 = arith.select %parallel_loop3A_894, %parallel_loop3A_895, %parallel_loop3A_892 : i32
      %parallel_loop3A_897 = arith.remsi %parallel_loop3A_859, %parallel_loop3A_896 : i32
      %parallel_loop3A_898 = arith.constant 0 : i32
      %parallel_loop3A_899 = arith.cmpi ne, %parallel_loop3A_897, %parallel_loop3A_898 : i32
      %parallel_loop3A_900 = arith.constant 0 : i32
      %parallel_loop3A_901 = arith.cmpi slt, %parallel_loop3A_897, %parallel_loop3A_900 : i32
      %parallel_loop3A_902 = arith.constant 0 : i32
      %parallel_loop3A_903 = arith.cmpi slt, %parallel_loop3A_896, %parallel_loop3A_902 : i32
      %parallel_loop3A_904 = arith.xori %parallel_loop3A_901, %parallel_loop3A_903 : i1
      %parallel_loop3A_905 = arith.andi %parallel_loop3A_904, %parallel_loop3A_899 : i1
      %parallel_loop3A_906 = arith.addi %parallel_loop3A_897, %parallel_loop3A_896 : i32
      %parallel_loop3A_907 = arith.select %parallel_loop3A_905, %parallel_loop3A_906, %parallel_loop3A_897 : i32
      %parallel_loop3A_908 = arith.constant 16 : i32
      %parallel_loop3A_909 = arith.muli %parallel_loop3A_907, %parallel_loop3A_908 : i32
      %parallel_loop3A_910 = arith.constant 1 : i32
      %parallel_loop3A_911 = arith.constant 0 : i32
      %parallel_loop3A_912 = arith.index_cast %parallel_loop3A_910 : i32 to index
      %parallel_loop3A_913 = arith.index_cast %parallel_loop3A_891 : i32 to index
      %parallel_loop3A_914 = arith.index_cast %parallel_loop3A_911 : i32 to index
      %parallel_loop3A_915 = arith.index_cast %parallel_loop3A_909 : i32 to index
      %parallel_loop3A_916 = tpu.vector_load %arg23[%parallel_loop3A_912, %parallel_loop3A_913, %parallel_loop3A_914, %parallel_loop3A_915] {strides = array<i32>} : memref<2x8x8x128xf32, #tpu.memory_space<vmem>>, vector<16xf32>,
      tpu.vector_store %arg23[%parallel_loop3A_912, %parallel_loop3A_913, %parallel_loop3A_914, %parallel_loop3A_915], %parallel_loop3A_867 {strides = array<i32>} : memref<2x8x8x128xf32, #tpu.memory_space<vmem>>, vector<16xf32>,
    } {sc.loop_unroll_factor = 8 : i64, sc.parallel_access}
    %slice3A_684 = vector.extract_strided_slice %get3A_566 {offsets = [9], sizes = [1], strides = [1]} : vector<16xf32> to vector<1xf32>
    %squeeze3A_685 = vector.extract %slice3A_684[0] : f32 from vector<1xf32>
    %broadcast_in_dim3A_686 = vector.broadcast %squeeze3A_685 : f32 to vector<16xf32>
    %slice3A_687 = vector.extract_strided_slice %div3A_572 {offsets = [9], sizes = [1], strides = [1]} : vector<16xf32> to vector<1xf32>
    %squeeze3A_688 = vector.extract %slice3A_687[0] : f32 from vector<1xf32>
    %broadcast_in_dim3A_689 = vector.broadcast %squeeze3A_688 : f32 to vector<16xf32>
    %parallel_loop3A_690 = arith.constant 0 : i32
    %parallel_loop3A_691 = arith.constant 64 : i32
    %parallel_loop3A_692 = arith.constant 1 : i32
    scf.for %parallel_loop3A_859 = %parallel_loop3A_690 to %parallel_loop3A_691 step %parallel_loop3A_692  : i32 {
      %parallel_loop3A_860 = arith.constant 16 : i32
      %parallel_loop3A_861 = arith.muli %parallel_loop3A_859, %parallel_loop3A_860 : i32
      %parallel_loop3A_862 = arith.index_cast %parallel_loop3A_861 : i32 to index
      %parallel_loop3A_863 = tpu.vector_load %arg22[%parallel_loop3A_862] {strides = array<i32>} : memref<1024xf32, #tpu.memory_space<vmem>>, vector<16xf32>,
      %parallel_loop3A_864 = arith.subf %parallel_loop3A_863, %broadcast_in_dim3A_686 : vector<16xf32>
      %parallel_loop3A_865 = arith.mulf %parallel_loop3A_864, %parallel_loop3A_864 : vector<16xf32>
      %parallel_loop3A_866 = arith.mulf %parallel_loop3A_865, %broadcast_in_dim3A_689 : vector<16xf32>
      %parallel_loop3A_867 = math.exp %parallel_loop3A_866 : vector<16xf32>
      %parallel_loop3A_868 = arith.constant 8 : i32
      %parallel_loop3A_869 = arith.divsi %parallel_loop3A_859, %parallel_loop3A_868 : i32
      %parallel_loop3A_870 = arith.constant 0 : i32
      %parallel_loop3A_871 = arith.cmpi sgt, %parallel_loop3A_859, %parallel_loop3A_870 : i32
      %parallel_loop3A_872 = arith.extui %parallel_loop3A_871 : i1 to i32
      %parallel_loop3A_873 = arith.constant 0 : i32
      %parallel_loop3A_874 = arith.cmpi slt, %parallel_loop3A_859, %parallel_loop3A_873 : i32
      %parallel_loop3A_875 = arith.extui %parallel_loop3A_874 : i1 to i32
      %parallel_loop3A_876 = arith.subi %parallel_loop3A_872, %parallel_loop3A_875 : i32
      %parallel_loop3A_877 = arith.constant 0 : i32
      %parallel_loop3A_878 = arith.cmpi sgt, %parallel_loop3A_868, %parallel_loop3A_877 : i32
      %parallel_loop3A_879 = arith.extui %parallel_loop3A_878 : i1 to i32
      %parallel_loop3A_880 = arith.constant 0 : i32
      %parallel_loop3A_881 = arith.cmpi slt, %parallel_loop3A_868, %parallel_loop3A_880 : i32
      %parallel_loop3A_882 = arith.extui %parallel_loop3A_881 : i1 to i32
      %parallel_loop3A_883 = arith.subi %parallel_loop3A_879, %parallel_loop3A_882 : i32
      %parallel_loop3A_884 = arith.cmpi ne, %parallel_loop3A_876, %parallel_loop3A_883 : i32
      %parallel_loop3A_885 = arith.remsi %parallel_loop3A_859, %parallel_loop3A_868 : i32
      %parallel_loop3A_886 = arith.constant 0 : i32
      %parallel_loop3A_887 = arith.cmpi ne, %parallel_loop3A_885, %parallel_loop3A_886 : i32
      %parallel_loop3A_888 = arith.andi %parallel_loop3A_884, %parallel_loop3A_887 : i1
      %parallel_loop3A_889 = arith.constant 1 : i32
      %parallel_loop3A_890 = arith.subi %parallel_loop3A_869, %parallel_loop3A_889 : i32
      %parallel_loop3A_891 = arith.select %parallel_loop3A_888, %parallel_loop3A_890, %parallel_loop3A_869 : i32
      %parallel_loop3A_892 = arith.constant 8 : i32
      %parallel_loop3A_893 = arith.constant 0 : i32
      %parallel_loop3A_894 = arith.cmpi eq, %parallel_loop3A_892, %parallel_loop3A_893 : i32
      %parallel_loop3A_895 = arith.constant 1 : i32
      %parallel_loop3A_896 = arith.select %parallel_loop3A_894, %parallel_loop3A_895, %parallel_loop3A_892 : i32
      %parallel_loop3A_897 = arith.remsi %parallel_loop3A_859, %parallel_loop3A_896 : i32
      %parallel_loop3A_898 = arith.constant 0 : i32
      %parallel_loop3A_899 = arith.cmpi ne, %parallel_loop3A_897, %parallel_loop3A_898 : i32
      %parallel_loop3A_900 = arith.constant 0 : i32
      %parallel_loop3A_901 = arith.cmpi slt, %parallel_loop3A_897, %parallel_loop3A_900 : i32
      %parallel_loop3A_902 = arith.constant 0 : i32
      %parallel_loop3A_903 = arith.cmpi slt, %parallel_loop3A_896, %parallel_loop3A_902 : i32
      %parallel_loop3A_904 = arith.xori %parallel_loop3A_901, %parallel_loop3A_903 : i1
      %parallel_loop3A_905 = arith.andi %parallel_loop3A_904, %parallel_loop3A_899 : i1
      %parallel_loop3A_906 = arith.addi %parallel_loop3A_897, %parallel_loop3A_896 : i32
      %parallel_loop3A_907 = arith.select %parallel_loop3A_905, %parallel_loop3A_906, %parallel_loop3A_897 : i32
      %parallel_loop3A_908 = arith.constant 16 : i32
      %parallel_loop3A_909 = arith.muli %parallel_loop3A_907, %parallel_loop3A_908 : i32
      %parallel_loop3A_910 = arith.constant 1 : i32
      %parallel_loop3A_911 = arith.constant 1 : i32
      %parallel_loop3A_912 = arith.index_cast %parallel_loop3A_910 : i32 to index
      %parallel_loop3A_913 = arith.index_cast %parallel_loop3A_891 : i32 to index
      %parallel_loop3A_914 = arith.index_cast %parallel_loop3A_911 : i32 to index
      %parallel_loop3A_915 = arith.index_cast %parallel_loop3A_909 : i32 to index
      %parallel_loop3A_916 = tpu.vector_load %arg23[%parallel_loop3A_912, %parallel_loop3A_913, %parallel_loop3A_914, %parallel_loop3A_915] {strides = array<i32>} : memref<2x8x8x128xf32, #tpu.memory_space<vmem>>, vector<16xf32>,
      tpu.vector_store %arg23[%parallel_loop3A_912, %parallel_loop3A_913, %parallel_loop3A_914, %parallel_loop3A_915], %parallel_loop3A_867 {strides = array<i32>} : memref<2x8x8x128xf32, #tpu.memory_space<vmem>>, vector<16xf32>,
    } {sc.loop_unroll_factor = 8 : i64, sc.parallel_access}
    %slice3A_693 = vector.extract_strided_slice %get3A_566 {offsets = [10], sizes = [1], strides = [1]} : vector<16xf32> to vector<1xf32>
    %squeeze3A_694 = vector.extract %slice3A_693[0] : f32 from vector<1xf32>
    %broadcast_in_dim3A_695 = vector.broadcast %squeeze3A_694 : f32 to vector<16xf32>
    %slice3A_696 = vector.extract_strided_slice %div3A_572 {offsets = [10], sizes = [1], strides = [1]} : vector<16xf32> to vector<1xf32>
    %squeeze3A_697 = vector.extract %slice3A_696[0] : f32 from vector<1xf32>
    %broadcast_in_dim3A_698 = vector.broadcast %squeeze3A_697 : f32 to vector<16xf32>
    %parallel_loop3A_699 = arith.constant 0 : i32
    %parallel_loop3A_700 = arith.constant 64 : i32
    %parallel_loop3A_701 = arith.constant 1 : i32
    scf.for %parallel_loop3A_859 = %parallel_loop3A_699 to %parallel_loop3A_700 step %parallel_loop3A_701  : i32 {
      %parallel_loop3A_860 = arith.constant 16 : i32
      %parallel_loop3A_861 = arith.muli %parallel_loop3A_859, %parallel_loop3A_860 : i32
      %parallel_loop3A_862 = arith.index_cast %parallel_loop3A_861 : i32 to index
      %parallel_loop3A_863 = tpu.vector_load %arg22[%parallel_loop3A_862] {strides = array<i32>} : memref<1024xf32, #tpu.memory_space<vmem>>, vector<16xf32>,
      %parallel_loop3A_864 = arith.subf %parallel_loop3A_863, %broadcast_in_dim3A_695 : vector<16xf32>
      %parallel_loop3A_865 = arith.mulf %parallel_loop3A_864, %parallel_loop3A_864 : vector<16xf32>
      %parallel_loop3A_866 = arith.mulf %parallel_loop3A_865, %broadcast_in_dim3A_698 : vector<16xf32>
      %parallel_loop3A_867 = math.exp %parallel_loop3A_866 : vector<16xf32>
      %parallel_loop3A_868 = arith.constant 8 : i32
      %parallel_loop3A_869 = arith.divsi %parallel_loop3A_859, %parallel_loop3A_868 : i32
      %parallel_loop3A_870 = arith.constant 0 : i32
      %parallel_loop3A_871 = arith.cmpi sgt, %parallel_loop3A_859, %parallel_loop3A_870 : i32
      %parallel_loop3A_872 = arith.extui %parallel_loop3A_871 : i1 to i32
      %parallel_loop3A_873 = arith.constant 0 : i32
      %parallel_loop3A_874 = arith.cmpi slt, %parallel_loop3A_859, %parallel_loop3A_873 : i32
      %parallel_loop3A_875 = arith.extui %parallel_loop3A_874 : i1 to i32
      %parallel_loop3A_876 = arith.subi %parallel_loop3A_872, %parallel_loop3A_875 : i32
      %parallel_loop3A_877 = arith.constant 0 : i32
      %parallel_loop3A_878 = arith.cmpi sgt, %parallel_loop3A_868, %parallel_loop3A_877 : i32
      %parallel_loop3A_879 = arith.extui %parallel_loop3A_878 : i1 to i32
      %parallel_loop3A_880 = arith.constant 0 : i32
      %parallel_loop3A_881 = arith.cmpi slt, %parallel_loop3A_868, %parallel_loop3A_880 : i32
      %parallel_loop3A_882 = arith.extui %parallel_loop3A_881 : i1 to i32
      %parallel_loop3A_883 = arith.subi %parallel_loop3A_879, %parallel_loop3A_882 : i32
      %parallel_loop3A_884 = arith.cmpi ne, %parallel_loop3A_876, %parallel_loop3A_883 : i32
      %parallel_loop3A_885 = arith.remsi %parallel_loop3A_859, %parallel_loop3A_868 : i32
      %parallel_loop3A_886 = arith.constant 0 : i32
      %parallel_loop3A_887 = arith.cmpi ne, %parallel_loop3A_885, %parallel_loop3A_886 : i32
      %parallel_loop3A_888 = arith.andi %parallel_loop3A_884, %parallel_loop3A_887 : i1
      %parallel_loop3A_889 = arith.constant 1 : i32
      %parallel_loop3A_890 = arith.subi %parallel_loop3A_869, %parallel_loop3A_889 : i32
      %parallel_loop3A_891 = arith.select %parallel_loop3A_888, %parallel_loop3A_890, %parallel_loop3A_869 : i32
      %parallel_loop3A_892 = arith.constant 8 : i32
      %parallel_loop3A_893 = arith.constant 0 : i32
      %parallel_loop3A_894 = arith.cmpi eq, %parallel_loop3A_892, %parallel_loop3A_893 : i32
      %parallel_loop3A_895 = arith.constant 1 : i32
      %parallel_loop3A_896 = arith.select %parallel_loop3A_894, %parallel_loop3A_895, %parallel_loop3A_892 : i32
      %parallel_loop3A_897 = arith.remsi %parallel_loop3A_859, %parallel_loop3A_896 : i32
      %parallel_loop3A_898 = arith.constant 0 : i32
      %parallel_loop3A_899 = arith.cmpi ne, %parallel_loop3A_897, %parallel_loop3A_898 : i32
      %parallel_loop3A_900 = arith.constant 0 : i32
      %parallel_loop3A_901 = arith.cmpi slt, %parallel_loop3A_897, %parallel_loop3A_900 : i32
      %parallel_loop3A_902 = arith.constant 0 : i32
      %parallel_loop3A_903 = arith.cmpi slt, %parallel_loop3A_896, %parallel_loop3A_902 : i32
      %parallel_loop3A_904 = arith.xori %parallel_loop3A_901, %parallel_loop3A_903 : i1
      %parallel_loop3A_905 = arith.andi %parallel_loop3A_904, %parallel_loop3A_899 : i1
      %parallel_loop3A_906 = arith.addi %parallel_loop3A_897, %parallel_loop3A_896 : i32
      %parallel_loop3A_907 = arith.select %parallel_loop3A_905, %parallel_loop3A_906, %parallel_loop3A_897 : i32
      %parallel_loop3A_908 = arith.constant 16 : i32
      %parallel_loop3A_909 = arith.muli %parallel_loop3A_907, %parallel_loop3A_908 : i32
      %parallel_loop3A_910 = arith.constant 1 : i32
      %parallel_loop3A_911 = arith.constant 2 : i32
      %parallel_loop3A_912 = arith.index_cast %parallel_loop3A_910 : i32 to index
      %parallel_loop3A_913 = arith.index_cast %parallel_loop3A_891 : i32 to index
      %parallel_loop3A_914 = arith.index_cast %parallel_loop3A_911 : i32 to index
      %parallel_loop3A_915 = arith.index_cast %parallel_loop3A_909 : i32 to index
      %parallel_loop3A_916 = tpu.vector_load %arg23[%parallel_loop3A_912, %parallel_loop3A_913, %parallel_loop3A_914, %parallel_loop3A_915] {strides = array<i32>} : memref<2x8x8x128xf32, #tpu.memory_space<vmem>>, vector<16xf32>,
      tpu.vector_store %arg23[%parallel_loop3A_912, %parallel_loop3A_913, %parallel_loop3A_914, %parallel_loop3A_915], %parallel_loop3A_867 {strides = array<i32>} : memref<2x8x8x128xf32, #tpu.memory_space<vmem>>, vector<16xf32>,
    } {sc.loop_unroll_factor = 8 : i64, sc.parallel_access}
    %slice3A_702 = vector.extract_strided_slice %get3A_566 {offsets = [11], sizes = [1], strides = [1]} : vector<16xf32> to vector<1xf32>
    %squeeze3A_703 = vector.extract %slice3A_702[0] : f32 from vector<1xf32>
    %broadcast_in_dim3A_704 = vector.broadcast %squeeze3A_703 : f32 to vector<16xf32>
    %slice3A_705 = vector.extract_strided_slice %div3A_572 {offsets = [11], sizes = [1], strides = [1]} : vector<16xf32> to vector<1xf32>
    %squeeze3A_706 = vector.extract %slice3A_705[0] : f32 from vector<1xf32>
    %broadcast_in_dim3A_707 = vector.broadcast %squeeze3A_706 : f32 to vector<16xf32>
    %parallel_loop3A_708 = arith.constant 0 : i32
    %parallel_loop3A_709 = arith.constant 64 : i32
    %parallel_loop3A_710 = arith.constant 1 : i32
    scf.for %parallel_loop3A_859 = %parallel_loop3A_708 to %parallel_loop3A_709 step %parallel_loop3A_710  : i32 {
      %parallel_loop3A_860 = arith.constant 16 : i32
      %parallel_loop3A_861 = arith.muli %parallel_loop3A_859, %parallel_loop3A_860 : i32
      %parallel_loop3A_862 = arith.index_cast %parallel_loop3A_861 : i32 to index
      %parallel_loop3A_863 = tpu.vector_load %arg22[%parallel_loop3A_862] {strides = array<i32>} : memref<1024xf32, #tpu.memory_space<vmem>>, vector<16xf32>,
      %parallel_loop3A_864 = arith.subf %parallel_loop3A_863, %broadcast_in_dim3A_704 : vector<16xf32>
      %parallel_loop3A_865 = arith.mulf %parallel_loop3A_864, %parallel_loop3A_864 : vector<16xf32>
      %parallel_loop3A_866 = arith.mulf %parallel_loop3A_865, %broadcast_in_dim3A_707 : vector<16xf32>
      %parallel_loop3A_867 = math.exp %parallel_loop3A_866 : vector<16xf32>
      %parallel_loop3A_868 = arith.constant 8 : i32
      %parallel_loop3A_869 = arith.divsi %parallel_loop3A_859, %parallel_loop3A_868 : i32
      %parallel_loop3A_870 = arith.constant 0 : i32
      %parallel_loop3A_871 = arith.cmpi sgt, %parallel_loop3A_859, %parallel_loop3A_870 : i32
      %parallel_loop3A_872 = arith.extui %parallel_loop3A_871 : i1 to i32
      %parallel_loop3A_873 = arith.constant 0 : i32
      %parallel_loop3A_874 = arith.cmpi slt, %parallel_loop3A_859, %parallel_loop3A_873 : i32
      %parallel_loop3A_875 = arith.extui %parallel_loop3A_874 : i1 to i32
      %parallel_loop3A_876 = arith.subi %parallel_loop3A_872, %parallel_loop3A_875 : i32
      %parallel_loop3A_877 = arith.constant 0 : i32
      %parallel_loop3A_878 = arith.cmpi sgt, %parallel_loop3A_868, %parallel_loop3A_877 : i32
      %parallel_loop3A_879 = arith.extui %parallel_loop3A_878 : i1 to i32
      %parallel_loop3A_880 = arith.constant 0 : i32
      %parallel_loop3A_881 = arith.cmpi slt, %parallel_loop3A_868, %parallel_loop3A_880 : i32
      %parallel_loop3A_882 = arith.extui %parallel_loop3A_881 : i1 to i32
      %parallel_loop3A_883 = arith.subi %parallel_loop3A_879, %parallel_loop3A_882 : i32
      %parallel_loop3A_884 = arith.cmpi ne, %parallel_loop3A_876, %parallel_loop3A_883 : i32
      %parallel_loop3A_885 = arith.remsi %parallel_loop3A_859, %parallel_loop3A_868 : i32
      %parallel_loop3A_886 = arith.constant 0 : i32
      %parallel_loop3A_887 = arith.cmpi ne, %parallel_loop3A_885, %parallel_loop3A_886 : i32
      %parallel_loop3A_888 = arith.andi %parallel_loop3A_884, %parallel_loop3A_887 : i1
      %parallel_loop3A_889 = arith.constant 1 : i32
      %parallel_loop3A_890 = arith.subi %parallel_loop3A_869, %parallel_loop3A_889 : i32
      %parallel_loop3A_891 = arith.select %parallel_loop3A_888, %parallel_loop3A_890, %parallel_loop3A_869 : i32
      %parallel_loop3A_892 = arith.constant 8 : i32
      %parallel_loop3A_893 = arith.constant 0 : i32
      %parallel_loop3A_894 = arith.cmpi eq, %parallel_loop3A_892, %parallel_loop3A_893 : i32
      %parallel_loop3A_895 = arith.constant 1 : i32
      %parallel_loop3A_896 = arith.select %parallel_loop3A_894, %parallel_loop3A_895, %parallel_loop3A_892 : i32
      %parallel_loop3A_897 = arith.remsi %parallel_loop3A_859, %parallel_loop3A_896 : i32
      %parallel_loop3A_898 = arith.constant 0 : i32
      %parallel_loop3A_899 = arith.cmpi ne, %parallel_loop3A_897, %parallel_loop3A_898 : i32
      %parallel_loop3A_900 = arith.constant 0 : i32
      %parallel_loop3A_901 = arith.cmpi slt, %parallel_loop3A_897, %parallel_loop3A_900 : i32
      %parallel_loop3A_902 = arith.constant 0 : i32
      %parallel_loop3A_903 = arith.cmpi slt, %parallel_loop3A_896, %parallel_loop3A_902 : i32
      %parallel_loop3A_904 = arith.xori %parallel_loop3A_901, %parallel_loop3A_903 : i1
      %parallel_loop3A_905 = arith.andi %parallel_loop3A_904, %parallel_loop3A_899 : i1
      %parallel_loop3A_906 = arith.addi %parallel_loop3A_897, %parallel_loop3A_896 : i32
      %parallel_loop3A_907 = arith.select %parallel_loop3A_905, %parallel_loop3A_906, %parallel_loop3A_897 : i32
      %parallel_loop3A_908 = arith.constant 16 : i32
      %parallel_loop3A_909 = arith.muli %parallel_loop3A_907, %parallel_loop3A_908 : i32
      %parallel_loop3A_910 = arith.constant 1 : i32
      %parallel_loop3A_911 = arith.constant 3 : i32
      %parallel_loop3A_912 = arith.index_cast %parallel_loop3A_910 : i32 to index
      %parallel_loop3A_913 = arith.index_cast %parallel_loop3A_891 : i32 to index
      %parallel_loop3A_914 = arith.index_cast %parallel_loop3A_911 : i32 to index
      %parallel_loop3A_915 = arith.index_cast %parallel_loop3A_909 : i32 to index
      %parallel_loop3A_916 = tpu.vector_load %arg23[%parallel_loop3A_912, %parallel_loop3A_913, %parallel_loop3A_914, %parallel_loop3A_915] {strides = array<i32>} : memref<2x8x8x128xf32, #tpu.memory_space<vmem>>, vector<16xf32>,
      tpu.vector_store %arg23[%parallel_loop3A_912, %parallel_loop3A_913, %parallel_loop3A_914, %parallel_loop3A_915], %parallel_loop3A_867 {strides = array<i32>} : memref<2x8x8x128xf32, #tpu.memory_space<vmem>>, vector<16xf32>,
    } {sc.loop_unroll_factor = 8 : i64, sc.parallel_access}
    %slice3A_711 = vector.extract_strided_slice %get3A_566 {offsets = [12], sizes = [1], strides = [1]} : vector<16xf32> to vector<1xf32>
    %squeeze3A_712 = vector.extract %slice3A_711[0] : f32 from vector<1xf32>
    %broadcast_in_dim3A_713 = vector.broadcast %squeeze3A_712 : f32 to vector<16xf32>
    %slice3A_714 = vector.extract_strided_slice %div3A_572 {offsets = [12], sizes = [1], strides = [1]} : vector<16xf32> to vector<1xf32>
    %squeeze3A_715 = vector.extract %slice3A_714[0] : f32 from vector<1xf32>
    %broadcast_in_dim3A_716 = vector.broadcast %squeeze3A_715 : f32 to vector<16xf32>
    %parallel_loop3A_717 = arith.constant 0 : i32
    %parallel_loop3A_718 = arith.constant 64 : i32
    %parallel_loop3A_719 = arith.constant 1 : i32
    scf.for %parallel_loop3A_859 = %parallel_loop3A_717 to %parallel_loop3A_718 step %parallel_loop3A_719  : i32 {
      %parallel_loop3A_860 = arith.constant 16 : i32
      %parallel_loop3A_861 = arith.muli %parallel_loop3A_859, %parallel_loop3A_860 : i32
      %parallel_loop3A_862 = arith.index_cast %parallel_loop3A_861 : i32 to index
      %parallel_loop3A_863 = tpu.vector_load %arg22[%parallel_loop3A_862] {strides = array<i32>} : memref<1024xf32, #tpu.memory_space<vmem>>, vector<16xf32>,
      %parallel_loop3A_864 = arith.subf %parallel_loop3A_863, %broadcast_in_dim3A_713 : vector<16xf32>
      %parallel_loop3A_865 = arith.mulf %parallel_loop3A_864, %parallel_loop3A_864 : vector<16xf32>
      %parallel_loop3A_866 = arith.mulf %parallel_loop3A_865, %broadcast_in_dim3A_716 : vector<16xf32>
      %parallel_loop3A_867 = math.exp %parallel_loop3A_866 : vector<16xf32>
      %parallel_loop3A_868 = arith.constant 8 : i32
      %parallel_loop3A_869 = arith.divsi %parallel_loop3A_859, %parallel_loop3A_868 : i32
      %parallel_loop3A_870 = arith.constant 0 : i32
      %parallel_loop3A_871 = arith.cmpi sgt, %parallel_loop3A_859, %parallel_loop3A_870 : i32
      %parallel_loop3A_872 = arith.extui %parallel_loop3A_871 : i1 to i32
      %parallel_loop3A_873 = arith.constant 0 : i32
      %parallel_loop3A_874 = arith.cmpi slt, %parallel_loop3A_859, %parallel_loop3A_873 : i32
      %parallel_loop3A_875 = arith.extui %parallel_loop3A_874 : i1 to i32
      %parallel_loop3A_876 = arith.subi %parallel_loop3A_872, %parallel_loop3A_875 : i32
      %parallel_loop3A_877 = arith.constant 0 : i32
      %parallel_loop3A_878 = arith.cmpi sgt, %parallel_loop3A_868, %parallel_loop3A_877 : i32
      %parallel_loop3A_879 = arith.extui %parallel_loop3A_878 : i1 to i32
      %parallel_loop3A_880 = arith.constant 0 : i32
      %parallel_loop3A_881 = arith.cmpi slt, %parallel_loop3A_868, %parallel_loop3A_880 : i32
      %parallel_loop3A_882 = arith.extui %parallel_loop3A_881 : i1 to i32
      %parallel_loop3A_883 = arith.subi %parallel_loop3A_879, %parallel_loop3A_882 : i32
      %parallel_loop3A_884 = arith.cmpi ne, %parallel_loop3A_876, %parallel_loop3A_883 : i32
      %parallel_loop3A_885 = arith.remsi %parallel_loop3A_859, %parallel_loop3A_868 : i32
      %parallel_loop3A_886 = arith.constant 0 : i32
      %parallel_loop3A_887 = arith.cmpi ne, %parallel_loop3A_885, %parallel_loop3A_886 : i32
      %parallel_loop3A_888 = arith.andi %parallel_loop3A_884, %parallel_loop3A_887 : i1
      %parallel_loop3A_889 = arith.constant 1 : i32
      %parallel_loop3A_890 = arith.subi %parallel_loop3A_869, %parallel_loop3A_889 : i32
      %parallel_loop3A_891 = arith.select %parallel_loop3A_888, %parallel_loop3A_890, %parallel_loop3A_869 : i32
      %parallel_loop3A_892 = arith.constant 8 : i32
      %parallel_loop3A_893 = arith.constant 0 : i32
      %parallel_loop3A_894 = arith.cmpi eq, %parallel_loop3A_892, %parallel_loop3A_893 : i32
      %parallel_loop3A_895 = arith.constant 1 : i32
      %parallel_loop3A_896 = arith.select %parallel_loop3A_894, %parallel_loop3A_895, %parallel_loop3A_892 : i32
      %parallel_loop3A_897 = arith.remsi %parallel_loop3A_859, %parallel_loop3A_896 : i32
      %parallel_loop3A_898 = arith.constant 0 : i32
      %parallel_loop3A_899 = arith.cmpi ne, %parallel_loop3A_897, %parallel_loop3A_898 : i32
      %parallel_loop3A_900 = arith.constant 0 : i32
      %parallel_loop3A_901 = arith.cmpi slt, %parallel_loop3A_897, %parallel_loop3A_900 : i32
      %parallel_loop3A_902 = arith.constant 0 : i32
      %parallel_loop3A_903 = arith.cmpi slt, %parallel_loop3A_896, %parallel_loop3A_902 : i32
      %parallel_loop3A_904 = arith.xori %parallel_loop3A_901, %parallel_loop3A_903 : i1
      %parallel_loop3A_905 = arith.andi %parallel_loop3A_904, %parallel_loop3A_899 : i1
      %parallel_loop3A_906 = arith.addi %parallel_loop3A_897, %parallel_loop3A_896 : i32
      %parallel_loop3A_907 = arith.select %parallel_loop3A_905, %parallel_loop3A_906, %parallel_loop3A_897 : i32
      %parallel_loop3A_908 = arith.constant 16 : i32
      %parallel_loop3A_909 = arith.muli %parallel_loop3A_907, %parallel_loop3A_908 : i32
      %parallel_loop3A_910 = arith.constant 1 : i32
      %parallel_loop3A_911 = arith.constant 4 : i32
      %parallel_loop3A_912 = arith.index_cast %parallel_loop3A_910 : i32 to index
      %parallel_loop3A_913 = arith.index_cast %parallel_loop3A_891 : i32 to index
      %parallel_loop3A_914 = arith.index_cast %parallel_loop3A_911 : i32 to index
      %parallel_loop3A_915 = arith.index_cast %parallel_loop3A_909 : i32 to index
      %parallel_loop3A_916 = tpu.vector_load %arg23[%parallel_loop3A_912, %parallel_loop3A_913, %parallel_loop3A_914, %parallel_loop3A_915] {strides = array<i32>} : memref<2x8x8x128xf32, #tpu.memory_space<vmem>>, vector<16xf32>,
      tpu.vector_store %arg23[%parallel_loop3A_912, %parallel_loop3A_913, %parallel_loop3A_914, %parallel_loop3A_915], %parallel_loop3A_867 {strides = array<i32>} : memref<2x8x8x128xf32, #tpu.memory_space<vmem>>, vector<16xf32>,
    } {sc.loop_unroll_factor = 8 : i64, sc.parallel_access}
    %slice3A_720 = vector.extract_strided_slice %get3A_566 {offsets = [13], sizes = [1], strides = [1]} : vector<16xf32> to vector<1xf32>
    %squeeze3A_721 = vector.extract %slice3A_720[0] : f32 from vector<1xf32>
    %broadcast_in_dim3A_722 = vector.broadcast %squeeze3A_721 : f32 to vector<16xf32>
    %slice3A_723 = vector.extract_strided_slice %div3A_572 {offsets = [13], sizes = [1], strides = [1]} : vector<16xf32> to vector<1xf32>
    %squeeze3A_724 = vector.extract %slice3A_723[0] : f32 from vector<1xf32>
    %broadcast_in_dim3A_725 = vector.broadcast %squeeze3A_724 : f32 to vector<16xf32>
    %parallel_loop3A_726 = arith.constant 0 : i32
    %parallel_loop3A_727 = arith.constant 64 : i32
    %parallel_loop3A_728 = arith.constant 1 : i32
    scf.for %parallel_loop3A_859 = %parallel_loop3A_726 to %parallel_loop3A_727 step %parallel_loop3A_728  : i32 {
      %parallel_loop3A_860 = arith.constant 16 : i32
      %parallel_loop3A_861 = arith.muli %parallel_loop3A_859, %parallel_loop3A_860 : i32
      %parallel_loop3A_862 = arith.index_cast %parallel_loop3A_861 : i32 to index
      %parallel_loop3A_863 = tpu.vector_load %arg22[%parallel_loop3A_862] {strides = array<i32>} : memref<1024xf32, #tpu.memory_space<vmem>>, vector<16xf32>,
      %parallel_loop3A_864 = arith.subf %parallel_loop3A_863, %broadcast_in_dim3A_722 : vector<16xf32>
      %parallel_loop3A_865 = arith.mulf %parallel_loop3A_864, %parallel_loop3A_864 : vector<16xf32>
      %parallel_loop3A_866 = arith.mulf %parallel_loop3A_865, %broadcast_in_dim3A_725 : vector<16xf32>
      %parallel_loop3A_867 = math.exp %parallel_loop3A_866 : vector<16xf32>
      %parallel_loop3A_868 = arith.constant 8 : i32
      %parallel_loop3A_869 = arith.divsi %parallel_loop3A_859, %parallel_loop3A_868 : i32
      %parallel_loop3A_870 = arith.constant 0 : i32
      %parallel_loop3A_871 = arith.cmpi sgt, %parallel_loop3A_859, %parallel_loop3A_870 : i32
      %parallel_loop3A_872 = arith.extui %parallel_loop3A_871 : i1 to i32
      %parallel_loop3A_873 = arith.constant 0 : i32
      %parallel_loop3A_874 = arith.cmpi slt, %parallel_loop3A_859, %parallel_loop3A_873 : i32
      %parallel_loop3A_875 = arith.extui %parallel_loop3A_874 : i1 to i32
      %parallel_loop3A_876 = arith.subi %parallel_loop3A_872, %parallel_loop3A_875 : i32
      %parallel_loop3A_877 = arith.constant 0 : i32
      %parallel_loop3A_878 = arith.cmpi sgt, %parallel_loop3A_868, %parallel_loop3A_877 : i32
      %parallel_loop3A_879 = arith.extui %parallel_loop3A_878 : i1 to i32
      %parallel_loop3A_880 = arith.constant 0 : i32
      %parallel_loop3A_881 = arith.cmpi slt, %parallel_loop3A_868, %parallel_loop3A_880 : i32
      %parallel_loop3A_882 = arith.extui %parallel_loop3A_881 : i1 to i32
      %parallel_loop3A_883 = arith.subi %parallel_loop3A_879, %parallel_loop3A_882 : i32
      %parallel_loop3A_884 = arith.cmpi ne, %parallel_loop3A_876, %parallel_loop3A_883 : i32
      %parallel_loop3A_885 = arith.remsi %parallel_loop3A_859, %parallel_loop3A_868 : i32
      %parallel_loop3A_886 = arith.constant 0 : i32
      %parallel_loop3A_887 = arith.cmpi ne, %parallel_loop3A_885, %parallel_loop3A_886 : i32
      %parallel_loop3A_888 = arith.andi %parallel_loop3A_884, %parallel_loop3A_887 : i1
      %parallel_loop3A_889 = arith.constant 1 : i32
      %parallel_loop3A_890 = arith.subi %parallel_loop3A_869, %parallel_loop3A_889 : i32
      %parallel_loop3A_891 = arith.select %parallel_loop3A_888, %parallel_loop3A_890, %parallel_loop3A_869 : i32
      %parallel_loop3A_892 = arith.constant 8 : i32
      %parallel_loop3A_893 = arith.constant 0 : i32
      %parallel_loop3A_894 = arith.cmpi eq, %parallel_loop3A_892, %parallel_loop3A_893 : i32
      %parallel_loop3A_895 = arith.constant 1 : i32
      %parallel_loop3A_896 = arith.select %parallel_loop3A_894, %parallel_loop3A_895, %parallel_loop3A_892 : i32
      %parallel_loop3A_897 = arith.remsi %parallel_loop3A_859, %parallel_loop3A_896 : i32
      %parallel_loop3A_898 = arith.constant 0 : i32
      %parallel_loop3A_899 = arith.cmpi ne, %parallel_loop3A_897, %parallel_loop3A_898 : i32
      %parallel_loop3A_900 = arith.constant 0 : i32
      %parallel_loop3A_901 = arith.cmpi slt, %parallel_loop3A_897, %parallel_loop3A_900 : i32
      %parallel_loop3A_902 = arith.constant 0 : i32
      %parallel_loop3A_903 = arith.cmpi slt, %parallel_loop3A_896, %parallel_loop3A_902 : i32
      %parallel_loop3A_904 = arith.xori %parallel_loop3A_901, %parallel_loop3A_903 : i1
      %parallel_loop3A_905 = arith.andi %parallel_loop3A_904, %parallel_loop3A_899 : i1
      %parallel_loop3A_906 = arith.addi %parallel_loop3A_897, %parallel_loop3A_896 : i32
      %parallel_loop3A_907 = arith.select %parallel_loop3A_905, %parallel_loop3A_906, %parallel_loop3A_897 : i32
      %parallel_loop3A_908 = arith.constant 16 : i32
      %parallel_loop3A_909 = arith.muli %parallel_loop3A_907, %parallel_loop3A_908 : i32
      %parallel_loop3A_910 = arith.constant 1 : i32
      %parallel_loop3A_911 = arith.constant 5 : i32
      %parallel_loop3A_912 = arith.index_cast %parallel_loop3A_910 : i32 to index
      %parallel_loop3A_913 = arith.index_cast %parallel_loop3A_891 : i32 to index
      %parallel_loop3A_914 = arith.index_cast %parallel_loop3A_911 : i32 to index
      %parallel_loop3A_915 = arith.index_cast %parallel_loop3A_909 : i32 to index
      %parallel_loop3A_916 = tpu.vector_load %arg23[%parallel_loop3A_912, %parallel_loop3A_913, %parallel_loop3A_914, %parallel_loop3A_915] {strides = array<i32>} : memref<2x8x8x128xf32, #tpu.memory_space<vmem>>, vector<16xf32>,
      tpu.vector_store %arg23[%parallel_loop3A_912, %parallel_loop3A_913, %parallel_loop3A_914, %parallel_loop3A_915], %parallel_loop3A_867 {strides = array<i32>} : memref<2x8x8x128xf32, #tpu.memory_space<vmem>>, vector<16xf32>,
    } {sc.loop_unroll_factor = 8 : i64, sc.parallel_access}
    %slice3A_729 = vector.extract_strided_slice %get3A_566 {offsets = [14], sizes = [1], strides = [1]} : vector<16xf32> to vector<1xf32>
    %squeeze3A_730 = vector.extract %slice3A_729[0] : f32 from vector<1xf32>
    %broadcast_in_dim3A_731 = vector.broadcast %squeeze3A_730 : f32 to vector<16xf32>
    %slice3A_732 = vector.extract_strided_slice %div3A_572 {offsets = [14], sizes = [1], strides = [1]} : vector<16xf32> to vector<1xf32>
    %squeeze3A_733 = vector.extract %slice3A_732[0] : f32 from vector<1xf32>
    %broadcast_in_dim3A_734 = vector.broadcast %squeeze3A_733 : f32 to vector<16xf32>
    %parallel_loop3A_735 = arith.constant 0 : i32
    %parallel_loop3A_736 = arith.constant 64 : i32
    %parallel_loop3A_737 = arith.constant 1 : i32
    scf.for %parallel_loop3A_859 = %parallel_loop3A_735 to %parallel_loop3A_736 step %parallel_loop3A_737  : i32 {
      %parallel_loop3A_860 = arith.constant 16 : i32
      %parallel_loop3A_861 = arith.muli %parallel_loop3A_859, %parallel_loop3A_860 : i32
      %parallel_loop3A_862 = arith.index_cast %parallel_loop3A_861 : i32 to index
      %parallel_loop3A_863 = tpu.vector_load %arg22[%parallel_loop3A_862] {strides = array<i32>} : memref<1024xf32, #tpu.memory_space<vmem>>, vector<16xf32>,
      %parallel_loop3A_864 = arith.subf %parallel_loop3A_863, %broadcast_in_dim3A_731 : vector<16xf32>
      %parallel_loop3A_865 = arith.mulf %parallel_loop3A_864, %parallel_loop3A_864 : vector<16xf32>
      %parallel_loop3A_866 = arith.mulf %parallel_loop3A_865, %broadcast_in_dim3A_734 : vector<16xf32>
      %parallel_loop3A_867 = math.exp %parallel_loop3A_866 : vector<16xf32>
      %parallel_loop3A_868 = arith.constant 8 : i32
      %parallel_loop3A_869 = arith.divsi %parallel_loop3A_859, %parallel_loop3A_868 : i32
      %parallel_loop3A_870 = arith.constant 0 : i32
      %parallel_loop3A_871 = arith.cmpi sgt, %parallel_loop3A_859, %parallel_loop3A_870 : i32
      %parallel_loop3A_872 = arith.extui %parallel_loop3A_871 : i1 to i32
      %parallel_loop3A_873 = arith.constant 0 : i32
      %parallel_loop3A_874 = arith.cmpi slt, %parallel_loop3A_859, %parallel_loop3A_873 : i32
      %parallel_loop3A_875 = arith.extui %parallel_loop3A_874 : i1 to i32
      %parallel_loop3A_876 = arith.subi %parallel_loop3A_872, %parallel_loop3A_875 : i32
      %parallel_loop3A_877 = arith.constant 0 : i32
      %parallel_loop3A_878 = arith.cmpi sgt, %parallel_loop3A_868, %parallel_loop3A_877 : i32
      %parallel_loop3A_879 = arith.extui %parallel_loop3A_878 : i1 to i32
      %parallel_loop3A_880 = arith.constant 0 : i32
      %parallel_loop3A_881 = arith.cmpi slt, %parallel_loop3A_868, %parallel_loop3A_880 : i32
      %parallel_loop3A_882 = arith.extui %parallel_loop3A_881 : i1 to i32
      %parallel_loop3A_883 = arith.subi %parallel_loop3A_879, %parallel_loop3A_882 : i32
      %parallel_loop3A_884 = arith.cmpi ne, %parallel_loop3A_876, %parallel_loop3A_883 : i32
      %parallel_loop3A_885 = arith.remsi %parallel_loop3A_859, %parallel_loop3A_868 : i32
      %parallel_loop3A_886 = arith.constant 0 : i32
      %parallel_loop3A_887 = arith.cmpi ne, %parallel_loop3A_885, %parallel_loop3A_886 : i32
      %parallel_loop3A_888 = arith.andi %parallel_loop3A_884, %parallel_loop3A_887 : i1
      %parallel_loop3A_889 = arith.constant 1 : i32
      %parallel_loop3A_890 = arith.subi %parallel_loop3A_869, %parallel_loop3A_889 : i32
      %parallel_loop3A_891 = arith.select %parallel_loop3A_888, %parallel_loop3A_890, %parallel_loop3A_869 : i32
      %parallel_loop3A_892 = arith.constant 8 : i32
      %parallel_loop3A_893 = arith.constant 0 : i32
      %parallel_loop3A_894 = arith.cmpi eq, %parallel_loop3A_892, %parallel_loop3A_893 : i32
      %parallel_loop3A_895 = arith.constant 1 : i32
      %parallel_loop3A_896 = arith.select %parallel_loop3A_894, %parallel_loop3A_895, %parallel_loop3A_892 : i32
      %parallel_loop3A_897 = arith.remsi %parallel_loop3A_859, %parallel_loop3A_896 : i32
      %parallel_loop3A_898 = arith.constant 0 : i32
      %parallel_loop3A_899 = arith.cmpi ne, %parallel_loop3A_897, %parallel_loop3A_898 : i32
      %parallel_loop3A_900 = arith.constant 0 : i32
      %parallel_loop3A_901 = arith.cmpi slt, %parallel_loop3A_897, %parallel_loop3A_900 : i32
      %parallel_loop3A_902 = arith.constant 0 : i32
      %parallel_loop3A_903 = arith.cmpi slt, %parallel_loop3A_896, %parallel_loop3A_902 : i32
      %parallel_loop3A_904 = arith.xori %parallel_loop3A_901, %parallel_loop3A_903 : i1
      %parallel_loop3A_905 = arith.andi %parallel_loop3A_904, %parallel_loop3A_899 : i1
      %parallel_loop3A_906 = arith.addi %parallel_loop3A_897, %parallel_loop3A_896 : i32
      %parallel_loop3A_907 = arith.select %parallel_loop3A_905, %parallel_loop3A_906, %parallel_loop3A_897 : i32
      %parallel_loop3A_908 = arith.constant 16 : i32
      %parallel_loop3A_909 = arith.muli %parallel_loop3A_907, %parallel_loop3A_908 : i32
      %parallel_loop3A_910 = arith.constant 1 : i32
      %parallel_loop3A_911 = arith.constant 6 : i32
      %parallel_loop3A_912 = arith.index_cast %parallel_loop3A_910 : i32 to index
      %parallel_loop3A_913 = arith.index_cast %parallel_loop3A_891 : i32 to index
      %parallel_loop3A_914 = arith.index_cast %parallel_loop3A_911 : i32 to index
      %parallel_loop3A_915 = arith.index_cast %parallel_loop3A_909 : i32 to index
      %parallel_loop3A_916 = tpu.vector_load %arg23[%parallel_loop3A_912, %parallel_loop3A_913, %parallel_loop3A_914, %parallel_loop3A_915] {strides = array<i32>} : memref<2x8x8x128xf32, #tpu.memory_space<vmem>>, vector<16xf32>,
      tpu.vector_store %arg23[%parallel_loop3A_912, %parallel_loop3A_913, %parallel_loop3A_914, %parallel_loop3A_915], %parallel_loop3A_867 {strides = array<i32>} : memref<2x8x8x128xf32, #tpu.memory_space<vmem>>, vector<16xf32>,
    } {sc.loop_unroll_factor = 8 : i64, sc.parallel_access}
    %slice3A_738 = vector.extract_strided_slice %get3A_566 {offsets = [15], sizes = [1], strides = [1]} : vector<16xf32> to vector<1xf32>
    %squeeze3A_739 = vector.extract %slice3A_738[0] : f32 from vector<1xf32>
    %broadcast_in_dim3A_740 = vector.broadcast %squeeze3A_739 : f32 to vector<16xf32>
    %slice3A_741 = vector.extract_strided_slice %div3A_572 {offsets = [15], sizes = [1], strides = [1]} : vector<16xf32> to vector<1xf32>
    %squeeze3A_742 = vector.extract %slice3A_741[0] : f32 from vector<1xf32>
    %broadcast_in_dim3A_743 = vector.broadcast %squeeze3A_742 : f32 to vector<16xf32>
    %parallel_loop3A_744 = arith.constant 0 : i32
    %parallel_loop3A_745 = arith.constant 64 : i32
    %parallel_loop3A_746 = arith.constant 1 : i32
    scf.for %parallel_loop3A_859 = %parallel_loop3A_744 to %parallel_loop3A_745 step %parallel_loop3A_746  : i32 {
      %parallel_loop3A_860 = arith.constant 16 : i32
      %parallel_loop3A_861 = arith.muli %parallel_loop3A_859, %parallel_loop3A_860 : i32
      %parallel_loop3A_862 = arith.index_cast %parallel_loop3A_861 : i32 to index
      %parallel_loop3A_863 = tpu.vector_load %arg22[%parallel_loop3A_862] {strides = array<i32>} : memref<1024xf32, #tpu.memory_space<vmem>>, vector<16xf32>,
      %parallel_loop3A_864 = arith.subf %parallel_loop3A_863, %broadcast_in_dim3A_740 : vector<16xf32>
      %parallel_loop3A_865 = arith.mulf %parallel_loop3A_864, %parallel_loop3A_864 : vector<16xf32>
      %parallel_loop3A_866 = arith.mulf %parallel_loop3A_865, %broadcast_in_dim3A_743 : vector<16xf32>
      %parallel_loop3A_867 = math.exp %parallel_loop3A_866 : vector<16xf32>
      %parallel_loop3A_868 = arith.constant 8 : i32
      %parallel_loop3A_869 = arith.divsi %parallel_loop3A_859, %parallel_loop3A_868 : i32
      %parallel_loop3A_870 = arith.constant 0 : i32
      %parallel_loop3A_871 = arith.cmpi sgt, %parallel_loop3A_859, %parallel_loop3A_870 : i32
      %parallel_loop3A_872 = arith.extui %parallel_loop3A_871 : i1 to i32
      %parallel_loop3A_873 = arith.constant 0 : i32
      %parallel_loop3A_874 = arith.cmpi slt, %parallel_loop3A_859, %parallel_loop3A_873 : i32
      %parallel_loop3A_875 = arith.extui %parallel_loop3A_874 : i1 to i32
      %parallel_loop3A_876 = arith.subi %parallel_loop3A_872, %parallel_loop3A_875 : i32
      %parallel_loop3A_877 = arith.constant 0 : i32
      %parallel_loop3A_878 = arith.cmpi sgt, %parallel_loop3A_868, %parallel_loop3A_877 : i32
      %parallel_loop3A_879 = arith.extui %parallel_loop3A_878 : i1 to i32
      %parallel_loop3A_880 = arith.constant 0 : i32
      %parallel_loop3A_881 = arith.cmpi slt, %parallel_loop3A_868, %parallel_loop3A_880 : i32
      %parallel_loop3A_882 = arith.extui %parallel_loop3A_881 : i1 to i32
      %parallel_loop3A_883 = arith.subi %parallel_loop3A_879, %parallel_loop3A_882 : i32
      %parallel_loop3A_884 = arith.cmpi ne, %parallel_loop3A_876, %parallel_loop3A_883 : i32
      %parallel_loop3A_885 = arith.remsi %parallel_loop3A_859, %parallel_loop3A_868 : i32
      %parallel_loop3A_886 = arith.constant 0 : i32
      %parallel_loop3A_887 = arith.cmpi ne, %parallel_loop3A_885, %parallel_loop3A_886 : i32
      %parallel_loop3A_888 = arith.andi %parallel_loop3A_884, %parallel_loop3A_887 : i1
      %parallel_loop3A_889 = arith.constant 1 : i32
      %parallel_loop3A_890 = arith.subi %parallel_loop3A_869, %parallel_loop3A_889 : i32
      %parallel_loop3A_891 = arith.select %parallel_loop3A_888, %parallel_loop3A_890, %parallel_loop3A_869 : i32
      %parallel_loop3A_892 = arith.constant 8 : i32
      %parallel_loop3A_893 = arith.constant 0 : i32
      %parallel_loop3A_894 = arith.cmpi eq, %parallel_loop3A_892, %parallel_loop3A_893 : i32
      %parallel_loop3A_895 = arith.constant 1 : i32
      %parallel_loop3A_896 = arith.select %parallel_loop3A_894, %parallel_loop3A_895, %parallel_loop3A_892 : i32
      %parallel_loop3A_897 = arith.remsi %parallel_loop3A_859, %parallel_loop3A_896 : i32
      %parallel_loop3A_898 = arith.constant 0 : i32
      %parallel_loop3A_899 = arith.cmpi ne, %parallel_loop3A_897, %parallel_loop3A_898 : i32
      %parallel_loop3A_900 = arith.constant 0 : i32
      %parallel_loop3A_901 = arith.cmpi slt, %parallel_loop3A_897, %parallel_loop3A_900 : i32
      %parallel_loop3A_902 = arith.constant 0 : i32
      %parallel_loop3A_903 = arith.cmpi slt, %parallel_loop3A_896, %parallel_loop3A_902 : i32
      %parallel_loop3A_904 = arith.xori %parallel_loop3A_901, %parallel_loop3A_903 : i1
      %parallel_loop3A_905 = arith.andi %parallel_loop3A_904, %parallel_loop3A_899 : i1
      %parallel_loop3A_906 = arith.addi %parallel_loop3A_897, %parallel_loop3A_896 : i32
      %parallel_loop3A_907 = arith.select %parallel_loop3A_905, %parallel_loop3A_906, %parallel_loop3A_897 : i32
      %parallel_loop3A_908 = arith.constant 16 : i32
      %parallel_loop3A_909 = arith.muli %parallel_loop3A_907, %parallel_loop3A_908 : i32
      %parallel_loop3A_910 = arith.constant 1 : i32
      %parallel_loop3A_911 = arith.constant 7 : i32
      %parallel_loop3A_912 = arith.index_cast %parallel_loop3A_910 : i32 to index
      %parallel_loop3A_913 = arith.index_cast %parallel_loop3A_891 : i32 to index
      %parallel_loop3A_914 = arith.index_cast %parallel_loop3A_911 : i32 to index
      %parallel_loop3A_915 = arith.index_cast %parallel_loop3A_909 : i32 to index
      %parallel_loop3A_916 = tpu.vector_load %arg23[%parallel_loop3A_912, %parallel_loop3A_913, %parallel_loop3A_914, %parallel_loop3A_915] {strides = array<i32>} : memref<2x8x8x128xf32, #tpu.memory_space<vmem>>, vector<16xf32>,
      tpu.vector_store %arg23[%parallel_loop3A_912, %parallel_loop3A_913, %parallel_loop3A_914, %parallel_loop3A_915], %parallel_loop3A_867 {strides = array<i32>} : memref<2x8x8x128xf32, #tpu.memory_space<vmem>>, vector<16xf32>,
    } {sc.loop_unroll_factor = 8 : i64, sc.parallel_access}
    %jit3A_747 = arith.constant 128 : i32
    %div3A_748 = arith.divsi %add3A_575, %jit3A_747 : i32
    %sign3A_749 = arith.constant 0 : i32
    %sign3A_750 = arith.cmpi sgt, %add3A_575, %sign3A_749 : i32
    %sign3A_751 = arith.extui %sign3A_750 : i1 to i32
    %sign3A_752 = arith.constant 0 : i32
    %sign3A_753 = arith.cmpi slt, %add3A_575, %sign3A_752 : i32
    %sign3A_754 = arith.extui %sign3A_753 : i1 to i32
    %sign3A_755 = arith.subi %sign3A_751, %sign3A_754 : i32
    %sign3A_756 = arith.constant 0 : i32
    %sign3A_757 = arith.cmpi sgt, %jit3A_747, %sign3A_756 : i32
    %sign3A_758 = arith.extui %sign3A_757 : i1 to i32
    %sign3A_759 = arith.constant 0 : i32
    %sign3A_760 = arith.cmpi slt, %jit3A_747, %sign3A_759 : i32
    %sign3A_761 = arith.extui %sign3A_760 : i1 to i32
    %sign3A_762 = arith.subi %sign3A_758, %sign3A_761 : i32
    %ne3A_763 = arith.cmpi ne, %sign3A_755, %sign3A_762 : i32
    %rem3A_764 = arith.remsi %add3A_575, %jit3A_747 : i32
    %ne3A_765 = arith.constant 0 : i32
    %ne3A_766 = arith.cmpi ne, %rem3A_764, %ne3A_765 : i32
    %and3A_767 = arith.andi %ne3A_763, %ne3A_766 : i1
    %sub3A_768 = arith.constant 1 : i32
    %sub3A_769 = arith.subi %div3A_748, %sub3A_768 : i32
    %select_n3A_770 = arith.select %and3A_767, %sub3A_769, %div3A_748 : i32
    %dma_start3A_771 = arith.constant 0 : i32
    %dma_start3A_772 = arith.constant 0 : i32
    %dma_start3A_773 = arith.constant 0 : i32
    %dma_start3A_774 = arith.constant 0 : i32
    %dma_start3A_775 = arith.constant 0 : i32
    %dma_start3A_776 = tpu.memref_slice %arg23[%dma_start3A_771, %dma_start3A_773, %dma_start3A_774, %dma_start3A_775] : memref<2x8x8x128xf32, #tpu.memory_space<vmem>> -> memref<1x8x8x128xf32, #tpu.memory_space<vmem>>
    %dma_start3A_777 = tpu.memref_squeeze %dma_start3A_776 : memref<1x8x8x128xf32, #tpu.memory_space<vmem>> -> memref<8x8x128xf32, #tpu.memory_space<vmem>>
    %dma_start3A_778 = arith.constant 0 : i32
    %dma_start3A_779 = arith.constant 0 : i32
    %dma_start3A_780 = tpu.memref_slice %arg9[%dma_start3A_772, %select_n3A_770, %dma_start3A_778, %dma_start3A_779] : memref<2x256x8x128xf32, #tpu.memory_space<hbm>> -> memref<1x8x8x128xf32, #tpu.memory_space<hbm>>
    %dma_start3A_781 = tpu.memref_squeeze %dma_start3A_780 : memref<1x8x8x128xf32, #tpu.memory_space<hbm>> -> memref<8x8x128xf32, #tpu.memory_space<hbm>>
    %dma_start3A_782 = arith.constant 0 : i32
    %dma_start3A_783 = arith.constant 0 : i32
    %dma_start3A_784 = tpu.memref_slice %arg9[%dma_start3A_772, %select_n3A_770, %dma_start3A_782, %dma_start3A_783] : memref<2x256x8x128xf32, #tpu.memory_space<hbm>> -> memref<1x8x8x128xf32, #tpu.memory_space<hbm>>
    %dma_start3A_785 = tpu.memref_squeeze %dma_start3A_784 : memref<1x8x8x128xf32, #tpu.memory_space<hbm>> -> memref<8x8x128xf32, #tpu.memory_space<hbm>>
    %dma_start3A_786 = arith.constant 0 : i32
    %dma_start3A_787 = arith.constant 0 : i32
    %dma_start3A_788 = arith.constant 0 : i32
    %dma_start3A_789 = tpu.memref_slice %arg23[%dma_start3A_771, %dma_start3A_786, %dma_start3A_787, %dma_start3A_788] : memref<2x8x8x128xf32, #tpu.memory_space<vmem>> -> memref<1x8x8x128xf32, #tpu.memory_space<vmem>>
    %dma_start3A_790 = tpu.memref_squeeze %dma_start3A_789 : memref<1x8x8x128xf32, #tpu.memory_space<vmem>> -> memref<8x8x128xf32, #tpu.memory_space<vmem>>
    tpu.enqueue_dma source(%dma_start3A_790 : memref<8x8x128xf32, #tpu.memory_space<vmem>>) target(%dma_start3A_785 : memref<8x8x128xf32, #tpu.memory_space<hbm>>) target_semaphore(%arg25 : memref<!tpu.dma_semaphore, #tpu.memory_space<semaphore_mem>>)
    %dma_start3A_791 = arith.constant 1 : i32
    %dma_start3A_792 = arith.constant 1 : i32
    %dma_start3A_793 = arith.constant 0 : i32
    %dma_start3A_794 = arith.constant 0 : i32
    %dma_start3A_795 = arith.constant 0 : i32
    %dma_start3A_796 = tpu.memref_slice %arg23[%dma_start3A_791, %dma_start3A_793, %dma_start3A_794, %dma_start3A_795] : memref<2x8x8x128xf32, #tpu.memory_space<vmem>> -> memref<1x8x8x128xf32, #tpu.memory_space<vmem>>
    %dma_start3A_797 = tpu.memref_squeeze %dma_start3A_796 : memref<1x8x8x128xf32, #tpu.memory_space<vmem>> -> memref<8x8x128xf32, #tpu.memory_space<vmem>>
    %dma_start3A_798 = arith.constant 0 : i32
    %dma_start3A_799 = arith.constant 0 : i32
    %dma_start3A_800 = tpu.memref_slice %arg9[%dma_start3A_792, %select_n3A_770, %dma_start3A_798, %dma_start3A_799] : memref<2x256x8x128xf32, #tpu.memory_space<hbm>> -> memref<1x8x8x128xf32, #tpu.memory_space<hbm>>
    %dma_start3A_801 = tpu.memref_squeeze %dma_start3A_800 : memref<1x8x8x128xf32, #tpu.memory_space<hbm>> -> memref<8x8x128xf32, #tpu.memory_space<hbm>>
    %dma_start3A_802 = arith.constant 0 : i32
    %dma_start3A_803 = arith.constant 0 : i32
    %dma_start3A_804 = tpu.memref_slice %arg9[%dma_start3A_792, %select_n3A_770, %dma_start3A_802, %dma_start3A_803] : memref<2x256x8x128xf32, #tpu.memory_space<hbm>> -> memref<1x8x8x128xf32, #tpu.memory_space<hbm>>
    %dma_start3A_805 = tpu.memref_squeeze %dma_start3A_804 : memref<1x8x8x128xf32, #tpu.memory_space<hbm>> -> memref<8x8x128xf32, #tpu.memory_space<hbm>>
    %dma_start3A_806 = arith.constant 0 : i32
    %dma_start3A_807 = arith.constant 0 : i32
    %dma_start3A_808 = arith.constant 0 : i32
    %dma_start3A_809 = tpu.memref_slice %arg23[%dma_start3A_791, %dma_start3A_806, %dma_start3A_807, %dma_start3A_808] : memref<2x8x8x128xf32, #tpu.memory_space<vmem>> -> memref<1x8x8x128xf32, #tpu.memory_space<vmem>>
    %dma_start3A_810 = tpu.memref_squeeze %dma_start3A_809 : memref<1x8x8x128xf32, #tpu.memory_space<vmem>> -> memref<8x8x128xf32, #tpu.memory_space<vmem>>
    tpu.enqueue_dma source(%dma_start3A_810 : memref<8x8x128xf32, #tpu.memory_space<vmem>>) target(%dma_start3A_805 : memref<8x8x128xf32, #tpu.memory_space<hbm>>) target_semaphore(%arg25 : memref<!tpu.dma_semaphore, #tpu.memory_space<semaphore_mem>>)
    %dma_wait3A_811 = arith.constant 0 : i32
    %dma_wait3A_812 = arith.constant 0 : i32
    %dma_wait3A_813 = tpu.memref_slice %arg7[%select_n3A, %dma_wait3A_811, %dma_wait3A_812] : memref<256x4x128xf32, #tpu.memory_space<hbm>> -> memref<8x4x128xf32, #tpu.memory_space<hbm>>
    %dma_wait3A_814 = arith.constant 0 : i32
    %dma_wait3A_815 = arith.constant 0 : i32
    %dma_wait3A_816 = tpu.memref_slice %arg7[%select_n3A, %dma_wait3A_814, %dma_wait3A_815] : memref<256x4x128xf32, #tpu.memory_space<hbm>> -> memref<8x4x128xf32, #tpu.memory_space<hbm>>
    tpu.wait_dma2 semaphore(%arg25 : memref<!tpu.dma_semaphore, #tpu.memory_space<semaphore_mem>>) src(%arg21 : memref<8x4x128xf32, #tpu.memory_space<vmem>>) dst(%dma_wait3A_816 : memref<8x4x128xf32, #tpu.memory_space<hbm>>)
    %dma_wait3A_817 = tpu.memref_slice %arg8[%add3A_575] : memref<32768xf32, #tpu.memory_space<hbm>> -> memref<1024xf32, #tpu.memory_space<hbm>>
    %dma_wait3A_818 = tpu.memref_slice %arg8[%add3A_575] : memref<32768xf32, #tpu.memory_space<hbm>> -> memref<1024xf32, #tpu.memory_space<hbm>>
    tpu.wait_dma2 semaphore(%arg25 : memref<!tpu.dma_semaphore, #tpu.memory_space<semaphore_mem>>) src(%arg22 : memref<1024xf32, #tpu.memory_space<vmem>>) dst(%dma_wait3A_818 : memref<1024xf32, #tpu.memory_space<hbm>>)
    %dma_wait3A_819 = arith.constant 0 : i32
    %dma_wait3A_820 = arith.constant 0 : i32
    %dma_wait3A_821 = arith.constant 0 : i32
    %dma_wait3A_822 = arith.constant 0 : i32
    %dma_wait3A_823 = arith.constant 0 : i32
    %dma_wait3A_824 = tpu.memref_slice %arg23[%dma_wait3A_819, %dma_wait3A_821, %dma_wait3A_822, %dma_wait3A_823] : memref<2x8x8x128xf32, #tpu.memory_space<vmem>> -> memref<1x8x8x128xf32, #tpu.memory_space<vmem>>
    %dma_wait3A_825 = tpu.memref_squeeze %dma_wait3A_824 : memref<1x8x8x128xf32, #tpu.memory_space<vmem>> -> memref<8x8x128xf32, #tpu.memory_space<vmem>>
    %dma_wait3A_826 = arith.constant 0 : i32
    %dma_wait3A_827 = arith.constant 0 : i32
    %dma_wait3A_828 = tpu.memref_slice %arg9[%dma_wait3A_820, %select_n3A_770, %dma_wait3A_826, %dma_wait3A_827] : memref<2x256x8x128xf32, #tpu.memory_space<hbm>> -> memref<1x8x8x128xf32, #tpu.memory_space<hbm>>
    %dma_wait3A_829 = tpu.memref_squeeze %dma_wait3A_828 : memref<1x8x8x128xf32, #tpu.memory_space<hbm>> -> memref<8x8x128xf32, #tpu.memory_space<hbm>>
    %dma_wait3A_830 = arith.constant 0 : i32
    %dma_wait3A_831 = arith.constant 0 : i32
    %dma_wait3A_832 = tpu.memref_slice %arg9[%dma_wait3A_820, %select_n3A_770, %dma_wait3A_830, %dma_wait3A_831] : memref<2x256x8x128xf32, #tpu.memory_space<hbm>> -> memref<1x8x8x128xf32, #tpu.memory_space<hbm>>
    %dma_wait3A_833 = tpu.memref_squeeze %dma_wait3A_832 : memref<1x8x8x128xf32, #tpu.memory_space<hbm>> -> memref<8x8x128xf32, #tpu.memory_space<hbm>>
    %dma_wait3A_834 = arith.constant 0 : i32
    %dma_wait3A_835 = arith.constant 0 : i32
    %dma_wait3A_836 = arith.constant 0 : i32
    %dma_wait3A_837 = tpu.memref_slice %arg23[%dma_wait3A_819, %dma_wait3A_834, %dma_wait3A_835, %dma_wait3A_836] : memref<2x8x8x128xf32, #tpu.memory_space<vmem>> -> memref<1x8x8x128xf32, #tpu.memory_space<vmem>>
    %dma_wait3A_838 = tpu.memref_squeeze %dma_wait3A_837 : memref<1x8x8x128xf32, #tpu.memory_space<vmem>> -> memref<8x8x128xf32, #tpu.memory_space<vmem>>
    tpu.wait_dma2 semaphore(%arg25 : memref<!tpu.dma_semaphore, #tpu.memory_space<semaphore_mem>>) src(%dma_wait3A_838 : memref<8x8x128xf32, #tpu.memory_space<vmem>>) dst(%dma_wait3A_833 : memref<8x8x128xf32, #tpu.memory_space<hbm>>)
    %dma_wait3A_839 = arith.constant 1 : i32
    %dma_wait3A_840 = arith.constant 1 : i32
    %dma_wait3A_841 = arith.constant 0 : i32
    %dma_wait3A_842 = arith.constant 0 : i32
    %dma_wait3A_843 = arith.constant 0 : i32
    %dma_wait3A_844 = tpu.memref_slice %arg23[%dma_wait3A_839, %dma_wait3A_841, %dma_wait3A_842, %dma_wait3A_843] : memref<2x8x8x128xf32, #tpu.memory_space<vmem>> -> memref<1x8x8x128xf32, #tpu.memory_space<vmem>>
    %dma_wait3A_845 = tpu.memref_squeeze %dma_wait3A_844 : memref<1x8x8x128xf32, #tpu.memory_space<vmem>> -> memref<8x8x128xf32, #tpu.memory_space<vmem>>
    %dma_wait3A_846 = arith.constant 0 : i32
    %dma_wait3A_847 = arith.constant 0 : i32
    %dma_wait3A_848 = tpu.memref_slice %arg9[%dma_wait3A_840, %select_n3A_770, %dma_wait3A_846, %dma_wait3A_847] : memref<2x256x8x128xf32, #tpu.memory_space<hbm>> -> memref<1x8x8x128xf32, #tpu.memory_space<hbm>>
    %dma_wait3A_849 = tpu.memref_squeeze %dma_wait3A_848 : memref<1x8x8x128xf32, #tpu.memory_space<hbm>> -> memref<8x8x128xf32, #tpu.memory_space<hbm>>
    %dma_wait3A_850 = arith.constant 0 : i32
    %dma_wait3A_851 = arith.constant 0 : i32
    %dma_wait3A_852 = tpu.memref_slice %arg9[%dma_wait3A_840, %select_n3A_770, %dma_wait3A_850, %dma_wait3A_851] : memref<2x256x8x128xf32, #tpu.memory_space<hbm>> -> memref<1x8x8x128xf32, #tpu.memory_space<hbm>>
    %dma_wait3A_853 = tpu.memref_squeeze %dma_wait3A_852 : memref<1x8x8x128xf32, #tpu.memory_space<hbm>> -> memref<8x8x128xf32, #tpu.memory_space<hbm>>
    %dma_wait3A_854 = arith.constant 0 : i32
    %dma_wait3A_855 = arith.constant 0 : i32
    %dma_wait3A_856 = arith.constant 0 : i32
    %dma_wait3A_857 = tpu.memref_slice %arg23[%dma_wait3A_839, %dma_wait3A_854, %dma_wait3A_855, %dma_wait3A_856] : memref<2x8x8x128xf32, #tpu.memory_space<vmem>> -> memref<1x8x8x128xf32, #tpu.memory_space<vmem>>
    %dma_wait3A_858 = tpu.memref_squeeze %dma_wait3A_857 : memref<1x8x8x128xf32, #tpu.memory_space<vmem>> -> memref<8x8x128xf32, #tpu.memory_space<vmem>>
    tpu.wait_dma2 semaphore(%arg25 : memref<!tpu.dma_semaphore, #tpu.memory_space<semaphore_mem>>) src(%dma_wait3A_858 : memref<8x8x128xf32, #tpu.memory_space<vmem>>) dst(%dma_wait3A_853 : memref<8x8x128xf32, #tpu.memory_space<hbm>>)
    return
  }
}

</mosaic_0001>

<sc_bundles>
// kernel: kernel.3.cloned.1.call-start
scs
__scs_entry_jumppad:
0x0: {  	(pc) =	sbr.rel $0x88, $3  }
0x1: {  	(tag) =	ssettag $0x0;
	lr =	simm.s32 $0x1  }
0x2: {  	[smem:$0x3F9D] =	sst lr;
	_ =	strace $0xD0000000  }
0x3: {  	_ = 	snop  }
0x4: {  	_ = 	snop  }
0x5: {  	_ = 	snop  }
0x6: {  	_ = 	snop  }
0x7: {  	_ = 	snop  }
__scs_overlays_trampoline_lowered:
0x8: {  	[smem:$0x3FAC] =	sst s0  }
0x9: {  	[smem:$0x3FAD] =	sst s1  }
0xa: {  	[smem:$0x3FAE] =	sst s2  }
0xb: {  	[smem:$0x3FAF] =	sst s3  }
0xc: {  	[smem:$0x3FB0] =	sst s4  }
0xd: {  	[smem:$0x3FB1] =	sst s5  }
0xe: {  	[smem:$0x3FB2] =	sst s6  }
0xf: {  	[smem:$0x3FB3] =	sst s7  }
0x10: {  	[smem:$0x3FB4] =	sst s8  }
0x11: {  	[smem:$0x3FB5] =	sst s9;
	s0 =	simm.s32 @!p0 $0x0  }
0x12: {  	s1 =	sld [smem:$0x3F9B];
	s0 =	simm.s32 @p0 $0x1  }
0x13: {  	[smem:$0x3FB6] =	sst s0;
	s0 =	simm.s32 @!p1 $0x0  }
0x14: {  	s2 =	sld [smem:$0x3F9A];
	s0 =	simm.s32 @p1 $0x1  }
0x15: {  	[smem:$0x3FB7] =	sst s0;
	s0 =	simm.s32 @!p2 $0x0  }
0x16: {  	s3 =	sld [smem:$0x3FDB];
	s0 =	simm.s32 @p2 $0x1  }
0x17: {  	s4 =	simm.s32 $0x1BF5;
	[smem:$0x3FB9] =	sst s0  }
0x18: {  	s0 =	sld [smem:$0x3F9C];
	_ =	swait.ge [sflag:s4], $0x0  }
0x19: {  	s7 =	sld [smem:$0x3F9D]  }
0x1a: {  	s8 =	sadd.s32 $0xFFFFE003, lr  }
0x1b: {  	s9 =	sadd.s32 $0xFFFFFEF7, lr;
	s5 =	simm.s32 $0xFFFFFFFF;
	p2 =	slt.u32 s8, $0xFFFFF086  }
0x1c: {  	p1 =	slt.u32 s9, $0xF7A;
	s5 =	simm.s32 @!p2 $0x0  }
0x1d: {  	s5 =	simm.s32 @p1 $0x1;
	p0 =	seq.s32 s7, s2  }
0x1e: {  	s7 =	smul.u32 @!p0 $0xF7A, s2;
	p2 =	seq.s32 @!p0 s5, $0x0  }
0x1f: {  	s9 =	smul.u32 $0xF7A, s1;
	s8 =	simm.s32 @!p0 $0x1BF5;
	p2 =	por !p2, p0  }
0x20: {  	[sflag:s8] =	ssyncset.s32 @!p0 $0xFFFFF086;
	s6 =	sadd.s32 @!p0 s3, s7;
	s7 =	simm.s32 @!p0 $0x108  }
0x21: {  	s3 =	sadd.s32 s3, s9;
	s6 =	sadd.s32 @!p0 $0x88, s6;
	s7 =	simm.s32 @p2 $0x1082  }
0x22: {  	[simem:s7], [sflag:s8] =	dma.local @!p0 [hbm:s6], $0xF7A  }
0x23: {  	s9 =	sor.u32 $0xD0000000, s2;
	s6 =	simm.s32 $0x108;
	_ =	swait.ge @!p0 [sflag:s8], $0x0  }
0x24: {  	s3 =	sadd.s32 $0x88, s3;
	s6 =	simm.s32 @!p1 $0x1082;
	[sflag:s4] =	ssyncset.s32 $0xFFFFF086  }
0x25: {  	[simem:s6], [sflag:s4] =	dma.local [hbm:s3], $0xF7A  }
0x26: {  	[smem:$0x3F9D] =	sst s1;
	(tag) =	ssettag s2;
	_ =	strace s9  }
0x27: {  	s1 =	sld [smem:$0x3FAD]  }
0x28: {  	s2 =	sld [smem:$0x3FAE]  }
0x29: {  	s4 =	sld [smem:$0x3FB0]  }
0x2a: {  	p0 =	seq.s32 s5, $0x0;
	s5 =	sld [smem:$0x3FB1]  }
0x2b: {  	s6 =	sld [smem:$0x3FB2]  }
0x2c: {  	s7 =	sld [smem:$0x3FB3]  }
0x2d: {  	s3 =	simm.s32 $0x108;
	s8 =	sld [smem:$0x3FB4]  }
0x2e: {  	s3 =	simm.s32 @!p0 $0x1082;
	s9 =	sld [smem:$0x3FB5]  }
0x2f: {  	lr =	sadd.s32 s0, s3;
	s0 =	sld [smem:$0x3FAC]  }
0x30: {  	s3 =	sld [smem:$0x3FAF]  }
0x31: {  	[smem:$0x3FB8] =	sst s10  }
0x32: {  	s10 =	sld [smem:$0x3FB6];
	_ =	sdelay $0x3  }
0x33: {  	p0 =	seq.s32 s10, $0x1;
	s10 =	sld [smem:$0x3FB8];
	_ =	sdelay $0x3  }
0x34: {  	[smem:$0x3FB8] =	sst s10  }
0x35: {  	s10 =	sld [smem:$0x3FB7];
	_ =	sdelay $0x3  }
0x36: {  	p1 =	seq.s32 s10, $0x1;
	s10 =	sld [smem:$0x3FB8];
	_ =	sdelay $0x3  }
0x37: {  	[smem:$0x3FB8] =	sst s10  }
0x38: {  	s10 =	sld [smem:$0x3FB9]  }
0x39: {  	_ = 	snop;
	(pc) =	sbr.ind lr, $3  }
0x3a: {  	_ = 	snop  }
0x3b: {  	_ = 	snop  }
0x3c: {  	p2 =	seq.s32 s10, $0x1;
	s10 =	sld [smem:$0x3FB8]  }
0x3d: {  	_ =	shalt  }
0x3e: {  	_ =	shalt  }
0x3f: {  	_ =	shalt  }
0x40: {  	_ =	shalt  }
0x41: {  	_ =	shalt  }
0x42: {  	_ =	shalt  }
0x43: {  	_ =	shalt  }
0x44: {  	_ =	shalt  }
0x45: {  	_ =	shalt  }
0x46: {  	_ =	shalt  }
0x47: {  	_ =	shalt  }
0x48: {  	_ =	shalt  }
0x49: {  	_ =	shalt  }
0x4a: {  	_ =	shalt  }
0x4b: {  	_ =	shalt  }
0x4c: {  	_ =	shalt  }
0x4d: {  	_ =	shalt  }
0x4e: {  	_ =	shalt  }
0x4f: {  	_ =	shalt  }
0x50: {  	_ =	shalt  }
0x51: {  	_ =	shalt  }
0x52: {  	_ =	shalt  }
0x53: {  	_ =	shalt  }
0x54: {  	_ =	shalt  }
0x55: {  	_ =	shalt  }
0x56: {  	_ =	shalt  }
0x57: {  	_ =	shalt  }
0x58: {  	_ =	shalt  }
0x59: {  	_ =	shalt  }
0x5a: {  	_ =	shalt  }
0x5b: {  	_ =	shalt  }
0x5c: {  	_ =	shalt  }
0x5d: {  	_ =	shalt  }
0x5e: {  	_ =	shalt  }
0x5f: {  	_ =	shalt  }
0x60: {  	_ =	shalt  }
0x61: {  	_ =	shalt  }
0x62: {  	_ =	shalt  }
0x63: {  	_ =	shalt  }
0x64: {  	_ =	shalt  }
0x65: {  	_ =	shalt  }
0x66: {  	_ =	shalt  }
0x67: {  	_ =	shalt  }
0x68: {  	_ =	shalt  }
0x69: {  	_ =	shalt  }
0x6a: {  	_ =	shalt  }
0x6b: {  	_ =	shalt  }
0x6c: {  	_ =	shalt  }
0x6d: {  	_ =	shalt  }
0x6e: {  	_ =	shalt  }
0x6f: {  	_ =	shalt  }
0x70: {  	_ =	shalt  }
0x71: {  	_ =	shalt  }
0x72: {  	_ =	shalt  }
0x73: {  	_ =	shalt  }
0x74: {  	_ =	shalt  }
0x75: {  	_ =	shalt  }
0x76: {  	_ =	shalt  }
0x77: {  	_ =	shalt  }
0x78: {  	_ =	shalt  }
0x79: {  	_ =	shalt  }
0x7a: {  	_ =	shalt  }
0x7b: {  	_ =	shalt  }
0x7c: {  	_ =	shalt  }
0x7d: {  	_ =	shalt  }
0x7e: {  	_ =	shalt  }
0x7f: {  	_ =	shalt  }
0x80: {  	_ =	shalt  }
0x81: {  	_ =	shalt  }
0x82: {  	_ =	shalt  }
0x83: {  	_ =	shalt  }
0x84: {  	_ =	shalt  }
0x85: {  	_ =	shalt  }
0x86: {  	_ =	shalt  }
0x87: {  	_ =	shalt  }
.Lfunc_end0:
.L_simem_size_0:
called_computation_lowered:
.L_overlay_start_0:
0x88: {  	s2 =	sld [smem:$0x3FD9]  }
0x89: {  	s3 =	sld [smem:$0x3FFE];
	_ =	sdelay $0x1  }
0x8a: {  	s1 =	srdreg.scid  }
0x8b: {  	s0 =	sand.u32 $0x1, s1  }
0x8c: {  	s14 =	sshll.u32 s0, $0xA;
	s2 =	sadd.s32 s3, s2  }
0x8d: {  	s2 =	sadd.s32 s2, s14  }
0x8e: {  	[smem:$0x3FC4] =	sst s2  }
0x8f: {  	_ = 	snop  }
0x90: {  	s2 =	sld [smem:$0x3FD0]  }
0x91: {  	s15 =	sld [smem:$0x3FC8]  }
0x92: {  	s4 =	sld [smem:$0x3FC7]  }
0x93: {  	s6 =	simm.s32 $0xA;
	s7 =	simm.s32 $0x10;
	s5 =	sld [smem:$0x3FC6]  }
0x94: {  	[smem:s7], [sflag:s6] =	dma.local [hbm:s2], $0x1  }
0x95: {  	_ =	swait.eq [sflag:s6], $0x1  }
0x96: {  	s16 =	sld [smem:$0x10]  }
0x97: {  	s17 =	sld [smem:$0x11];
	[sflag:s6] =	ssyncset.done $0x0  }
0x98: {  	s8 =	sld [smem:$0x12];
	[sflag:s6] =	ssyncadd.s32 $0xFFFFFFFF  }
0x99: {  	s18 =	sld [smem:$0x13];
	(tm) =	ssettm $0x1  }
0x9a: {  	s9 =	sld [smem:$0x3FFB];
	_ =	sdelay $0x3  }
0x9b: {  	_ =	strace s9  }
0x9c: {  	s9 =	sld [smem:$0x3FFC];
	_ =	sdelay $0x3  }
0x9d: {  	_ =	strace s9  }
0x9e: {  	s9 =	sld [smem:$0x3FFD];
	_ =	sdelay $0x3  }
0x9f: {  	_ =	strace s9  }
0xa0: {  	_ =	strace $0x8FFFFFFF  }
0xa1: {  	s19 =	sld [smem:$0x3FDB];
	_ =	sdelay $0x1  }
0xa2: {  	s10 =	simm.s32 $_scs_section_size  }
0xa3: {  	s11 =	simm.s32 $_size__tile_overlayer_lowered;
	s12 =	simm.s32 $_tile_overlayer_lowered  }
0xa4: {  	s22 =	simm.s32 $0x1BFF;
	s21 =	sshll.u32 s12, $0x1;
	s9 =	sadd.s32 s10, s19  }
0xa5: {  	s13 =	simm.s32 $0x0;
	s20 =	sshll.u32 s11, $0x1;
	s11 =	sadd.s32 s21, s9  }
0xa6: {  	[timem:s13], [sflag:s22] =	dma.local [hbm:s11], s20  }
0xa7: {  	_ =	swait.ge [sflag:s22], s20  }
0xa8: {  	s10 =	ssub.s32 $0x0, s20;
	[sflag:s22] =	ssyncset.done $0x0  }
0xa9: {  	[sflag:s22] =	ssyncadd.s32 s10;
	_ =	sdelay $0x1  }
0xaa: {  	s23 =	simm.s32 $0x1B8B  }
0xab: {  	_ =	swait.ge [sflag:s23], $0x1  }
0xac: {  	[sflag:s23] =	ssyncset.done $0x0  }
0xad: {  	s25 =	simm.s32 $0x1B8E;
	s24 =	sld [smem:$0x3FFE];
	[sflag:s23] =	ssyncadd.s32 $0xFFFFFFFF  }
0xae: {  	s26 =	simm.s32 $execute0_lowered;
	[smem:$0x3FD2] =	sst s25  }
0xaf: {  	s11 =	sshll.u32 s26, $0x1;
	_ =	strace $0x80000046;
	[dreg:$0x1] =	wrdreg $0xFFFFFFFF  }
0xb0: {  	s28 =	simm.s32 $_size_execute0_lowered;
	s9 =	sadd.s32 s9, s11;
	[dreg:$0x0] =	wrdreg $0x0  }
0xb1: {  	s11 =	sshll.u32 s28, $0x1;
	[dreg:$0x2] =	wrdreg s9  }
0xb2: {  	[dreg:$0x3] =	wrdreg s11  }
0xb3: {  	[dreg:$0x4] =	wrdreg $0xC0  }
0xb4: {  	_ =	task [dreg:s13], $0x5FFFF  }
0xb5: {  	[dreg:$0x1] =	wrdreg $0xFFFFFFFF  }
0xb6: {  	[dreg:$0x0] =	wrdreg $0x60  }
0xb7: {  	[dreg:$0x2] =	wrdreg s24  }
0xb8: {  	[dreg:$0x3] =	wrdreg s15  }
0xb9: {  	[dreg:$0x4] =	wrdreg s4  }
0xba: {  	[dreg:$0x5] =	wrdreg s5  }
0xbb: {  	[dreg:$0x6] =	wrdreg s16  }
0xbc: {  	[dreg:$0x7] =	wrdreg s17  }
0xbd: {  	[dreg:$0x8] =	wrdreg s8  }
0xbe: {  	[dreg:$0x9] =	wrdreg s18  }
0xbf: {  	[dreg:$0xa] =	wrdreg $0x28400  }
0xc0: {  	[dreg:$0xb] =	wrdreg $0x9  }
0xc1: {  	_ =	task.clear_ibuf [dreg:s13], $0xCFFFF;
	_ =	strace $0x90000046  }
0xc2: {  	s29 =	simm.s32 $0x9;
	_ =	strace $0x80000048  }
0xc3: {  	_ =	swait.ge [sflag:s29], $0x1  }
0xc4: {  	[sflag:s29] =	ssyncadd.s32 $0xFFFFFFFF  }
0xc5: {  	_ =	strace $0x90000048  }
0xc6: {  	_ =	sfence  }
0xc7: {  	s30 =	sld [smem:$0x0];
	_ =	sdelay $0x2  }
0xc8: {  	s31 =	sshll.u32 s1, $0xD;
	s1 =	sshrl.u32 s1, $0x2  }
0xc9: {  	s3 =	sand.u32 $0x4000, s31;
	s1 =	sadd.s32 s1, s30  }
0xca: {  	s0 =	sor.u32 s3, s0;
	s1 =	sshll.u32 s1, $0x11  }
0xcb: {  	s0 =	sor.u32 s1, s0  }
0xcc: {  	s0 =	sadd.s32 $0x8F2B, s0  }
0xcd: {  	[sflag:s0] =	ssyncadd.remote.s32 $0x1  }
0xce: {  	_ =	sfence.sel $0xFFFF  }
0xcf: {  	[dreg:$0x0] =	wrdreg $0xFFFFFFFF;
	(pc) =	sbr.abs _section_cstart, $3  }
0xd0: {  	[dreg:$0x1] =	wrdreg $0xFFFFFFFF  }
0xd1: {  	_ =	task.clear_ibuf [dreg:s13], $0x2FFFF;
	_ =	strace $0x9FFFFFFF  }
0xd2: {  	(tm) =	ssettm $0x7FFFFFFF  }
0xd3: {  	_ =	shalt  }
tec
execute0_lowered:
.L_overlay_start_1:
0x0: {  	(tag) =	ssettag $0x1  }
0x1: {  	s0 =	rddreg [dreg:$0x0]  }
0x2: {  	s1 =	rddreg [dreg:$0x1]  }
0x3: {  	s2 =	rddreg [dreg:$0x5]  }
0x4: {  	s3 =	rddreg [dreg:$0x6]  }
0x5: {  	s5 =	rddreg [dreg:$0x7]  }
0x6: {  	s4 =	rddreg [dreg:$0x8];
	s6 =	srdreg.scid  }
0x7: {  	s12 =	stileid.u32;
	s19 =	simm.s32 $0x1;
	s20 =	simm.s32 $0x2000  }
0x8: {  	s21 =	simm.s32 $0x2100;
	s28 =	simm.s32 $0x2880;
	s30 =	simm.s32 $0x38D0  }
0x9: {  	s31 =	simm.s32 $0x3CD0;
	s10 =	sand.u32 $0x1, s6;
	s6 =	simm.s32 $0x0  }
0xa: {  	s9 =	sshll.u32 s12, $0x8;
	s11 =	sshll.u32 s12, $0xB;
	s7 =	ssub.s32 $0x2, s10  }
0xb: {  	[smem:$0x7FF] =	sst s6;
	s0 =	sadd.s32 s9, s0;
	s22 =	sshll.u32 s10, $0xA  }
0xc: {  	s23 =	sshrl.u32 s9, $0x2;
	s24 =	sor.u32 s12, s10;
	s8 =	sshrl.u32 s7, $0x1  }
0xd: {  	_ =	strace $0x80000047;
	s11 =	sor.u32 s22, s11;
	s29 =	sor.u32 $0x20, s22  }
0xe: {  	p0 =	sne.s32 s24, $0x0;
	s14 =	ssub.s32 s7, s8;
	s7 =	sadd.s32 s1, s9  }
0xf: {  	s8 =	sadd.s32 $0x800, s0;
	s9 =	sadd.s32 s23, s4;
	s1 =	sor.u32 $0x1020, s22  }
0x10: {  	s25 =	sshrl.u32 s11, $0x1;
	s26 =	sshrl.u32 s11, $0x3;
	s11 =	sadd.s32 s5, s11;
	v1 =	vmov s1  }
0x11: {  	s22 =	simm.s32 $0x2200;
	s23 =	simm.s32 $0x2300;
	s5 =	simm.s32 $0x0  }
0x12: {  	v3 =	vlaneseq.u32;
	v2 =	vimm.f32 $0.0e+00;
	s10 =	sadd.s32 s2, s25;
	s12 =	sadd.s32 s3, s26;
	s13 =	sadd.s32 $0x8000, s11  }
0x13: {  	v4 =	vimm.f32 $1.000000000e+00;
	v3 =	vmul.u32 $0x10, v3;
	v0 =	vmov s29;
	s14 =	smax.u32 s14, $0x1;
	s25 =	simm.s32 $0x2;
	s2 =	simm.s32 $0x5CD0  }
.LBB2_1:
0x14: {  	[tilespmem:s6], [sflag:$0x1] =	stream.linear.gather [hbm4b:s7+s6], $0x800, $0x38;
	[tilespmem:$0x7ED0] =	vst v63  }
0x15: {  	s0 =	simm.s32 $0x8000;
	s1 =	simm.s32 $0x800  }
0x16: {  	[tilespmem:s1], [sflag:$0x1] =	stream.strided.gather [hbm4b:s8+s1], $0x1800, s0, s1, $0x38;
	[tilespmem:$0x7ED0] =	vst v63  }
0x17: {  	s17 =	rddreg [dreg:$0x2];
	s18 =	simm.s32 $0x28B0  }
0x18: {  	[tilespmem:s18], [sflag:$0x1] =	stream.linear.gather [hbm4b:s17+s6], $0x10, $0x38;
	[tilespmem:$0x7ED0] =	vst v63  }
0x19: {  	s24 =	rddreg [dreg:$0x3];
	s26 =	simm.s32 $0x28C0  }
0x1a: {  	[tilespmem:s26], [sflag:$0x1] =	stream.linear.gather [hbm4b:s24+s6], $0x10, $0x38;
	[tilespmem:$0x7ED0] =	vst v63  }
0x1b: {  	[tilespmem:$0x2000] =	vst v2  }
0x1c: {  	[tilespmem:$0x2100] =	vst v2  }
0x1d: {  	[tilespmem:$0x2200] =	vst v2  }
0x1e: {  	[tilespmem:$0x2300] =	vst v2  }
0x1f: {  	[tilespmem:$0x2010] =	vst v2  }
0x20: {  	[tilespmem:$0x2110] =	vst v2  }
0x21: {  	[tilespmem:$0x2210] =	vst v2  }
0x22: {  	[tilespmem:$0x2310] =	vst v2  }
0x23: {  	[tilespmem:$0x2020] =	vst v2  }
0x24: {  	[tilespmem:$0x2120] =	vst v2  }
0x25: {  	[tilespmem:$0x2220] =	vst v2  }
0x26: {  	[tilespmem:$0x2320] =	vst v2  }
0x27: {  	[tilespmem:$0x2030] =	vst v2  }
0x28: {  	[tilespmem:$0x2130] =	vst v2  }
0x29: {  	[tilespmem:$0x2230] =	vst v2  }
0x2a: {  	[tilespmem:$0x2330] =	vst v2  }
0x2b: {  	[tilespmem:$0x2040] =	vst v2  }
0x2c: {  	[tilespmem:$0x2140] =	vst v2  }
0x2d: {  	[tilespmem:$0x2240] =	vst v2  }
0x2e: {  	[tilespmem:$0x2340] =	vst v2  }
0x2f: {  	[tilespmem:$0x2050] =	vst v2  }
0x30: {  	[tilespmem:$0x2150] =	vst v2  }
0x31: {  	[tilespmem:$0x2250] =	vst v2  }
0x32: {  	[tilespmem:$0x2350] =	vst v2  }
0x33: {  	[tilespmem:$0x2060] =	vst v2  }
0x34: {  	[tilespmem:$0x2160] =	vst v2  }
0x35: {  	[tilespmem:$0x2260] =	vst v2  }
0x36: {  	[tilespmem:$0x2360] =	vst v2  }
0x37: {  	[tilespmem:$0x2070] =	vst v2  }
0x38: {  	[tilespmem:$0x2170] =	vst v2  }
0x39: {  	[tilespmem:$0x2270] =	vst v2  }
0x3a: {  	[tilespmem:$0x2370] =	vst v2  }
0x3b: {  	[tilespmem:$0x2080] =	vst v2  }
0x3c: {  	[tilespmem:$0x2180] =	vst v2  }
0x3d: {  	[tilespmem:$0x2280] =	vst v2  }
0x3e: {  	[tilespmem:$0x2380] =	vst v2  }
0x3f: {  	[tilespmem:$0x2090] =	vst v2  }
0x40: {  	[tilespmem:$0x2190] =	vst v2  }
0x41: {  	[tilespmem:$0x2290] =	vst v2  }
0x42: {  	[tilespmem:$0x2390] =	vst v2  }
0x43: {  	[tilespmem:$0x20A0] =	vst v2  }
0x44: {  	[tilespmem:$0x21A0] =	vst v2  }
0x45: {  	[tilespmem:$0x22A0] =	vst v2  }
0x46: {  	[tilespmem:$0x23A0] =	vst v2  }
0x47: {  	[tilespmem:$0x20B0] =	vst v2  }
0x48: {  	[tilespmem:$0x21B0] =	vst v2  }
0x49: {  	[tilespmem:$0x22B0] =	vst v2  }
0x4a: {  	[tilespmem:$0x23B0] =	vst v2  }
0x4b: {  	[tilespmem:$0x20C0] =	vst v2  }
0x4c: {  	[tilespmem:$0x21C0] =	vst v2  }
0x4d: {  	[tilespmem:$0x22C0] =	vst v2  }
0x4e: {  	[tilespmem:$0x23C0] =	vst v2  }
0x4f: {  	[tilespmem:$0x20D0] =	vst v2  }
0x50: {  	[tilespmem:$0x21D0] =	vst v2  }
0x51: {  	[tilespmem:$0x22D0] =	vst v2  }
0x52: {  	[tilespmem:$0x23D0] =	vst v2  }
0x53: {  	[tilespmem:$0x20E0] =	vst v2  }
0x54: {  	[tilespmem:$0x21E0] =	vst v2  }
0x55: {  	[tilespmem:$0x22E0] =	vst v2  }
0x56: {  	[tilespmem:$0x23E0] =	vst v2  }
0x57: {  	[tilespmem:$0x20F0] =	vst v2  }
0x58: {  	[tilespmem:$0x21F0] =	vst v2  }
0x59: {  	[tilespmem:$0x22F0] =	vst v2  }
0x5a: {  	[tilespmem:$0x23F0] =	vst v2  }
0x5b: {  	_ =	swait.ge [sflag:s19], $0x800  }
0x5c: {  	[sflag:s19] =	ssyncset.done $0x0  }
0x5d: {  	[sflag:s19] =	ssyncadd.s32 $0xFFFFF800  }
0x5e: {  	_ =	swait.ge [sflag:s19], $0x1800  }
0x5f: {  	[sflag:s19] =	ssyncset.done $0x0  }
0x60: {  	[sflag:s19] =	ssyncadd.s32 $0xFFFFE800  }
0x61: {  	_ =	swait.ge [sflag:s19], $0x10  }
0x62: {  	[sflag:s19] =	ssyncset.done $0x0  }
0x63: {  	[sflag:s19] =	ssyncadd.s32 $0xFFFFFFF0  }
0x64: {  	_ =	swait.ge [sflag:s19], $0x10  }
0x65: {  	[sflag:s19] =	ssyncset.done $0x0  }
0x66: {  	s29 =	simm.s32 $0x40;
	[sflag:s19] =	ssyncadd.s32 $0xFFFFFFF0  }
0x67: {  	v5 =	vld [tilespmem:s29+$0x30]  }
0x68: {  	v6 =	vld [tilespmem:s29+$0xFFFFFFD0]  }
0x69: {  	v7 =	vld [tilespmem:s29+$0xFFFFFFE0]  }
0x6a: {  	v8 =	vld [tilespmem:s29+$0xFFFFFFF0]  }
0x6b: {  	s0 =	simm.s32 $0x1040;
	v9 =	vld [tilespmem:s29+$0x0]  }
0x6c: {  	v10 =	vld [tilespmem:s0+$0xFFFFF830]  }
0x6d: {  	v11 =	vld [tilespmem:s0+$0x30]  }
0x6e: {  	v12 =	vld [tilespmem:s0+$0x830]  }
0x6f: {  	v13 =	vld [tilespmem:s29+$0x10]  }
0x70: {  	v14 =	vld [tilespmem:s29+$0x20]  }
0x71: {  	v61 =	vld [tilespmem:s0+$0xFFFFF7C0]  }
0x72: {  	v62 =	vld [tilespmem:s0+$0xFFFFFFC0]  }
0x73: {  	v63 =	vld [tilespmem:s0+$0x7C0]  }
0x74: {  	v15 =	vld [tilespmem:s0+$0xFFFFF7D0]  }
0x75: {  	v16 =	vld [tilespmem:s0+$0xFFFFFFD0]  }
0x76: {  	v17 =	vld [tilespmem:s0+$0x7D0]  }
0x77: {  	v18 =	vld [tilespmem:s0+$0xFFFFF7E0]  }
0x78: {  	v19 =	vld [tilespmem:s0+$0xFFFFFFE0]  }
0x79: {  	v20 =	vld [tilespmem:s0+$0x7E0]  }
0x7a: {  	v21 =	vld [tilespmem:s0+$0xFFFFF7F0]  }
0x7b: {  	v22 =	vld [tilespmem:s0+$0xFFFFFFF0]  }
0x7c: {  	v23 =	vld [tilespmem:s0+$0x7F0]  }
0x7d: {  	v24 =	vld [tilespmem:s0+$0xFFFFF800]  }
0x7e: {  	v25 =	vld [tilespmem:s0+$0x0]  }
0x7f: {  	v26 =	vld [tilespmem:s0+$0x800]  }
0x80: {  	v27 =	vld [tilespmem:s0+$0xFFFFF810];
	v5 =	vadd.s32 v3, v5  }
0x81: {  	v28 =	vld [tilespmem:s0+$0x10]  }
0x82: {  	v29 =	vld [tilespmem:s0+$0x810]  }
0x83: {  	v30 =	vld [tilespmem:s0+$0xFFFFF820]  }
0x84: {  	v31 =	vld [tilespmem:s0+$0x20]  }
0x85: {  	[tilespmem:v5+s20+$0x0] =	vst.idx.add.f32.msk $0xffff, v10  }
0x86: {  	v6 =	vadd.s32 v3, v6;
	[tilespmem:v5+s21+$0x0] =	vst.idx.add.f32.msk $0xffff, v11  }
0x87: {  	v7 =	vadd.s32 v3, v7;
	[tilespmem:v5+s22+$0x0] =	vst.idx.add.f32.msk $0xffff, v12  }
0x88: {  	[tilespmem:v5+s23+$0x0] =	vst.idx.add.f32.msk $0xffff, v4  }
0x89: {  	v5 =	vld [tilespmem:s29+$0xFFFFFFC0]  }
0x8a: {  	v32 =	vld [tilespmem:s0+$0x820]  }
0x8b: {  	[tilespmem:v6+s20+$0x0] =	vst.idx.add.f32.msk $0xffff, v15  }
0x8c: {  	[tilespmem:v7+s20+$0x0] =	vst.idx.add.f32.msk $0xffff, v18  }
0x8d: {  	[tilespmem:v6+s21+$0x0] =	vst.idx.add.f32.msk $0xffff, v16  }
0x8e: {  	[tilespmem:v7+s21+$0x0] =	vst.idx.add.f32.msk $0xffff, v19;
	v5 =	vadd.s32 v3, v5  }
0x8f: {  	[tilespmem:v6+s22+$0x0] =	vst.idx.add.f32.msk $0xffff, v17  }
0x90: {  	[tilespmem:v7+s22+$0x0] =	vst.idx.add.f32.msk $0xffff, v20  }
0x91: {  	[tilespmem:v6+s23+$0x0] =	vst.idx.add.f32.msk $0xffff, v4  }
0x92: {  	v6 =	vadd.s32 v3, v9;
	[tilespmem:v7+s23+$0x0] =	vst.idx.add.f32.msk $0xffff, v4  }
0x93: {  	v7 =	vadd.s32 v3, v13;
	[tilespmem:v5+s20+$0x0] =	vst.idx.add.f32.msk $0xffff, v61  }
0x94: {  	[tilespmem:v5+s21+$0x0] =	vst.idx.add.f32.msk $0xffff, v62  }
0x95: {  	[tilespmem:v5+s22+$0x0] =	vst.idx.add.f32.msk $0xffff, v63  }
0x96: {  	[tilespmem:v5+s23+$0x0] =	vst.idx.add.f32.msk $0xffff, v4;
	v5 =	vadd.s32 v3, v8  }
0x97: {  	[tilespmem:v6+s20+$0x0] =	vst.idx.add.f32.msk $0xffff, v24  }
0x98: {  	[tilespmem:v7+s20+$0x0] =	vst.idx.add.f32.msk $0xffff, v27  }
0x99: {  	[tilespmem:v6+s21+$0x0] =	vst.idx.add.f32.msk $0xffff, v25  }
0x9a: {  	[tilespmem:v7+s21+$0x0] =	vst.idx.add.f32.msk $0xffff, v28  }
0x9b: {  	[tilespmem:v5+s20+$0x0] =	vst.idx.add.f32.msk $0xffff, v21  }
0x9c: {  	[tilespmem:v5+s21+$0x0] =	vst.idx.add.f32.msk $0xffff, v22  }
0x9d: {  	[tilespmem:v5+s22+$0x0] =	vst.idx.add.f32.msk $0xffff, v23  }
0x9e: {  	[tilespmem:v5+s23+$0x0] =	vst.idx.add.f32.msk $0xffff, v4;
	v5 =	vadd.s32 v3, v14  }
0x9f: {  	[tilespmem:v6+s22+$0x0] =	vst.idx.add.f32.msk $0xffff, v26  }
0xa0: {  	[tilespmem:v7+s22+$0x0] =	vst.idx.add.f32.msk $0xffff, v29  }
0xa1: {  	[tilespmem:v6+s23+$0x0] =	vst.idx.add.f32.msk $0xffff, v4  }
0xa2: {  	[tilespmem:v7+s23+$0x0] =	vst.idx.add.f32.msk $0xffff, v4  }
0xa3: {  	[tilespmem:v5+s20+$0x0] =	vst.idx.add.f32.msk $0xffff, v30  }
0xa4: {  	[tilespmem:v5+s21+$0x0] =	vst.idx.add.f32.msk $0xffff, v31  }
0xa5: {  	[tilespmem:v5+s22+$0x0] =	vst.idx.add.f32.msk $0xffff, v32  }
0xa6: {  	s3 =	simm.s32 $0xC0;
	s1 =	simm.s32 $0x0;
	[tilespmem:v5+s23+$0x0] =	vst.idx.add.f32.msk $0xffff, v4  }
.LBB2_2:
0xa7: {  	v5 =	vld [tilespmem:s3+$0x30]  }
0xa8: {  	v6 =	vld [tilespmem:s3+$0xFFFFFFD0]  }
0xa9: {  	v7 =	vld [tilespmem:s3+$0xFFFFFFE0]  }
0xaa: {  	s1 =	sadd.s32 $0x8, s1;
	v8 =	vld [tilespmem:s3+$0xFFFFFFF0]  }
0xab: {  	s0 =	sadd.s32 $0x80, s0;
	p1 =	slt.u32 s1, $0x78;
	v9 =	vld [tilespmem:s3+$0x0]  }
0xac: {  	v10 =	vld [tilespmem:s0+$0xFFFFF830];
	v5 =	vadd.s32 v3, v5  }
0xad: {  	v6 =	vadd.s32 v3, v6;
	v11 =	vld [tilespmem:s0+$0x30]  }
0xae: {  	v7 =	vadd.s32 v3, v7;
	v12 =	vld [tilespmem:s0+$0x830]  }
0xaf: {  	v8 =	vadd.s32 v3, v8;
	v13 =	vld [tilespmem:s3+$0x10]  }
0xb0: {  	v9 =	vadd.s32 v3, v9;
	v14 =	vld [tilespmem:s3+$0x20]  }
0xb1: {  	[tilespmem:v5+s20+$0x0] =	vst.idx.add.f32.msk $0xffff, v10  }
0xb2: {  	[tilespmem:v5+s21+$0x0] =	vst.idx.add.f32.msk $0xffff, v11  }
0xb3: {  	[tilespmem:v5+s22+$0x0] =	vst.idx.add.f32.msk $0xffff, v12  }
0xb4: {  	v10 =	vadd.s32 v3, v13;
	[tilespmem:v5+s23+$0x0] =	vst.idx.add.f32.msk $0xffff, v4  }
0xb5: {  	v5 =	vld [tilespmem:s3+$0xFFFFFFC0];
	v11 =	vadd.s32 v3, v14  }
0xb6: {  	v12 =	vld [tilespmem:s0+$0xFFFFF7C0]  }
0xb7: {  	v13 =	vld [tilespmem:s0+$0xFFFFFFC0]  }
0xb8: {  	v14 =	vld [tilespmem:s0+$0x7C0]  }
0xb9: {  	v15 =	vld [tilespmem:s0+$0xFFFFF7D0]  }
0xba: {  	v5 =	vadd.s32 v3, v5;
	v16 =	vld [tilespmem:s0+$0xFFFFFFD0]  }
0xbb: {  	v17 =	vld [tilespmem:s0+$0x7D0]  }
0xbc: {  	v18 =	vld [tilespmem:s0+$0xFFFFF7E0]  }
0xbd: {  	v19 =	vld [tilespmem:s0+$0xFFFFFFE0]  }
0xbe: {  	v20 =	vld [tilespmem:s0+$0x7E0]  }
0xbf: {  	v21 =	vld [tilespmem:s0+$0xFFFFF7F0]  }
0xc0: {  	v22 =	vld [tilespmem:s0+$0xFFFFFFF0]  }
0xc1: {  	v23 =	vld [tilespmem:s0+$0x7F0]  }
0xc2: {  	v24 =	vld [tilespmem:s0+$0xFFFFF800]  }
0xc3: {  	v25 =	vld [tilespmem:s0+$0x0]  }
0xc4: {  	v26 =	vld [tilespmem:s0+$0x800]  }
0xc5: {  	v27 =	vld [tilespmem:s0+$0xFFFFF810]  }
0xc6: {  	v28 =	vld [tilespmem:s0+$0x10]  }
0xc7: {  	v29 =	vld [tilespmem:s0+$0x810]  }
0xc8: {  	v30 =	vld [tilespmem:s0+$0xFFFFF820]  }
0xc9: {  	v31 =	vld [tilespmem:s0+$0x20]  }
0xca: {  	v32 =	vld [tilespmem:s0+$0x820]  }
0xcb: {  	[tilespmem:v5+s20+$0x0] =	vst.idx.add.f32.msk $0xffff, v12  }
0xcc: {  	[tilespmem:v5+s21+$0x0] =	vst.idx.add.f32.msk $0xffff, v13  }
0xcd: {  	[tilespmem:v5+s22+$0x0] =	vst.idx.add.f32.msk $0xffff, v14  }
0xce: {  	[tilespmem:v5+s23+$0x0] =	vst.idx.add.f32.msk $0xffff, v4  }
0xcf: {  	[tilespmem:v6+s20+$0x0] =	vst.idx.add.f32.msk $0xffff, v15  }
0xd0: {  	[tilespmem:v6+s21+$0x0] =	vst.idx.add.f32.msk $0xffff, v16  }
0xd1: {  	[tilespmem:v6+s22+$0x0] =	vst.idx.add.f32.msk $0xffff, v17  }
0xd2: {  	[tilespmem:v6+s23+$0x0] =	vst.idx.add.f32.msk $0xffff, v4  }
0xd3: {  	[tilespmem:v7+s20+$0x0] =	vst.idx.add.f32.msk $0xffff, v18  }
0xd4: {  	[tilespmem:v7+s21+$0x0] =	vst.idx.add.f32.msk $0xffff, v19  }
0xd5: {  	[tilespmem:v7+s22+$0x0] =	vst.idx.add.f32.msk $0xffff, v20  }
0xd6: {  	[tilespmem:v7+s23+$0x0] =	vst.idx.add.f32.msk $0xffff, v4  }
0xd7: {  	[tilespmem:v8+s20+$0x0] =	vst.idx.add.f32.msk $0xffff, v21  }
0xd8: {  	[tilespmem:v8+s21+$0x0] =	vst.idx.add.f32.msk $0xffff, v22  }
0xd9: {  	[tilespmem:v8+s22+$0x0] =	vst.idx.add.f32.msk $0xffff, v23  }
0xda: {  	[tilespmem:v8+s23+$0x0] =	vst.idx.add.f32.msk $0xffff, v4  }
0xdb: {  	[tilespmem:v9+s20+$0x0] =	vst.idx.add.f32.msk $0xffff, v24  }
0xdc: {  	[tilespmem:v9+s21+$0x0] =	vst.idx.add.f32.msk $0xffff, v25  }
0xdd: {  	[tilespmem:v9+s22+$0x0] =	vst.idx.add.f32.msk $0xffff, v26  }
0xde: {  	[tilespmem:v9+s23+$0x0] =	vst.idx.add.f32.msk $0xffff, v4  }
0xdf: {  	[tilespmem:v10+s20+$0x0] =	vst.idx.add.f32.msk $0xffff, v27  }
0xe0: {  	[tilespmem:v10+s21+$0x0] =	vst.idx.add.f32.msk $0xffff, v28  }
0xe1: {  	[tilespmem:v10+s22+$0x0] =	vst.idx.add.f32.msk $0xffff, v29  }
.Ltmp0:
0xe2: {  	[tilespmem:v10+s23+$0x0] =	vst.idx.add.f32.msk $0xffff, v4;
	(pc) =	sbr.rel @p1 .LBB2_2-.Ltmp0, $4  }
0xe3: {  	[tilespmem:v11+s20+$0x0] =	vst.idx.add.f32.msk $0xffff, v30  }
0xe4: {  	[tilespmem:v11+s21+$0x0] =	vst.idx.add.f32.msk $0xffff, v31  }
0xe5: {  	[tilespmem:v11+s22+$0x0] =	vst.idx.add.f32.msk $0xffff, v32  }
0xe6: {  	s3 =	sadd.s32 $0x80, s3;
	[tilespmem:v11+s23+$0x0] =	vst.idx.add.f32.msk $0xffff, v4  }
0xe7: {  	v5 =	vld [tilespmem:$0x2000]  }
0xe8: {  	v6 =	vld [tilespmem:$0x2100]  }
0xe9: {  	v7 =	vld [tilespmem:$0x2200]  }
0xea: {  	v8 =	vld [tilespmem:$0x2300]  }
0xeb: {  	v9 =	vld [tilespmem:$0x2010]  }
0xec: {  	v10 =	vld [tilespmem:$0x2110]  }
0xed: {  	v11 =	vld [tilespmem:$0x2210]  }
0xee: {  	v12 =	vld [tilespmem:$0x2310]  }
0xef: {  	v13 =	vld [tilespmem:$0x2020]  }
0xf0: {  	v14 =	vld [tilespmem:$0x2120]  }
0xf1: {  	v15 =	vld [tilespmem:$0x2220]  }
0xf2: {  	v16 =	vld [tilespmem:$0x2320]  }
0xf3: {  	v17 =	vld [tilespmem:$0x2030]  }
0xf4: {  	v18 =	vld [tilespmem:$0x2130]  }
0xf5: {  	v19 =	vld [tilespmem:$0x2230]  }
0xf6: {  	v20 =	vld [tilespmem:$0x2330]  }
0xf7: {  	v21 =	vld [tilespmem:$0x2040]  }
0xf8: {  	v22 =	vld [tilespmem:$0x2140]  }
0xf9: {  	v23 =	vld [tilespmem:$0x2240]  }
0xfa: {  	v24 =	vld [tilespmem:$0x2340]  }
0xfb: {  	v25 =	vld [tilespmem:$0x2050]  }
0xfc: {  	v26 =	vld [tilespmem:$0x2150]  }
0xfd: {  	v27 =	vld [tilespmem:$0x2250]  }
0xfe: {  	v28 =	vld [tilespmem:$0x2350]  }
0xff: {  	v29 =	vld [tilespmem:$0x2060]  }
0x100: {  	v30 =	vld [tilespmem:$0x2160]  }
0x101: {  	v31 =	vld [tilespmem:$0x2260]  }
0x102: {  	v32 =	vld [tilespmem:$0x2360]  }
0x103: {  	v33 =	vld [tilespmem:$0x2070]  }
0x104: {  	v34 =	vld [tilespmem:$0x2170]  }
0x105: {  	v35 =	vld [tilespmem:$0x2270]  }
0x106: {  	v36 =	vld [tilespmem:$0x2370]  }
0x107: {  	v37 =	vld [tilespmem:$0x2080]  }
0x108: {  	v38 =	vld [tilespmem:$0x2180]  }
0x109: {  	v39 =	vld [tilespmem:$0x2280]  }
0x10a: {  	v40 =	vld [tilespmem:$0x2380]  }
0x10b: {  	v41 =	vld [tilespmem:$0x2090]  }
0x10c: {  	v5 =	vadd.f32 v9, v5;
	v9 =	vld [tilespmem:$0x2190]  }
0x10d: {  	v6 =	vadd.f32 v10, v6;
	v10 =	vld [tilespmem:$0x2290]  }
0x10e: {  	v7 =	vadd.f32 v11, v7;
	v11 =	vld [tilespmem:$0x2390];
	v5 =	vadd.f32 v13, v5  }
0x10f: {  	v8 =	vadd.f32 v12, v8;
	v12 =	vld [tilespmem:$0x20A0];
	v6 =	vadd.f32 v14, v6  }
0x110: {  	v7 =	vadd.f32 v15, v7;
	v13 =	vld [tilespmem:$0x21A0];
	v5 =	vadd.f32 v17, v5  }
0x111: {  	v8 =	vadd.f32 v16, v8;
	v14 =	vld [tilespmem:$0x22A0];
	v6 =	vadd.f32 v18, v6  }
0x112: {  	v15 =	vld [tilespmem:$0x23A0];
	v7 =	vadd.f32 v19, v7;
	v5 =	vadd.f32 v21, v5  }
0x113: {  	v16 =	vld [tilespmem:$0x20B0];
	v8 =	vadd.f32 v20, v8;
	v6 =	vadd.f32 v22, v6  }
0x114: {  	v17 =	vld [tilespmem:$0x21B0];
	v7 =	vadd.f32 v23, v7;
	v5 =	vadd.f32 v25, v5  }
0x115: {  	v18 =	vld [tilespmem:$0x22B0];
	v8 =	vadd.f32 v24, v8;
	v6 =	vadd.f32 v26, v6  }
0x116: {  	v19 =	vld [tilespmem:$0x23B0];
	v7 =	vadd.f32 v27, v7;
	v5 =	vadd.f32 v29, v5  }
0x117: {  	v20 =	vld [tilespmem:$0x20C0];
	v8 =	vadd.f32 v28, v8;
	v6 =	vadd.f32 v30, v6  }
0x118: {  	v21 =	vld [tilespmem:$0x21C0];
	v7 =	vadd.f32 v31, v7;
	v5 =	vadd.f32 v33, v5  }
0x119: {  	v22 =	vld [tilespmem:$0x22C0];
	v8 =	vadd.f32 v32, v8;
	v6 =	vadd.f32 v34, v6  }
0x11a: {  	v23 =	vld [tilespmem:$0x23C0];
	v7 =	vadd.f32 v35, v7;
	v5 =	vadd.f32 v37, v5  }
0x11b: {  	v24 =	vld [tilespmem:$0x20D0];
	v8 =	vadd.f32 v36, v8;
	v6 =	vadd.f32 v38, v6  }
0x11c: {  	v25 =	vld [tilespmem:$0x21D0];
	v7 =	vadd.f32 v39, v7;
	v5 =	vadd.f32 v41, v5  }
0x11d: {  	v8 =	vadd.f32 v40, v8;
	v6 =	vadd.f32 v9, v6;
	v9 =	vld [tilespmem:$0x22D0]  }
0x11e: {  	v7 =	vadd.f32 v10, v7;
	v10 =	vld [tilespmem:$0x23D0];
	v5 =	vadd.f32 v12, v5  }
0x11f: {  	v8 =	vadd.f32 v11, v8;
	v11 =	vld [tilespmem:$0x20E0];
	v6 =	vadd.f32 v13, v6  }
0x120: {  	v7 =	vadd.f32 v14, v7;
	v12 =	vld [tilespmem:$0x21E0];
	v5 =	vadd.f32 v16, v5  }
0x121: {  	v8 =	vadd.f32 v15, v8;
	v13 =	vld [tilespmem:$0x22E0];
	v6 =	vadd.f32 v17, v6  }
0x122: {  	v14 =	vld [tilespmem:$0x23E0];
	v7 =	vadd.f32 v18, v7;
	v5 =	vadd.f32 v20, v5  }
0x123: {  	v15 =	vld [tilespmem:$0x20F0];
	v8 =	vadd.f32 v19, v8;
	v6 =	vadd.f32 v21, v6  }
0x124: {  	v16 =	vld [tilespmem:$0x21F0];
	v7 =	vadd.f32 v22, v7;
	v5 =	vadd.f32 v24, v5  }
0x125: {  	v17 =	vld [tilespmem:$0x22F0];
	v8 =	vadd.f32 v23, v8;
	v6 =	vadd.f32 v25, v6  }
0x126: {  	v7 =	vadd.f32 v9, v7;
	v9 =	vld [tilespmem:$0x23F0];
	v5 =	vadd.f32 v11, v5  }
0x127: {  	v8 =	vadd.f32 v10, v8;
	v6 =	vadd.f32 v12, v6  }
0x128: {  	v7 =	vadd.f32 v13, v7;
	v5 =	vadd.f32 v15, v5  }
0x129: {  	v8 =	vadd.f32 v14, v8;
	v6 =	vadd.f32 v16, v6  }
0x12a: {  	v7 =	vadd.f32 v17, v7;
	[tilespmem:$0x2400] =	vst v5  }
0x12b: {  	v5 =	vadd.f32 v9, v8;
	[tilespmem:$0x2410] =	vst v6  }
0x12c: {  	[tilespmem:$0x2420] =	vst v7  }
0x12d: {  	s0 =	simm.s32 $0x2400;
	[tilespmem:$0x2430] =	vst v5  }
0x12e: {  	[spmem:s9] =	stream.linear.scatter [tilespmem:s0], [sflag:$0x2], $0x40, $0x38;
	[tilespmem:$0x7ED0] =	vst v63  }
0x12f: {  	_ =	swait.ge [sflag:s25], $0x40  }
0x130: {  	[sflag:s25] =	ssyncset.done $0x0  }
0x131: {  	[sflag:s25] =	ssyncadd.s32 $0xFFFFFFC0  }
0x132: {  	s24 =	simm.s32 $0x2440;
	[bflag:$0x0] =	sbarrier.arrive $0xFFFF  }
0x133: {  	[tilespmem:s24], [sflag:$0x2] =	stream.linear.gather [spmem:s4], $0x400, $0x38;
	[tilespmem:$0x7ED0] =	vst v63  }
0x134: {  	_ =	swait.ge [sflag:s25], $0x400  }
0x135: {  	[sflag:s25] =	ssyncset.done $0x0  }
0x136: {  	[sflag:s25] =	ssyncadd.s32 $0xFFFFFC00  }
0x137: {  	v5 =	vld [tilespmem:$0x2440]  }
0x138: {  	v6 =	vld [tilespmem:$0x2450]  }
0x139: {  	v7 =	vld [tilespmem:$0x2460]  }
0x13a: {  	v8 =	vld [tilespmem:$0x2470]  }
0x13b: {  	v9 =	vld [tilespmem:$0x2480]  }
0x13c: {  	v10 =	vld [tilespmem:$0x2490]  }
0x13d: {  	v11 =	vld [tilespmem:$0x24A0]  }
0x13e: {  	v12 =	vld [tilespmem:$0x24B0]  }
0x13f: {  	v13 =	vld [tilespmem:$0x24C0]  }
0x140: {  	v14 =	vld [tilespmem:$0x24D0]  }
0x141: {  	v15 =	vld [tilespmem:$0x24E0]  }
0x142: {  	v16 =	vld [tilespmem:$0x24F0]  }
0x143: {  	v17 =	vld [tilespmem:$0x2500]  }
0x144: {  	v18 =	vld [tilespmem:$0x2510]  }
0x145: {  	v19 =	vld [tilespmem:$0x2520]  }
0x146: {  	v20 =	vld [tilespmem:$0x2530]  }
0x147: {  	v21 =	vld [tilespmem:$0x2540]  }
0x148: {  	v22 =	vld [tilespmem:$0x2550]  }
0x149: {  	v23 =	vld [tilespmem:$0x2560]  }
0x14a: {  	v24 =	vld [tilespmem:$0x2570]  }
0x14b: {  	v25 =	vld [tilespmem:$0x2580]  }
0x14c: {  	v26 =	vld [tilespmem:$0x2590]  }
0x14d: {  	v27 =	vld [tilespmem:$0x25A0]  }
0x14e: {  	v28 =	vld [tilespmem:$0x25B0]  }
0x14f: {  	v29 =	vld [tilespmem:$0x25C0]  }
0x150: {  	v30 =	vld [tilespmem:$0x25D0]  }
0x151: {  	v31 =	vld [tilespmem:$0x25E0]  }
0x152: {  	v54 =	vld [tilespmem:$0x2600];
	v8 =	vadd.f32 v12, v8  }
0x153: {  	v55 =	vld [tilespmem:$0x2620]  }
0x154: {  	v56 =	vld [tilespmem:$0x2640];
	v8 =	vadd.f32 v16, v8  }
0x155: {  	v57 =	vld [tilespmem:$0x2660]  }
0x156: {  	v58 =	vld [tilespmem:$0x2680];
	v8 =	vadd.f32 v20, v8  }
0x157: {  	v12 =	vld [tilespmem:$0x25F0]  }
0x158: {  	v5 =	vadd.f32 v9, v5;
	v9 =	vld [tilespmem:$0x26B0];
	v8 =	vadd.f32 v24, v8  }
0x159: {  	v20 =	vld [tilespmem:$0x2630]  }
0x15a: {  	v6 =	vadd.f32 v10, v6;
	v10 =	vld [tilespmem:$0x26A0];
	v8 =	vadd.f32 v28, v8  }
0x15b: {  	v28 =	vld [tilespmem:$0x2670]  }
0x15c: {  	v7 =	vadd.f32 v11, v7;
	v11 =	vld [tilespmem:$0x26F0];
	v8 =	vadd.f32 v12, v8  }
0x15d: {  	v16 =	vld [tilespmem:$0x2610];
	v5 =	vadd.f32 v13, v5  }
0x15e: {  	v6 =	vadd.f32 v14, v6;
	v13 =	vld [tilespmem:$0x26C0];
	v8 =	vadd.f32 v20, v8  }
0x15f: {  	v7 =	vadd.f32 v15, v7;
	v14 =	vld [tilespmem:$0x2730]  }
0x160: {  	v15 =	vld [tilespmem:$0x2770];
	v6 =	vadd.f32 v18, v6;
	v8 =	vadd.f32 v28, v8  }
0x161: {  	v5 =	vadd.f32 v17, v5;
	v7 =	vadd.f32 v19, v7;
	v17 =	vld [tilespmem:$0x26E0]  }
0x162: {  	v18 =	vld [tilespmem:$0x2700];
	v6 =	vadd.f32 v22, v6;
	v8 =	vadd.f32 v9, v8  }
0x163: {  	v19 =	vld [tilespmem:$0x2710];
	v5 =	vadd.f32 v21, v5;
	v7 =	vadd.f32 v23, v7  }
0x164: {  	v24 =	vld [tilespmem:$0x2650];
	v6 =	vadd.f32 v26, v6;
	v8 =	vadd.f32 v11, v8  }
0x165: {  	v5 =	vadd.f32 v25, v5;
	v7 =	vadd.f32 v27, v7;
	v11 =	vld [tilespmem:$0x27B0]  }
0x166: {  	v12 =	vld [tilespmem:$0x2690];
	v6 =	vadd.f32 v30, v6;
	v8 =	vadd.f32 v14, v8  }
0x167: {  	v5 =	vadd.f32 v29, v5;
	v7 =	vadd.f32 v31, v7;
	v14 =	vld [tilespmem:$0x27F0]  }
0x168: {  	v6 =	vadd.f32 v16, v6;
	v16 =	vld [tilespmem:$0x2720];
	v8 =	vadd.f32 v15, v8  }
0x169: {  	v5 =	vadd.f32 v54, v5;
	v7 =	vadd.f32 v55, v7;
	v15 =	vld [tilespmem:$0x2830]  }
0x16a: {  	v20 =	vld [tilespmem:$0x2750];
	v6 =	vadd.f32 v24, v6;
	v8 =	vadd.f32 v11, v8  }
0x16b: {  	v5 =	vadd.f32 v56, v5;
	v7 =	vadd.f32 v57, v7;
	v9 =	vld [tilespmem:$0x26D0]  }
0x16c: {  	v6 =	vadd.f32 v12, v6;
	v12 =	vld [tilespmem:$0x2780];
	v8 =	vadd.f32 v14, v8  }
0x16d: {  	v5 =	vadd.f32 v58, v5;
	v7 =	vadd.f32 v10, v7;
	v10 =	vld [tilespmem:$0x2790]  }
0x16e: {  	v11 =	vld [tilespmem:$0x2740];
	v8 =	vadd.f32 v15, v8  }
0x16f: {  	v5 =	vadd.f32 v13, v5;
	v13 =	vld [tilespmem:$0x27C0]  }
0x170: {  	v6 =	vadd.f32 v9, v6;
	v14 =	vld [tilespmem:$0x2760];
	v8 =	vmax.f32 v8, $1.000000000e+00  }
0x171: {  	v7 =	vadd.f32 v17, v7;
	v5 =	vadd.f32 v18, v5;
	v9 =	vld [tilespmem:$0x27A0];
	(erf) = vrcp.f32 v8  }
0x172: {  	v6 =	vadd.f32 v19, v6;
	v15 =	vld [tilespmem:$0x2800]  }
0x173: {  	v7 =	vadd.f32 v16, v7;
	v5 =	vadd.f32 v11, v5;
	v8 =	vld [tilespmem:$0x27D0]  }
0x174: {  	v6 =	vadd.f32 v20, v6;
	v11 =	vld [tilespmem:$0x27E0]  }
0x175: {  	v7 =	vadd.f32 v14, v7;
	v5 =	vadd.f32 v12, v5;
	v12 =	vld [tilespmem:$0x2810]  }
0x176: {  	v6 =	vadd.f32 v10, v6;
	v10 =	vld [tilespmem:$0x2820]  }
0x177: {  	v7 =	vadd.f32 v9, v7;
	v5 =	vadd.f32 v13, v5  }
0x178: {  	v6 =	vadd.f32 v8, v6  }
0x179: {  	v7 =	vadd.f32 v11, v7;
	v5 =	vadd.f32 v15, v5  }
0x17a: {  	v6 =	vadd.f32 v12, v6;
	v8 =	vpop (erf)  }
0x17b: {  	v7 =	vadd.f32 v10, v7;
	v5 =	vmul.f32 v8, v5  }
0x17c: {  	v6 =	vmul.f32 v8, v6  }
0x17d: {  	v7 =	vmul.f32 v8, v7;
	[tilespmem:$0x2880] =	vst v5  }
0x17e: {  	[tilespmem:$0x2890] =	vst v6  }
0x17f: {  	[tilespmem:$0x28A0] =	vst v7  }
0x180: {  	[tilespmem:$0x7CD0] =	vst @!p0 v5  }
0x181: {  	[tilespmem:$0x7D50] =	vst @!p0 v6  }
0x182: {  	s1 =	simm.s32 @!p0 $0x7CD0;
	s0 =	simm.s32 @!p0 $0x0;
	s3 =	rddreg [dreg:$0x4];
	[tilespmem:$0x7DD0] =	vst @!p0 v7  }
0x183: {  	[hbm4b:s3+s0] =	stream.linear.scatter @!p0 [tilespmem:s1], [sflag:$0x2], $0x200, $0x38;
	[tilespmem:$0x7ED0] =	vst v63  }
0x184: {  	s0 =	simm.s32 @!p0 $0x2  }
0x185: {  	_ =	swait.ge @!p0 [sflag:s0], $0x200  }
0x186: {  	[sflag:s0] =	ssyncset.done @!p0 $0x0  }
0x187: {  	[sflag:s0] =	ssyncadd.s32 @!p0 $0xFFFFFE00  }
0x188: {  	v5 =	vld [tilespmem:$0x28B0]  }
0x189: {  	s0 =	simm.s32 $0x0;
	v6 =	vld [tilespmem:$0x28C0]  }
0x18a: {  	v8 =	vld.idx.msk [tilespmem:v1+s0+$0x7E0 ss:$0x1], $0xffff  }
0x18b: {  	v7 =	vld.idx.msk [tilespmem:v1+s0+$0x800 ss:$0x1], $0xffff  }
0x18c: {  	v9 =	vld.idx.msk [tilespmem:v1+s0+$0x810 ss:$0x1], $0xffff  }
0x18d: {  	v11 =	vld.idx.msk [tilespmem:v1+s0+$0xFFFFFFF0 ss:$0x1], $0xffff  }
0x18e: {  	v10 =	vld.idx.msk [tilespmem:v0+s0+$0x10 ss:$0x1], $0xffff  }
0x18f: {  	v12 =	vld.idx.msk [tilespmem:v0+s0+$0x0 ss:$0x1], $0xffff  }
0x190: {  	v13 =	vld.idx.msk [tilespmem:v0+s0+$0xFFFFFFF0 ss:$0x1], $0xffff  }
0x191: {  	v14 =	vld.idx.msk [tilespmem:v1+s0+$0x0 ss:$0x1], $0xffff  }
0x192: {  	v15 =	vld.idx.msk [tilespmem:v1+s0+$0xFFFFF800 ss:$0x1], $0xffff  }
0x193: {  	v16 =	vld.idx.msk [tilespmem:v1+s0+$0xFFFFF810 ss:$0x1], $0xffff  }
0x194: {  	v17 =	vld.idx.msk [tilespmem:v1+s0+$0x10 ss:$0x1], $0xffff  }
0x195: {  	v18 =	vld.idx.msk [tilespmem:v0+s0+$0xFFFFFFE0 ss:$0x1], $0xffff  }
0x196: {  	v24 =	vld.idx.msk [tilespmem:v1+s0+$0xFFFFF7F0 ss:$0x1], $0xffff  }
0x197: {  	s1 =	simm.s32 $0x40;
	v28 =	vld.idx.msk [tilespmem:v1+s0+$0xFFFFF7E0 ss:$0x1], $0xffff  }
0x198: {  	v61 =	vld.idx.msk [tilespmem:v1+s1+$0x0 ss:$0x1], $0xffff  }
0x199: {  	v62 =	vld.idx.msk [tilespmem:v1+s1+$0xFFFFF810 ss:$0x1], $0xffff;
	v19 =	vadd.s32 $0x10, v12  }
0x19a: {  	v20 =	vadd.s32 $0x10, v13;
	v21 =	vld.idx.msk [tilespmem:v10+s28+$0x0], $0xffff  }
0x19b: {  	v22 =	vadd.s32 $0x20, v12;
	v12 =	vld.idx.msk [tilespmem:v12+s28+$0x0], $0xffff  }
0x19c: {  	v23 =	vadd.s32 $0x10, v10;
	v25 =	vld.idx.msk [tilespmem:v13+s28+$0x0], $0xffff  }
0x19d: {  	v26 =	vadd.s32 $0x20, v18;
	v27 =	vadd.s32 $0x10, v18;
	v18 =	vld.idx.msk [tilespmem:v18+s28+$0x0], $0xffff  }
0x19e: {  	v19 =	vld.idx.msk [tilespmem:v19+s28+$0x0], $0xffff  }
0x19f: {  	v20 =	vld.idx.msk [tilespmem:v20+s28+$0x0], $0xffff  }
0x1a0: {  	v10 =	vadd.s32 $0x20, v10;
	v22 =	vld.idx.msk [tilespmem:v22+s28+$0x0], $0xffff  }
0x1a1: {  	v23 =	vld.idx.msk [tilespmem:v23+s28+$0x0], $0xffff  }
0x1a2: {  	v13 =	vadd.s32 $0x20, v13;
	v30 =	vld.idx.msk [tilespmem:v26+s28+$0x0], $0xffff  }
0x1a3: {  	v27 =	vld.idx.msk [tilespmem:v27+s28+$0x0], $0xffff  }
0x1a4: {  	v31 =	vsub.f32 v15, v12;
	v12 =	vld.idx.msk [tilespmem:v1+s0+$0xFFFFFFE0 ss:$0x1], $0xffff  }
0x1a5: {  	v29 =	vld.idx.msk [tilespmem:v10+s28+$0x0], $0xffff  }
0x1a6: {  	v15 =	vld.idx.msk [tilespmem:v1+s0+$0x7F0 ss:$0x1], $0xffff;
	v16 =	vsub.f32 v16, v21;
	v21 =	vsub.f32 v24, v25  }
0x1a7: {  	v13 =	vld.idx.msk [tilespmem:v13+s28+$0x0], $0xffff;
	v18 =	vsub.f32 v28, v18;
	v59 =	vsub.f32 v14, v19  }
0x1a8: {  	v48 =	vld.idx.msk [tilespmem:v1+s1+$0x10 ss:$0x1], $0xffff;
	v19 =	vsub.f32 v7, v22;
	v7 =	vmul.f32 v31, v31;
	v17 =	vsub.f32 v17, v23  }
0x1a9: {  	v22 =	vld.idx.msk [tilespmem:v0+s1+$0x0 ss:$0x1], $0xffff;
	v11 =	vsub.f32 v11, v20;
	v14 =	vmul.f32 v59, v59;
	v12 =	vsub.f32 v12, v27  }
0x1aa: {  	s15 =	simm.s32 $0x0;
	v45 =	vld.idx.msk [tilespmem:v1+s1+$0xFFFFF7F0 ss:$0x1], $0xffff;
	v23 =	vsub.f32 v9, v29;
	v9 =	vmul.f32 v17, v17;
	v27 =	vsub.f32 v8, v30  }
0x1ab: {  	s16 =	simm.s32 $0x30;
	s26 =	sand.u32 $0xE00, s15;
	v8 =	vmul.f32 v18, v18;
	v30 =	vld.idx.msk [tilespmem:v0+s1+$0xFFFFFFF0 ss:$0x1], $0xffff;
	v7 =	vadd.f32 v14, v7;
	v14 =	vmul.f32 v19, v19  }
0x1ac: {  	s16 =	sand.u32 $0x70, s16;
	s3 =	sadd.s32 $0x28D0, s26;
	v29 =	vld.idx.msk [tilespmem:v0+s1+$0x10 ss:$0x1], $0xffff;
	v13 =	vsub.f32 v15, v13;
	v28 =	vmul.f32 v12, v12;
	v20 =	vmul.f32 v23, v23  }
0x1ad: {  	s16 =	sadd.s32 s16, s3;
	v57 =	vld.idx.msk [tilespmem:v1+s1+$0xFFFFF7E0 ss:$0x1], $0xffff;
	v60 =	vmul.f32 v27, v27;
	v7 =	vadd.f32 v14, v7;
	v14 =	vmul.f32 v16, v16  }
0x1ae: {  	s15 =	sand.u32 $0x40, s15;
	v35 =	vld.idx.msk [tilespmem:v1+s1+$0xFFFFFFE0 ss:$0x1], $0xffff;
	[tilespmem:s16+$0x0] =	vst v16;
	v50 =	vadd.s32 $0x10, v22;
	v53 =	vadd.s32 $0x20, v22;
	v8 =	vadd.f32 v28, v8  }
0x1af: {  	s15 =	sadd.s32 s15, s3;
	v26 =	vld.idx.msk [tilespmem:v1+s1+$0x810 ss:$0x1], $0xffff;
	[tilespmem:s16+$0x80] =	vst v17;
	v28 =	vmul.f32 v11, v11;
	v9 =	vadd.f32 v9, v14;
	v14 =	vshrl.u32 v7, $0x1  }
0x1b0: {  	s29 =	simm.s32 $0x10;
	v17 =	vld.idx.msk [tilespmem:v1+s1+$0xFFFFF800 ss:$0x1], $0xffff;
	[tilespmem:s15+$0x100] =	vst v27;
	v15 =	vmul.f32 $5.000000000e-01, v7;
	v27 =	vadd.s32 $0x10, v30;
	v8 =	vadd.f32 v60, v8  }
0x1b1: {  	[tilespmem:s16+$0x100] =	vst v23;
	s16 =	sand.u32 $0x50, s29;
	v51 =	vld.idx.msk [tilespmem:v22+s28+$0x0], $0xffff;
	v44 =	vadd.s32 $0x10, v29;
	v54 =	vadd.s32 $0x20, v29;
	v9 =	vadd.f32 v20, v9  }
0x1b2: {  	v24 =	vld.idx.msk [tilespmem:v1+s1+$0x800 ss:$0x1], $0xffff;
	[tilespmem:s15+$0x80] =	vst v12;
	s16 =	sadd.s32 s16, s3;
	v14 =	vsub.s32 $0x5F3759DF, v14;
	v20 =	vmul.f32 v21, v21;
	v23 =	vmul.f32 $5.000000000e-01, v8  }
0x1b3: {  	v25 =	vld.idx.msk [tilespmem:v1+s1+$0xFFFFFFF0 ss:$0x1], $0xffff;
	[tilespmem:s16+$0x0] =	vst v21;
	v49 =	vshrl.u32 v8, $0x1;
	v16 =	vshrl.u32 v9, $0x1;
	v63 =	vmul.f32 $5.000000000e-01, v9  }
0x1b4: {  	[tilespmem:s16+$0x80] =	vst v11;
	v12 =	vmul.f32 v14, v15;
	v37 =	vsub.s32 $0x5F3759DF, v49;
	v52 =	vsub.s32 $0x5F3759DF, v16;
	v16 =	vld.idx.msk [tilespmem:v0+s1+$0xFFFFFFE0 ss:$0x1], $0xffff  }
0x1b5: {  	v42 =	vld.idx.msk [tilespmem:v29+s28+$0x0], $0xffff;
	v20 =	vadd.f32 v28, v20;
	v43 =	vmul.f32 v37, v23;
	v21 =	vmul.f32 v52, v63  }
0x1b6: {  	v38 =	vld.idx.msk [tilespmem:v50+s28+$0x0], $0xffff;
	v11 =	vmul.f32 v14, v12;
	v12 =	vsub.f32 v17, v51;
	v17 =	vmul.f32 v13, v13  }
0x1b7: {  	s17 =	simm.s32 $0x20;
	v46 =	vld.idx.msk [tilespmem:v27+s28+$0x0], $0xffff;
	v43 =	vmul.f32 v37, v43;
	v21 =	vmul.f32 v52, v21  }
0x1b8: {  	s17 =	sand.u32 $0x60, s17;
	[tilespmem:s15+$0x0] =	vst v18;
	v22 =	vadd.s32 $0x20, v30;
	v30 =	vld.idx.msk [tilespmem:v30+s28+$0x0], $0xffff;
	v28 =	vsub.f32 $1.500000000e+00, v11;
	v11 =	vadd.f32 v17, v20  }
0x1b9: {  	s3 =	sadd.s32 s17, s3;
	[tilespmem:s16+$0x100] =	vst v13;
	v13 =	vsub.f32 $1.500000000e+00, v43;
	v18 =	vsub.f32 $1.500000000e+00, v21;
	v17 =	vadd.s32 $0x20, v16;
	v21 =	vld.idx.msk [tilespmem:v53+s28+$0x0], $0xffff  }
0x1ba: {  	[tilespmem:s3+$0x100] =	vst v19;
	v56 =	vld.idx.msk [tilespmem:v44+s28+$0x0], $0xffff;
	v27 =	vsub.f32 v62, v42;
	v20 =	vshrl.u32 v11, $0x1;
	v29 =	vmul.f32 $5.000000000e-01, v11  }
0x1bb: {  	[tilespmem:s3+$0x0] =	vst v31;
	v60 =	vld.idx.msk [tilespmem:v54+s28+$0x0], $0xffff;
	v55 =	vadd.s32 $0x10, v16;
	v31 =	vsub.s32 $0x5F3759DF, v20;
	v13 =	vmul.f32 v37, v13  }
0x1bc: {  	v20 =	vsub.f32 v25, v46;
	v25 =	vmul.f32 v52, v18;
	v58 =	vld.idx.msk [tilespmem:v16+s28+$0x0], $0xffff;
	v16 =	vsub.f32 v61, v38  }
0x1bd: {  	[tilespmem:s3+$0x80] =	vst v59;
	v19 =	vsub.f32 v45, v30;
	v59 =	vmul.f32 v13, v23;
	v23 =	vmul.f32 v31, v29  }
0x1be: {  	s18 =	simm.s32 $0x100;
	v32 =	vld.idx.msk [tilespmem:v17+s28+$0x0], $0xffff;
	v18 =	vsub.f32 v24, v21;
	v17 =	vmul.f32 v12, v12;
	v24 =	vmul.f32 v16, v16  }
0x1bf: {  	s24 =	simm.s32 $0x70;
	v10 =	vld.idx.msk [tilespmem:v1+s1+$0x7E0 ss:$0x1], $0xffff;
	s3 =	sand.u32 $0xE00, s18;
	v61 =	vsub.f32 v48, v56;
	v62 =	vmul.f32 v25, v63;
	v21 =	vmul.f32 v20, v20  }
0x1c0: {  	s26 =	sand.u32 $0x70, s24;
	s29 =	simm.s32 $0x60;
	s18 =	sadd.s32 $0x28D0, s3;
	v33 =	vld.idx.msk [tilespmem:v55+s28+$0x0], $0xffff;
	v30 =	vmul.f32 v31, v23;
	v17 =	vadd.f32 v24, v17;
	v63 =	vmul.f32 v18, v18  }
0x1c1: {  	v34 =	vld.idx.msk [tilespmem:v1+s1+$0x7F0 ss:$0x1], $0xffff;
	s15 =	simm.s32 $0x4;
	s16 =	sand.u32 $0x60, s29;
	s26 =	sadd.s32 s26, s18;
	v26 =	vsub.f32 v26, v60;
	v37 =	vmul.f32 v61, v61;
	v36 =	vmul.f32 v62, v25  }
0x1c2: {  	s17 =	simm.s32 $0x200;
	s3 =	simm.s32 $0x40;
	s16 =	sadd.s32 s16, s18;
	[tilespmem:s26+$0x80] =	vst v61;
	v24 =	vmul.f32 v59, v13;
	v23 =	vsub.f32 v57, v58;
	v17 =	vadd.f32 v63, v17  }
.LBB2_4:
0x1c3: {  	s24 =	sshra.s32 s17, $0x2;
	s15 =	sadd.s32 $0x4, s15;
	v22 =	vld.idx.msk [tilespmem:v22+s28+$0x0], $0xffff;
	[tilespmem:s26+$0x0] =	vst v27;
	v27 =	vmul.f32 v27, v27;
	v38 =	vsub.f32 $1.500000000e+00, v30;
	v28 =	vmul.f32 v14, v28  }
0x1c4: {  	v32 =	vsub.f32 v10, v32;
	s29 =	sand.u32 $0x40, s3;
	p1 =	slt.u32 s15, $0x3C;
	v10 =	vld.idx.msk [tilespmem:v1+s24+$0x7E0 ss:$0x1], $0xffff;
	v14 =	vshrl.u32 v17, $0x1;
	[tilespmem:s26+$0x100] =	vst v26;
	v39 =	vmul.f32 v26, v26  }
0x1c5: {  	v33 =	vsub.f32 v35, v33;
	s26 =	sadd.s32 s29, s18;
	v35 =	vmul.f32 v23, v23;
	v30 =	vld.idx.msk [tilespmem:v1+s24+$0x800 ss:$0x1], $0xffff;
	v31 =	vmul.f32 v31, v38  }
0x1c6: {  	v14 =	vsub.s32 $0x5F3759DF, v14;
	v27 =	vadd.f32 v37, v27;
	v15 =	vmul.f32 v28, v15;
	v26 =	vld.idx.msk [tilespmem:v1+s24+$0x810 ss:$0x1], $0xffff;
	[tilespmem:s26+$0x100] =	vst v32  }
0x1c7: {  	v36 =	vsub.f32 $1.500000000e+00, v36;
	s29 =	sadd.s32 $0x10, s3;
	v37 =	vld.idx.msk [tilespmem:v1+s24+$0xFFFFFFF0 ss:$0x1], $0xffff;
	[tilespmem:s26+$0x80] =	vst v33;
	v33 =	vmul.f32 v33, v33;
	v29 =	vmul.f32 v31, v29  }
0x1c8: {  	s29 =	sand.u32 $0x50, s29;
	v32 =	vmul.f32 v32, v32;
	v27 =	vadd.f32 v39, v27;
	v39 =	vmul.f32 v15, v28;
	v38 =	vld.idx.msk [tilespmem:v0+s24+$0x10 ss:$0x1], $0xffff  }
0x1c9: {  	s18 =	sadd.s32 s29, s18;
	v40 =	vld.idx.msk [tilespmem:v0+s24+$0x0 ss:$0x1], $0xffff;
	v15 =	vadd.f32 v33, v35;
	v33 =	vmul.f32 v19, v19;
	v29 =	vmul.f32 v29, v31  }
0x1ca: {  	v34 =	vsub.f32 v34, v22;
	v41 =	vmul.f32 $5.000000000e-01, v27;
	v35 =	vld.idx.msk [tilespmem:v0+s24+$0xFFFFFFF0 ss:$0x1], $0xffff;
	[tilespmem:s18+$0x0] =	vst v19;
	v19 =	vshrl.u32 v27, $0x1  }
0x1cb: {  	v42 =	vld.idx.msk [tilespmem:v1+s24+$0x0 ss:$0x1], $0xffff;
	v32 =	vadd.f32 v32, v15;
	[tilespmem:s18+$0x80] =	vst v20;
	v43 =	vsub.s32 $0x5F3759DF, v19;
	v19 =	vsub.f32 $1.500000000e+00, v29  }
0x1cc: {  	v25 =	vmul.f32 v36, v25;
	v22 =	vsub.f32 $1.500000000e+00, v39;
	v15 =	vmul.f32 $5.000000000e-01, v17;
	v20 =	vld.idx.msk [tilespmem:v1+s24+$0xFFFFF800 ss:$0x1], $0xffff;
	[tilespmem:s18+$0x100] =	vst v34  }
0x1cd: {  	v24 =	vsub.f32 $1.500000000e+00, v24;
	v36 =	vmul.f32 v43, v41;
	v29 =	vld.idx.msk [tilespmem:v1+s24+$0xFFFFF810 ss:$0x1], $0xffff;
	[tilespmem:s26+$0x0] =	vst v23;
	v23 =	vmul.f32 $5.000000000e-01, v32  }
0x1ce: {  	v44 =	vadd.s32 $0x10, v38;
	v45 =	vshrl.u32 v32, $0x1;
	v39 =	vld.idx.msk [tilespmem:v1+s24+$0x10 ss:$0x1], $0xffff;
	[tilespmem:s16+$0x100] =	vst v18;
	v18 =	vmul.f32 v22, v28  }
0x1cf: {  	v19 =	vmul.f32 v19, v31;
	v28 =	vadd.s32 $0x10, v40;
	v47 =	vadd.s32 $0x20, v40;
	v46 =	vld.idx.msk [tilespmem:v0+s24+$0xFFFFFFE0 ss:$0x1], $0xffff;
	[tilespmem:s16+$0x0] =	vst v12  }
0x1d0: {  	v45 =	vsub.s32 $0x5F3759DF, v45;
	v12 =	vadd.s32 $0x10, v35;
	v31 =	vld.idx.msk [tilespmem:v38+s28+$0x0], $0xffff;
	[tilespmem:s16+$0x80] =	vst v16;
	v16 =	vmul.f32 v14, v15  }
0x1d1: {  	v25 =	vmul.f32 v25, v9;
	v9 =	vmovc v27;
	v22 =	vadd.s32 $0x20, v35;
	v38 =	vadd.s32 $0x20, v38;
	v40 =	vld.idx.msk [tilespmem:v40+s28+$0x0], $0xffff  }
0x1d2: {  	v27 =	vmul.f32 v45, v23;
	v48 =	vld.idx.msk [tilespmem:v1+s24+$0xFFFFF7F0 ss:$0x1], $0xffff;
	v16 =	vmul.f32 v14, v16  }
0x1d3: {  	v13 =	vmul.f32 v24, v13;
	v36 =	vmul.f32 v43, v36;
	v35 =	vld.idx.msk [tilespmem:v35+s28+$0x0], $0xffff;
	[tilespmem:s0+$0x3900] =	vst v25  }
0x1d4: {  	v25 =	vmul.f32 v45, v27;
	v24 =	vld.idx.msk [tilespmem:v28+s28+$0x0], $0xffff;
	v28 =	vsub.f32 $1.500000000e+00, v16;
	v16 =	vmul.f32 v18, v7;
	v7 =	vmovc v17  }
0x1d5: {  	v18 =	vadd.f32 v21, v33;
	v21 =	vmul.f32 v34, v34;
	v33 =	vsub.f32 $1.500000000e+00, v36;
	v17 =	vld.idx.msk [tilespmem:v12+s28+$0x0], $0xffff  }
0x1d6: {  	v34 =	vadd.s32 $0x20, v46;
	v25 =	vsub.f32 $1.500000000e+00, v25;
	v36 =	vld.idx.msk [tilespmem:v47+s28+$0x0], $0xffff;
	v47 =	vmul.f32 v13, v8;
	[tilespmem:s0+$0x38F0] =	vst v16;
	v8 =	vmovc v32  }
0x1d7: {  	v49 =	vadd.s32 $0x10, v46;
	v12 =	vsub.f32 v20, v40;
	v16 =	vadd.f32 v21, v18;
	v40 =	vld.idx.msk [tilespmem:v44+s28+$0x0], $0xffff  }
0x1d8: {  	v27 =	vsub.f32 v29, v31;
	v18 =	vmul.f32 v19, v11;
	v13 =	vmul.f32 v45, v25;
	v44 =	vld.idx.msk [tilespmem:v1+s24+$0xFFFFF7E0 ss:$0x1], $0xffff  }
0x1d9: {  	v19 =	vsub.f32 v48, v35;
	v20 =	vshrl.u32 v16, $0x1;
	v29 =	vmul.f32 $5.000000000e-01, v16;
	v11 =	vmovc v16;
	v45 =	vld.idx.msk [tilespmem:v46+s28+$0x0], $0xffff;
	[tilespmem:s0+$0x38D0] =	vst v47  }
0x1da: {  	s3 =	sadd.s32 $0x40, s3;
	v16 =	vsub.f32 v42, v24;
	v24 =	vmul.f32 v13, v23;
	v31 =	vsub.s32 $0x5F3759DF, v20;
	v38 =	vld.idx.msk [tilespmem:v38+s28+$0x0], $0xffff;
	[tilespmem:s0+$0x38E0] =	vst v18;
	s0 =	smov.u32 s1;
	s1 =	smov.u32 s24  }
0x1db: {  	s16 =	sadd.s32 $0x20, s3;
	v25 =	vmul.f32 v43, v33;
	v20 =	vsub.f32 v37, v17;
	v17 =	vmul.f32 v31, v29;
	v32 =	vld.idx.msk [tilespmem:v34+s28+$0x0], $0xffff  }
.Ltmp1:
0x1dc: {  	s18 =	sand.u32 $0xE00, s17;
	v23 =	vmul.f32 v12, v12;
	s24 =	sadd.s32 $0x30, s3;
	v18 =	vsub.f32 v30, v36;
	v30 =	vmul.f32 v16, v16;
	v33 =	vld.idx.msk [tilespmem:v49+s28+$0x0], $0xffff;
	(pc) =	sbr.rel @p1 .LBB2_4-.Ltmp1, $4  }
0x1dd: {  	s18 =	sadd.s32 $0x28D0, s18;
	s16 =	sand.u32 $0x60, s16;
	s24 =	sand.u32 $0x70, s24;
	v34 =	vmul.f32 v25, v41;
	v21 =	vmul.f32 v20, v20;
	v37 =	vsub.f32 v39, v40;
	v35 =	vld.idx.msk [tilespmem:v1+s1+$0xFFFFFFE0 ss:$0x1], $0xffff  }
0x1de: {  	s16 =	sadd.s32 s16, s18;
	s26 =	sadd.s32 s24, s18;
	v39 =	vadd.f32 v30, v23;
	v40 =	vmul.f32 v18, v18;
	v30 =	vmul.f32 v31, v17  }
0x1df: {  	v24 =	vmul.f32 v24, v13;
	v36 =	vmul.f32 v34, v25;
	v23 =	vsub.f32 v44, v45;
	[tilespmem:s26+$0x80] =	vst v37  }
0x1e0: {  	s17 =	sadd.s32 $0x100, s17;
	v17 =	vadd.f32 v40, v39;
	v26 =	vsub.f32 v26, v38;
	v37 =	vmul.f32 v37, v37;
	v34 =	vld.idx.msk [tilespmem:v1+s1+$0x7F0 ss:$0x1], $0xffff  }
0x1e1: {  	_ =	sdelay $0x2  }
0x1e2: {  	v38 =	vmul.f32 v27, v27;
	v30 =	vsub.f32 $1.500000000e+00, v30;
	v14 =	vmul.f32 v14, v28  }
0x1e3: {  	v22 =	vld.idx.msk [tilespmem:v22+s28+$0x0], $0xffff;
	v10 =	vsub.f32 v10, v32;
	v42 =	vmul.f32 v23, v23;
	v36 =	vsub.f32 $1.500000000e+00, v36  }
0x1e4: {  	v46 =	vmul.f32 v19, v19;
	v60 =	vsub.f32 $1.500000000e+00, v24;
	v40 =	vshrl.u32 v17, $0x1  }
0x1e5: {  	v41 =	vmul.f32 v26, v26;
	v33 =	vsub.f32 v35, v33;
	v50 =	vmul.f32 $5.000000000e-01, v17  }
0x1e6: {  	v30 =	vmul.f32 v31, v30;
	v43 =	vadd.f32 v37, v38;
	v15 =	vmul.f32 v14, v15  }
0x1e7: {  	v28 =	vsub.s32 $0x5F3759DF, v40;
	v45 =	vmul.f32 v10, v10;
	v44 =	vmul.f32 v33, v33  }
0x1e8: {  	[tilespmem:s16+$0x0] =	vst v12;
	v25 =	vmul.f32 v36, v25;
	v12 =	vmul.f32 v60, v13;
	v22 =	vsub.f32 v34, v22  }
0x1e9: {  	v40 =	vmul.f32 v28, v50;
	v32 =	vadd.f32 v41, v43;
	v31 =	vadd.f32 v44, v42  }
0x1ea: {  	v21 =	vadd.f32 v21, v46;
	v29 =	vmul.f32 v30, v29;
	v48 =	vmul.f32 v22, v22  }
0x1eb: {  	v47 =	vshrl.u32 v32, $0x1;
	v49 =	vmul.f32 $5.000000000e-01, v32;
	v31 =	vadd.f32 v45, v31  }
0x1ec: {  	v15 =	vmul.f32 v15, v14;
	v34 =	vsub.s32 $0x5F3759DF, v47;
	v21 =	vadd.f32 v48, v21  }
0x1ed: {  	v39 =	vmul.f32 v34, v49;
	v51 =	vshrl.u32 v31, $0x1;
	v52 =	vmul.f32 $5.000000000e-01, v31  }
0x1ee: {  	v36 =	vsub.s32 $0x5F3759DF, v51;
	v41 =	vshrl.u32 v21, $0x1;
	v42 =	vmul.f32 $5.000000000e-01, v21  }
0x1ef: {  	v39 =	vmul.f32 v34, v39;
	v43 =	vmul.f32 v36, v52;
	v41 =	vsub.s32 $0x5F3759DF, v41  }
0x1f0: {  	s15 =	sand.u32 $0x40, s3;
	v53 =	vmul.f32 v28, v40;
	v15 =	vsub.f32 $1.500000000e+00, v15;
	v54 =	vmul.f32 v41, v42  }
0x1f1: {  	[tilespmem:s26+$0x0] =	vst v27;
	s15 =	sadd.s32 s15, s18;
	v29 =	vmul.f32 v29, v30;
	v39 =	vsub.f32 $1.500000000e+00, v39;
	v56 =	vmul.f32 v36, v43  }
0x1f2: {  	s17 =	sadd.s32 $0x10, s3;
	[tilespmem:s15+$0x100] =	vst v10;
	v10 =	vmul.f32 v15, v14;
	v14 =	vsub.f32 $1.500000000e+00, v53;
	v15 =	vmul.f32 v41, v54  }
0x1f3: {  	[tilespmem:s16+$0x100] =	vst v18;
	s3 =	sand.u32 $0x50, s17;
	v55 =	vsub.f32 $1.500000000e+00, v29;
	v57 =	vmul.f32 v34, v39;
	v29 =	vsub.f32 $1.500000000e+00, v56  }
0x1f4: {  	[tilespmem:s16+$0x80] =	vst v16;
	s3 =	sadd.s32 s3, s18;
	v9 =	vmul.f32 v25, v9;
	v14 =	vmul.f32 v28, v14;
	v15 =	vsub.f32 $1.500000000e+00, v15  }
0x1f5: {  	[tilespmem:s3+$0x0] =	vst v19;
	v58 =	vmul.f32 v57, v49;
	v19 =	vmul.f32 v36, v29  }
0x1f6: {  	[tilespmem:s26+$0x100] =	vst v26;
	v59 =	vmul.f32 v14, v50;
	v15 =	vmul.f32 v41, v15  }
0x1f7: {  	[tilespmem:s3+$0x80] =	vst v20;
	v20 =	vmul.f32 v58, v57;
	v61 =	vmul.f32 v19, v52  }
0x1f8: {  	[tilespmem:s3+$0x100] =	vst v22;
	v22 =	vmul.f32 v59, v14;
	v18 =	vmul.f32 v15, v42  }
0x1f9: {  	[tilespmem:s15+$0x0] =	vst v23;
	v26 =	vmul.f32 v55, v30;
	v20 =	vsub.f32 $1.500000000e+00, v20;
	v13 =	vmul.f32 v61, v19  }
0x1fa: {  	[tilespmem:s15+$0x80] =	vst v33;
	v7 =	vmul.f32 v10, v7;
	v16 =	vsub.f32 $1.500000000e+00, v22;
	v10 =	vmul.f32 v18, v15  }
0x1fb: {  	v8 =	vmul.f32 v12, v8;
	[tilespmem:s0+$0x3900] =	vst v9;
	v9 =	vmul.f32 v20, v57;
	v12 =	vsub.f32 $1.500000000e+00, v13  }
0x1fc: {  	[tilespmem:s0+$0x38F0] =	vst v7;
	v7 =	vmul.f32 v26, v11;
	v11 =	vmul.f32 v16, v14;
	v10 =	vsub.f32 $1.500000000e+00, v10  }
0x1fd: {  	[tilespmem:s0+$0x38D0] =	vst v8;
	v8 =	vmul.f32 v9, v32;
	v9 =	vmul.f32 v12, v19  }
0x1fe: {  	[tilespmem:s0+$0x38E0] =	vst v7;
	v7 =	vmul.f32 v10, v15;
	v10 =	vmul.f32 v11, v17  }
0x1ff: {  	[tilespmem:s1+$0x3900] =	vst v8;
	v8 =	vmul.f32 v9, v31  }
0x200: {  	[tilespmem:s1+$0x38F0] =	vst v10;
	v7 =	vmul.f32 v7, v21  }
0x201: {  	[tilespmem:s1+$0x38D0] =	vst v8  }
0x202: {  	v6 =	vmul.f32 v6, v6;
	s24 =	simm.s32 $0x28D0;
	[tilespmem:s1+$0x38E0] =	vst v7  }
0x203: {  	[hbm4b:s10+s6] =	stream.linear.scatter [tilespmem:s24], [sflag:$0x1], $0x1000, $0x38;
	[tilespmem:$0x7ED0] =	vst v63  }
0x204: {  	s26 =	simm.s32 $0x3910;
	(erf) = vrcp.f32 v6  }
0x205: {  	[hbm4b:s12+s6] =	stream.linear.scatter [tilespmem:s30], [sflag:$0x1], $0x400, $0x38;
	[tilespmem:$0x7ED0] =	vst v63  }
0x206: {  	v9 =	vld [tilespmem:s26+$0xFFFFFFF0]  }
0x207: {  	v10 =	vld [tilespmem:s26+$0x30]  }
0x208: {  	v7 =	vld [tilespmem:s26+$0xFFFFFFC0]  }
0x209: {  	v11 =	vld [tilespmem:s26+$0xFFFFFFD0]  }
0x20a: {  	v12 =	vld [tilespmem:s26+$0x20]  }
0x20b: {  	v13 =	vld [tilespmem:s26+$0xFFFFFFE0]  }
0x20c: {  	v8 =	vbroadcast v5, $0x0;
	v14 =	vld [tilespmem:s26+$0x0]  }
0x20d: {  	v6 =	vpop (erf);
	v16 =	vld [tilespmem:s26+$0x10]  }
0x20e: {  	v6 =	vmul.f32 $-5.000000000e-01, v6;
	v15 =	vsub.f32 v7, v8;
	v9 =	vsub.f32 v9, v8  }
0x20f: {  	v10 =	vsub.f32 v10, v8;
	v11 =	vsub.f32 v11, v8  }
0x210: {  	v7 =	vbroadcast v6, $0x0;
	v12 =	vsub.f32 v12, v8;
	v13 =	vsub.f32 v13, v8  }
0x211: {  	v14 =	vsub.f32 v14, v8;
	v15 =	vmul.f32 v15, v15;
	v9 =	vmul.f32 v9, v9  }
0x212: {  	v16 =	vsub.f32 v16, v8;
	v10 =	vmul.f32 v10, v10;
	v11 =	vmul.f32 v11, v11  }
0x213: {  	v12 =	vmul.f32 v12, v12;
	v13 =	vmul.f32 v13, v13  }
0x214: {  	v14 =	vmul.f32 v14, v14;
	v16 =	vmul.f32 v16, v16  }
0x215: {  	v10 =	vmul.f32 v10, v7;
	v12 =	vmul.f32 v12, v7  }
0x216: {  	v15 =	vmul.f32 v15, v7;
	v13 =	vmul.f32 v13, v7  }
0x217: {  	s29 =	simm.s32 $0x3990;
	v9 =	vmul.f32 v9, v7;
	v10 =	vmul.f32 $1.442695020e+00, v10  }
0x218: {  	v17 =	vld [tilespmem:s29+$0xFFFFFFF0];
	v14 =	vmul.f32 v14, v7;
	v12 =	vmul.f32 $1.442695020e+00, v12  }
0x219: {  	(erf) = vpow2.f32 v10;
	v10 =	vmul.f32 v11, v7;
	v11 =	vld [tilespmem:s29+$0xFFFFFFC0]  }
0x21a: {  	v18 =	vld [tilespmem:s29+$0x30];
	v15 =	vmul.f32 $1.442695020e+00, v15;
	v13 =	vmul.f32 $1.442695020e+00, v13  }
0x21b: {  	v19 =	vld [tilespmem:s29+$0x20];
	v9 =	vmul.f32 $1.442695020e+00, v9;
	(erf) = vpow2.f32 v12  }
0x21c: {  	v12 =	vld [tilespmem:s29+$0xFFFFFFD0];
	(erf) = vpow2.f32 v15;
	v15 =	vmul.f32 $1.442695020e+00, v10  }
0x21d: {  	(erf) = vpow2.f32 v9;
	v9 =	vmul.f32 $1.442695020e+00, v14  }
0x21e: {  	(erf) = vpow2.f32 v13;
	v13 =	vld [tilespmem:s29+$0x0];
	v10 =	vsub.f32 v11, v8;
	v11 =	vsub.f32 v17, v8  }
0x21f: {  	v62 =	vld [tilespmem:s29+$0xFFFFFFE0];
	v14 =	vmul.f32 v16, v7;
	v16 =	vsub.f32 v18, v8;
	(erf) = vpow2.f32 v9  }
0x220: {  	v18 =	vmul.f32 v10, v10;
	v10 =	vmul.f32 v11, v11;
	v11 =	vsub.f32 v19, v8  }
0x221: {  	v14 =	vmul.f32 $1.442695020e+00, v14;
	v12 =	vsub.f32 v12, v8  }
0x222: {  	v11 =	vmul.f32 v11, v11  }
0x223: {  	v19 =	vld [tilespmem:s29+$0x10];
	v9 =	vmul.f32 v12, v12;
	v12 =	vmul.f32 v16, v16;
	v13 =	vsub.f32 v13, v8  }
0x224: {  	s0 =	simm.s32 $0x3D10;
	v17 =	vsub.f32 v62, v8;
	(erf) = vpow2.f32 v14;
	v16 =	vpop (erf)  }
0x225: {  	(erf) = vpow2.f32 v15;
	[tilespmem:s0+$0x30] =	vst v16;
	v14 =	vpop (erf);
	v16 =	vmul.f32 v12, v7  }
0x226: {  	[tilespmem:s0+$0x20] =	vst v14;
	v14 =	vmul.f32 v17, v17;
	v63 =	vmul.f32 v11, v7;
	v11 =	vpop (erf)  }
0x227: {  	v12 =	vmul.f32 v13, v13;
	v17 =	vmul.f32 $1.442695020e+00, v16;
	[tilespmem:s0+$0xFFFFFFC0] =	vst v11;
	v13 =	vpop (erf)  }
0x228: {  	s15 =	simm.s32 $0x3A10;
	s3 =	simm.s32 $0x8;
	s1 =	simm.s32 $0x3D10;
	v15 =	vmul.f32 v18, v7;
	v16 =	vmul.f32 $1.442695020e+00, v63;
	v11 =	vsub.f32 v19, v8;
	[tilespmem:s0+$0xFFFFFFF0] =	vst v13;
	v13 =	vpop (erf)  }
.LBB2_6:
0x229: {  	v18 =	vld [tilespmem:s15+$0xFFFFFFF0];
	s3 =	sadd.s32 $0x8, s3;
	v14 =	vmul.f32 v14, v7;
	(erf) = vpow2.f32 v17;
	s0 =	sadd.s32 $0x400, s0;
	v17 =	vpop (erf)  }
0x22a: {  	v9 =	vmul.f32 v9, v7;
	v10 =	vmul.f32 v10, v7;
	v19 =	vld [tilespmem:s15+$0x30];
	p1 =	slt.u32 s3, $0x38;
	[tilespmem:s1+$0x0] =	vst v17  }
0x22b: {  	v15 =	vmul.f32 $1.442695020e+00, v15;
	v17 =	vld [tilespmem:s15+$0xFFFFFFC0];
	(erf) = vpow2.f32 v16;
	[tilespmem:s1+$0xFFFFFFE0] =	vst v13  }
0x22c: {  	v14 =	vmul.f32 $1.442695020e+00, v14;
	v10 =	vmul.f32 $1.442695020e+00, v10;
	v13 =	vld [tilespmem:s15+$0xFFFFFFD0]  }
0x22d: {  	v12 =	vmul.f32 v12, v7;
	v11 =	vmul.f32 v11, v11;
	v16 =	vld [tilespmem:s15+$0x20];
	v20 =	vpop (erf)  }
0x22e: {  	v22 =	vmul.f32 $1.442695020e+00, v9;
	v21 =	vld [tilespmem:s15+$0xFFFFFFE0];
	(erf) = vpow2.f32 v15;
	[tilespmem:s1+$0x10] =	vst v20;
	v9 =	vpop (erf)  }
0x22f: {  	v15 =	vsub.f32 v18, v8;
	v20 =	vmul.f32 $1.442695020e+00, v12;
	v18 =	vld [tilespmem:s15+$0x0];
	(erf) = vpow2.f32 v10;
	[tilespmem:s1+$0xFFFFFFD0] =	vst v9;
	s1 =	smov.u32 s0  }
0x230: {  	v11 =	vmul.f32 v11, v7;
	v9 =	vsub.f32 v17, v8;
	v17 =	vld [tilespmem:s15+$0x10];
	(erf) = vpow2.f32 v14  }
0x231: {  	v14 =	vsub.f32 v19, v8;
	v13 =	vsub.f32 v13, v8;
	(erf) = vpow2.f32 v20  }
0x232: {  	v10 =	vmul.f32 v15, v15;
	v19 =	vmul.f32 v9, v9;
	v12 =	vpop (erf)  }
0x233: {  	v15 =	vmul.f32 $1.442695020e+00, v11;
	v9 =	vmul.f32 v13, v13;
	v13 =	vsub.f32 v16, v8;
	[tilespmem:s0+$0x30] =	vst v12  }
0x234: {  	v14 =	vmul.f32 v14, v14;
	v12 =	vsub.f32 v21, v8;
	v16 =	vsub.f32 v18, v8;
	v18 =	vpop (erf)  }
.Ltmp2:
0x235: {  	v11 =	vsub.f32 v17, v8;
	v13 =	vmul.f32 v13, v13;
	[tilespmem:s0+$0x20] =	vst v18;
	(erf) = vpow2.f32 v15;
	(pc) =	sbr.rel @p1 .LBB2_6-.Ltmp2, $4  }
0x236: {  	v15 =	vmul.f32 v14, v7;
	(erf) = vpow2.f32 v22  }
0x237: {  	v14 =	vmul.f32 v12, v12;
	v20 =	vmul.f32 v13, v7;
	v18 =	vpop (erf)  }
0x238: {  	v12 =	vmul.f32 v16, v16;
	v17 =	vmul.f32 $1.442695020e+00, v15;
	[tilespmem:s0+$0xFFFFFFC0] =	vst v18;
	v18 =	vpop (erf)  }
0x239: {  	s15 =	sadd.s32 $0x80, s15;
	v15 =	vmul.f32 v19, v7;
	v16 =	vmul.f32 $1.442695020e+00, v20;
	[tilespmem:s0+$0xFFFFFFF0] =	vst v18;
	v13 =	vpop (erf)  }
0x23a: {  	v8 =	vmul.f32 v14, v7;
	(erf) = vpow2.f32 v17  }
0x23b: {  	v10 =	vmul.f32 v10, v7;
	v12 =	vmul.f32 v12, v7  }
0x23c: {  	v11 =	vmul.f32 v11, v11;
	v14 =	vmul.f32 $1.442695020e+00, v15  }
0x23d: {  	(erf) = vpow2.f32 v16;
	v10 =	vmul.f32 $1.442695020e+00, v10  }
0x23e: {  	v8 =	vmul.f32 $1.442695020e+00, v8;
	(erf) = vpow2.f32 v14  }
0x23f: {  	(erf) = vpow2.f32 v10;
	v10 =	vmul.f32 v11, v7  }
0x240: {  	v12 =	vmul.f32 $1.442695020e+00, v12;
	v7 =	vmul.f32 v9, v7  }
0x241: {  	(erf) = vpow2.f32 v8;
	v8 =	vmul.f32 $1.442695020e+00, v10  }
0x242: {  	(erf) = vpow2.f32 v12;
	v7 =	vmul.f32 $1.442695020e+00, v7  }
0x243: {  	[tilespmem:s1+$0xFFFFFFE0] =	vst v13;
	v9 =	vpop (erf);
	(erf) = vpow2.f32 v8  }
0x244: {  	[tilespmem:s1+$0x0] =	vst v9;
	v9 =	vpop (erf);
	(erf) = vpow2.f32 v7  }
0x245: {  	[tilespmem:s1+$0x10] =	vst v9;
	v8 =	vpop (erf)  }
0x246: {  	s0 =	sadd.s32 $0x400, s0;
	v7 =	vpop (erf);
	[tilespmem:s1+$0xFFFFFFD0] =	vst v8  }
0x247: {  	v9 =	vpop (erf);
	[tilespmem:s0+$0x30] =	vst v7  }
0x248: {  	v7 =	vpop (erf);
	[tilespmem:s0+$0x20] =	vst v9  }
0x249: {  	v8 =	vpop (erf);
	[tilespmem:s0+$0xFFFFFFC0] =	vst v7  }
0x24a: {  	v7 =	vpop (erf);
	[tilespmem:s0+$0xFFFFFFF0] =	vst v8  }
0x24b: {  	v8 =	vpop (erf);
	[tilespmem:s0+$0xFFFFFFE0] =	vst v7  }
0x24c: {  	[tilespmem:s0+$0x0] =	vst v8;
	v7 =	vpop (erf)  }
0x24d: {  	[tilespmem:s0+$0x10] =	vst v7;
	v7 =	vpop (erf)  }
0x24e: {  	s26 =	simm.s32 $0x3910;
	[tilespmem:s0+$0xFFFFFFD0] =	vst v7  }
0x24f: {  	v9 =	vld [tilespmem:s26+$0xFFFFFFF0]  }
0x250: {  	v10 =	vld [tilespmem:s26+$0x30]  }
0x251: {  	v7 =	vld [tilespmem:s26+$0xFFFFFFC0]  }
0x252: {  	v11 =	vld [tilespmem:s26+$0xFFFFFFD0]  }
0x253: {  	v12 =	vld [tilespmem:s26+$0x20]  }
0x254: {  	v13 =	vld [tilespmem:s26+$0xFFFFFFE0]  }
0x255: {  	v8 =	vbroadcast v5, $0x1;
	v14 =	vld [tilespmem:s26+$0x0]  }
0x256: {  	v16 =	vld [tilespmem:s26+$0x10]  }
0x257: {  	v15 =	vsub.f32 v7, v8;
	v9 =	vsub.f32 v9, v8  }
0x258: {  	v10 =	vsub.f32 v10, v8;
	v11 =	vsub.f32 v11, v8  }
0x259: {  	v7 =	vbroadcast v6, $0x1;
	v12 =	vsub.f32 v12, v8;
	v13 =	vsub.f32 v13, v8  }
0x25a: {  	v14 =	vsub.f32 v14, v8;
	v15 =	vmul.f32 v15, v15;
	v9 =	vmul.f32 v9, v9  }
0x25b: {  	v16 =	vsub.f32 v16, v8;
	v10 =	vmul.f32 v10, v10;
	v11 =	vmul.f32 v11, v11  }
0x25c: {  	v12 =	vmul.f32 v12, v12;
	v13 =	vmul.f32 v13, v13  }
0x25d: {  	v14 =	vmul.f32 v14, v14;
	v16 =	vmul.f32 v16, v16  }
0x25e: {  	v10 =	vmul.f32 v10, v7;
	v12 =	vmul.f32 v12, v7  }
0x25f: {  	v15 =	vmul.f32 v15, v7;
	v13 =	vmul.f32 v13, v7  }
0x260: {  	s29 =	simm.s32 $0x3990;
	v9 =	vmul.f32 v9, v7;
	v10 =	vmul.f32 $1.442695020e+00, v10  }
0x261: {  	v17 =	vld [tilespmem:s29+$0xFFFFFFF0];
	v14 =	vmul.f32 v14, v7;
	v12 =	vmul.f32 $1.442695020e+00, v12  }
0x262: {  	(erf) = vpow2.f32 v10;
	v10 =	vmul.f32 v11, v7;
	v11 =	vld [tilespmem:s29+$0xFFFFFFC0]  }
0x263: {  	v18 =	vld [tilespmem:s29+$0x30];
	v15 =	vmul.f32 $1.442695020e+00, v15;
	v13 =	vmul.f32 $1.442695020e+00, v13  }
0x264: {  	v19 =	vld [tilespmem:s29+$0x20];
	v9 =	vmul.f32 $1.442695020e+00, v9;
	(erf) = vpow2.f32 v12  }
0x265: {  	v12 =	vld [tilespmem:s29+$0xFFFFFFD0];
	(erf) = vpow2.f32 v15;
	v15 =	vmul.f32 $1.442695020e+00, v10  }
0x266: {  	(erf) = vpow2.f32 v9;
	v9 =	vmul.f32 $1.442695020e+00, v14  }
0x267: {  	(erf) = vpow2.f32 v13;
	v13 =	vld [tilespmem:s29+$0x0];
	v10 =	vsub.f32 v11, v8;
	v11 =	vsub.f32 v17, v8  }
0x268: {  	v20 =	vld [tilespmem:s29+$0xFFFFFFE0];
	v14 =	vmul.f32 v16, v7;
	v16 =	vsub.f32 v18, v8;
	(erf) = vpow2.f32 v9  }
0x269: {  	v18 =	vmul.f32 v10, v10;
	v10 =	vmul.f32 v11, v11;
	v11 =	vsub.f32 v19, v8  }
0x26a: {  	v14 =	vmul.f32 $1.442695020e+00, v14;
	v12 =	vsub.f32 v12, v8  }
0x26b: {  	v11 =	vmul.f32 v11, v11  }
0x26c: {  	v19 =	vld [tilespmem:s29+$0x10];
	v9 =	vmul.f32 v12, v12;
	v12 =	vmul.f32 v16, v16;
	v13 =	vsub.f32 v13, v8  }
0x26d: {  	s0 =	simm.s32 $0x3DC0;
	v17 =	vsub.f32 v20, v8;
	v16 =	vpop (erf);
	(erf) = vpow2.f32 v14  }
0x26e: {  	[tilespmem:s0+$0x0] =	vst v16;
	v14 =	vpop (erf);
	v16 =	vmul.f32 v12, v7;
	(erf) = vpow2.f32 v15  }
0x26f: {  	[tilespmem:s0+$0xFFFFFFF0] =	vst v14;
	v14 =	vmul.f32 v17, v17;
	v63 =	vmul.f32 v11, v7;
	v11 =	vpop (erf)  }
0x270: {  	v12 =	vmul.f32 v13, v13;
	v17 =	vmul.f32 $1.442695020e+00, v16;
	[tilespmem:s0+$0xFFFFFF90] =	vst v11;
	v13 =	vpop (erf)  }
0x271: {  	s3 =	simm.s32 $0x8;
	s15 =	simm.s32 $0x3A10;
	s1 =	simm.s32 $0x3DC0;
	v15 =	vmul.f32 v18, v7;
	v16 =	vmul.f32 $1.442695020e+00, v63;
	v11 =	vsub.f32 v19, v8;
	[tilespmem:s0+$0xFFFFFFC0] =	vst v13;
	v13 =	vpop (erf)  }
.LBB2_8:
0x272: {  	v18 =	vld [tilespmem:s15+$0xFFFFFFF0];
	s3 =	sadd.s32 $0x8, s3;
	v14 =	vmul.f32 v14, v7;
	(erf) = vpow2.f32 v17;
	s0 =	sadd.s32 $0x400, s0;
	v17 =	vpop (erf)  }
0x273: {  	v9 =	vmul.f32 v9, v7;
	v10 =	vmul.f32 v10, v7;
	v19 =	vld [tilespmem:s15+$0x30];
	p1 =	slt.u32 s3, $0x38;
	[tilespmem:s1+$0xFFFFFFD0] =	vst v17  }
0x274: {  	v15 =	vmul.f32 $1.442695020e+00, v15;
	v17 =	vld [tilespmem:s15+$0xFFFFFFC0];
	(erf) = vpow2.f32 v16;
	[tilespmem:s1+$0xFFFFFFB0] =	vst v13  }
0x275: {  	v14 =	vmul.f32 $1.442695020e+00, v14;
	v10 =	vmul.f32 $1.442695020e+00, v10;
	v13 =	vld [tilespmem:s15+$0xFFFFFFD0]  }
0x276: {  	v12 =	vmul.f32 v12, v7;
	v11 =	vmul.f32 v11, v11;
	v16 =	vld [tilespmem:s15+$0x20];
	v20 =	vpop (erf)  }
0x277: {  	v22 =	vmul.f32 $1.442695020e+00, v9;
	v21 =	vld [tilespmem:s15+$0xFFFFFFE0];
	(erf) = vpow2.f32 v15;
	[tilespmem:s1+$0xFFFFFFE0] =	vst v20;
	v9 =	vpop (erf)  }
0x278: {  	v15 =	vsub.f32 v18, v8;
	v20 =	vmul.f32 $1.442695020e+00, v12;
	v18 =	vld [tilespmem:s15+$0x0];
	(erf) = vpow2.f32 v10;
	[tilespmem:s1+$0xFFFFFFA0] =	vst v9;
	s1 =	smov.u32 s0  }
0x279: {  	v11 =	vmul.f32 v11, v7;
	v9 =	vsub.f32 v17, v8;
	v17 =	vld [tilespmem:s15+$0x10];
	(erf) = vpow2.f32 v14  }
0x27a: {  	v14 =	vsub.f32 v19, v8;
	v13 =	vsub.f32 v13, v8;
	(erf) = vpow2.f32 v20  }
0x27b: {  	v10 =	vmul.f32 v15, v15;
	v19 =	vmul.f32 v9, v9;
	v12 =	vpop (erf)  }
0x27c: {  	v15 =	vmul.f32 $1.442695020e+00, v11;
	v9 =	vmul.f32 v13, v13;
	v13 =	vsub.f32 v16, v8;
	[tilespmem:s0+$0x0] =	vst v12  }
0x27d: {  	v14 =	vmul.f32 v14, v14;
	v12 =	vsub.f32 v21, v8;
	v16 =	vsub.f32 v18, v8;
	v18 =	vpop (erf)  }
.Ltmp3:
0x27e: {  	v11 =	vsub.f32 v17, v8;
	v13 =	vmul.f32 v13, v13;
	[tilespmem:s0+$0xFFFFFFF0] =	vst v18;
	(erf) = vpow2.f32 v15;
	(pc) =	sbr.rel @p1 .LBB2_8-.Ltmp3, $4  }
0x27f: {  	v15 =	vmul.f32 v14, v7;
	(erf) = vpow2.f32 v22  }
0x280: {  	v14 =	vmul.f32 v12, v12;
	v20 =	vmul.f32 v13, v7;
	v18 =	vpop (erf)  }
0x281: {  	v12 =	vmul.f32 v16, v16;
	v17 =	vmul.f32 $1.442695020e+00, v15;
	[tilespmem:s0+$0xFFFFFF90] =	vst v18;
	v18 =	vpop (erf)  }
0x282: {  	s15 =	sadd.s32 $0x80, s15;
	v15 =	vmul.f32 v19, v7;
	v16 =	vmul.f32 $1.442695020e+00, v20;
	[tilespmem:s0+$0xFFFFFFC0] =	vst v18;
	v13 =	vpop (erf)  }
0x283: {  	v8 =	vmul.f32 v14, v7;
	(erf) = vpow2.f32 v17  }
0x284: {  	v10 =	vmul.f32 v10, v7;
	v12 =	vmul.f32 v12, v7  }
0x285: {  	v11 =	vmul.f32 v11, v11;
	v14 =	vmul.f32 $1.442695020e+00, v15  }
0x286: {  	(erf) = vpow2.f32 v16;
	v10 =	vmul.f32 $1.442695020e+00, v10  }
0x287: {  	v8 =	vmul.f32 $1.442695020e+00, v8;
	(erf) = vpow2.f32 v14  }
0x288: {  	(erf) = vpow2.f32 v10;
	v10 =	vmul.f32 v11, v7  }
0x289: {  	v12 =	vmul.f32 $1.442695020e+00, v12;
	v7 =	vmul.f32 v9, v7  }
0x28a: {  	(erf) = vpow2.f32 v8;
	v8 =	vmul.f32 $1.442695020e+00, v10  }
0x28b: {  	(erf) = vpow2.f32 v12;
	v7 =	vmul.f32 $1.442695020e+00, v7  }
0x28c: {  	[tilespmem:s1+$0xFFFFFFB0] =	vst v13;
	v9 =	vpop (erf);
	(erf) = vpow2.f32 v8  }
0x28d: {  	[tilespmem:s1+$0xFFFFFFD0] =	vst v9;
	v9 =	vpop (erf);
	(erf) = vpow2.f32 v7  }
0x28e: {  	[tilespmem:s1+$0xFFFFFFE0] =	vst v9;
	v8 =	vpop (erf)  }
0x28f: {  	s0 =	sadd.s32 $0x400, s0;
	v7 =	vpop (erf);
	[tilespmem:s1+$0xFFFFFFA0] =	vst v8  }
0x290: {  	v9 =	vpop (erf);
	[tilespmem:s0+$0x0] =	vst v7  }
0x291: {  	v7 =	vpop (erf);
	[tilespmem:s0+$0xFFFFFFF0] =	vst v9  }
0x292: {  	v8 =	vpop (erf);
	[tilespmem:s0+$0xFFFFFF90] =	vst v7  }
0x293: {  	v7 =	vpop (erf);
	[tilespmem:s0+$0xFFFFFFC0] =	vst v8  }
0x294: {  	v8 =	vpop (erf);
	[tilespmem:s0+$0xFFFFFFB0] =	vst v7  }
0x295: {  	[tilespmem:s0+$0xFFFFFFD0] =	vst v8;
	v7 =	vpop (erf)  }
0x296: {  	[tilespmem:s0+$0xFFFFFFE0] =	vst v7;
	v7 =	vpop (erf)  }
0x297: {  	s26 =	simm.s32 $0x3910;
	[tilespmem:s0+$0xFFFFFFA0] =	vst v7  }
0x298: {  	v9 =	vld [tilespmem:s26+$0xFFFFFFF0]  }
0x299: {  	v10 =	vld [tilespmem:s26+$0x30]  }
0x29a: {  	v7 =	vld [tilespmem:s26+$0xFFFFFFC0]  }
0x29b: {  	v11 =	vld [tilespmem:s26+$0xFFFFFFD0]  }
0x29c: {  	v12 =	vld [tilespmem:s26+$0x20]  }
0x29d: {  	v13 =	vld [tilespmem:s26+$0xFFFFFFE0]  }
0x29e: {  	v8 =	vbroadcast v5, $0x2;
	v14 =	vld [tilespmem:s26+$0x0]  }
0x29f: {  	v16 =	vld [tilespmem:s26+$0x10]  }
0x2a0: {  	v15 =	vsub.f32 v7, v8;
	v9 =	vsub.f32 v9, v8  }
0x2a1: {  	v10 =	vsub.f32 v10, v8;
	v11 =	vsub.f32 v11, v8  }
0x2a2: {  	v7 =	vbroadcast v6, $0x2;
	v12 =	vsub.f32 v12, v8;
	v13 =	vsub.f32 v13, v8  }
0x2a3: {  	v14 =	vsub.f32 v14, v8;
	v15 =	vmul.f32 v15, v15;
	v9 =	vmul.f32 v9, v9  }
0x2a4: {  	v16 =	vsub.f32 v16, v8;
	v10 =	vmul.f32 v10, v10;
	v11 =	vmul.f32 v11, v11  }
0x2a5: {  	v12 =	vmul.f32 v12, v12;
	v13 =	vmul.f32 v13, v13  }
0x2a6: {  	v14 =	vmul.f32 v14, v14;
	v16 =	vmul.f32 v16, v16  }
0x2a7: {  	v10 =	vmul.f32 v10, v7;
	v12 =	vmul.f32 v12, v7  }
0x2a8: {  	v15 =	vmul.f32 v15, v7;
	v13 =	vmul.f32 v13, v7  }
0x2a9: {  	s29 =	simm.s32 $0x3990;
	v9 =	vmul.f32 v9, v7;
	v10 =	vmul.f32 $1.442695020e+00, v10  }
0x2aa: {  	v17 =	vld [tilespmem:s29+$0xFFFFFFF0];
	v14 =	vmul.f32 v14, v7;
	v12 =	vmul.f32 $1.442695020e+00, v12  }
0x2ab: {  	(erf) = vpow2.f32 v10;
	v10 =	vmul.f32 v11, v7;
	v11 =	vld [tilespmem:s29+$0xFFFFFFC0]  }
0x2ac: {  	v18 =	vld [tilespmem:s29+$0x30];
	v15 =	vmul.f32 $1.442695020e+00, v15;
	v13 =	vmul.f32 $1.442695020e+00, v13  }
0x2ad: {  	v19 =	vld [tilespmem:s29+$0x20];
	v9 =	vmul.f32 $1.442695020e+00, v9;
	(erf) = vpow2.f32 v12  }
0x2ae: {  	v12 =	vld [tilespmem:s29+$0xFFFFFFD0];
	(erf) = vpow2.f32 v15;
	v15 =	vmul.f32 $1.442695020e+00, v10  }
0x2af: {  	(erf) = vpow2.f32 v9;
	v9 =	vmul.f32 $1.442695020e+00, v14  }
0x2b0: {  	(erf) = vpow2.f32 v13;
	v13 =	vld [tilespmem:s29+$0x0];
	v10 =	vsub.f32 v11, v8;
	v11 =	vsub.f32 v17, v8  }
0x2b1: {  	v20 =	vld [tilespmem:s29+$0xFFFFFFE0];
	v14 =	vmul.f32 v16, v7;
	v16 =	vsub.f32 v18, v8;
	(erf) = vpow2.f32 v9  }
0x2b2: {  	v18 =	vmul.f32 v10, v10;
	v10 =	vmul.f32 v11, v11;
	v11 =	vsub.f32 v19, v8  }
0x2b3: {  	v14 =	vmul.f32 $1.442695020e+00, v14;
	v12 =	vsub.f32 v12, v8  }
0x2b4: {  	v11 =	vmul.f32 v11, v11  }
0x2b5: {  	v19 =	vld [tilespmem:s29+$0x10];
	v9 =	vmul.f32 v12, v12;
	v12 =	vmul.f32 v16, v16;
	v13 =	vsub.f32 v13, v8  }
0x2b6: {  	s0 =	simm.s32 $0x3E40;
	v17 =	vsub.f32 v20, v8;
	v16 =	vpop (erf);
	(erf) = vpow2.f32 v14  }
0x2b7: {  	[tilespmem:s0+$0x0] =	vst v16;
	v14 =	vpop (erf);
	v16 =	vmul.f32 v12, v7;
	(erf) = vpow2.f32 v15  }
0x2b8: {  	[tilespmem:s0+$0xFFFFFFF0] =	vst v14;
	v14 =	vmul.f32 v17, v17;
	v63 =	vmul.f32 v11, v7;
	v11 =	vpop (erf)  }
0x2b9: {  	v12 =	vmul.f32 v13, v13;
	v17 =	vmul.f32 $1.442695020e+00, v16;
	[tilespmem:s0+$0xFFFFFF90] =	vst v11;
	v13 =	vpop (erf)  }
0x2ba: {  	s3 =	simm.s32 $0x8;
	s15 =	simm.s32 $0x3A10;
	s1 =	simm.s32 $0x3E40;
	v15 =	vmul.f32 v18, v7;
	v16 =	vmul.f32 $1.442695020e+00, v63;
	v11 =	vsub.f32 v19, v8;
	[tilespmem:s0+$0xFFFFFFC0] =	vst v13;
	v13 =	vpop (erf)  }
.LBB2_10:
0x2bb: {  	v18 =	vld [tilespmem:s15+$0xFFFFFFF0];
	s3 =	sadd.s32 $0x8, s3;
	v14 =	vmul.f32 v14, v7;
	(erf) = vpow2.f32 v17;
	s0 =	sadd.s32 $0x400, s0;
	v17 =	vpop (erf)  }
0x2bc: {  	v9 =	vmul.f32 v9, v7;
	v10 =	vmul.f32 v10, v7;
	v19 =	vld [tilespmem:s15+$0x30];
	p1 =	slt.u32 s3, $0x38;
	[tilespmem:s1+$0xFFFFFFD0] =	vst v17  }
0x2bd: {  	v15 =	vmul.f32 $1.442695020e+00, v15;
	v17 =	vld [tilespmem:s15+$0xFFFFFFC0];
	(erf) = vpow2.f32 v16;
	[tilespmem:s1+$0xFFFFFFB0] =	vst v13  }
0x2be: {  	v14 =	vmul.f32 $1.442695020e+00, v14;
	v10 =	vmul.f32 $1.442695020e+00, v10;
	v13 =	vld [tilespmem:s15+$0xFFFFFFD0]  }
0x2bf: {  	v12 =	vmul.f32 v12, v7;
	v11 =	vmul.f32 v11, v11;
	v16 =	vld [tilespmem:s15+$0x20];
	v20 =	vpop (erf)  }
0x2c0: {  	v22 =	vmul.f32 $1.442695020e+00, v9;
	v21 =	vld [tilespmem:s15+$0xFFFFFFE0];
	(erf) = vpow2.f32 v15;
	[tilespmem:s1+$0xFFFFFFE0] =	vst v20;
	v9 =	vpop (erf)  }
0x2c1: {  	v15 =	vsub.f32 v18, v8;
	v20 =	vmul.f32 $1.442695020e+00, v12;
	v18 =	vld [tilespmem:s15+$0x0];
	(erf) = vpow2.f32 v10;
	[tilespmem:s1+$0xFFFFFFA0] =	vst v9;
	s1 =	smov.u32 s0  }
0x2c2: {  	v11 =	vmul.f32 v11, v7;
	v9 =	vsub.f32 v17, v8;
	v17 =	vld [tilespmem:s15+$0x10];
	(erf) = vpow2.f32 v14  }
0x2c3: {  	v14 =	vsub.f32 v19, v8;
	v13 =	vsub.f32 v13, v8;
	(erf) = vpow2.f32 v20  }
0x2c4: {  	v10 =	vmul.f32 v15, v15;
	v19 =	vmul.f32 v9, v9;
	v12 =	vpop (erf)  }
0x2c5: {  	v15 =	vmul.f32 $1.442695020e+00, v11;
	v9 =	vmul.f32 v13, v13;
	v13 =	vsub.f32 v16, v8;
	[tilespmem:s0+$0x0] =	vst v12  }
0x2c6: {  	v14 =	vmul.f32 v14, v14;
	v12 =	vsub.f32 v21, v8;
	v16 =	vsub.f32 v18, v8;
	v18 =	vpop (erf)  }
.Ltmp4:
0x2c7: {  	v11 =	vsub.f32 v17, v8;
	v13 =	vmul.f32 v13, v13;
	[tilespmem:s0+$0xFFFFFFF0] =	vst v18;
	(erf) = vpow2.f32 v15;
	(pc) =	sbr.rel @p1 .LBB2_10-.Ltmp4, $4  }
0x2c8: {  	v15 =	vmul.f32 v14, v7;
	(erf) = vpow2.f32 v22  }
0x2c9: {  	v14 =	vmul.f32 v12, v12;
	v20 =	vmul.f32 v13, v7;
	v18 =	vpop (erf)  }
0x2ca: {  	v12 =	vmul.f32 v16, v16;
	v17 =	vmul.f32 $1.442695020e+00, v15;
	[tilespmem:s0+$0xFFFFFF90] =	vst v18;
	v18 =	vpop (erf)  }
0x2cb: {  	s15 =	sadd.s32 $0x80, s15;
	v15 =	vmul.f32 v19, v7;
	v16 =	vmul.f32 $1.442695020e+00, v20;
	[tilespmem:s0+$0xFFFFFFC0] =	vst v18;
	v13 =	vpop (erf)  }
0x2cc: {  	v8 =	vmul.f32 v14, v7;
	(erf) = vpow2.f32 v17  }
0x2cd: {  	v10 =	vmul.f32 v10, v7;
	v12 =	vmul.f32 v12, v7  }
0x2ce: {  	v11 =	vmul.f32 v11, v11;
	v14 =	vmul.f32 $1.442695020e+00, v15  }
0x2cf: {  	(erf) = vpow2.f32 v16;
	v10 =	vmul.f32 $1.442695020e+00, v10  }
0x2d0: {  	v8 =	vmul.f32 $1.442695020e+00, v8;
	(erf) = vpow2.f32 v14  }
0x2d1: {  	(erf) = vpow2.f32 v10;
	v10 =	vmul.f32 v11, v7  }
0x2d2: {  	v12 =	vmul.f32 $1.442695020e+00, v12;
	v7 =	vmul.f32 v9, v7  }
0x2d3: {  	(erf) = vpow2.f32 v8;
	v8 =	vmul.f32 $1.442695020e+00, v10  }
0x2d4: {  	(erf) = vpow2.f32 v12;
	v7 =	vmul.f32 $1.442695020e+00, v7  }
0x2d5: {  	[tilespmem:s1+$0xFFFFFFB0] =	vst v13;
	v9 =	vpop (erf);
	(erf) = vpow2.f32 v8  }
0x2d6: {  	[tilespmem:s1+$0xFFFFFFD0] =	vst v9;
	v9 =	vpop (erf);
	(erf) = vpow2.f32 v7  }
0x2d7: {  	[tilespmem:s1+$0xFFFFFFE0] =	vst v9;
	v8 =	vpop (erf)  }
0x2d8: {  	s0 =	sadd.s32 $0x400, s0;
	v7 =	vpop (erf);
	[tilespmem:s1+$0xFFFFFFA0] =	vst v8  }
0x2d9: {  	v9 =	vpop (erf);
	[tilespmem:s0+$0x0] =	vst v7  }
0x2da: {  	v7 =	vpop (erf);
	[tilespmem:s0+$0xFFFFFFF0] =	vst v9  }
0x2db: {  	v8 =	vpop (erf);
	[tilespmem:s0+$0xFFFFFF90] =	vst v7  }
0x2dc: {  	v7 =	vpop (erf);
	[tilespmem:s0+$0xFFFFFFC0] =	vst v8  }
0x2dd: {  	v8 =	vpop (erf);
	[tilespmem:s0+$0xFFFFFFB0] =	vst v7  }
0x2de: {  	[tilespmem:s0+$0xFFFFFFD0] =	vst v8;
	v7 =	vpop (erf)  }
0x2df: {  	[tilespmem:s0+$0xFFFFFFE0] =	vst v7;
	v7 =	vpop (erf)  }
0x2e0: {  	s26 =	simm.s32 $0x3910;
	[tilespmem:s0+$0xFFFFFFA0] =	vst v7  }
0x2e1: {  	v9 =	vld [tilespmem:s26+$0xFFFFFFF0]  }
0x2e2: {  	v10 =	vld [tilespmem:s26+$0x30]  }
0x2e3: {  	v7 =	vld [tilespmem:s26+$0xFFFFFFC0]  }
0x2e4: {  	v11 =	vld [tilespmem:s26+$0xFFFFFFD0]  }
0x2e5: {  	v12 =	vld [tilespmem:s26+$0x20]  }
0x2e6: {  	v13 =	vld [tilespmem:s26+$0xFFFFFFE0]  }
0x2e7: {  	v8 =	vbroadcast v5, $0x3;
	v14 =	vld [tilespmem:s26+$0x0]  }
0x2e8: {  	v16 =	vld [tilespmem:s26+$0x10]  }
0x2e9: {  	v15 =	vsub.f32 v7, v8;
	v9 =	vsub.f32 v9, v8  }
0x2ea: {  	v10 =	vsub.f32 v10, v8;
	v11 =	vsub.f32 v11, v8  }
0x2eb: {  	v7 =	vbroadcast v6, $0x3;
	v12 =	vsub.f32 v12, v8;
	v13 =	vsub.f32 v13, v8  }
0x2ec: {  	v14 =	vsub.f32 v14, v8;
	v15 =	vmul.f32 v15, v15;
	v9 =	vmul.f32 v9, v9  }
0x2ed: {  	v16 =	vsub.f32 v16, v8;
	v10 =	vmul.f32 v10, v10;
	v11 =	vmul.f32 v11, v11  }
0x2ee: {  	v12 =	vmul.f32 v12, v12;
	v13 =	vmul.f32 v13, v13  }
0x2ef: {  	v14 =	vmul.f32 v14, v14;
	v16 =	vmul.f32 v16, v16  }
0x2f0: {  	v10 =	vmul.f32 v10, v7;
	v12 =	vmul.f32 v12, v7  }
0x2f1: {  	v15 =	vmul.f32 v15, v7;
	v13 =	vmul.f32 v13, v7  }
0x2f2: {  	s29 =	simm.s32 $0x3990;
	v9 =	vmul.f32 v9, v7;
	v10 =	vmul.f32 $1.442695020e+00, v10  }
0x2f3: {  	v17 =	vld [tilespmem:s29+$0xFFFFFFF0];
	v14 =	vmul.f32 v14, v7;
	v12 =	vmul.f32 $1.442695020e+00, v12  }
0x2f4: {  	(erf) = vpow2.f32 v10;
	v10 =	vmul.f32 v11, v7;
	v11 =	vld [tilespmem:s29+$0xFFFFFFC0]  }
0x2f5: {  	v18 =	vld [tilespmem:s29+$0x30];
	v15 =	vmul.f32 $1.442695020e+00, v15;
	v13 =	vmul.f32 $1.442695020e+00, v13  }
0x2f6: {  	v19 =	vld [tilespmem:s29+$0x20];
	v9 =	vmul.f32 $1.442695020e+00, v9;
	(erf) = vpow2.f32 v12  }
0x2f7: {  	v12 =	vld [tilespmem:s29+$0xFFFFFFD0];
	(erf) = vpow2.f32 v15;
	v15 =	vmul.f32 $1.442695020e+00, v10  }
0x2f8: {  	(erf) = vpow2.f32 v9;
	v9 =	vmul.f32 $1.442695020e+00, v14  }
0x2f9: {  	(erf) = vpow2.f32 v13;
	v13 =	vld [tilespmem:s29+$0x0];
	v10 =	vsub.f32 v11, v8;
	v11 =	vsub.f32 v17, v8  }
0x2fa: {  	v20 =	vld [tilespmem:s29+$0xFFFFFFE0];
	v14 =	vmul.f32 v16, v7;
	v16 =	vsub.f32 v18, v8;
	(erf) = vpow2.f32 v9  }
0x2fb: {  	v18 =	vmul.f32 v10, v10;
	v10 =	vmul.f32 v11, v11;
	v11 =	vsub.f32 v19, v8  }
0x2fc: {  	v14 =	vmul.f32 $1.442695020e+00, v14;
	v12 =	vsub.f32 v12, v8  }
0x2fd: {  	v11 =	vmul.f32 v11, v11  }
0x2fe: {  	v19 =	vld [tilespmem:s29+$0x10];
	v9 =	vmul.f32 v12, v12;
	v12 =	vmul.f32 v16, v16;
	v13 =	vsub.f32 v13, v8  }
0x2ff: {  	s0 =	simm.s32 $0x3EC0;
	v17 =	vsub.f32 v20, v8;
	v16 =	vpop (erf);
	(erf) = vpow2.f32 v14  }
0x300: {  	[tilespmem:s0+$0x0] =	vst v16;
	v14 =	vpop (erf);
	v16 =	vmul.f32 v12, v7;
	(erf) = vpow2.f32 v15  }
0x301: {  	[tilespmem:s0+$0xFFFFFFF0] =	vst v14;
	v14 =	vmul.f32 v17, v17;
	v63 =	vmul.f32 v11, v7;
	v11 =	vpop (erf)  }
0x302: {  	v12 =	vmul.f32 v13, v13;
	v17 =	vmul.f32 $1.442695020e+00, v16;
	[tilespmem:s0+$0xFFFFFF90] =	vst v11;
	v13 =	vpop (erf)  }
0x303: {  	s3 =	simm.s32 $0x8;
	s15 =	simm.s32 $0x3A10;
	s1 =	simm.s32 $0x3EC0;
	v15 =	vmul.f32 v18, v7;
	v16 =	vmul.f32 $1.442695020e+00, v63;
	v11 =	vsub.f32 v19, v8;
	[tilespmem:s0+$0xFFFFFFC0] =	vst v13;
	v13 =	vpop (erf)  }
.LBB2_12:
0x304: {  	v18 =	vld [tilespmem:s15+$0xFFFFFFF0];
	s3 =	sadd.s32 $0x8, s3;
	v14 =	vmul.f32 v14, v7;
	(erf) = vpow2.f32 v17;
	s0 =	sadd.s32 $0x400, s0;
	v17 =	vpop (erf)  }
0x305: {  	v9 =	vmul.f32 v9, v7;
	v10 =	vmul.f32 v10, v7;
	v19 =	vld [tilespmem:s15+$0x30];
	p1 =	slt.u32 s3, $0x38;
	[tilespmem:s1+$0xFFFFFFD0] =	vst v17  }
0x306: {  	v15 =	vmul.f32 $1.442695020e+00, v15;
	v17 =	vld [tilespmem:s15+$0xFFFFFFC0];
	(erf) = vpow2.f32 v16;
	[tilespmem:s1+$0xFFFFFFB0] =	vst v13  }
0x307: {  	v14 =	vmul.f32 $1.442695020e+00, v14;
	v10 =	vmul.f32 $1.442695020e+00, v10;
	v13 =	vld [tilespmem:s15+$0xFFFFFFD0]  }
0x308: {  	v12 =	vmul.f32 v12, v7;
	v11 =	vmul.f32 v11, v11;
	v16 =	vld [tilespmem:s15+$0x20];
	v20 =	vpop (erf)  }
0x309: {  	v22 =	vmul.f32 $1.442695020e+00, v9;
	v21 =	vld [tilespmem:s15+$0xFFFFFFE0];
	(erf) = vpow2.f32 v15;
	[tilespmem:s1+$0xFFFFFFE0] =	vst v20;
	v9 =	vpop (erf)  }
0x30a: {  	v15 =	vsub.f32 v18, v8;
	v20 =	vmul.f32 $1.442695020e+00, v12;
	v18 =	vld [tilespmem:s15+$0x0];
	(erf) = vpow2.f32 v10;
	[tilespmem:s1+$0xFFFFFFA0] =	vst v9;
	s1 =	smov.u32 s0  }
0x30b: {  	v11 =	vmul.f32 v11, v7;
	v9 =	vsub.f32 v17, v8;
	v17 =	vld [tilespmem:s15+$0x10];
	(erf) = vpow2.f32 v14  }
0x30c: {  	v14 =	vsub.f32 v19, v8;
	v13 =	vsub.f32 v13, v8;
	(erf) = vpow2.f32 v20  }
0x30d: {  	v10 =	vmul.f32 v15, v15;
	v19 =	vmul.f32 v9, v9;
	v12 =	vpop (erf)  }
0x30e: {  	v15 =	vmul.f32 $1.442695020e+00, v11;
	v9 =	vmul.f32 v13, v13;
	v13 =	vsub.f32 v16, v8;
	[tilespmem:s0+$0x0] =	vst v12  }
0x30f: {  	v14 =	vmul.f32 v14, v14;
	v12 =	vsub.f32 v21, v8;
	v16 =	vsub.f32 v18, v8;
	v18 =	vpop (erf)  }
.Ltmp5:
0x310: {  	v11 =	vsub.f32 v17, v8;
	v13 =	vmul.f32 v13, v13;
	[tilespmem:s0+$0xFFFFFFF0] =	vst v18;
	(erf) = vpow2.f32 v15;
	(pc) =	sbr.rel @p1 .LBB2_12-.Ltmp5, $4  }
0x311: {  	v15 =	vmul.f32 v14, v7;
	(erf) = vpow2.f32 v22  }
0x312: {  	v14 =	vmul.f32 v12, v12;
	v20 =	vmul.f32 v13, v7;
	v18 =	vpop (erf)  }
0x313: {  	v12 =	vmul.f32 v16, v16;
	v17 =	vmul.f32 $1.442695020e+00, v15;
	[tilespmem:s0+$0xFFFFFF90] =	vst v18;
	v18 =	vpop (erf)  }
0x314: {  	s15 =	sadd.s32 $0x80, s15;
	v15 =	vmul.f32 v19, v7;
	v16 =	vmul.f32 $1.442695020e+00, v20;
	[tilespmem:s0+$0xFFFFFFC0] =	vst v18;
	v13 =	vpop (erf)  }
0x315: {  	v8 =	vmul.f32 v14, v7;
	(erf) = vpow2.f32 v17  }
0x316: {  	v10 =	vmul.f32 v10, v7;
	v12 =	vmul.f32 v12, v7  }
0x317: {  	v11 =	vmul.f32 v11, v11;
	v14 =	vmul.f32 $1.442695020e+00, v15  }
0x318: {  	(erf) = vpow2.f32 v16;
	v10 =	vmul.f32 $1.442695020e+00, v10  }
0x319: {  	v8 =	vmul.f32 $1.442695020e+00, v8;
	(erf) = vpow2.f32 v14  }
0x31a: {  	(erf) = vpow2.f32 v10;
	v10 =	vmul.f32 v11, v7  }
0x31b: {  	v12 =	vmul.f32 $1.442695020e+00, v12;
	v7 =	vmul.f32 v9, v7  }
0x31c: {  	(erf) = vpow2.f32 v8;
	v8 =	vmul.f32 $1.442695020e+00, v10  }
0x31d: {  	(erf) = vpow2.f32 v12;
	v7 =	vmul.f32 $1.442695020e+00, v7  }
0x31e: {  	[tilespmem:s1+$0xFFFFFFB0] =	vst v13;
	v9 =	vpop (erf);
	(erf) = vpow2.f32 v8  }
0x31f: {  	[tilespmem:s1+$0xFFFFFFD0] =	vst v9;
	v9 =	vpop (erf);
	(erf) = vpow2.f32 v7  }
0x320: {  	[tilespmem:s1+$0xFFFFFFE0] =	vst v9;
	v8 =	vpop (erf)  }
0x321: {  	s0 =	sadd.s32 $0x400, s0;
	v7 =	vpop (erf);
	[tilespmem:s1+$0xFFFFFFA0] =	vst v8  }
0x322: {  	v9 =	vpop (erf);
	[tilespmem:s0+$0x0] =	vst v7  }
0x323: {  	v7 =	vpop (erf);
	[tilespmem:s0+$0xFFFFFFF0] =	vst v9  }
0x324: {  	v8 =	vpop (erf);
	[tilespmem:s0+$0xFFFFFF90] =	vst v7  }
0x325: {  	v7 =	vpop (erf);
	[tilespmem:s0+$0xFFFFFFC0] =	vst v8  }
0x326: {  	v8 =	vpop (erf);
	[tilespmem:s0+$0xFFFFFFB0] =	vst v7  }
0x327: {  	[tilespmem:s0+$0xFFFFFFD0] =	vst v8;
	v7 =	vpop (erf)  }
0x328: {  	[tilespmem:s0+$0xFFFFFFE0] =	vst v7;
	v7 =	vpop (erf)  }
0x329: {  	s26 =	simm.s32 $0x3910;
	[tilespmem:s0+$0xFFFFFFA0] =	vst v7  }
0x32a: {  	v9 =	vld [tilespmem:s26+$0xFFFFFFF0]  }
0x32b: {  	v10 =	vld [tilespmem:s26+$0x30]  }
0x32c: {  	v7 =	vld [tilespmem:s26+$0xFFFFFFC0]  }
0x32d: {  	v11 =	vld [tilespmem:s26+$0xFFFFFFD0]  }
0x32e: {  	v12 =	vld [tilespmem:s26+$0x20]  }
0x32f: {  	v13 =	vld [tilespmem:s26+$0xFFFFFFE0]  }
0x330: {  	v8 =	vbroadcast v5, $0x4;
	v14 =	vld [tilespmem:s26+$0x0]  }
0x331: {  	v16 =	vld [tilespmem:s26+$0x10]  }
0x332: {  	v15 =	vsub.f32 v7, v8;
	v9 =	vsub.f32 v9, v8  }
0x333: {  	v10 =	vsub.f32 v10, v8;
	v11 =	vsub.f32 v11, v8  }
0x334: {  	v7 =	vbroadcast v6, $0x4;
	v12 =	vsub.f32 v12, v8;
	v13 =	vsub.f32 v13, v8  }
0x335: {  	v14 =	vsub.f32 v14, v8;
	v15 =	vmul.f32 v15, v15;
	v9 =	vmul.f32 v9, v9  }
0x336: {  	v16 =	vsub.f32 v16, v8;
	v10 =	vmul.f32 v10, v10;
	v11 =	vmul.f32 v11, v11  }
0x337: {  	v12 =	vmul.f32 v12, v12;
	v13 =	vmul.f32 v13, v13  }
0x338: {  	v14 =	vmul.f32 v14, v14;
	v16 =	vmul.f32 v16, v16  }
0x339: {  	v10 =	vmul.f32 v10, v7;
	v12 =	vmul.f32 v12, v7  }
0x33a: {  	v15 =	vmul.f32 v15, v7;
	v13 =	vmul.f32 v13, v7  }
0x33b: {  	s29 =	simm.s32 $0x3990;
	v9 =	vmul.f32 v9, v7;
	v10 =	vmul.f32 $1.442695020e+00, v10  }
0x33c: {  	v17 =	vld [tilespmem:s29+$0xFFFFFFF0];
	v14 =	vmul.f32 v14, v7;
	v12 =	vmul.f32 $1.442695020e+00, v12  }
0x33d: {  	(erf) = vpow2.f32 v10;
	v10 =	vmul.f32 v11, v7;
	v11 =	vld [tilespmem:s29+$0xFFFFFFC0]  }
0x33e: {  	v18 =	vld [tilespmem:s29+$0x30];
	v15 =	vmul.f32 $1.442695020e+00, v15;
	v13 =	vmul.f32 $1.442695020e+00, v13  }
0x33f: {  	v19 =	vld [tilespmem:s29+$0x20];
	v9 =	vmul.f32 $1.442695020e+00, v9;
	(erf) = vpow2.f32 v12  }
0x340: {  	v12 =	vld [tilespmem:s29+$0xFFFFFFD0];
	(erf) = vpow2.f32 v15;
	v15 =	vmul.f32 $1.442695020e+00, v10  }
0x341: {  	(erf) = vpow2.f32 v9;
	v9 =	vmul.f32 $1.442695020e+00, v14  }
0x342: {  	(erf) = vpow2.f32 v13;
	v13 =	vld [tilespmem:s29+$0x0];
	v10 =	vsub.f32 v11, v8;
	v11 =	vsub.f32 v17, v8  }
0x343: {  	v20 =	vld [tilespmem:s29+$0xFFFFFFE0];
	v14 =	vmul.f32 v16, v7;
	v16 =	vsub.f32 v18, v8;
	(erf) = vpow2.f32 v9  }
0x344: {  	v18 =	vmul.f32 v10, v10;
	v10 =	vmul.f32 v11, v11;
	v11 =	vsub.f32 v19, v8  }
0x345: {  	v14 =	vmul.f32 $1.442695020e+00, v14;
	v12 =	vsub.f32 v12, v8  }
0x346: {  	v11 =	vmul.f32 v11, v11  }
0x347: {  	v19 =	vld [tilespmem:s29+$0x10];
	v9 =	vmul.f32 v12, v12;
	v12 =	vmul.f32 v16, v16;
	v13 =	vsub.f32 v13, v8  }
0x348: {  	s0 =	simm.s32 $0x3F40;
	v17 =	vsub.f32 v20, v8;
	v16 =	vpop (erf);
	(erf) = vpow2.f32 v14  }
0x349: {  	[tilespmem:s0+$0x0] =	vst v16;
	v14 =	vpop (erf);
	v16 =	vmul.f32 v12, v7;
	(erf) = vpow2.f32 v15  }
0x34a: {  	[tilespmem:s0+$0xFFFFFFF0] =	vst v14;
	v14 =	vmul.f32 v17, v17;
	v63 =	vmul.f32 v11, v7;
	v11 =	vpop (erf)  }
0x34b: {  	v12 =	vmul.f32 v13, v13;
	v17 =	vmul.f32 $1.442695020e+00, v16;
	[tilespmem:s0+$0xFFFFFF90] =	vst v11;
	v13 =	vpop (erf)  }
0x34c: {  	s3 =	simm.s32 $0x8;
	s15 =	simm.s32 $0x3A10;
	s1 =	simm.s32 $0x3F40;
	v15 =	vmul.f32 v18, v7;
	v16 =	vmul.f32 $1.442695020e+00, v63;
	v11 =	vsub.f32 v19, v8;
	[tilespmem:s0+$0xFFFFFFC0] =	vst v13;
	v13 =	vpop (erf)  }
.LBB2_14:
0x34d: {  	v18 =	vld [tilespmem:s15+$0xFFFFFFF0];
	s3 =	sadd.s32 $0x8, s3;
	v14 =	vmul.f32 v14, v7;
	(erf) = vpow2.f32 v17;
	s0 =	sadd.s32 $0x400, s0;
	v17 =	vpop (erf)  }
0x34e: {  	v9 =	vmul.f32 v9, v7;
	v10 =	vmul.f32 v10, v7;
	v19 =	vld [tilespmem:s15+$0x30];
	p1 =	slt.u32 s3, $0x38;
	[tilespmem:s1+$0xFFFFFFD0] =	vst v17  }
0x34f: {  	v15 =	vmul.f32 $1.442695020e+00, v15;
	v17 =	vld [tilespmem:s15+$0xFFFFFFC0];
	(erf) = vpow2.f32 v16;
	[tilespmem:s1+$0xFFFFFFB0] =	vst v13  }
0x350: {  	v14 =	vmul.f32 $1.442695020e+00, v14;
	v10 =	vmul.f32 $1.442695020e+00, v10;
	v13 =	vld [tilespmem:s15+$0xFFFFFFD0]  }
0x351: {  	v12 =	vmul.f32 v12, v7;
	v11 =	vmul.f32 v11, v11;
	v16 =	vld [tilespmem:s15+$0x20];
	v20 =	vpop (erf)  }
0x352: {  	v22 =	vmul.f32 $1.442695020e+00, v9;
	v21 =	vld [tilespmem:s15+$0xFFFFFFE0];
	(erf) = vpow2.f32 v15;
	[tilespmem:s1+$0xFFFFFFE0] =	vst v20;
	v9 =	vpop (erf)  }
0x353: {  	v15 =	vsub.f32 v18, v8;
	v20 =	vmul.f32 $1.442695020e+00, v12;
	v18 =	vld [tilespmem:s15+$0x0];
	(erf) = vpow2.f32 v10;
	[tilespmem:s1+$0xFFFFFFA0] =	vst v9;
	s1 =	smov.u32 s0  }
0x354: {  	v11 =	vmul.f32 v11, v7;
	v9 =	vsub.f32 v17, v8;
	v17 =	vld [tilespmem:s15+$0x10];
	(erf) = vpow2.f32 v14  }
0x355: {  	v14 =	vsub.f32 v19, v8;
	v13 =	vsub.f32 v13, v8;
	(erf) = vpow2.f32 v20  }
0x356: {  	v10 =	vmul.f32 v15, v15;
	v19 =	vmul.f32 v9, v9;
	v12 =	vpop (erf)  }
0x357: {  	v15 =	vmul.f32 $1.442695020e+00, v11;
	v9 =	vmul.f32 v13, v13;
	v13 =	vsub.f32 v16, v8;
	[tilespmem:s0+$0x0] =	vst v12  }
0x358: {  	v14 =	vmul.f32 v14, v14;
	v12 =	vsub.f32 v21, v8;
	v16 =	vsub.f32 v18, v8;
	v18 =	vpop (erf)  }
.Ltmp6:
0x359: {  	v11 =	vsub.f32 v17, v8;
	v13 =	vmul.f32 v13, v13;
	[tilespmem:s0+$0xFFFFFFF0] =	vst v18;
	(erf) = vpow2.f32 v15;
	(pc) =	sbr.rel @p1 .LBB2_14-.Ltmp6, $4  }
0x35a: {  	v15 =	vmul.f32 v14, v7;
	(erf) = vpow2.f32 v22  }
0x35b: {  	v14 =	vmul.f32 v12, v12;
	v20 =	vmul.f32 v13, v7;
	v18 =	vpop (erf)  }
0x35c: {  	v12 =	vmul.f32 v16, v16;
	v17 =	vmul.f32 $1.442695020e+00, v15;
	[tilespmem:s0+$0xFFFFFF90] =	vst v18;
	v18 =	vpop (erf)  }
0x35d: {  	s15 =	sadd.s32 $0x80, s15;
	v15 =	vmul.f32 v19, v7;
	v16 =	vmul.f32 $1.442695020e+00, v20;
	[tilespmem:s0+$0xFFFFFFC0] =	vst v18;
	v13 =	vpop (erf)  }
0x35e: {  	v8 =	vmul.f32 v14, v7;
	(erf) = vpow2.f32 v17  }
0x35f: {  	v10 =	vmul.f32 v10, v7;
	v12 =	vmul.f32 v12, v7  }
0x360: {  	v11 =	vmul.f32 v11, v11;
	v14 =	vmul.f32 $1.442695020e+00, v15  }
0x361: {  	(erf) = vpow2.f32 v16;
	v10 =	vmul.f32 $1.442695020e+00, v10  }
0x362: {  	v8 =	vmul.f32 $1.442695020e+00, v8;
	(erf) = vpow2.f32 v14  }
0x363: {  	(erf) = vpow2.f32 v10;
	v10 =	vmul.f32 v11, v7  }
0x364: {  	v12 =	vmul.f32 $1.442695020e+00, v12;
	v7 =	vmul.f32 v9, v7  }
0x365: {  	(erf) = vpow2.f32 v8;
	v8 =	vmul.f32 $1.442695020e+00, v10  }
0x366: {  	(erf) = vpow2.f32 v12;
	v7 =	vmul.f32 $1.442695020e+00, v7  }
0x367: {  	[tilespmem:s1+$0xFFFFFFB0] =	vst v13;
	v9 =	vpop (erf);
	(erf) = vpow2.f32 v8  }
0x368: {  	[tilespmem:s1+$0xFFFFFFD0] =	vst v9;
	v9 =	vpop (erf);
	(erf) = vpow2.f32 v7  }
0x369: {  	[tilespmem:s1+$0xFFFFFFE0] =	vst v9;
	v8 =	vpop (erf)  }
0x36a: {  	s0 =	sadd.s32 $0x400, s0;
	v7 =	vpop (erf);
	[tilespmem:s1+$0xFFFFFFA0] =	vst v8  }
0x36b: {  	v9 =	vpop (erf);
	[tilespmem:s0+$0x0] =	vst v7  }
0x36c: {  	v7 =	vpop (erf);
	[tilespmem:s0+$0xFFFFFFF0] =	vst v9  }
0x36d: {  	v8 =	vpop (erf);
	[tilespmem:s0+$0xFFFFFF90] =	vst v7  }
0x36e: {  	v7 =	vpop (erf);
	[tilespmem:s0+$0xFFFFFFC0] =	vst v8  }
0x36f: {  	v8 =	vpop (erf);
	[tilespmem:s0+$0xFFFFFFB0] =	vst v7  }
0x370: {  	[tilespmem:s0+$0xFFFFFFD0] =	vst v8;
	v7 =	vpop (erf)  }
0x371: {  	[tilespmem:s0+$0xFFFFFFE0] =	vst v7;
	v7 =	vpop (erf)  }
0x372: {  	s26 =	simm.s32 $0x3910;
	[tilespmem:s0+$0xFFFFFFA0] =	vst v7  }
0x373: {  	v9 =	vld [tilespmem:s26+$0xFFFFFFF0]  }
0x374: {  	v10 =	vld [tilespmem:s26+$0x30]  }
0x375: {  	v7 =	vld [tilespmem:s26+$0xFFFFFFC0]  }
0x376: {  	v11 =	vld [tilespmem:s26+$0xFFFFFFD0]  }
0x377: {  	v12 =	vld [tilespmem:s26+$0x20]  }
0x378: {  	v13 =	vld [tilespmem:s26+$0xFFFFFFE0]  }
0x379: {  	v8 =	vbroadcast v5, $0x5;
	v14 =	vld [tilespmem:s26+$0x0]  }
0x37a: {  	v16 =	vld [tilespmem:s26+$0x10]  }
0x37b: {  	v15 =	vsub.f32 v7, v8;
	v9 =	vsub.f32 v9, v8  }
0x37c: {  	v10 =	vsub.f32 v10, v8;
	v11 =	vsub.f32 v11, v8  }
0x37d: {  	v7 =	vbroadcast v6, $0x5;
	v12 =	vsub.f32 v12, v8;
	v13 =	vsub.f32 v13, v8  }
0x37e: {  	v14 =	vsub.f32 v14, v8;
	v15 =	vmul.f32 v15, v15;
	v9 =	vmul.f32 v9, v9  }
0x37f: {  	v16 =	vsub.f32 v16, v8;
	v10 =	vmul.f32 v10, v10;
	v11 =	vmul.f32 v11, v11  }
0x380: {  	v12 =	vmul.f32 v12, v12;
	v13 =	vmul.f32 v13, v13  }
0x381: {  	v14 =	vmul.f32 v14, v14;
	v16 =	vmul.f32 v16, v16  }
0x382: {  	v10 =	vmul.f32 v10, v7;
	v12 =	vmul.f32 v12, v7  }
0x383: {  	v15 =	vmul.f32 v15, v7;
	v13 =	vmul.f32 v13, v7  }
0x384: {  	s29 =	simm.s32 $0x3990;
	v9 =	vmul.f32 v9, v7;
	v10 =	vmul.f32 $1.442695020e+00, v10  }
0x385: {  	v17 =	vld [tilespmem:s29+$0xFFFFFFF0];
	v14 =	vmul.f32 v14, v7;
	v12 =	vmul.f32 $1.442695020e+00, v12  }
0x386: {  	(erf) = vpow2.f32 v10;
	v10 =	vmul.f32 v11, v7;
	v11 =	vld [tilespmem:s29+$0xFFFFFFC0]  }
0x387: {  	v18 =	vld [tilespmem:s29+$0x30];
	v15 =	vmul.f32 $1.442695020e+00, v15;
	v13 =	vmul.f32 $1.442695020e+00, v13  }
0x388: {  	v19 =	vld [tilespmem:s29+$0x20];
	v9 =	vmul.f32 $1.442695020e+00, v9;
	(erf) = vpow2.f32 v12  }
0x389: {  	v12 =	vld [tilespmem:s29+$0xFFFFFFD0];
	(erf) = vpow2.f32 v15;
	v15 =	vmul.f32 $1.442695020e+00, v10  }
0x38a: {  	(erf) = vpow2.f32 v9;
	v9 =	vmul.f32 $1.442695020e+00, v14  }
0x38b: {  	(erf) = vpow2.f32 v13;
	v13 =	vld [tilespmem:s29+$0x0];
	v10 =	vsub.f32 v11, v8;
	v11 =	vsub.f32 v17, v8  }
0x38c: {  	v20 =	vld [tilespmem:s29+$0xFFFFFFE0];
	v14 =	vmul.f32 v16, v7;
	v16 =	vsub.f32 v18, v8;
	(erf) = vpow2.f32 v9  }
0x38d: {  	v18 =	vmul.f32 v10, v10;
	v10 =	vmul.f32 v11, v11;
	v11 =	vsub.f32 v19, v8  }
0x38e: {  	v14 =	vmul.f32 $1.442695020e+00, v14;
	v12 =	vsub.f32 v12, v8  }
0x38f: {  	v11 =	vmul.f32 v11, v11  }
0x390: {  	v19 =	vld [tilespmem:s29+$0x10];
	v9 =	vmul.f32 v12, v12;
	v12 =	vmul.f32 v16, v16;
	v13 =	vsub.f32 v13, v8  }
0x391: {  	s0 =	simm.s32 $0x3FC0;
	v17 =	vsub.f32 v20, v8;
	v16 =	vpop (erf);
	(erf) = vpow2.f32 v14  }
0x392: {  	[tilespmem:s0+$0x0] =	vst v16;
	v14 =	vpop (erf);
	v16 =	vmul.f32 v12, v7;
	(erf) = vpow2.f32 v15  }
0x393: {  	[tilespmem:s0+$0xFFFFFFF0] =	vst v14;
	v14 =	vmul.f32 v17, v17;
	v63 =	vmul.f32 v11, v7;
	v11 =	vpop (erf)  }
0x394: {  	v12 =	vmul.f32 v13, v13;
	v17 =	vmul.f32 $1.442695020e+00, v16;
	[tilespmem:s0+$0xFFFFFF90] =	vst v11;
	v13 =	vpop (erf)  }
0x395: {  	s3 =	simm.s32 $0x8;
	s15 =	simm.s32 $0x3A10;
	s1 =	simm.s32 $0x3FC0;
	v15 =	vmul.f32 v18, v7;
	v16 =	vmul.f32 $1.442695020e+00, v63;
	v11 =	vsub.f32 v19, v8;
	[tilespmem:s0+$0xFFFFFFC0] =	vst v13;
	v13 =	vpop (erf)  }
.LBB2_16:
0x396: {  	v18 =	vld [tilespmem:s15+$0xFFFFFFF0];
	s3 =	sadd.s32 $0x8, s3;
	v14 =	vmul.f32 v14, v7;
	(erf) = vpow2.f32 v17;
	s0 =	sadd.s32 $0x400, s0;
	v17 =	vpop (erf)  }
0x397: {  	v9 =	vmul.f32 v9, v7;
	v10 =	vmul.f32 v10, v7;
	v19 =	vld [tilespmem:s15+$0x30];
	p1 =	slt.u32 s3, $0x38;
	[tilespmem:s1+$0xFFFFFFD0] =	vst v17  }
0x398: {  	v15 =	vmul.f32 $1.442695020e+00, v15;
	v17 =	vld [tilespmem:s15+$0xFFFFFFC0];
	(erf) = vpow2.f32 v16;
	[tilespmem:s1+$0xFFFFFFB0] =	vst v13  }
0x399: {  	v14 =	vmul.f32 $1.442695020e+00, v14;
	v10 =	vmul.f32 $1.442695020e+00, v10;
	v13 =	vld [tilespmem:s15+$0xFFFFFFD0]  }
0x39a: {  	v12 =	vmul.f32 v12, v7;
	v11 =	vmul.f32 v11, v11;
	v16 =	vld [tilespmem:s15+$0x20];
	v20 =	vpop (erf)  }
0x39b: {  	v22 =	vmul.f32 $1.442695020e+00, v9;
	v21 =	vld [tilespmem:s15+$0xFFFFFFE0];
	(erf) = vpow2.f32 v15;
	[tilespmem:s1+$0xFFFFFFE0] =	vst v20;
	v9 =	vpop (erf)  }
0x39c: {  	v15 =	vsub.f32 v18, v8;
	v20 =	vmul.f32 $1.442695020e+00, v12;
	v18 =	vld [tilespmem:s15+$0x0];
	(erf) = vpow2.f32 v10;
	[tilespmem:s1+$0xFFFFFFA0] =	vst v9;
	s1 =	smov.u32 s0  }
0x39d: {  	v11 =	vmul.f32 v11, v7;
	v9 =	vsub.f32 v17, v8;
	v17 =	vld [tilespmem:s15+$0x10];
	(erf) = vpow2.f32 v14  }
0x39e: {  	v14 =	vsub.f32 v19, v8;
	v13 =	vsub.f32 v13, v8;
	(erf) = vpow2.f32 v20  }
0x39f: {  	v10 =	vmul.f32 v15, v15;
	v19 =	vmul.f32 v9, v9;
	v12 =	vpop (erf)  }
0x3a0: {  	v15 =	vmul.f32 $1.442695020e+00, v11;
	v9 =	vmul.f32 v13, v13;
	v13 =	vsub.f32 v16, v8;
	[tilespmem:s0+$0x0] =	vst v12  }
0x3a1: {  	v14 =	vmul.f32 v14, v14;
	v12 =	vsub.f32 v21, v8;
	v16 =	vsub.f32 v18, v8;
	v18 =	vpop (erf)  }
.Ltmp7:
0x3a2: {  	v11 =	vsub.f32 v17, v8;
	v13 =	vmul.f32 v13, v13;
	[tilespmem:s0+$0xFFFFFFF0] =	vst v18;
	(erf) = vpow2.f32 v15;
	(pc) =	sbr.rel @p1 .LBB2_16-.Ltmp7, $4  }
0x3a3: {  	v15 =	vmul.f32 v14, v7;
	(erf) = vpow2.f32 v22  }
0x3a4: {  	v14 =	vmul.f32 v12, v12;
	v20 =	vmul.f32 v13, v7;
	v18 =	vpop (erf)  }
0x3a5: {  	v12 =	vmul.f32 v16, v16;
	v17 =	vmul.f32 $1.442695020e+00, v15;
	[tilespmem:s0+$0xFFFFFF90] =	vst v18;
	v18 =	vpop (erf)  }
0x3a6: {  	s15 =	sadd.s32 $0x80, s15;
	v15 =	vmul.f32 v19, v7;
	v16 =	vmul.f32 $1.442695020e+00, v20;
	[tilespmem:s0+$0xFFFFFFC0] =	vst v18;
	v13 =	vpop (erf)  }
0x3a7: {  	v8 =	vmul.f32 v14, v7;
	(erf) = vpow2.f32 v17  }
0x3a8: {  	v10 =	vmul.f32 v10, v7;
	v12 =	vmul.f32 v12, v7  }
0x3a9: {  	v11 =	vmul.f32 v11, v11;
	v14 =	vmul.f32 $1.442695020e+00, v15  }
0x3aa: {  	(erf) = vpow2.f32 v16;
	v10 =	vmul.f32 $1.442695020e+00, v10  }
0x3ab: {  	v8 =	vmul.f32 $1.442695020e+00, v8;
	(erf) = vpow2.f32 v14  }
0x3ac: {  	(erf) = vpow2.f32 v10;
	v10 =	vmul.f32 v11, v7  }
0x3ad: {  	v12 =	vmul.f32 $1.442695020e+00, v12;
	v7 =	vmul.f32 v9, v7  }
0x3ae: {  	(erf) = vpow2.f32 v8;
	v8 =	vmul.f32 $1.442695020e+00, v10  }
0x3af: {  	(erf) = vpow2.f32 v12;
	v7 =	vmul.f32 $1.442695020e+00, v7  }
0x3b0: {  	[tilespmem:s1+$0xFFFFFFB0] =	vst v13;
	v9 =	vpop (erf);
	(erf) = vpow2.f32 v8  }
0x3b1: {  	[tilespmem:s1+$0xFFFFFFD0] =	vst v9;
	v9 =	vpop (erf);
	(erf) = vpow2.f32 v7  }
0x3b2: {  	[tilespmem:s1+$0xFFFFFFE0] =	vst v9;
	v8 =	vpop (erf)  }
0x3b3: {  	s0 =	sadd.s32 $0x400, s0;
	v7 =	vpop (erf);
	[tilespmem:s1+$0xFFFFFFA0] =	vst v8  }
0x3b4: {  	v9 =	vpop (erf);
	[tilespmem:s0+$0x0] =	vst v7  }
0x3b5: {  	v7 =	vpop (erf);
	[tilespmem:s0+$0xFFFFFFF0] =	vst v9  }
0x3b6: {  	v8 =	vpop (erf);
	[tilespmem:s0+$0xFFFFFF90] =	vst v7  }
0x3b7: {  	v7 =	vpop (erf);
	[tilespmem:s0+$0xFFFFFFC0] =	vst v8  }
0x3b8: {  	v8 =	vpop (erf);
	[tilespmem:s0+$0xFFFFFFB0] =	vst v7  }
0x3b9: {  	[tilespmem:s0+$0xFFFFFFD0] =	vst v8;
	v7 =	vpop (erf)  }
0x3ba: {  	[tilespmem:s0+$0xFFFFFFE0] =	vst v7;
	v7 =	vpop (erf)  }
0x3bb: {  	s26 =	simm.s32 $0x3910;
	[tilespmem:s0+$0xFFFFFFA0] =	vst v7  }
0x3bc: {  	v9 =	vld [tilespmem:s26+$0xFFFFFFF0]  }
0x3bd: {  	v10 =	vld [tilespmem:s26+$0x30]  }
0x3be: {  	v7 =	vld [tilespmem:s26+$0xFFFFFFC0]  }
0x3bf: {  	v11 =	vld [tilespmem:s26+$0xFFFFFFD0]  }
0x3c0: {  	v12 =	vld [tilespmem:s26+$0x20]  }
0x3c1: {  	v13 =	vld [tilespmem:s26+$0xFFFFFFE0]  }
0x3c2: {  	v8 =	vbroadcast v5, $0x6;
	v14 =	vld [tilespmem:s26+$0x0]  }
0x3c3: {  	v16 =	vld [tilespmem:s26+$0x10]  }
0x3c4: {  	v15 =	vsub.f32 v7, v8;
	v9 =	vsub.f32 v9, v8  }
0x3c5: {  	v10 =	vsub.f32 v10, v8;
	v11 =	vsub.f32 v11, v8  }
0x3c6: {  	v7 =	vbroadcast v6, $0x6;
	v12 =	vsub.f32 v12, v8;
	v13 =	vsub.f32 v13, v8  }
0x3c7: {  	v14 =	vsub.f32 v14, v8;
	v15 =	vmul.f32 v15, v15;
	v9 =	vmul.f32 v9, v9  }
0x3c8: {  	v16 =	vsub.f32 v16, v8;
	v10 =	vmul.f32 v10, v10;
	v11 =	vmul.f32 v11, v11  }
0x3c9: {  	v12 =	vmul.f32 v12, v12;
	v13 =	vmul.f32 v13, v13  }
0x3ca: {  	v14 =	vmul.f32 v14, v14;
	v16 =	vmul.f32 v16, v16  }
0x3cb: {  	v10 =	vmul.f32 v10, v7;
	v12 =	vmul.f32 v12, v7  }
0x3cc: {  	v15 =	vmul.f32 v15, v7;
	v13 =	vmul.f32 v13, v7  }
0x3cd: {  	s29 =	simm.s32 $0x3990;
	v9 =	vmul.f32 v9, v7;
	v10 =	vmul.f32 $1.442695020e+00, v10  }
0x3ce: {  	v17 =	vld [tilespmem:s29+$0xFFFFFFF0];
	v14 =	vmul.f32 v14, v7;
	v12 =	vmul.f32 $1.442695020e+00, v12  }
0x3cf: {  	(erf) = vpow2.f32 v10;
	v10 =	vmul.f32 v11, v7;
	v11 =	vld [tilespmem:s29+$0xFFFFFFC0]  }
0x3d0: {  	v18 =	vld [tilespmem:s29+$0x30];
	v15 =	vmul.f32 $1.442695020e+00, v15;
	v13 =	vmul.f32 $1.442695020e+00, v13  }
0x3d1: {  	v19 =	vld [tilespmem:s29+$0x20];
	v9 =	vmul.f32 $1.442695020e+00, v9;
	(erf) = vpow2.f32 v12  }
0x3d2: {  	v12 =	vld [tilespmem:s29+$0xFFFFFFD0];
	(erf) = vpow2.f32 v15;
	v15 =	vmul.f32 $1.442695020e+00, v10  }
0x3d3: {  	(erf) = vpow2.f32 v9;
	v9 =	vmul.f32 $1.442695020e+00, v14  }
0x3d4: {  	(erf) = vpow2.f32 v13;
	v13 =	vld [tilespmem:s29+$0x0];
	v10 =	vsub.f32 v11, v8;
	v11 =	vsub.f32 v17, v8  }
0x3d5: {  	v20 =	vld [tilespmem:s29+$0xFFFFFFE0];
	v14 =	vmul.f32 v16, v7;
	v16 =	vsub.f32 v18, v8;
	(erf) = vpow2.f32 v9  }
0x3d6: {  	v18 =	vmul.f32 v10, v10;
	v10 =	vmul.f32 v11, v11;
	v11 =	vsub.f32 v19, v8  }
0x3d7: {  	v14 =	vmul.f32 $1.442695020e+00, v14;
	v12 =	vsub.f32 v12, v8  }
0x3d8: {  	v11 =	vmul.f32 v11, v11  }
0x3d9: {  	v19 =	vld [tilespmem:s29+$0x10];
	v9 =	vmul.f32 v12, v12;
	v12 =	vmul.f32 v16, v16;
	v13 =	vsub.f32 v13, v8  }
0x3da: {  	s0 =	simm.s32 $0x4040;
	v17 =	vsub.f32 v20, v8;
	v16 =	vpop (erf);
	(erf) = vpow2.f32 v14  }
0x3db: {  	[tilespmem:s0+$0x0] =	vst v16;
	v14 =	vpop (erf);
	v16 =	vmul.f32 v12, v7;
	(erf) = vpow2.f32 v15  }
0x3dc: {  	[tilespmem:s0+$0xFFFFFFF0] =	vst v14;
	v14 =	vmul.f32 v17, v17;
	v63 =	vmul.f32 v11, v7;
	v11 =	vpop (erf)  }
0x3dd: {  	v12 =	vmul.f32 v13, v13;
	v17 =	vmul.f32 $1.442695020e+00, v16;
	[tilespmem:s0+$0xFFFFFF90] =	vst v11;
	v13 =	vpop (erf)  }
0x3de: {  	s3 =	simm.s32 $0x8;
	s15 =	simm.s32 $0x3A10;
	s1 =	simm.s32 $0x4040;
	v15 =	vmul.f32 v18, v7;
	v16 =	vmul.f32 $1.442695020e+00, v63;
	v11 =	vsub.f32 v19, v8;
	[tilespmem:s0+$0xFFFFFFC0] =	vst v13;
	v13 =	vpop (erf)  }
.LBB2_18:
0x3df: {  	v18 =	vld [tilespmem:s15+$0xFFFFFFF0];
	s3 =	sadd.s32 $0x8, s3;
	v14 =	vmul.f32 v14, v7;
	(erf) = vpow2.f32 v17;
	s0 =	sadd.s32 $0x400, s0;
	v17 =	vpop (erf)  }
0x3e0: {  	v9 =	vmul.f32 v9, v7;
	v10 =	vmul.f32 v10, v7;
	v19 =	vld [tilespmem:s15+$0x30];
	p1 =	slt.u32 s3, $0x38;
	[tilespmem:s1+$0xFFFFFFD0] =	vst v17  }
0x3e1: {  	v15 =	vmul.f32 $1.442695020e+00, v15;
	v17 =	vld [tilespmem:s15+$0xFFFFFFC0];
	(erf) = vpow2.f32 v16;
	[tilespmem:s1+$0xFFFFFFB0] =	vst v13  }
0x3e2: {  	v14 =	vmul.f32 $1.442695020e+00, v14;
	v10 =	vmul.f32 $1.442695020e+00, v10;
	v13 =	vld [tilespmem:s15+$0xFFFFFFD0]  }
0x3e3: {  	v12 =	vmul.f32 v12, v7;
	v11 =	vmul.f32 v11, v11;
	v16 =	vld [tilespmem:s15+$0x20];
	v20 =	vpop (erf)  }
0x3e4: {  	v22 =	vmul.f32 $1.442695020e+00, v9;
	v21 =	vld [tilespmem:s15+$0xFFFFFFE0];
	(erf) = vpow2.f32 v15;
	[tilespmem:s1+$0xFFFFFFE0] =	vst v20;
	v9 =	vpop (erf)  }
0x3e5: {  	v15 =	vsub.f32 v18, v8;
	v20 =	vmul.f32 $1.442695020e+00, v12;
	v18 =	vld [tilespmem:s15+$0x0];
	(erf) = vpow2.f32 v10;
	[tilespmem:s1+$0xFFFFFFA0] =	vst v9;
	s1 =	smov.u32 s0  }
0x3e6: {  	v11 =	vmul.f32 v11, v7;
	v9 =	vsub.f32 v17, v8;
	v17 =	vld [tilespmem:s15+$0x10];
	(erf) = vpow2.f32 v14  }
0x3e7: {  	v14 =	vsub.f32 v19, v8;
	v13 =	vsub.f32 v13, v8;
	(erf) = vpow2.f32 v20  }
0x3e8: {  	v10 =	vmul.f32 v15, v15;
	v19 =	vmul.f32 v9, v9;
	v12 =	vpop (erf)  }
0x3e9: {  	v15 =	vmul.f32 $1.442695020e+00, v11;
	v9 =	vmul.f32 v13, v13;
	v13 =	vsub.f32 v16, v8;
	[tilespmem:s0+$0x0] =	vst v12  }
0x3ea: {  	v14 =	vmul.f32 v14, v14;
	v12 =	vsub.f32 v21, v8;
	v16 =	vsub.f32 v18, v8;
	v18 =	vpop (erf)  }
.Ltmp8:
0x3eb: {  	v11 =	vsub.f32 v17, v8;
	v13 =	vmul.f32 v13, v13;
	[tilespmem:s0+$0xFFFFFFF0] =	vst v18;
	(erf) = vpow2.f32 v15;
	(pc) =	sbr.rel @p1 .LBB2_18-.Ltmp8, $4  }
0x3ec: {  	v15 =	vmul.f32 v14, v7;
	(erf) = vpow2.f32 v22  }
0x3ed: {  	v14 =	vmul.f32 v12, v12;
	v20 =	vmul.f32 v13, v7;
	v18 =	vpop (erf)  }
0x3ee: {  	v12 =	vmul.f32 v16, v16;
	v17 =	vmul.f32 $1.442695020e+00, v15;
	[tilespmem:s0+$0xFFFFFF90] =	vst v18;
	v18 =	vpop (erf)  }
0x3ef: {  	s15 =	sadd.s32 $0x80, s15;
	v15 =	vmul.f32 v19, v7;
	v16 =	vmul.f32 $1.442695020e+00, v20;
	[tilespmem:s0+$0xFFFFFFC0] =	vst v18;
	v13 =	vpop (erf)  }
0x3f0: {  	v8 =	vmul.f32 v14, v7;
	(erf) = vpow2.f32 v17  }
0x3f1: {  	v10 =	vmul.f32 v10, v7;
	v12 =	vmul.f32 v12, v7  }
0x3f2: {  	v11 =	vmul.f32 v11, v11;
	v14 =	vmul.f32 $1.442695020e+00, v15  }
0x3f3: {  	(erf) = vpow2.f32 v16;
	v10 =	vmul.f32 $1.442695020e+00, v10  }
0x3f4: {  	v8 =	vmul.f32 $1.442695020e+00, v8;
	(erf) = vpow2.f32 v14  }
0x3f5: {  	(erf) = vpow2.f32 v10;
	v10 =	vmul.f32 v11, v7  }
0x3f6: {  	v12 =	vmul.f32 $1.442695020e+00, v12;
	v7 =	vmul.f32 v9, v7  }
0x3f7: {  	(erf) = vpow2.f32 v8;
	v8 =	vmul.f32 $1.442695020e+00, v10  }
0x3f8: {  	(erf) = vpow2.f32 v12;
	v7 =	vmul.f32 $1.442695020e+00, v7  }
0x3f9: {  	[tilespmem:s1+$0xFFFFFFB0] =	vst v13;
	v9 =	vpop (erf);
	(erf) = vpow2.f32 v8  }
0x3fa: {  	[tilespmem:s1+$0xFFFFFFD0] =	vst v9;
	v9 =	vpop (erf);
	(erf) = vpow2.f32 v7  }
0x3fb: {  	[tilespmem:s1+$0xFFFFFFE0] =	vst v9;
	v8 =	vpop (erf)  }
0x3fc: {  	s0 =	sadd.s32 $0x400, s0;
	v7 =	vpop (erf);
	[tilespmem:s1+$0xFFFFFFA0] =	vst v8  }
0x3fd: {  	v9 =	vpop (erf);
	[tilespmem:s0+$0x0] =	vst v7  }
0x3fe: {  	v7 =	vpop (erf);
	[tilespmem:s0+$0xFFFFFFF0] =	vst v9  }
0x3ff: {  	v8 =	vpop (erf);
	[tilespmem:s0+$0xFFFFFF90] =	vst v7  }
0x400: {  	v7 =	vpop (erf);
	[tilespmem:s0+$0xFFFFFFC0] =	vst v8  }
0x401: {  	v8 =	vpop (erf);
	[tilespmem:s0+$0xFFFFFFB0] =	vst v7  }
0x402: {  	[tilespmem:s0+$0xFFFFFFD0] =	vst v8;
	v7 =	vpop (erf)  }
0x403: {  	[tilespmem:s0+$0xFFFFFFE0] =	vst v7;
	v7 =	vpop (erf)  }
0x404: {  	s26 =	simm.s32 $0x3910;
	[tilespmem:s0+$0xFFFFFFA0] =	vst v7  }
0x405: {  	v9 =	vld [tilespmem:s26+$0xFFFFFFF0]  }
0x406: {  	v10 =	vld [tilespmem:s26+$0x30]  }
0x407: {  	v7 =	vld [tilespmem:s26+$0xFFFFFFC0]  }
0x408: {  	v11 =	vld [tilespmem:s26+$0xFFFFFFD0]  }
0x409: {  	v12 =	vld [tilespmem:s26+$0x20]  }
0x40a: {  	v13 =	vld [tilespmem:s26+$0xFFFFFFE0]  }
0x40b: {  	v8 =	vbroadcast v5, $0x7;
	v14 =	vld [tilespmem:s26+$0x0]  }
0x40c: {  	v16 =	vld [tilespmem:s26+$0x10]  }
0x40d: {  	v15 =	vsub.f32 v7, v8;
	v9 =	vsub.f32 v9, v8  }
0x40e: {  	v10 =	vsub.f32 v10, v8;
	v11 =	vsub.f32 v11, v8  }
0x40f: {  	v7 =	vbroadcast v6, $0x7;
	v12 =	vsub.f32 v12, v8;
	v13 =	vsub.f32 v13, v8  }
0x410: {  	v14 =	vsub.f32 v14, v8;
	v15 =	vmul.f32 v15, v15;
	v9 =	vmul.f32 v9, v9  }
0x411: {  	v16 =	vsub.f32 v16, v8;
	v10 =	vmul.f32 v10, v10;
	v11 =	vmul.f32 v11, v11  }
0x412: {  	v12 =	vmul.f32 v12, v12;
	v13 =	vmul.f32 v13, v13  }
0x413: {  	v14 =	vmul.f32 v14, v14;
	v16 =	vmul.f32 v16, v16  }
0x414: {  	v10 =	vmul.f32 v10, v7;
	v12 =	vmul.f32 v12, v7  }
0x415: {  	v15 =	vmul.f32 v15, v7;
	v13 =	vmul.f32 v13, v7  }
0x416: {  	s29 =	simm.s32 $0x3990;
	v9 =	vmul.f32 v9, v7;
	v10 =	vmul.f32 $1.442695020e+00, v10  }
0x417: {  	v17 =	vld [tilespmem:s29+$0xFFFFFFF0];
	v14 =	vmul.f32 v14, v7;
	v12 =	vmul.f32 $1.442695020e+00, v12  }
0x418: {  	(erf) = vpow2.f32 v10;
	v10 =	vmul.f32 v11, v7;
	v11 =	vld [tilespmem:s29+$0xFFFFFFC0]  }
0x419: {  	v18 =	vld [tilespmem:s29+$0x30];
	v15 =	vmul.f32 $1.442695020e+00, v15;
	v13 =	vmul.f32 $1.442695020e+00, v13  }
0x41a: {  	v19 =	vld [tilespmem:s29+$0x20];
	v9 =	vmul.f32 $1.442695020e+00, v9;
	(erf) = vpow2.f32 v12  }
0x41b: {  	v12 =	vld [tilespmem:s29+$0xFFFFFFD0];
	(erf) = vpow2.f32 v15;
	v15 =	vmul.f32 $1.442695020e+00, v10  }
0x41c: {  	(erf) = vpow2.f32 v9;
	v9 =	vmul.f32 $1.442695020e+00, v14  }
0x41d: {  	(erf) = vpow2.f32 v13;
	v13 =	vld [tilespmem:s29+$0x0];
	v10 =	vsub.f32 v11, v8;
	v11 =	vsub.f32 v17, v8  }
0x41e: {  	v20 =	vld [tilespmem:s29+$0xFFFFFFE0];
	v14 =	vmul.f32 v16, v7;
	v16 =	vsub.f32 v18, v8;
	(erf) = vpow2.f32 v9  }
0x41f: {  	v18 =	vmul.f32 v10, v10;
	v10 =	vmul.f32 v11, v11;
	v11 =	vsub.f32 v19, v8  }
0x420: {  	v14 =	vmul.f32 $1.442695020e+00, v14;
	v12 =	vsub.f32 v12, v8  }
0x421: {  	v11 =	vmul.f32 v11, v11  }
0x422: {  	v19 =	vld [tilespmem:s29+$0x10];
	v9 =	vmul.f32 v12, v12;
	v12 =	vmul.f32 v16, v16;
	v13 =	vsub.f32 v13, v8  }
0x423: {  	s0 =	simm.s32 $0x40C0;
	v17 =	vsub.f32 v20, v8;
	v16 =	vpop (erf);
	(erf) = vpow2.f32 v14  }
0x424: {  	[tilespmem:s0+$0x0] =	vst v16;
	v14 =	vpop (erf);
	v16 =	vmul.f32 v12, v7;
	(erf) = vpow2.f32 v15  }
0x425: {  	[tilespmem:s0+$0xFFFFFFF0] =	vst v14;
	v14 =	vmul.f32 v17, v17;
	v63 =	vmul.f32 v11, v7;
	v11 =	vpop (erf)  }
0x426: {  	v12 =	vmul.f32 v13, v13;
	v17 =	vmul.f32 $1.442695020e+00, v16;
	[tilespmem:s0+$0xFFFFFF90] =	vst v11;
	v13 =	vpop (erf)  }
0x427: {  	s3 =	simm.s32 $0x8;
	s15 =	simm.s32 $0x3A10;
	s1 =	simm.s32 $0x40C0;
	v15 =	vmul.f32 v18, v7;
	v16 =	vmul.f32 $1.442695020e+00, v63;
	v11 =	vsub.f32 v19, v8;
	[tilespmem:s0+$0xFFFFFFC0] =	vst v13;
	v13 =	vpop (erf)  }
.LBB2_20:
0x428: {  	v18 =	vld [tilespmem:s15+$0xFFFFFFF0];
	s3 =	sadd.s32 $0x8, s3;
	v14 =	vmul.f32 v14, v7;
	(erf) = vpow2.f32 v17;
	s0 =	sadd.s32 $0x400, s0;
	v17 =	vpop (erf)  }
0x429: {  	v9 =	vmul.f32 v9, v7;
	v10 =	vmul.f32 v10, v7;
	v19 =	vld [tilespmem:s15+$0x30];
	p1 =	slt.u32 s3, $0x38;
	[tilespmem:s1+$0xFFFFFFD0] =	vst v17  }
0x42a: {  	v15 =	vmul.f32 $1.442695020e+00, v15;
	v17 =	vld [tilespmem:s15+$0xFFFFFFC0];
	(erf) = vpow2.f32 v16;
	[tilespmem:s1+$0xFFFFFFB0] =	vst v13  }
0x42b: {  	v14 =	vmul.f32 $1.442695020e+00, v14;
	v10 =	vmul.f32 $1.442695020e+00, v10;
	v13 =	vld [tilespmem:s15+$0xFFFFFFD0]  }
0x42c: {  	v12 =	vmul.f32 v12, v7;
	v11 =	vmul.f32 v11, v11;
	v16 =	vld [tilespmem:s15+$0x20];
	v20 =	vpop (erf)  }
0x42d: {  	v22 =	vmul.f32 $1.442695020e+00, v9;
	v21 =	vld [tilespmem:s15+$0xFFFFFFE0];
	(erf) = vpow2.f32 v15;
	[tilespmem:s1+$0xFFFFFFE0] =	vst v20;
	v9 =	vpop (erf)  }
0x42e: {  	v15 =	vsub.f32 v18, v8;
	v20 =	vmul.f32 $1.442695020e+00, v12;
	v18 =	vld [tilespmem:s15+$0x0];
	(erf) = vpow2.f32 v10;
	[tilespmem:s1+$0xFFFFFFA0] =	vst v9;
	s1 =	smov.u32 s0  }
0x42f: {  	v11 =	vmul.f32 v11, v7;
	v9 =	vsub.f32 v17, v8;
	v17 =	vld [tilespmem:s15+$0x10];
	(erf) = vpow2.f32 v14  }
0x430: {  	v14 =	vsub.f32 v19, v8;
	v13 =	vsub.f32 v13, v8;
	(erf) = vpow2.f32 v20  }
0x431: {  	v10 =	vmul.f32 v15, v15;
	v19 =	vmul.f32 v9, v9;
	v12 =	vpop (erf)  }
0x432: {  	v15 =	vmul.f32 $1.442695020e+00, v11;
	v9 =	vmul.f32 v13, v13;
	v13 =	vsub.f32 v16, v8;
	[tilespmem:s0+$0x0] =	vst v12  }
0x433: {  	v14 =	vmul.f32 v14, v14;
	v12 =	vsub.f32 v21, v8;
	v16 =	vsub.f32 v18, v8;
	v18 =	vpop (erf)  }
.Ltmp9:
0x434: {  	v11 =	vsub.f32 v17, v8;
	v13 =	vmul.f32 v13, v13;
	[tilespmem:s0+$0xFFFFFFF0] =	vst v18;
	(erf) = vpow2.f32 v15;
	(pc) =	sbr.rel @p1 .LBB2_20-.Ltmp9, $4  }
0x435: {  	v15 =	vmul.f32 v14, v7;
	(erf) = vpow2.f32 v22  }
0x436: {  	v14 =	vmul.f32 v12, v12;
	v20 =	vmul.f32 v13, v7;
	v18 =	vpop (erf)  }
0x437: {  	v12 =	vmul.f32 v16, v16;
	v17 =	vmul.f32 $1.442695020e+00, v15;
	[tilespmem:s0+$0xFFFFFF90] =	vst v18;
	v18 =	vpop (erf)  }
0x438: {  	s15 =	sadd.s32 $0x80, s15;
	v15 =	vmul.f32 v19, v7;
	v16 =	vmul.f32 $1.442695020e+00, v20;
	[tilespmem:s0+$0xFFFFFFC0] =	vst v18;
	v13 =	vpop (erf)  }
0x439: {  	v8 =	vmul.f32 v14, v7;
	(erf) = vpow2.f32 v17  }
0x43a: {  	v10 =	vmul.f32 v10, v7;
	v12 =	vmul.f32 v12, v7  }
0x43b: {  	v11 =	vmul.f32 v11, v11;
	v14 =	vmul.f32 $1.442695020e+00, v15  }
0x43c: {  	(erf) = vpow2.f32 v16;
	v10 =	vmul.f32 $1.442695020e+00, v10  }
0x43d: {  	v8 =	vmul.f32 $1.442695020e+00, v8;
	(erf) = vpow2.f32 v14  }
0x43e: {  	(erf) = vpow2.f32 v10;
	v10 =	vmul.f32 v11, v7  }
0x43f: {  	v12 =	vmul.f32 $1.442695020e+00, v12;
	v7 =	vmul.f32 v9, v7  }
0x440: {  	(erf) = vpow2.f32 v8;
	v8 =	vmul.f32 $1.442695020e+00, v10  }
0x441: {  	(erf) = vpow2.f32 v12;
	v7 =	vmul.f32 $1.442695020e+00, v7  }
0x442: {  	[tilespmem:s1+$0xFFFFFFB0] =	vst v13;
	v9 =	vpop (erf);
	(erf) = vpow2.f32 v8  }
0x443: {  	[tilespmem:s1+$0xFFFFFFD0] =	vst v9;
	v9 =	vpop (erf);
	(erf) = vpow2.f32 v7  }
0x444: {  	[tilespmem:s1+$0xFFFFFFE0] =	vst v9;
	v8 =	vpop (erf)  }
0x445: {  	s0 =	sadd.s32 $0x400, s0;
	v7 =	vpop (erf);
	[tilespmem:s1+$0xFFFFFFA0] =	vst v8  }
0x446: {  	v9 =	vpop (erf);
	[tilespmem:s0+$0x0] =	vst v7  }
0x447: {  	v7 =	vpop (erf);
	[tilespmem:s0+$0xFFFFFFF0] =	vst v9  }
0x448: {  	v8 =	vpop (erf);
	[tilespmem:s0+$0xFFFFFF90] =	vst v7  }
0x449: {  	v7 =	vpop (erf);
	[tilespmem:s0+$0xFFFFFFC0] =	vst v8  }
0x44a: {  	v8 =	vpop (erf);
	[tilespmem:s0+$0xFFFFFFB0] =	vst v7  }
0x44b: {  	[tilespmem:s0+$0xFFFFFFD0] =	vst v8;
	v7 =	vpop (erf)  }
0x44c: {  	[tilespmem:s0+$0xFFFFFFE0] =	vst v7;
	v7 =	vpop (erf)  }
0x44d: {  	s26 =	simm.s32 $0x3910;
	[tilespmem:s0+$0xFFFFFFA0] =	vst v7  }
0x44e: {  	v9 =	vld [tilespmem:s26+$0xFFFFFFF0]  }
0x44f: {  	v10 =	vld [tilespmem:s26+$0x30]  }
0x450: {  	v7 =	vld [tilespmem:s26+$0xFFFFFFC0]  }
0x451: {  	v11 =	vld [tilespmem:s26+$0xFFFFFFD0]  }
0x452: {  	v12 =	vld [tilespmem:s26+$0x20]  }
0x453: {  	v13 =	vld [tilespmem:s26+$0xFFFFFFE0]  }
0x454: {  	v8 =	vbroadcast v5, $0x8;
	v14 =	vld [tilespmem:s26+$0x0]  }
0x455: {  	v16 =	vld [tilespmem:s26+$0x10]  }
0x456: {  	v15 =	vsub.f32 v7, v8;
	v9 =	vsub.f32 v9, v8  }
0x457: {  	v10 =	vsub.f32 v10, v8;
	v11 =	vsub.f32 v11, v8  }
0x458: {  	v7 =	vbroadcast v6, $0x8;
	v12 =	vsub.f32 v12, v8;
	v13 =	vsub.f32 v13, v8  }
0x459: {  	v14 =	vsub.f32 v14, v8;
	v15 =	vmul.f32 v15, v15;
	v9 =	vmul.f32 v9, v9  }
0x45a: {  	v16 =	vsub.f32 v16, v8;
	v10 =	vmul.f32 v10, v10;
	v11 =	vmul.f32 v11, v11  }
0x45b: {  	v12 =	vmul.f32 v12, v12;
	v13 =	vmul.f32 v13, v13  }
0x45c: {  	v14 =	vmul.f32 v14, v14;
	v16 =	vmul.f32 v16, v16  }
0x45d: {  	v10 =	vmul.f32 v10, v7;
	v12 =	vmul.f32 v12, v7  }
0x45e: {  	v15 =	vmul.f32 v15, v7;
	v13 =	vmul.f32 v13, v7  }
0x45f: {  	s29 =	simm.s32 $0x3990;
	v9 =	vmul.f32 v9, v7;
	v10 =	vmul.f32 $1.442695020e+00, v10  }
0x460: {  	v17 =	vld [tilespmem:s29+$0xFFFFFFF0];
	v14 =	vmul.f32 v14, v7;
	v12 =	vmul.f32 $1.442695020e+00, v12  }
0x461: {  	(erf) = vpow2.f32 v10;
	v10 =	vmul.f32 v11, v7;
	v11 =	vld [tilespmem:s29+$0xFFFFFFC0]  }
0x462: {  	v18 =	vld [tilespmem:s29+$0x30];
	v15 =	vmul.f32 $1.442695020e+00, v15;
	v13 =	vmul.f32 $1.442695020e+00, v13  }
0x463: {  	v19 =	vld [tilespmem:s29+$0x20];
	v9 =	vmul.f32 $1.442695020e+00, v9;
	(erf) = vpow2.f32 v12  }
0x464: {  	v12 =	vld [tilespmem:s29+$0xFFFFFFD0];
	(erf) = vpow2.f32 v15;
	v15 =	vmul.f32 $1.442695020e+00, v10  }
0x465: {  	(erf) = vpow2.f32 v9;
	v9 =	vmul.f32 $1.442695020e+00, v14  }
0x466: {  	(erf) = vpow2.f32 v13;
	v13 =	vld [tilespmem:s29+$0x0];
	v10 =	vsub.f32 v11, v8;
	v11 =	vsub.f32 v17, v8  }
0x467: {  	v20 =	vld [tilespmem:s29+$0xFFFFFFE0];
	v14 =	vmul.f32 v16, v7;
	v16 =	vsub.f32 v18, v8;
	(erf) = vpow2.f32 v9  }
0x468: {  	v18 =	vmul.f32 v10, v10;
	v10 =	vmul.f32 v11, v11;
	v11 =	vsub.f32 v19, v8  }
0x469: {  	v14 =	vmul.f32 $1.442695020e+00, v14;
	v12 =	vsub.f32 v12, v8  }
0x46a: {  	v11 =	vmul.f32 v11, v11  }
0x46b: {  	v19 =	vld [tilespmem:s29+$0x10];
	v9 =	vmul.f32 v12, v12;
	v12 =	vmul.f32 v16, v16;
	v13 =	vsub.f32 v13, v8  }
0x46c: {  	s0 =	simm.s32 $0x5D40;
	v17 =	vsub.f32 v20, v8;
	v16 =	vpop (erf);
	(erf) = vpow2.f32 v14  }
0x46d: {  	[tilespmem:s0+$0x0] =	vst v16;
	v14 =	vpop (erf);
	v16 =	vmul.f32 v12, v7;
	(erf) = vpow2.f32 v15  }
0x46e: {  	[tilespmem:s0+$0xFFFFFFF0] =	vst v14;
	v14 =	vmul.f32 v17, v17;
	v63 =	vmul.f32 v11, v7;
	v11 =	vpop (erf)  }
0x46f: {  	v12 =	vmul.f32 v13, v13;
	v17 =	vmul.f32 $1.442695020e+00, v16;
	[tilespmem:s0+$0xFFFFFF90] =	vst v11;
	v13 =	vpop (erf)  }
0x470: {  	s3 =	simm.s32 $0x8;
	s15 =	simm.s32 $0x3A10;
	s1 =	simm.s32 $0x5D40;
	v15 =	vmul.f32 v18, v7;
	v16 =	vmul.f32 $1.442695020e+00, v63;
	v11 =	vsub.f32 v19, v8;
	[tilespmem:s0+$0xFFFFFFC0] =	vst v13;
	v13 =	vpop (erf)  }
.LBB2_22:
0x471: {  	v18 =	vld [tilespmem:s15+$0xFFFFFFF0];
	s3 =	sadd.s32 $0x8, s3;
	v14 =	vmul.f32 v14, v7;
	(erf) = vpow2.f32 v17;
	s0 =	sadd.s32 $0x400, s0;
	v17 =	vpop (erf)  }
0x472: {  	v9 =	vmul.f32 v9, v7;
	v10 =	vmul.f32 v10, v7;
	v19 =	vld [tilespmem:s15+$0x30];
	p1 =	slt.u32 s3, $0x38;
	[tilespmem:s1+$0xFFFFFFD0] =	vst v17  }
0x473: {  	v15 =	vmul.f32 $1.442695020e+00, v15;
	v17 =	vld [tilespmem:s15+$0xFFFFFFC0];
	(erf) = vpow2.f32 v16;
	[tilespmem:s1+$0xFFFFFFB0] =	vst v13  }
0x474: {  	v14 =	vmul.f32 $1.442695020e+00, v14;
	v10 =	vmul.f32 $1.442695020e+00, v10;
	v13 =	vld [tilespmem:s15+$0xFFFFFFD0]  }
0x475: {  	v12 =	vmul.f32 v12, v7;
	v11 =	vmul.f32 v11, v11;
	v16 =	vld [tilespmem:s15+$0x20];
	v20 =	vpop (erf)  }
0x476: {  	v22 =	vmul.f32 $1.442695020e+00, v9;
	v21 =	vld [tilespmem:s15+$0xFFFFFFE0];
	(erf) = vpow2.f32 v15;
	[tilespmem:s1+$0xFFFFFFE0] =	vst v20;
	v9 =	vpop (erf)  }
0x477: {  	v15 =	vsub.f32 v18, v8;
	v20 =	vmul.f32 $1.442695020e+00, v12;
	v18 =	vld [tilespmem:s15+$0x0];
	(erf) = vpow2.f32 v10;
	[tilespmem:s1+$0xFFFFFFA0] =	vst v9;
	s1 =	smov.u32 s0  }
0x478: {  	v11 =	vmul.f32 v11, v7;
	v9 =	vsub.f32 v17, v8;
	v17 =	vld [tilespmem:s15+$0x10];
	(erf) = vpow2.f32 v14  }
0x479: {  	v14 =	vsub.f32 v19, v8;
	v13 =	vsub.f32 v13, v8;
	(erf) = vpow2.f32 v20  }
0x47a: {  	v10 =	vmul.f32 v15, v15;
	v19 =	vmul.f32 v9, v9;
	v12 =	vpop (erf)  }
0x47b: {  	v15 =	vmul.f32 $1.442695020e+00, v11;
	v9 =	vmul.f32 v13, v13;
	v13 =	vsub.f32 v16, v8;
	[tilespmem:s0+$0x0] =	vst v12  }
0x47c: {  	v14 =	vmul.f32 v14, v14;
	v12 =	vsub.f32 v21, v8;
	v16 =	vsub.f32 v18, v8;
	v18 =	vpop (erf)  }
.Ltmp10:
0x47d: {  	v11 =	vsub.f32 v17, v8;
	v13 =	vmul.f32 v13, v13;
	[tilespmem:s0+$0xFFFFFFF0] =	vst v18;
	(erf) = vpow2.f32 v15;
	(pc) =	sbr.rel @p1 .LBB2_22-.Ltmp10, $4  }
0x47e: {  	v15 =	vmul.f32 v14, v7;
	(erf) = vpow2.f32 v22  }
0x47f: {  	v14 =	vmul.f32 v12, v12;
	v20 =	vmul.f32 v13, v7;
	v18 =	vpop (erf)  }
0x480: {  	v12 =	vmul.f32 v16, v16;
	v17 =	vmul.f32 $1.442695020e+00, v15;
	[tilespmem:s0+$0xFFFFFF90] =	vst v18;
	v18 =	vpop (erf)  }
0x481: {  	s15 =	sadd.s32 $0x80, s15;
	v15 =	vmul.f32 v19, v7;
	v16 =	vmul.f32 $1.442695020e+00, v20;
	[tilespmem:s0+$0xFFFFFFC0] =	vst v18;
	v13 =	vpop (erf)  }
0x482: {  	v8 =	vmul.f32 v14, v7;
	(erf) = vpow2.f32 v17  }
0x483: {  	v10 =	vmul.f32 v10, v7;
	v12 =	vmul.f32 v12, v7  }
0x484: {  	v11 =	vmul.f32 v11, v11;
	v14 =	vmul.f32 $1.442695020e+00, v15  }
0x485: {  	(erf) = vpow2.f32 v16;
	v10 =	vmul.f32 $1.442695020e+00, v10  }
0x486: {  	v8 =	vmul.f32 $1.442695020e+00, v8;
	(erf) = vpow2.f32 v14  }
0x487: {  	(erf) = vpow2.f32 v10;
	v10 =	vmul.f32 v11, v7  }
0x488: {  	v12 =	vmul.f32 $1.442695020e+00, v12;
	v7 =	vmul.f32 v9, v7  }
0x489: {  	(erf) = vpow2.f32 v8;
	v8 =	vmul.f32 $1.442695020e+00, v10  }
0x48a: {  	(erf) = vpow2.f32 v12;
	v7 =	vmul.f32 $1.442695020e+00, v7  }
0x48b: {  	[tilespmem:s1+$0xFFFFFFB0] =	vst v13;
	v9 =	vpop (erf);
	(erf) = vpow2.f32 v8  }
0x48c: {  	[tilespmem:s1+$0xFFFFFFD0] =	vst v9;
	v9 =	vpop (erf);
	(erf) = vpow2.f32 v7  }
0x48d: {  	[tilespmem:s1+$0xFFFFFFE0] =	vst v9;
	v8 =	vpop (erf)  }
0x48e: {  	s0 =	sadd.s32 $0x400, s0;
	v7 =	vpop (erf);
	[tilespmem:s1+$0xFFFFFFA0] =	vst v8  }
0x48f: {  	v9 =	vpop (erf);
	[tilespmem:s0+$0x0] =	vst v7  }
0x490: {  	v7 =	vpop (erf);
	[tilespmem:s0+$0xFFFFFFF0] =	vst v9  }
0x491: {  	v8 =	vpop (erf);
	[tilespmem:s0+$0xFFFFFF90] =	vst v7  }
0x492: {  	v7 =	vpop (erf);
	[tilespmem:s0+$0xFFFFFFC0] =	vst v8  }
0x493: {  	v8 =	vpop (erf);
	[tilespmem:s0+$0xFFFFFFB0] =	vst v7  }
0x494: {  	[tilespmem:s0+$0xFFFFFFD0] =	vst v8;
	v7 =	vpop (erf)  }
0x495: {  	[tilespmem:s0+$0xFFFFFFE0] =	vst v7;
	v7 =	vpop (erf)  }
0x496: {  	s26 =	simm.s32 $0x3910;
	[tilespmem:s0+$0xFFFFFFA0] =	vst v7  }
0x497: {  	v9 =	vld [tilespmem:s26+$0xFFFFFFF0]  }
0x498: {  	v10 =	vld [tilespmem:s26+$0x30]  }
0x499: {  	v7 =	vld [tilespmem:s26+$0xFFFFFFC0]  }
0x49a: {  	v11 =	vld [tilespmem:s26+$0xFFFFFFD0]  }
0x49b: {  	v12 =	vld [tilespmem:s26+$0x20]  }
0x49c: {  	v13 =	vld [tilespmem:s26+$0xFFFFFFE0]  }
0x49d: {  	v8 =	vbroadcast v5, $0x9;
	v14 =	vld [tilespmem:s26+$0x0]  }
0x49e: {  	v16 =	vld [tilespmem:s26+$0x10]  }
0x49f: {  	v15 =	vsub.f32 v7, v8;
	v9 =	vsub.f32 v9, v8  }
0x4a0: {  	v10 =	vsub.f32 v10, v8;
	v11 =	vsub.f32 v11, v8  }
0x4a1: {  	v7 =	vbroadcast v6, $0x9;
	v12 =	vsub.f32 v12, v8;
	v13 =	vsub.f32 v13, v8  }
0x4a2: {  	v14 =	vsub.f32 v14, v8;
	v15 =	vmul.f32 v15, v15;
	v9 =	vmul.f32 v9, v9  }
0x4a3: {  	v16 =	vsub.f32 v16, v8;
	v10 =	vmul.f32 v10, v10;
	v11 =	vmul.f32 v11, v11  }
0x4a4: {  	v12 =	vmul.f32 v12, v12;
	v13 =	vmul.f32 v13, v13  }
0x4a5: {  	v14 =	vmul.f32 v14, v14;
	v16 =	vmul.f32 v16, v16  }
0x4a6: {  	v10 =	vmul.f32 v10, v7;
	v12 =	vmul.f32 v12, v7  }
0x4a7: {  	v15 =	vmul.f32 v15, v7;
	v13 =	vmul.f32 v13, v7  }
0x4a8: {  	s29 =	simm.s32 $0x3990;
	v9 =	vmul.f32 v9, v7;
	v10 =	vmul.f32 $1.442695020e+00, v10  }
0x4a9: {  	v17 =	vld [tilespmem:s29+$0xFFFFFFF0];
	v14 =	vmul.f32 v14, v7;
	v12 =	vmul.f32 $1.442695020e+00, v12  }
0x4aa: {  	(erf) = vpow2.f32 v10;
	v10 =	vmul.f32 v11, v7;
	v11 =	vld [tilespmem:s29+$0xFFFFFFC0]  }
0x4ab: {  	v18 =	vld [tilespmem:s29+$0x30];
	v15 =	vmul.f32 $1.442695020e+00, v15;
	v13 =	vmul.f32 $1.442695020e+00, v13  }
0x4ac: {  	v19 =	vld [tilespmem:s29+$0x20];
	v9 =	vmul.f32 $1.442695020e+00, v9;
	(erf) = vpow2.f32 v12  }
0x4ad: {  	v12 =	vld [tilespmem:s29+$0xFFFFFFD0];
	(erf) = vpow2.f32 v15;
	v15 =	vmul.f32 $1.442695020e+00, v10  }
0x4ae: {  	(erf) = vpow2.f32 v9;
	v9 =	vmul.f32 $1.442695020e+00, v14  }
0x4af: {  	(erf) = vpow2.f32 v13;
	v13 =	vld [tilespmem:s29+$0x0];
	v10 =	vsub.f32 v11, v8;
	v11 =	vsub.f32 v17, v8  }
0x4b0: {  	v20 =	vld [tilespmem:s29+$0xFFFFFFE0];
	v14 =	vmul.f32 v16, v7;
	v16 =	vsub.f32 v18, v8;
	(erf) = vpow2.f32 v9  }
0x4b1: {  	v18 =	vmul.f32 v10, v10;
	v10 =	vmul.f32 v11, v11;
	v11 =	vsub.f32 v19, v8  }
0x4b2: {  	v14 =	vmul.f32 $1.442695020e+00, v14;
	v12 =	vsub.f32 v12, v8  }
0x4b3: {  	v11 =	vmul.f32 v11, v11  }
0x4b4: {  	v19 =	vld [tilespmem:s29+$0x10];
	v9 =	vmul.f32 v12, v12;
	v12 =	vmul.f32 v16, v16;
	v13 =	vsub.f32 v13, v8  }
0x4b5: {  	s0 =	simm.s32 $0x5DC0;
	v17 =	vsub.f32 v20, v8;
	v16 =	vpop (erf);
	(erf) = vpow2.f32 v14  }
0x4b6: {  	[tilespmem:s0+$0x0] =	vst v16;
	v14 =	vpop (erf);
	v16 =	vmul.f32 v12, v7;
	(erf) = vpow2.f32 v15  }
0x4b7: {  	[tilespmem:s0+$0xFFFFFFF0] =	vst v14;
	v14 =	vmul.f32 v17, v17;
	v63 =	vmul.f32 v11, v7;
	v11 =	vpop (erf)  }
0x4b8: {  	v12 =	vmul.f32 v13, v13;
	v17 =	vmul.f32 $1.442695020e+00, v16;
	[tilespmem:s0+$0xFFFFFF90] =	vst v11;
	v13 =	vpop (erf)  }
0x4b9: {  	s3 =	simm.s32 $0x8;
	s15 =	simm.s32 $0x3A10;
	s1 =	simm.s32 $0x5DC0;
	v15 =	vmul.f32 v18, v7;
	v16 =	vmul.f32 $1.442695020e+00, v63;
	v11 =	vsub.f32 v19, v8;
	[tilespmem:s0+$0xFFFFFFC0] =	vst v13;
	v13 =	vpop (erf)  }
.LBB2_24:
0x4ba: {  	v18 =	vld [tilespmem:s15+$0xFFFFFFF0];
	s3 =	sadd.s32 $0x8, s3;
	v14 =	vmul.f32 v14, v7;
	(erf) = vpow2.f32 v17;
	s0 =	sadd.s32 $0x400, s0;
	v17 =	vpop (erf)  }
0x4bb: {  	v9 =	vmul.f32 v9, v7;
	v10 =	vmul.f32 v10, v7;
	v19 =	vld [tilespmem:s15+$0x30];
	p1 =	slt.u32 s3, $0x38;
	[tilespmem:s1+$0xFFFFFFD0] =	vst v17  }
0x4bc: {  	v15 =	vmul.f32 $1.442695020e+00, v15;
	v17 =	vld [tilespmem:s15+$0xFFFFFFC0];
	(erf) = vpow2.f32 v16;
	[tilespmem:s1+$0xFFFFFFB0] =	vst v13  }
0x4bd: {  	v14 =	vmul.f32 $1.442695020e+00, v14;
	v10 =	vmul.f32 $1.442695020e+00, v10;
	v13 =	vld [tilespmem:s15+$0xFFFFFFD0]  }
0x4be: {  	v12 =	vmul.f32 v12, v7;
	v11 =	vmul.f32 v11, v11;
	v16 =	vld [tilespmem:s15+$0x20];
	v20 =	vpop (erf)  }
0x4bf: {  	v22 =	vmul.f32 $1.442695020e+00, v9;
	v21 =	vld [tilespmem:s15+$0xFFFFFFE0];
	(erf) = vpow2.f32 v15;
	[tilespmem:s1+$0xFFFFFFE0] =	vst v20;
	v9 =	vpop (erf)  }
0x4c0: {  	v15 =	vsub.f32 v18, v8;
	v20 =	vmul.f32 $1.442695020e+00, v12;
	v18 =	vld [tilespmem:s15+$0x0];
	(erf) = vpow2.f32 v10;
	[tilespmem:s1+$0xFFFFFFA0] =	vst v9;
	s1 =	smov.u32 s0  }
0x4c1: {  	v11 =	vmul.f32 v11, v7;
	v9 =	vsub.f32 v17, v8;
	v17 =	vld [tilespmem:s15+$0x10];
	(erf) = vpow2.f32 v14  }
0x4c2: {  	v14 =	vsub.f32 v19, v8;
	v13 =	vsub.f32 v13, v8;
	(erf) = vpow2.f32 v20  }
0x4c3: {  	v10 =	vmul.f32 v15, v15;
	v19 =	vmul.f32 v9, v9;
	v12 =	vpop (erf)  }
0x4c4: {  	v15 =	vmul.f32 $1.442695020e+00, v11;
	v9 =	vmul.f32 v13, v13;
	v13 =	vsub.f32 v16, v8;
	[tilespmem:s0+$0x0] =	vst v12  }
0x4c5: {  	v14 =	vmul.f32 v14, v14;
	v12 =	vsub.f32 v21, v8;
	v16 =	vsub.f32 v18, v8;
	v18 =	vpop (erf)  }
.Ltmp11:
0x4c6: {  	v11 =	vsub.f32 v17, v8;
	v13 =	vmul.f32 v13, v13;
	[tilespmem:s0+$0xFFFFFFF0] =	vst v18;
	(erf) = vpow2.f32 v15;
	(pc) =	sbr.rel @p1 .LBB2_24-.Ltmp11, $4  }
0x4c7: {  	v15 =	vmul.f32 v14, v7;
	(erf) = vpow2.f32 v22  }
0x4c8: {  	v14 =	vmul.f32 v12, v12;
	v20 =	vmul.f32 v13, v7;
	v18 =	vpop (erf)  }
0x4c9: {  	v12 =	vmul.f32 v16, v16;
	v17 =	vmul.f32 $1.442695020e+00, v15;
	[tilespmem:s0+$0xFFFFFF90] =	vst v18;
	v18 =	vpop (erf)  }
0x4ca: {  	s15 =	sadd.s32 $0x80, s15;
	v15 =	vmul.f32 v19, v7;
	v16 =	vmul.f32 $1.442695020e+00, v20;
	[tilespmem:s0+$0xFFFFFFC0] =	vst v18;
	v13 =	vpop (erf)  }
0x4cb: {  	v8 =	vmul.f32 v14, v7;
	(erf) = vpow2.f32 v17  }
0x4cc: {  	v10 =	vmul.f32 v10, v7;
	v12 =	vmul.f32 v12, v7  }
0x4cd: {  	v11 =	vmul.f32 v11, v11;
	v14 =	vmul.f32 $1.442695020e+00, v15  }
0x4ce: {  	(erf) = vpow2.f32 v16;
	v10 =	vmul.f32 $1.442695020e+00, v10  }
0x4cf: {  	v8 =	vmul.f32 $1.442695020e+00, v8;
	(erf) = vpow2.f32 v14  }
0x4d0: {  	(erf) = vpow2.f32 v10;
	v10 =	vmul.f32 v11, v7  }
0x4d1: {  	v12 =	vmul.f32 $1.442695020e+00, v12;
	v7 =	vmul.f32 v9, v7  }
0x4d2: {  	(erf) = vpow2.f32 v8;
	v8 =	vmul.f32 $1.442695020e+00, v10  }
0x4d3: {  	(erf) = vpow2.f32 v12;
	v7 =	vmul.f32 $1.442695020e+00, v7  }
0x4d4: {  	[tilespmem:s1+$0xFFFFFFB0] =	vst v13;
	v9 =	vpop (erf);
	(erf) = vpow2.f32 v8  }
0x4d5: {  	[tilespmem:s1+$0xFFFFFFD0] =	vst v9;
	v9 =	vpop (erf);
	(erf) = vpow2.f32 v7  }
0x4d6: {  	[tilespmem:s1+$0xFFFFFFE0] =	vst v9;
	v8 =	vpop (erf)  }
0x4d7: {  	s0 =	sadd.s32 $0x400, s0;
	v7 =	vpop (erf);
	[tilespmem:s1+$0xFFFFFFA0] =	vst v8  }
0x4d8: {  	v9 =	vpop (erf);
	[tilespmem:s0+$0x0] =	vst v7  }
0x4d9: {  	v7 =	vpop (erf);
	[tilespmem:s0+$0xFFFFFFF0] =	vst v9  }
0x4da: {  	v8 =	vpop (erf);
	[tilespmem:s0+$0xFFFFFF90] =	vst v7  }
0x4db: {  	v7 =	vpop (erf);
	[tilespmem:s0+$0xFFFFFFC0] =	vst v8  }
0x4dc: {  	v8 =	vpop (erf);
	[tilespmem:s0+$0xFFFFFFB0] =	vst v7  }
0x4dd: {  	[tilespmem:s0+$0xFFFFFFD0] =	vst v8;
	v7 =	vpop (erf)  }
0x4de: {  	[tilespmem:s0+$0xFFFFFFE0] =	vst v7;
	v7 =	vpop (erf)  }
0x4df: {  	s26 =	simm.s32 $0x3910;
	[tilespmem:s0+$0xFFFFFFA0] =	vst v7  }
0x4e0: {  	v9 =	vld [tilespmem:s26+$0xFFFFFFF0]  }
0x4e1: {  	v10 =	vld [tilespmem:s26+$0x30]  }
0x4e2: {  	v7 =	vld [tilespmem:s26+$0xFFFFFFC0]  }
0x4e3: {  	v11 =	vld [tilespmem:s26+$0xFFFFFFD0]  }
0x4e4: {  	v12 =	vld [tilespmem:s26+$0x20]  }
0x4e5: {  	v13 =	vld [tilespmem:s26+$0xFFFFFFE0]  }
0x4e6: {  	v8 =	vbroadcast v5, $0xA;
	v14 =	vld [tilespmem:s26+$0x0]  }
0x4e7: {  	v16 =	vld [tilespmem:s26+$0x10]  }
0x4e8: {  	v15 =	vsub.f32 v7, v8;
	v9 =	vsub.f32 v9, v8  }
0x4e9: {  	v10 =	vsub.f32 v10, v8;
	v11 =	vsub.f32 v11, v8  }
0x4ea: {  	v7 =	vbroadcast v6, $0xA;
	v12 =	vsub.f32 v12, v8;
	v13 =	vsub.f32 v13, v8  }
0x4eb: {  	v14 =	vsub.f32 v14, v8;
	v15 =	vmul.f32 v15, v15;
	v9 =	vmul.f32 v9, v9  }
0x4ec: {  	v16 =	vsub.f32 v16, v8;
	v10 =	vmul.f32 v10, v10;
	v11 =	vmul.f32 v11, v11  }
0x4ed: {  	v12 =	vmul.f32 v12, v12;
	v13 =	vmul.f32 v13, v13  }
0x4ee: {  	v14 =	vmul.f32 v14, v14;
	v16 =	vmul.f32 v16, v16  }
0x4ef: {  	v10 =	vmul.f32 v10, v7;
	v12 =	vmul.f32 v12, v7  }
0x4f0: {  	v15 =	vmul.f32 v15, v7;
	v13 =	vmul.f32 v13, v7  }
0x4f1: {  	s29 =	simm.s32 $0x3990;
	v9 =	vmul.f32 v9, v7;
	v10 =	vmul.f32 $1.442695020e+00, v10  }
0x4f2: {  	v17 =	vld [tilespmem:s29+$0xFFFFFFF0];
	v14 =	vmul.f32 v14, v7;
	v12 =	vmul.f32 $1.442695020e+00, v12  }
0x4f3: {  	(erf) = vpow2.f32 v10;
	v10 =	vmul.f32 v11, v7;
	v11 =	vld [tilespmem:s29+$0xFFFFFFC0]  }
0x4f4: {  	v18 =	vld [tilespmem:s29+$0x30];
	v15 =	vmul.f32 $1.442695020e+00, v15;
	v13 =	vmul.f32 $1.442695020e+00, v13  }
0x4f5: {  	v19 =	vld [tilespmem:s29+$0x20];
	v9 =	vmul.f32 $1.442695020e+00, v9;
	(erf) = vpow2.f32 v12  }
0x4f6: {  	v12 =	vld [tilespmem:s29+$0xFFFFFFD0];
	(erf) = vpow2.f32 v15;
	v15 =	vmul.f32 $1.442695020e+00, v10  }
0x4f7: {  	(erf) = vpow2.f32 v9;
	v9 =	vmul.f32 $1.442695020e+00, v14  }
0x4f8: {  	(erf) = vpow2.f32 v13;
	v13 =	vld [tilespmem:s29+$0x0];
	v10 =	vsub.f32 v11, v8;
	v11 =	vsub.f32 v17, v8  }
0x4f9: {  	v20 =	vld [tilespmem:s29+$0xFFFFFFE0];
	v14 =	vmul.f32 v16, v7;
	v16 =	vsub.f32 v18, v8;
	(erf) = vpow2.f32 v9  }
0x4fa: {  	v18 =	vmul.f32 v10, v10;
	v10 =	vmul.f32 v11, v11;
	v11 =	vsub.f32 v19, v8  }
0x4fb: {  	v14 =	vmul.f32 $1.442695020e+00, v14;
	v12 =	vsub.f32 v12, v8  }
0x4fc: {  	v11 =	vmul.f32 v11, v11  }
0x4fd: {  	v19 =	vld [tilespmem:s29+$0x10];
	v9 =	vmul.f32 v12, v12;
	v12 =	vmul.f32 v16, v16;
	v13 =	vsub.f32 v13, v8  }
0x4fe: {  	s0 =	simm.s32 $0x5E40;
	v17 =	vsub.f32 v20, v8;
	v16 =	vpop (erf);
	(erf) = vpow2.f32 v14  }
0x4ff: {  	[tilespmem:s0+$0x0] =	vst v16;
	v14 =	vpop (erf);
	v16 =	vmul.f32 v12, v7;
	(erf) = vpow2.f32 v15  }
0x500: {  	[tilespmem:s0+$0xFFFFFFF0] =	vst v14;
	v14 =	vmul.f32 v17, v17;
	v63 =	vmul.f32 v11, v7;
	v11 =	vpop (erf)  }
0x501: {  	v12 =	vmul.f32 v13, v13;
	v17 =	vmul.f32 $1.442695020e+00, v16;
	[tilespmem:s0+$0xFFFFFF90] =	vst v11;
	v13 =	vpop (erf)  }
0x502: {  	s3 =	simm.s32 $0x8;
	s15 =	simm.s32 $0x3A10;
	s1 =	simm.s32 $0x5E40;
	v15 =	vmul.f32 v18, v7;
	v16 =	vmul.f32 $1.442695020e+00, v63;
	v11 =	vsub.f32 v19, v8;
	[tilespmem:s0+$0xFFFFFFC0] =	vst v13;
	v13 =	vpop (erf)  }
.LBB2_26:
0x503: {  	v18 =	vld [tilespmem:s15+$0xFFFFFFF0];
	s3 =	sadd.s32 $0x8, s3;
	v14 =	vmul.f32 v14, v7;
	(erf) = vpow2.f32 v17;
	s0 =	sadd.s32 $0x400, s0;
	v17 =	vpop (erf)  }
0x504: {  	v9 =	vmul.f32 v9, v7;
	v10 =	vmul.f32 v10, v7;
	v19 =	vld [tilespmem:s15+$0x30];
	p1 =	slt.u32 s3, $0x38;
	[tilespmem:s1+$0xFFFFFFD0] =	vst v17  }
0x505: {  	v15 =	vmul.f32 $1.442695020e+00, v15;
	v17 =	vld [tilespmem:s15+$0xFFFFFFC0];
	(erf) = vpow2.f32 v16;
	[tilespmem:s1+$0xFFFFFFB0] =	vst v13  }
0x506: {  	v14 =	vmul.f32 $1.442695020e+00, v14;
	v10 =	vmul.f32 $1.442695020e+00, v10;
	v13 =	vld [tilespmem:s15+$0xFFFFFFD0]  }
0x507: {  	v12 =	vmul.f32 v12, v7;
	v11 =	vmul.f32 v11, v11;
	v16 =	vld [tilespmem:s15+$0x20];
	v20 =	vpop (erf)  }
0x508: {  	v22 =	vmul.f32 $1.442695020e+00, v9;
	v21 =	vld [tilespmem:s15+$0xFFFFFFE0];
	(erf) = vpow2.f32 v15;
	[tilespmem:s1+$0xFFFFFFE0] =	vst v20;
	v9 =	vpop (erf)  }
0x509: {  	v15 =	vsub.f32 v18, v8;
	v20 =	vmul.f32 $1.442695020e+00, v12;
	v18 =	vld [tilespmem:s15+$0x0];
	(erf) = vpow2.f32 v10;
	[tilespmem:s1+$0xFFFFFFA0] =	vst v9;
	s1 =	smov.u32 s0  }
0x50a: {  	v11 =	vmul.f32 v11, v7;
	v9 =	vsub.f32 v17, v8;
	v17 =	vld [tilespmem:s15+$0x10];
	(erf) = vpow2.f32 v14  }
0x50b: {  	v14 =	vsub.f32 v19, v8;
	v13 =	vsub.f32 v13, v8;
	(erf) = vpow2.f32 v20  }
0x50c: {  	v10 =	vmul.f32 v15, v15;
	v19 =	vmul.f32 v9, v9;
	v12 =	vpop (erf)  }
0x50d: {  	v15 =	vmul.f32 $1.442695020e+00, v11;
	v9 =	vmul.f32 v13, v13;
	v13 =	vsub.f32 v16, v8;
	[tilespmem:s0+$0x0] =	vst v12  }
0x50e: {  	v14 =	vmul.f32 v14, v14;
	v12 =	vsub.f32 v21, v8;
	v16 =	vsub.f32 v18, v8;
	v18 =	vpop (erf)  }
.Ltmp12:
0x50f: {  	v11 =	vsub.f32 v17, v8;
	v13 =	vmul.f32 v13, v13;
	[tilespmem:s0+$0xFFFFFFF0] =	vst v18;
	(erf) = vpow2.f32 v15;
	(pc) =	sbr.rel @p1 .LBB2_26-.Ltmp12, $4  }
0x510: {  	v15 =	vmul.f32 v14, v7;
	(erf) = vpow2.f32 v22  }
0x511: {  	v14 =	vmul.f32 v12, v12;
	v20 =	vmul.f32 v13, v7;
	v18 =	vpop (erf)  }
0x512: {  	v12 =	vmul.f32 v16, v16;
	v17 =	vmul.f32 $1.442695020e+00, v15;
	[tilespmem:s0+$0xFFFFFF90] =	vst v18;
	v18 =	vpop (erf)  }
0x513: {  	s15 =	sadd.s32 $0x80, s15;
	v15 =	vmul.f32 v19, v7;
	v16 =	vmul.f32 $1.442695020e+00, v20;
	[tilespmem:s0+$0xFFFFFFC0] =	vst v18;
	v13 =	vpop (erf)  }
0x514: {  	v8 =	vmul.f32 v14, v7;
	(erf) = vpow2.f32 v17  }
0x515: {  	v10 =	vmul.f32 v10, v7;
	v12 =	vmul.f32 v12, v7  }
0x516: {  	v11 =	vmul.f32 v11, v11;
	v14 =	vmul.f32 $1.442695020e+00, v15  }
0x517: {  	(erf) = vpow2.f32 v16;
	v10 =	vmul.f32 $1.442695020e+00, v10  }
0x518: {  	v8 =	vmul.f32 $1.442695020e+00, v8;
	(erf) = vpow2.f32 v14  }
0x519: {  	(erf) = vpow2.f32 v10;
	v10 =	vmul.f32 v11, v7  }
0x51a: {  	v12 =	vmul.f32 $1.442695020e+00, v12;
	v7 =	vmul.f32 v9, v7  }
0x51b: {  	(erf) = vpow2.f32 v8;
	v8 =	vmul.f32 $1.442695020e+00, v10  }
0x51c: {  	(erf) = vpow2.f32 v12;
	v7 =	vmul.f32 $1.442695020e+00, v7  }
0x51d: {  	[tilespmem:s1+$0xFFFFFFB0] =	vst v13;
	v9 =	vpop (erf);
	(erf) = vpow2.f32 v8  }
0x51e: {  	[tilespmem:s1+$0xFFFFFFD0] =	vst v9;
	v9 =	vpop (erf);
	(erf) = vpow2.f32 v7  }
0x51f: {  	[tilespmem:s1+$0xFFFFFFE0] =	vst v9;
	v8 =	vpop (erf)  }
0x520: {  	s0 =	sadd.s32 $0x400, s0;
	v7 =	vpop (erf);
	[tilespmem:s1+$0xFFFFFFA0] =	vst v8  }
0x521: {  	v9 =	vpop (erf);
	[tilespmem:s0+$0x0] =	vst v7  }
0x522: {  	v7 =	vpop (erf);
	[tilespmem:s0+$0xFFFFFFF0] =	vst v9  }
0x523: {  	v8 =	vpop (erf);
	[tilespmem:s0+$0xFFFFFF90] =	vst v7  }
0x524: {  	v7 =	vpop (erf);
	[tilespmem:s0+$0xFFFFFFC0] =	vst v8  }
0x525: {  	v8 =	vpop (erf);
	[tilespmem:s0+$0xFFFFFFB0] =	vst v7  }
0x526: {  	[tilespmem:s0+$0xFFFFFFD0] =	vst v8;
	v7 =	vpop (erf)  }
0x527: {  	[tilespmem:s0+$0xFFFFFFE0] =	vst v7;
	v7 =	vpop (erf)  }
0x528: {  	s26 =	simm.s32 $0x3910;
	[tilespmem:s0+$0xFFFFFFA0] =	vst v7  }
0x529: {  	v9 =	vld [tilespmem:s26+$0xFFFFFFF0]  }
0x52a: {  	v10 =	vld [tilespmem:s26+$0x30]  }
0x52b: {  	v7 =	vld [tilespmem:s26+$0xFFFFFFC0]  }
0x52c: {  	v11 =	vld [tilespmem:s26+$0xFFFFFFD0]  }
0x52d: {  	v12 =	vld [tilespmem:s26+$0x20]  }
0x52e: {  	v13 =	vld [tilespmem:s26+$0xFFFFFFE0]  }
0x52f: {  	v8 =	vbroadcast v5, $0xB;
	v14 =	vld [tilespmem:s26+$0x0]  }
0x530: {  	v16 =	vld [tilespmem:s26+$0x10]  }
0x531: {  	v15 =	vsub.f32 v7, v8;
	v9 =	vsub.f32 v9, v8  }
0x532: {  	v10 =	vsub.f32 v10, v8;
	v11 =	vsub.f32 v11, v8  }
0x533: {  	v7 =	vbroadcast v6, $0xB;
	v12 =	vsub.f32 v12, v8;
	v13 =	vsub.f32 v13, v8  }
0x534: {  	v14 =	vsub.f32 v14, v8;
	v15 =	vmul.f32 v15, v15;
	v9 =	vmul.f32 v9, v9  }
0x535: {  	v16 =	vsub.f32 v16, v8;
	v10 =	vmul.f32 v10, v10;
	v11 =	vmul.f32 v11, v11  }
0x536: {  	v12 =	vmul.f32 v12, v12;
	v13 =	vmul.f32 v13, v13  }
0x537: {  	v14 =	vmul.f32 v14, v14;
	v16 =	vmul.f32 v16, v16  }
0x538: {  	v10 =	vmul.f32 v10, v7;
	v12 =	vmul.f32 v12, v7  }
0x539: {  	v15 =	vmul.f32 v15, v7;
	v13 =	vmul.f32 v13, v7  }
0x53a: {  	s29 =	simm.s32 $0x3990;
	v9 =	vmul.f32 v9, v7;
	v10 =	vmul.f32 $1.442695020e+00, v10  }
0x53b: {  	v17 =	vld [tilespmem:s29+$0xFFFFFFF0];
	v14 =	vmul.f32 v14, v7;
	v12 =	vmul.f32 $1.442695020e+00, v12  }
0x53c: {  	(erf) = vpow2.f32 v10;
	v10 =	vmul.f32 v11, v7;
	v11 =	vld [tilespmem:s29+$0xFFFFFFC0]  }
0x53d: {  	v18 =	vld [tilespmem:s29+$0x30];
	v15 =	vmul.f32 $1.442695020e+00, v15;
	v13 =	vmul.f32 $1.442695020e+00, v13  }
0x53e: {  	v19 =	vld [tilespmem:s29+$0x20];
	v9 =	vmul.f32 $1.442695020e+00, v9;
	(erf) = vpow2.f32 v12  }
0x53f: {  	v12 =	vld [tilespmem:s29+$0xFFFFFFD0];
	(erf) = vpow2.f32 v15;
	v15 =	vmul.f32 $1.442695020e+00, v10  }
0x540: {  	(erf) = vpow2.f32 v9;
	v9 =	vmul.f32 $1.442695020e+00, v14  }
0x541: {  	(erf) = vpow2.f32 v13;
	v13 =	vld [tilespmem:s29+$0x0];
	v10 =	vsub.f32 v11, v8;
	v11 =	vsub.f32 v17, v8  }
0x542: {  	v20 =	vld [tilespmem:s29+$0xFFFFFFE0];
	v14 =	vmul.f32 v16, v7;
	v16 =	vsub.f32 v18, v8;
	(erf) = vpow2.f32 v9  }
0x543: {  	v18 =	vmul.f32 v10, v10;
	v10 =	vmul.f32 v11, v11;
	v11 =	vsub.f32 v19, v8  }
0x544: {  	v14 =	vmul.f32 $1.442695020e+00, v14;
	v12 =	vsub.f32 v12, v8  }
0x545: {  	v11 =	vmul.f32 v11, v11  }
0x546: {  	v19 =	vld [tilespmem:s29+$0x10];
	v9 =	vmul.f32 v12, v12;
	v12 =	vmul.f32 v16, v16;
	v13 =	vsub.f32 v13, v8  }
0x547: {  	s0 =	simm.s32 $0x5EC0;
	v17 =	vsub.f32 v20, v8;
	v16 =	vpop (erf);
	(erf) = vpow2.f32 v14  }
0x548: {  	[tilespmem:s0+$0x0] =	vst v16;
	v14 =	vpop (erf);
	v16 =	vmul.f32 v12, v7;
	(erf) = vpow2.f32 v15  }
0x549: {  	[tilespmem:s0+$0xFFFFFFF0] =	vst v14;
	v14 =	vmul.f32 v17, v17;
	v63 =	vmul.f32 v11, v7;
	v11 =	vpop (erf)  }
0x54a: {  	v12 =	vmul.f32 v13, v13;
	v17 =	vmul.f32 $1.442695020e+00, v16;
	[tilespmem:s0+$0xFFFFFF90] =	vst v11;
	v13 =	vpop (erf)  }
0x54b: {  	s3 =	simm.s32 $0x8;
	s15 =	simm.s32 $0x3A10;
	s1 =	simm.s32 $0x5EC0;
	v15 =	vmul.f32 v18, v7;
	v16 =	vmul.f32 $1.442695020e+00, v63;
	v11 =	vsub.f32 v19, v8;
	[tilespmem:s0+$0xFFFFFFC0] =	vst v13;
	v13 =	vpop (erf)  }
.LBB2_28:
0x54c: {  	v18 =	vld [tilespmem:s15+$0xFFFFFFF0];
	s3 =	sadd.s32 $0x8, s3;
	v14 =	vmul.f32 v14, v7;
	(erf) = vpow2.f32 v17;
	s0 =	sadd.s32 $0x400, s0;
	v17 =	vpop (erf)  }
0x54d: {  	v9 =	vmul.f32 v9, v7;
	v10 =	vmul.f32 v10, v7;
	v19 =	vld [tilespmem:s15+$0x30];
	p1 =	slt.u32 s3, $0x38;
	[tilespmem:s1+$0xFFFFFFD0] =	vst v17  }
0x54e: {  	v15 =	vmul.f32 $1.442695020e+00, v15;
	v17 =	vld [tilespmem:s15+$0xFFFFFFC0];
	(erf) = vpow2.f32 v16;
	[tilespmem:s1+$0xFFFFFFB0] =	vst v13  }
0x54f: {  	v14 =	vmul.f32 $1.442695020e+00, v14;
	v10 =	vmul.f32 $1.442695020e+00, v10;
	v13 =	vld [tilespmem:s15+$0xFFFFFFD0]  }
0x550: {  	v12 =	vmul.f32 v12, v7;
	v11 =	vmul.f32 v11, v11;
	v16 =	vld [tilespmem:s15+$0x20];
	v20 =	vpop (erf)  }
0x551: {  	v22 =	vmul.f32 $1.442695020e+00, v9;
	v21 =	vld [tilespmem:s15+$0xFFFFFFE0];
	(erf) = vpow2.f32 v15;
	[tilespmem:s1+$0xFFFFFFE0] =	vst v20;
	v9 =	vpop (erf)  }
0x552: {  	v15 =	vsub.f32 v18, v8;
	v20 =	vmul.f32 $1.442695020e+00, v12;
	v18 =	vld [tilespmem:s15+$0x0];
	(erf) = vpow2.f32 v10;
	[tilespmem:s1+$0xFFFFFFA0] =	vst v9;
	s1 =	smov.u32 s0  }
0x553: {  	v11 =	vmul.f32 v11, v7;
	v9 =	vsub.f32 v17, v8;
	v17 =	vld [tilespmem:s15+$0x10];
	(erf) = vpow2.f32 v14  }
0x554: {  	v14 =	vsub.f32 v19, v8;
	v13 =	vsub.f32 v13, v8;
	(erf) = vpow2.f32 v20  }
0x555: {  	v10 =	vmul.f32 v15, v15;
	v19 =	vmul.f32 v9, v9;
	v12 =	vpop (erf)  }
0x556: {  	v15 =	vmul.f32 $1.442695020e+00, v11;
	v9 =	vmul.f32 v13, v13;
	v13 =	vsub.f32 v16, v8;
	[tilespmem:s0+$0x0] =	vst v12  }
0x557: {  	v14 =	vmul.f32 v14, v14;
	v12 =	vsub.f32 v21, v8;
	v16 =	vsub.f32 v18, v8;
	v18 =	vpop (erf)  }
.Ltmp13:
0x558: {  	v11 =	vsub.f32 v17, v8;
	v13 =	vmul.f32 v13, v13;
	[tilespmem:s0+$0xFFFFFFF0] =	vst v18;
	(erf) = vpow2.f32 v15;
	(pc) =	sbr.rel @p1 .LBB2_28-.Ltmp13, $4  }
0x559: {  	v15 =	vmul.f32 v14, v7;
	(erf) = vpow2.f32 v22  }
0x55a: {  	v14 =	vmul.f32 v12, v12;
	v20 =	vmul.f32 v13, v7;
	v18 =	vpop (erf)  }
0x55b: {  	v12 =	vmul.f32 v16, v16;
	v17 =	vmul.f32 $1.442695020e+00, v15;
	[tilespmem:s0+$0xFFFFFF90] =	vst v18;
	v18 =	vpop (erf)  }
0x55c: {  	s15 =	sadd.s32 $0x80, s15;
	v15 =	vmul.f32 v19, v7;
	v16 =	vmul.f32 $1.442695020e+00, v20;
	[tilespmem:s0+$0xFFFFFFC0] =	vst v18;
	v13 =	vpop (erf)  }
0x55d: {  	v8 =	vmul.f32 v14, v7;
	(erf) = vpow2.f32 v17  }
0x55e: {  	v10 =	vmul.f32 v10, v7;
	v12 =	vmul.f32 v12, v7  }
0x55f: {  	v11 =	vmul.f32 v11, v11;
	v14 =	vmul.f32 $1.442695020e+00, v15  }
0x560: {  	(erf) = vpow2.f32 v16;
	v10 =	vmul.f32 $1.442695020e+00, v10  }
0x561: {  	v8 =	vmul.f32 $1.442695020e+00, v8;
	(erf) = vpow2.f32 v14  }
0x562: {  	(erf) = vpow2.f32 v10;
	v10 =	vmul.f32 v11, v7  }
0x563: {  	v12 =	vmul.f32 $1.442695020e+00, v12;
	v7 =	vmul.f32 v9, v7  }
0x564: {  	(erf) = vpow2.f32 v8;
	v8 =	vmul.f32 $1.442695020e+00, v10  }
0x565: {  	(erf) = vpow2.f32 v12;
	v7 =	vmul.f32 $1.442695020e+00, v7  }
0x566: {  	[tilespmem:s1+$0xFFFFFFB0] =	vst v13;
	v9 =	vpop (erf);
	(erf) = vpow2.f32 v8  }
0x567: {  	[tilespmem:s1+$0xFFFFFFD0] =	vst v9;
	v9 =	vpop (erf);
	(erf) = vpow2.f32 v7  }
0x568: {  	[tilespmem:s1+$0xFFFFFFE0] =	vst v9;
	v8 =	vpop (erf)  }
0x569: {  	s0 =	sadd.s32 $0x400, s0;
	v7 =	vpop (erf);
	[tilespmem:s1+$0xFFFFFFA0] =	vst v8  }
0x56a: {  	v9 =	vpop (erf);
	[tilespmem:s0+$0x0] =	vst v7  }
0x56b: {  	v7 =	vpop (erf);
	[tilespmem:s0+$0xFFFFFFF0] =	vst v9  }
0x56c: {  	v8 =	vpop (erf);
	[tilespmem:s0+$0xFFFFFF90] =	vst v7  }
0x56d: {  	v7 =	vpop (erf);
	[tilespmem:s0+$0xFFFFFFC0] =	vst v8  }
0x56e: {  	v8 =	vpop (erf);
	[tilespmem:s0+$0xFFFFFFB0] =	vst v7  }
0x56f: {  	[tilespmem:s0+$0xFFFFFFD0] =	vst v8;
	v7 =	vpop (erf)  }
0x570: {  	[tilespmem:s0+$0xFFFFFFE0] =	vst v7;
	v7 =	vpop (erf)  }
0x571: {  	s26 =	simm.s32 $0x3910;
	[tilespmem:s0+$0xFFFFFFA0] =	vst v7  }
0x572: {  	v9 =	vld [tilespmem:s26+$0xFFFFFFF0]  }
0x573: {  	v10 =	vld [tilespmem:s26+$0x30]  }
0x574: {  	v7 =	vld [tilespmem:s26+$0xFFFFFFC0]  }
0x575: {  	v11 =	vld [tilespmem:s26+$0xFFFFFFD0]  }
0x576: {  	v12 =	vld [tilespmem:s26+$0x20]  }
0x577: {  	v13 =	vld [tilespmem:s26+$0xFFFFFFE0]  }
0x578: {  	v8 =	vbroadcast v5, $0xC;
	v14 =	vld [tilespmem:s26+$0x0]  }
0x579: {  	v16 =	vld [tilespmem:s26+$0x10]  }
0x57a: {  	v15 =	vsub.f32 v7, v8;
	v9 =	vsub.f32 v9, v8  }
0x57b: {  	v10 =	vsub.f32 v10, v8;
	v11 =	vsub.f32 v11, v8  }
0x57c: {  	v7 =	vbroadcast v6, $0xC;
	v12 =	vsub.f32 v12, v8;
	v13 =	vsub.f32 v13, v8  }
0x57d: {  	v14 =	vsub.f32 v14, v8;
	v15 =	vmul.f32 v15, v15;
	v9 =	vmul.f32 v9, v9  }
0x57e: {  	v16 =	vsub.f32 v16, v8;
	v10 =	vmul.f32 v10, v10;
	v11 =	vmul.f32 v11, v11  }
0x57f: {  	v12 =	vmul.f32 v12, v12;
	v13 =	vmul.f32 v13, v13  }
0x580: {  	v14 =	vmul.f32 v14, v14;
	v16 =	vmul.f32 v16, v16  }
0x581: {  	v10 =	vmul.f32 v10, v7;
	v12 =	vmul.f32 v12, v7  }
0x582: {  	v15 =	vmul.f32 v15, v7;
	v13 =	vmul.f32 v13, v7  }
0x583: {  	s29 =	simm.s32 $0x3990;
	v9 =	vmul.f32 v9, v7;
	v10 =	vmul.f32 $1.442695020e+00, v10  }
0x584: {  	v17 =	vld [tilespmem:s29+$0xFFFFFFF0];
	v14 =	vmul.f32 v14, v7;
	v12 =	vmul.f32 $1.442695020e+00, v12  }
0x585: {  	(erf) = vpow2.f32 v10;
	v10 =	vmul.f32 v11, v7;
	v11 =	vld [tilespmem:s29+$0xFFFFFFC0]  }
0x586: {  	v18 =	vld [tilespmem:s29+$0x30];
	v15 =	vmul.f32 $1.442695020e+00, v15;
	v13 =	vmul.f32 $1.442695020e+00, v13  }
0x587: {  	v19 =	vld [tilespmem:s29+$0x20];
	v9 =	vmul.f32 $1.442695020e+00, v9;
	(erf) = vpow2.f32 v12  }
0x588: {  	v12 =	vld [tilespmem:s29+$0xFFFFFFD0];
	(erf) = vpow2.f32 v15;
	v15 =	vmul.f32 $1.442695020e+00, v10  }
0x589: {  	(erf) = vpow2.f32 v9;
	v9 =	vmul.f32 $1.442695020e+00, v14  }
0x58a: {  	(erf) = vpow2.f32 v13;
	v13 =	vld [tilespmem:s29+$0x0];
	v10 =	vsub.f32 v11, v8;
	v11 =	vsub.f32 v17, v8  }
0x58b: {  	v20 =	vld [tilespmem:s29+$0xFFFFFFE0];
	v14 =	vmul.f32 v16, v7;
	v16 =	vsub.f32 v18, v8;
	(erf) = vpow2.f32 v9  }
0x58c: {  	v18 =	vmul.f32 v10, v10;
	v10 =	vmul.f32 v11, v11;
	v11 =	vsub.f32 v19, v8  }
0x58d: {  	v14 =	vmul.f32 $1.442695020e+00, v14;
	v12 =	vsub.f32 v12, v8  }
0x58e: {  	v11 =	vmul.f32 v11, v11  }
0x58f: {  	v19 =	vld [tilespmem:s29+$0x10];
	v9 =	vmul.f32 v12, v12;
	v12 =	vmul.f32 v16, v16;
	v13 =	vsub.f32 v13, v8  }
0x590: {  	s0 =	simm.s32 $0x5F40;
	v17 =	vsub.f32 v20, v8;
	v16 =	vpop (erf);
	(erf) = vpow2.f32 v14  }
0x591: {  	[tilespmem:s0+$0x0] =	vst v16;
	v14 =	vpop (erf);
	v16 =	vmul.f32 v12, v7;
	(erf) = vpow2.f32 v15  }
0x592: {  	[tilespmem:s0+$0xFFFFFFF0] =	vst v14;
	v14 =	vmul.f32 v17, v17;
	v63 =	vmul.f32 v11, v7;
	v11 =	vpop (erf)  }
0x593: {  	v12 =	vmul.f32 v13, v13;
	v17 =	vmul.f32 $1.442695020e+00, v16;
	[tilespmem:s0+$0xFFFFFF90] =	vst v11;
	v13 =	vpop (erf)  }
0x594: {  	s3 =	simm.s32 $0x8;
	s15 =	simm.s32 $0x3A10;
	s1 =	simm.s32 $0x5F40;
	v15 =	vmul.f32 v18, v7;
	v16 =	vmul.f32 $1.442695020e+00, v63;
	v11 =	vsub.f32 v19, v8;
	[tilespmem:s0+$0xFFFFFFC0] =	vst v13;
	v13 =	vpop (erf)  }
.LBB2_30:
0x595: {  	v18 =	vld [tilespmem:s15+$0xFFFFFFF0];
	s3 =	sadd.s32 $0x8, s3;
	v14 =	vmul.f32 v14, v7;
	(erf) = vpow2.f32 v17;
	s0 =	sadd.s32 $0x400, s0;
	v17 =	vpop (erf)  }
0x596: {  	v9 =	vmul.f32 v9, v7;
	v10 =	vmul.f32 v10, v7;
	v19 =	vld [tilespmem:s15+$0x30];
	p1 =	slt.u32 s3, $0x38;
	[tilespmem:s1+$0xFFFFFFD0] =	vst v17  }
0x597: {  	v15 =	vmul.f32 $1.442695020e+00, v15;
	v17 =	vld [tilespmem:s15+$0xFFFFFFC0];
	(erf) = vpow2.f32 v16;
	[tilespmem:s1+$0xFFFFFFB0] =	vst v13  }
0x598: {  	v14 =	vmul.f32 $1.442695020e+00, v14;
	v10 =	vmul.f32 $1.442695020e+00, v10;
	v13 =	vld [tilespmem:s15+$0xFFFFFFD0]  }
0x599: {  	v12 =	vmul.f32 v12, v7;
	v11 =	vmul.f32 v11, v11;
	v16 =	vld [tilespmem:s15+$0x20];
	v20 =	vpop (erf)  }
0x59a: {  	v22 =	vmul.f32 $1.442695020e+00, v9;
	v21 =	vld [tilespmem:s15+$0xFFFFFFE0];
	(erf) = vpow2.f32 v15;
	[tilespmem:s1+$0xFFFFFFE0] =	vst v20;
	v9 =	vpop (erf)  }
0x59b: {  	v15 =	vsub.f32 v18, v8;
	v20 =	vmul.f32 $1.442695020e+00, v12;
	v18 =	vld [tilespmem:s15+$0x0];
	(erf) = vpow2.f32 v10;
	[tilespmem:s1+$0xFFFFFFA0] =	vst v9;
	s1 =	smov.u32 s0  }
0x59c: {  	v11 =	vmul.f32 v11, v7;
	v9 =	vsub.f32 v17, v8;
	v17 =	vld [tilespmem:s15+$0x10];
	(erf) = vpow2.f32 v14  }
0x59d: {  	v14 =	vsub.f32 v19, v8;
	v13 =	vsub.f32 v13, v8;
	(erf) = vpow2.f32 v20  }
0x59e: {  	v10 =	vmul.f32 v15, v15;
	v19 =	vmul.f32 v9, v9;
	v12 =	vpop (erf)  }
0x59f: {  	v15 =	vmul.f32 $1.442695020e+00, v11;
	v9 =	vmul.f32 v13, v13;
	v13 =	vsub.f32 v16, v8;
	[tilespmem:s0+$0x0] =	vst v12  }
0x5a0: {  	v14 =	vmul.f32 v14, v14;
	v12 =	vsub.f32 v21, v8;
	v16 =	vsub.f32 v18, v8;
	v18 =	vpop (erf)  }
.Ltmp14:
0x5a1: {  	v11 =	vsub.f32 v17, v8;
	v13 =	vmul.f32 v13, v13;
	[tilespmem:s0+$0xFFFFFFF0] =	vst v18;
	(erf) = vpow2.f32 v15;
	(pc) =	sbr.rel @p1 .LBB2_30-.Ltmp14, $4  }
0x5a2: {  	v15 =	vmul.f32 v14, v7;
	(erf) = vpow2.f32 v22  }
0x5a3: {  	v14 =	vmul.f32 v12, v12;
	v20 =	vmul.f32 v13, v7;
	v18 =	vpop (erf)  }
0x5a4: {  	v12 =	vmul.f32 v16, v16;
	v17 =	vmul.f32 $1.442695020e+00, v15;
	[tilespmem:s0+$0xFFFFFF90] =	vst v18;
	v18 =	vpop (erf)  }
0x5a5: {  	s15 =	sadd.s32 $0x80, s15;
	v15 =	vmul.f32 v19, v7;
	v16 =	vmul.f32 $1.442695020e+00, v20;
	[tilespmem:s0+$0xFFFFFFC0] =	vst v18;
	v13 =	vpop (erf)  }
0x5a6: {  	v8 =	vmul.f32 v14, v7;
	(erf) = vpow2.f32 v17  }
0x5a7: {  	v10 =	vmul.f32 v10, v7;
	v12 =	vmul.f32 v12, v7  }
0x5a8: {  	v11 =	vmul.f32 v11, v11;
	v14 =	vmul.f32 $1.442695020e+00, v15  }
0x5a9: {  	(erf) = vpow2.f32 v16;
	v10 =	vmul.f32 $1.442695020e+00, v10  }
0x5aa: {  	v8 =	vmul.f32 $1.442695020e+00, v8;
	(erf) = vpow2.f32 v14  }
0x5ab: {  	(erf) = vpow2.f32 v10;
	v10 =	vmul.f32 v11, v7  }
0x5ac: {  	v12 =	vmul.f32 $1.442695020e+00, v12;
	v7 =	vmul.f32 v9, v7  }
0x5ad: {  	(erf) = vpow2.f32 v8;
	v8 =	vmul.f32 $1.442695020e+00, v10  }
0x5ae: {  	(erf) = vpow2.f32 v12;
	v7 =	vmul.f32 $1.442695020e+00, v7  }
0x5af: {  	[tilespmem:s1+$0xFFFFFFB0] =	vst v13;
	v9 =	vpop (erf);
	(erf) = vpow2.f32 v8  }
0x5b0: {  	[tilespmem:s1+$0xFFFFFFD0] =	vst v9;
	v9 =	vpop (erf);
	(erf) = vpow2.f32 v7  }
0x5b1: {  	[tilespmem:s1+$0xFFFFFFE0] =	vst v9;
	v8 =	vpop (erf)  }
0x5b2: {  	s0 =	sadd.s32 $0x400, s0;
	v7 =	vpop (erf);
	[tilespmem:s1+$0xFFFFFFA0] =	vst v8  }
0x5b3: {  	v9 =	vpop (erf);
	[tilespmem:s0+$0x0] =	vst v7  }
0x5b4: {  	v7 =	vpop (erf);
	[tilespmem:s0+$0xFFFFFFF0] =	vst v9  }
0x5b5: {  	v8 =	vpop (erf);
	[tilespmem:s0+$0xFFFFFF90] =	vst v7  }
0x5b6: {  	v7 =	vpop (erf);
	[tilespmem:s0+$0xFFFFFFC0] =	vst v8  }
0x5b7: {  	v8 =	vpop (erf);
	[tilespmem:s0+$0xFFFFFFB0] =	vst v7  }
0x5b8: {  	[tilespmem:s0+$0xFFFFFFD0] =	vst v8;
	v7 =	vpop (erf)  }
0x5b9: {  	[tilespmem:s0+$0xFFFFFFE0] =	vst v7;
	v7 =	vpop (erf)  }
0x5ba: {  	s26 =	simm.s32 $0x3910;
	[tilespmem:s0+$0xFFFFFFA0] =	vst v7  }
0x5bb: {  	v9 =	vld [tilespmem:s26+$0xFFFFFFF0]  }
0x5bc: {  	v10 =	vld [tilespmem:s26+$0x30]  }
0x5bd: {  	v7 =	vld [tilespmem:s26+$0xFFFFFFC0]  }
0x5be: {  	v11 =	vld [tilespmem:s26+$0xFFFFFFD0]  }
0x5bf: {  	v12 =	vld [tilespmem:s26+$0x20]  }
0x5c0: {  	v13 =	vld [tilespmem:s26+$0xFFFFFFE0]  }
0x5c1: {  	v8 =	vbroadcast v5, $0xD;
	v14 =	vld [tilespmem:s26+$0x0]  }
0x5c2: {  	v16 =	vld [tilespmem:s26+$0x10]  }
0x5c3: {  	v15 =	vsub.f32 v7, v8;
	v9 =	vsub.f32 v9, v8  }
0x5c4: {  	v10 =	vsub.f32 v10, v8;
	v11 =	vsub.f32 v11, v8  }
0x5c5: {  	v7 =	vbroadcast v6, $0xD;
	v12 =	vsub.f32 v12, v8;
	v13 =	vsub.f32 v13, v8  }
0x5c6: {  	v14 =	vsub.f32 v14, v8;
	v15 =	vmul.f32 v15, v15;
	v9 =	vmul.f32 v9, v9  }
0x5c7: {  	v16 =	vsub.f32 v16, v8;
	v10 =	vmul.f32 v10, v10;
	v11 =	vmul.f32 v11, v11  }
0x5c8: {  	v12 =	vmul.f32 v12, v12;
	v13 =	vmul.f32 v13, v13  }
0x5c9: {  	v14 =	vmul.f32 v14, v14;
	v16 =	vmul.f32 v16, v16  }
0x5ca: {  	v10 =	vmul.f32 v10, v7;
	v12 =	vmul.f32 v12, v7  }
0x5cb: {  	v15 =	vmul.f32 v15, v7;
	v13 =	vmul.f32 v13, v7  }
0x5cc: {  	s29 =	simm.s32 $0x3990;
	v9 =	vmul.f32 v9, v7;
	v10 =	vmul.f32 $1.442695020e+00, v10  }
0x5cd: {  	v17 =	vld [tilespmem:s29+$0xFFFFFFF0];
	v14 =	vmul.f32 v14, v7;
	v12 =	vmul.f32 $1.442695020e+00, v12  }
0x5ce: {  	(erf) = vpow2.f32 v10;
	v10 =	vmul.f32 v11, v7;
	v11 =	vld [tilespmem:s29+$0xFFFFFFC0]  }
0x5cf: {  	v18 =	vld [tilespmem:s29+$0x30];
	v15 =	vmul.f32 $1.442695020e+00, v15;
	v13 =	vmul.f32 $1.442695020e+00, v13  }
0x5d0: {  	v19 =	vld [tilespmem:s29+$0x20];
	v9 =	vmul.f32 $1.442695020e+00, v9;
	(erf) = vpow2.f32 v12  }
0x5d1: {  	v12 =	vld [tilespmem:s29+$0xFFFFFFD0];
	(erf) = vpow2.f32 v15;
	v15 =	vmul.f32 $1.442695020e+00, v10  }
0x5d2: {  	(erf) = vpow2.f32 v9;
	v9 =	vmul.f32 $1.442695020e+00, v14  }
0x5d3: {  	(erf) = vpow2.f32 v13;
	v13 =	vld [tilespmem:s29+$0x0];
	v10 =	vsub.f32 v11, v8;
	v11 =	vsub.f32 v17, v8  }
0x5d4: {  	v20 =	vld [tilespmem:s29+$0xFFFFFFE0];
	v14 =	vmul.f32 v16, v7;
	v16 =	vsub.f32 v18, v8;
	(erf) = vpow2.f32 v9  }
0x5d5: {  	v18 =	vmul.f32 v10, v10;
	v10 =	vmul.f32 v11, v11;
	v11 =	vsub.f32 v19, v8  }
0x5d6: {  	v14 =	vmul.f32 $1.442695020e+00, v14;
	v12 =	vsub.f32 v12, v8  }
0x5d7: {  	v11 =	vmul.f32 v11, v11  }
0x5d8: {  	v19 =	vld [tilespmem:s29+$0x10];
	v9 =	vmul.f32 v12, v12;
	v12 =	vmul.f32 v16, v16;
	v13 =	vsub.f32 v13, v8  }
0x5d9: {  	s0 =	simm.s32 $0x5FC0;
	v17 =	vsub.f32 v20, v8;
	v16 =	vpop (erf);
	(erf) = vpow2.f32 v14  }
0x5da: {  	[tilespmem:s0+$0x0] =	vst v16;
	v14 =	vpop (erf);
	v16 =	vmul.f32 v12, v7;
	(erf) = vpow2.f32 v15  }
0x5db: {  	[tilespmem:s0+$0xFFFFFFF0] =	vst v14;
	v14 =	vmul.f32 v17, v17;
	v63 =	vmul.f32 v11, v7;
	v11 =	vpop (erf)  }
0x5dc: {  	v12 =	vmul.f32 v13, v13;
	v17 =	vmul.f32 $1.442695020e+00, v16;
	[tilespmem:s0+$0xFFFFFF90] =	vst v11;
	v13 =	vpop (erf)  }
0x5dd: {  	s3 =	simm.s32 $0x8;
	s15 =	simm.s32 $0x3A10;
	s1 =	simm.s32 $0x5FC0;
	v15 =	vmul.f32 v18, v7;
	v16 =	vmul.f32 $1.442695020e+00, v63;
	v11 =	vsub.f32 v19, v8;
	[tilespmem:s0+$0xFFFFFFC0] =	vst v13;
	v13 =	vpop (erf)  }
.LBB2_32:
0x5de: {  	v18 =	vld [tilespmem:s15+$0xFFFFFFF0];
	s3 =	sadd.s32 $0x8, s3;
	v14 =	vmul.f32 v14, v7;
	(erf) = vpow2.f32 v17;
	s0 =	sadd.s32 $0x400, s0;
	v17 =	vpop (erf)  }
0x5df: {  	v9 =	vmul.f32 v9, v7;
	v10 =	vmul.f32 v10, v7;
	v19 =	vld [tilespmem:s15+$0x30];
	p1 =	slt.u32 s3, $0x38;
	[tilespmem:s1+$0xFFFFFFD0] =	vst v17  }
0x5e0: {  	v15 =	vmul.f32 $1.442695020e+00, v15;
	v17 =	vld [tilespmem:s15+$0xFFFFFFC0];
	(erf) = vpow2.f32 v16;
	[tilespmem:s1+$0xFFFFFFB0] =	vst v13  }
0x5e1: {  	v14 =	vmul.f32 $1.442695020e+00, v14;
	v10 =	vmul.f32 $1.442695020e+00, v10;
	v13 =	vld [tilespmem:s15+$0xFFFFFFD0]  }
0x5e2: {  	v12 =	vmul.f32 v12, v7;
	v11 =	vmul.f32 v11, v11;
	v16 =	vld [tilespmem:s15+$0x20];
	v20 =	vpop (erf)  }
0x5e3: {  	v22 =	vmul.f32 $1.442695020e+00, v9;
	v21 =	vld [tilespmem:s15+$0xFFFFFFE0];
	(erf) = vpow2.f32 v15;
	[tilespmem:s1+$0xFFFFFFE0] =	vst v20;
	v9 =	vpop (erf)  }
0x5e4: {  	v15 =	vsub.f32 v18, v8;
	v20 =	vmul.f32 $1.442695020e+00, v12;
	v18 =	vld [tilespmem:s15+$0x0];
	(erf) = vpow2.f32 v10;
	[tilespmem:s1+$0xFFFFFFA0] =	vst v9;
	s1 =	smov.u32 s0  }
0x5e5: {  	v11 =	vmul.f32 v11, v7;
	v9 =	vsub.f32 v17, v8;
	v17 =	vld [tilespmem:s15+$0x10];
	(erf) = vpow2.f32 v14  }
0x5e6: {  	v14 =	vsub.f32 v19, v8;
	v13 =	vsub.f32 v13, v8;
	(erf) = vpow2.f32 v20  }
0x5e7: {  	v10 =	vmul.f32 v15, v15;
	v19 =	vmul.f32 v9, v9;
	v12 =	vpop (erf)  }
0x5e8: {  	v15 =	vmul.f32 $1.442695020e+00, v11;
	v9 =	vmul.f32 v13, v13;
	v13 =	vsub.f32 v16, v8;
	[tilespmem:s0+$0x0] =	vst v12  }
0x5e9: {  	v14 =	vmul.f32 v14, v14;
	v12 =	vsub.f32 v21, v8;
	v16 =	vsub.f32 v18, v8;
	v18 =	vpop (erf)  }
.Ltmp15:
0x5ea: {  	v11 =	vsub.f32 v17, v8;
	v13 =	vmul.f32 v13, v13;
	[tilespmem:s0+$0xFFFFFFF0] =	vst v18;
	(erf) = vpow2.f32 v15;
	(pc) =	sbr.rel @p1 .LBB2_32-.Ltmp15, $4  }
0x5eb: {  	v15 =	vmul.f32 v14, v7;
	(erf) = vpow2.f32 v22  }
0x5ec: {  	v14 =	vmul.f32 v12, v12;
	v20 =	vmul.f32 v13, v7;
	v18 =	vpop (erf)  }
0x5ed: {  	v12 =	vmul.f32 v16, v16;
	v17 =	vmul.f32 $1.442695020e+00, v15;
	[tilespmem:s0+$0xFFFFFF90] =	vst v18;
	v18 =	vpop (erf)  }
0x5ee: {  	s15 =	sadd.s32 $0x80, s15;
	v15 =	vmul.f32 v19, v7;
	v16 =	vmul.f32 $1.442695020e+00, v20;
	[tilespmem:s0+$0xFFFFFFC0] =	vst v18;
	v13 =	vpop (erf)  }
0x5ef: {  	v8 =	vmul.f32 v14, v7;
	(erf) = vpow2.f32 v17  }
0x5f0: {  	v10 =	vmul.f32 v10, v7;
	v12 =	vmul.f32 v12, v7  }
0x5f1: {  	v11 =	vmul.f32 v11, v11;
	v14 =	vmul.f32 $1.442695020e+00, v15  }
0x5f2: {  	(erf) = vpow2.f32 v16;
	v10 =	vmul.f32 $1.442695020e+00, v10  }
0x5f3: {  	v8 =	vmul.f32 $1.442695020e+00, v8;
	(erf) = vpow2.f32 v14  }
0x5f4: {  	(erf) = vpow2.f32 v10;
	v10 =	vmul.f32 v11, v7  }
0x5f5: {  	v12 =	vmul.f32 $1.442695020e+00, v12;
	v7 =	vmul.f32 v9, v7  }
0x5f6: {  	(erf) = vpow2.f32 v8;
	v8 =	vmul.f32 $1.442695020e+00, v10  }
0x5f7: {  	(erf) = vpow2.f32 v12;
	v7 =	vmul.f32 $1.442695020e+00, v7  }
0x5f8: {  	[tilespmem:s1+$0xFFFFFFB0] =	vst v13;
	v9 =	vpop (erf);
	(erf) = vpow2.f32 v8  }
0x5f9: {  	[tilespmem:s1+$0xFFFFFFD0] =	vst v9;
	v9 =	vpop (erf);
	(erf) = vpow2.f32 v7  }
0x5fa: {  	[tilespmem:s1+$0xFFFFFFE0] =	vst v9;
	v8 =	vpop (erf)  }
0x5fb: {  	s0 =	sadd.s32 $0x400, s0;
	v7 =	vpop (erf);
	[tilespmem:s1+$0xFFFFFFA0] =	vst v8  }
0x5fc: {  	v9 =	vpop (erf);
	[tilespmem:s0+$0x0] =	vst v7  }
0x5fd: {  	v7 =	vpop (erf);
	[tilespmem:s0+$0xFFFFFFF0] =	vst v9  }
0x5fe: {  	v8 =	vpop (erf);
	[tilespmem:s0+$0xFFFFFF90] =	vst v7  }
0x5ff: {  	v7 =	vpop (erf);
	[tilespmem:s0+$0xFFFFFFC0] =	vst v8  }
0x600: {  	v8 =	vpop (erf);
	[tilespmem:s0+$0xFFFFFFB0] =	vst v7  }
0x601: {  	[tilespmem:s0+$0xFFFFFFD0] =	vst v8;
	v7 =	vpop (erf)  }
0x602: {  	[tilespmem:s0+$0xFFFFFFE0] =	vst v7;
	v7 =	vpop (erf)  }
0x603: {  	s26 =	simm.s32 $0x3910;
	[tilespmem:s0+$0xFFFFFFA0] =	vst v7  }
0x604: {  	v9 =	vld [tilespmem:s26+$0xFFFFFFF0]  }
0x605: {  	v10 =	vld [tilespmem:s26+$0x30]  }
0x606: {  	v7 =	vld [tilespmem:s26+$0xFFFFFFC0]  }
0x607: {  	v11 =	vld [tilespmem:s26+$0xFFFFFFD0]  }
0x608: {  	v12 =	vld [tilespmem:s26+$0x20]  }
0x609: {  	v13 =	vld [tilespmem:s26+$0xFFFFFFE0]  }
0x60a: {  	v8 =	vbroadcast v5, $0xE;
	v14 =	vld [tilespmem:s26+$0x0]  }
0x60b: {  	v16 =	vld [tilespmem:s26+$0x10]  }
0x60c: {  	v15 =	vsub.f32 v7, v8;
	v9 =	vsub.f32 v9, v8  }
0x60d: {  	v10 =	vsub.f32 v10, v8;
	v11 =	vsub.f32 v11, v8  }
0x60e: {  	v7 =	vbroadcast v6, $0xE;
	v12 =	vsub.f32 v12, v8;
	v13 =	vsub.f32 v13, v8  }
0x60f: {  	v14 =	vsub.f32 v14, v8;
	v15 =	vmul.f32 v15, v15;
	v9 =	vmul.f32 v9, v9  }
0x610: {  	v16 =	vsub.f32 v16, v8;
	v10 =	vmul.f32 v10, v10;
	v11 =	vmul.f32 v11, v11  }
0x611: {  	v12 =	vmul.f32 v12, v12;
	v13 =	vmul.f32 v13, v13  }
0x612: {  	v14 =	vmul.f32 v14, v14;
	v16 =	vmul.f32 v16, v16  }
0x613: {  	v10 =	vmul.f32 v10, v7;
	v12 =	vmul.f32 v12, v7  }
0x614: {  	v15 =	vmul.f32 v15, v7;
	v13 =	vmul.f32 v13, v7  }
0x615: {  	s29 =	simm.s32 $0x3990;
	v9 =	vmul.f32 v9, v7;
	v10 =	vmul.f32 $1.442695020e+00, v10  }
0x616: {  	v17 =	vld [tilespmem:s29+$0xFFFFFFF0];
	v14 =	vmul.f32 v14, v7;
	v12 =	vmul.f32 $1.442695020e+00, v12  }
0x617: {  	(erf) = vpow2.f32 v10;
	v10 =	vmul.f32 v11, v7;
	v11 =	vld [tilespmem:s29+$0xFFFFFFC0]  }
0x618: {  	v18 =	vld [tilespmem:s29+$0x30];
	v15 =	vmul.f32 $1.442695020e+00, v15;
	v13 =	vmul.f32 $1.442695020e+00, v13  }
0x619: {  	v19 =	vld [tilespmem:s29+$0x20];
	v9 =	vmul.f32 $1.442695020e+00, v9;
	(erf) = vpow2.f32 v12  }
0x61a: {  	v12 =	vld [tilespmem:s29+$0xFFFFFFD0];
	(erf) = vpow2.f32 v15;
	v15 =	vmul.f32 $1.442695020e+00, v10  }
0x61b: {  	(erf) = vpow2.f32 v9;
	v9 =	vmul.f32 $1.442695020e+00, v14  }
0x61c: {  	(erf) = vpow2.f32 v13;
	v13 =	vld [tilespmem:s29+$0x0];
	v10 =	vsub.f32 v11, v8;
	v11 =	vsub.f32 v17, v8  }
0x61d: {  	v20 =	vld [tilespmem:s29+$0xFFFFFFE0];
	v14 =	vmul.f32 v16, v7;
	v16 =	vsub.f32 v18, v8;
	(erf) = vpow2.f32 v9  }
0x61e: {  	v18 =	vmul.f32 v10, v10;
	v10 =	vmul.f32 v11, v11;
	v11 =	vsub.f32 v19, v8  }
0x61f: {  	v14 =	vmul.f32 $1.442695020e+00, v14;
	v12 =	vsub.f32 v12, v8  }
0x620: {  	v11 =	vmul.f32 v11, v11  }
0x621: {  	v19 =	vld [tilespmem:s29+$0x10];
	v9 =	vmul.f32 v12, v12;
	v12 =	vmul.f32 v16, v16;
	v13 =	vsub.f32 v13, v8  }
0x622: {  	s0 =	simm.s32 $0x6040;
	v17 =	vsub.f32 v20, v8;
	v16 =	vpop (erf);
	(erf) = vpow2.f32 v14  }
0x623: {  	[tilespmem:s0+$0x0] =	vst v16;
	v14 =	vpop (erf);
	v16 =	vmul.f32 v12, v7;
	(erf) = vpow2.f32 v15  }
0x624: {  	[tilespmem:s0+$0xFFFFFFF0] =	vst v14;
	v14 =	vmul.f32 v17, v17;
	v63 =	vmul.f32 v11, v7;
	v11 =	vpop (erf)  }
0x625: {  	v12 =	vmul.f32 v13, v13;
	v17 =	vmul.f32 $1.442695020e+00, v16;
	[tilespmem:s0+$0xFFFFFF90] =	vst v11;
	v13 =	vpop (erf)  }
0x626: {  	s3 =	simm.s32 $0x8;
	s15 =	simm.s32 $0x3A10;
	s1 =	simm.s32 $0x6040;
	v15 =	vmul.f32 v18, v7;
	v16 =	vmul.f32 $1.442695020e+00, v63;
	v11 =	vsub.f32 v19, v8;
	[tilespmem:s0+$0xFFFFFFC0] =	vst v13;
	v13 =	vpop (erf)  }
.LBB2_34:
0x627: {  	v18 =	vld [tilespmem:s15+$0xFFFFFFF0];
	s3 =	sadd.s32 $0x8, s3;
	v14 =	vmul.f32 v14, v7;
	(erf) = vpow2.f32 v17;
	s0 =	sadd.s32 $0x400, s0;
	v17 =	vpop (erf)  }
0x628: {  	v9 =	vmul.f32 v9, v7;
	v10 =	vmul.f32 v10, v7;
	v19 =	vld [tilespmem:s15+$0x30];
	p1 =	slt.u32 s3, $0x38;
	[tilespmem:s1+$0xFFFFFFD0] =	vst v17  }
0x629: {  	v15 =	vmul.f32 $1.442695020e+00, v15;
	v17 =	vld [tilespmem:s15+$0xFFFFFFC0];
	(erf) = vpow2.f32 v16;
	[tilespmem:s1+$0xFFFFFFB0] =	vst v13  }
0x62a: {  	v14 =	vmul.f32 $1.442695020e+00, v14;
	v10 =	vmul.f32 $1.442695020e+00, v10;
	v13 =	vld [tilespmem:s15+$0xFFFFFFD0]  }
0x62b: {  	v12 =	vmul.f32 v12, v7;
	v11 =	vmul.f32 v11, v11;
	v16 =	vld [tilespmem:s15+$0x20];
	v20 =	vpop (erf)  }
0x62c: {  	v22 =	vmul.f32 $1.442695020e+00, v9;
	v21 =	vld [tilespmem:s15+$0xFFFFFFE0];
	(erf) = vpow2.f32 v15;
	[tilespmem:s1+$0xFFFFFFE0] =	vst v20;
	v9 =	vpop (erf)  }
0x62d: {  	v15 =	vsub.f32 v18, v8;
	v20 =	vmul.f32 $1.442695020e+00, v12;
	v18 =	vld [tilespmem:s15+$0x0];
	(erf) = vpow2.f32 v10;
	[tilespmem:s1+$0xFFFFFFA0] =	vst v9;
	s1 =	smov.u32 s0  }
0x62e: {  	v11 =	vmul.f32 v11, v7;
	v9 =	vsub.f32 v17, v8;
	v17 =	vld [tilespmem:s15+$0x10];
	(erf) = vpow2.f32 v14  }
0x62f: {  	v14 =	vsub.f32 v19, v8;
	v13 =	vsub.f32 v13, v8;
	(erf) = vpow2.f32 v20  }
0x630: {  	v10 =	vmul.f32 v15, v15;
	v19 =	vmul.f32 v9, v9;
	v12 =	vpop (erf)  }
0x631: {  	v15 =	vmul.f32 $1.442695020e+00, v11;
	v9 =	vmul.f32 v13, v13;
	v13 =	vsub.f32 v16, v8;
	[tilespmem:s0+$0x0] =	vst v12  }
0x632: {  	v14 =	vmul.f32 v14, v14;
	v12 =	vsub.f32 v21, v8;
	v16 =	vsub.f32 v18, v8;
	v18 =	vpop (erf)  }
.Ltmp16:
0x633: {  	v11 =	vsub.f32 v17, v8;
	v13 =	vmul.f32 v13, v13;
	[tilespmem:s0+$0xFFFFFFF0] =	vst v18;
	(erf) = vpow2.f32 v15;
	(pc) =	sbr.rel @p1 .LBB2_34-.Ltmp16, $4  }
0x634: {  	v15 =	vmul.f32 v14, v7;
	(erf) = vpow2.f32 v22  }
0x635: {  	v14 =	vmul.f32 v12, v12;
	v20 =	vmul.f32 v13, v7;
	v18 =	vpop (erf)  }
0x636: {  	v12 =	vmul.f32 v16, v16;
	v17 =	vmul.f32 $1.442695020e+00, v15;
	[tilespmem:s0+$0xFFFFFF90] =	vst v18;
	v18 =	vpop (erf)  }
0x637: {  	s15 =	sadd.s32 $0x80, s15;
	v15 =	vmul.f32 v19, v7;
	v16 =	vmul.f32 $1.442695020e+00, v20;
	[tilespmem:s0+$0xFFFFFFC0] =	vst v18;
	v13 =	vpop (erf)  }
0x638: {  	v8 =	vmul.f32 v14, v7;
	(erf) = vpow2.f32 v17  }
0x639: {  	v10 =	vmul.f32 v10, v7;
	v12 =	vmul.f32 v12, v7  }
0x63a: {  	v11 =	vmul.f32 v11, v11;
	v14 =	vmul.f32 $1.442695020e+00, v15  }
0x63b: {  	(erf) = vpow2.f32 v16;
	v10 =	vmul.f32 $1.442695020e+00, v10  }
0x63c: {  	v8 =	vmul.f32 $1.442695020e+00, v8;
	(erf) = vpow2.f32 v14  }
0x63d: {  	(erf) = vpow2.f32 v10;
	v10 =	vmul.f32 v11, v7  }
0x63e: {  	v12 =	vmul.f32 $1.442695020e+00, v12;
	v7 =	vmul.f32 v9, v7  }
0x63f: {  	(erf) = vpow2.f32 v8;
	v8 =	vmul.f32 $1.442695020e+00, v10  }
0x640: {  	(erf) = vpow2.f32 v12;
	v7 =	vmul.f32 $1.442695020e+00, v7  }
0x641: {  	[tilespmem:s1+$0xFFFFFFB0] =	vst v13;
	v9 =	vpop (erf);
	(erf) = vpow2.f32 v8  }
0x642: {  	[tilespmem:s1+$0xFFFFFFD0] =	vst v9;
	v9 =	vpop (erf);
	(erf) = vpow2.f32 v7  }
0x643: {  	[tilespmem:s1+$0xFFFFFFE0] =	vst v9;
	v8 =	vpop (erf)  }
0x644: {  	s0 =	sadd.s32 $0x400, s0;
	v7 =	vpop (erf);
	[tilespmem:s1+$0xFFFFFFA0] =	vst v8  }
0x645: {  	v9 =	vpop (erf);
	[tilespmem:s0+$0x0] =	vst v7  }
0x646: {  	v7 =	vpop (erf);
	[tilespmem:s0+$0xFFFFFFF0] =	vst v9  }
0x647: {  	v8 =	vpop (erf);
	[tilespmem:s0+$0xFFFFFF90] =	vst v7  }
0x648: {  	v7 =	vpop (erf);
	[tilespmem:s0+$0xFFFFFFC0] =	vst v8  }
0x649: {  	v8 =	vpop (erf);
	[tilespmem:s0+$0xFFFFFFB0] =	vst v7  }
0x64a: {  	[tilespmem:s0+$0xFFFFFFD0] =	vst v8;
	v7 =	vpop (erf)  }
0x64b: {  	[tilespmem:s0+$0xFFFFFFE0] =	vst v7;
	v7 =	vpop (erf)  }
0x64c: {  	s26 =	simm.s32 $0x3910;
	[tilespmem:s0+$0xFFFFFFA0] =	vst v7  }
0x64d: {  	v8 =	vld [tilespmem:s26+$0xFFFFFFF0]  }
0x64e: {  	v9 =	vld [tilespmem:s26+$0x30]  }
0x64f: {  	v10 =	vld [tilespmem:s26+$0xFFFFFFC0]  }
0x650: {  	v11 =	vld [tilespmem:s26+$0xFFFFFFD0]  }
0x651: {  	v12 =	vld [tilespmem:s26+$0x20]  }
0x652: {  	v13 =	vld [tilespmem:s26+$0xFFFFFFE0]  }
0x653: {  	v7 =	vbroadcast v5, $0xF;
	v14 =	vld [tilespmem:s26+$0x0];
	_ =	sdelay $0x1  }
0x654: {  	v5 =	vbroadcast v6, $0xF;
	v10 =	vsub.f32 v10, v7;
	v6 =	vsub.f32 v8, v7  }
0x655: {  	v8 =	vsub.f32 v9, v7;
	v9 =	vsub.f32 v11, v7  }
0x656: {  	v11 =	vsub.f32 v12, v7;
	v12 =	vsub.f32 v13, v7;
	v10 =	vmul.f32 v10, v10  }
0x657: {  	v13 =	vsub.f32 v14, v7;
	v6 =	vmul.f32 v6, v6;
	v8 =	vmul.f32 v8, v8  }
0x658: {  	v9 =	vmul.f32 v9, v9;
	v11 =	vmul.f32 v11, v11  }
0x659: {  	v12 =	vmul.f32 v12, v12;
	v13 =	vmul.f32 v13, v13  }
0x65a: {  	v14 =	vld [tilespmem:s26+$0x10];
	v8 =	vmul.f32 v8, v5;
	v11 =	vmul.f32 v11, v5  }
0x65b: {  	v10 =	vmul.f32 v10, v5;
	v12 =	vmul.f32 v12, v5  }
0x65c: {  	s29 =	simm.s32 $0x3990;
	v6 =	vmul.f32 v6, v5;
	v13 =	vmul.f32 v13, v5  }
0x65d: {  	v15 =	vld [tilespmem:s29+$0xFFFFFFF0];
	v8 =	vmul.f32 $1.442695020e+00, v8;
	v11 =	vmul.f32 $1.442695020e+00, v11  }
0x65e: {  	v16 =	vld [tilespmem:s29+$0x30];
	v10 =	vmul.f32 $1.442695020e+00, v10;
	v12 =	vmul.f32 $1.442695020e+00, v12  }
0x65f: {  	v14 =	vsub.f32 v14, v7;
	(erf) = vpow2.f32 v8;
	v8 =	vmul.f32 v9, v5;
	v9 =	vld [tilespmem:s29+$0xFFFFFFC0]  }
0x660: {  	v6 =	vmul.f32 $1.442695020e+00, v6;
	(erf) = vpow2.f32 v11;
	v11 =	vld [tilespmem:s29+$0xFFFFFFD0]  }
0x661: {  	v17 =	vld [tilespmem:s29+$0x20];
	v14 =	vmul.f32 v14, v14;
	(erf) = vpow2.f32 v10  }
0x662: {  	v10 =	vmul.f32 $1.442695020e+00, v8;
	(erf) = vpow2.f32 v6  }
0x663: {  	v6 =	vmul.f32 $1.442695020e+00, v13;
	v13 =	vmul.f32 v14, v5  }
0x664: {  	(erf) = vpow2.f32 v12;
	v8 =	vsub.f32 v9, v7;
	v9 =	vsub.f32 v15, v7  }
0x665: {  	v18 =	vld [tilespmem:s29+$0xFFFFFFE0];
	v14 =	vsub.f32 v16, v7;
	(erf) = vpow2.f32 v6;
	v11 =	vsub.f32 v11, v7  }
0x666: {  	v12 =	vld [tilespmem:s29+$0x0];
	v16 =	vmul.f32 v8, v8;
	v8 =	vmul.f32 v9, v9;
	v9 =	vsub.f32 v17, v7  }
0x667: {  	v6 =	vmul.f32 v11, v11;
	v11 =	vmul.f32 v14, v14  }
0x668: {  	v13 =	vmul.f32 $1.442695020e+00, v13;
	v9 =	vmul.f32 v9, v9  }
0x669: {  	v17 =	vld [tilespmem:s29+$0x10];
	v11 =	vmul.f32 v11, v5  }
0x66a: {  	s0 =	simm.s32 $0x60C0;
	v15 =	vsub.f32 v18, v7;
	v14 =	vpop (erf);
	(erf) = vpow2.f32 v13  }
0x66b: {  	v13 =	vsub.f32 v12, v7;
	[tilespmem:s0+$0x0] =	vst v14;
	v12 =	vpop (erf);
	(erf) = vpow2.f32 v10  }
0x66c: {  	[tilespmem:s0+$0xFFFFFFF0] =	vst v12;
	v12 =	vmul.f32 v15, v15;
	v14 =	vmul.f32 v9, v5;
	v9 =	vpop (erf)  }
0x66d: {  	v10 =	vmul.f32 v13, v13;
	v15 =	vmul.f32 $1.442695020e+00, v11;
	[tilespmem:s0+$0xFFFFFF90] =	vst v9;
	v11 =	vpop (erf)  }
0x66e: {  	s3 =	simm.s32 $0x8;
	s15 =	simm.s32 $0x3A10;
	s1 =	simm.s32 $0x60C0;
	v13 =	vmul.f32 v16, v5;
	v14 =	vmul.f32 $1.442695020e+00, v14;
	v9 =	vsub.f32 v17, v7;
	[tilespmem:s0+$0xFFFFFFC0] =	vst v11;
	v11 =	vpop (erf)  }
.LBB2_36:
0x66f: {  	v16 =	vld [tilespmem:s15+$0xFFFFFFF0];
	s3 =	sadd.s32 $0x8, s3;
	v12 =	vmul.f32 v12, v5;
	(erf) = vpow2.f32 v15;
	s0 =	sadd.s32 $0x400, s0;
	v15 =	vpop (erf)  }
0x670: {  	v6 =	vmul.f32 v6, v5;
	v8 =	vmul.f32 v8, v5;
	v17 =	vld [tilespmem:s15+$0x30];
	p1 =	slt.u32 s3, $0x38;
	[tilespmem:s1+$0xFFFFFFD0] =	vst v15  }
0x671: {  	v13 =	vmul.f32 $1.442695020e+00, v13;
	v15 =	vld [tilespmem:s15+$0xFFFFFFC0];
	(erf) = vpow2.f32 v14;
	[tilespmem:s1+$0xFFFFFFB0] =	vst v11  }
0x672: {  	v12 =	vmul.f32 $1.442695020e+00, v12;
	v8 =	vmul.f32 $1.442695020e+00, v8;
	v11 =	vld [tilespmem:s15+$0xFFFFFFD0]  }
0x673: {  	v10 =	vmul.f32 v10, v5;
	v9 =	vmul.f32 v9, v9;
	v14 =	vld [tilespmem:s15+$0x20];
	v18 =	vpop (erf)  }
0x674: {  	v20 =	vmul.f32 $1.442695020e+00, v6;
	v19 =	vld [tilespmem:s15+$0xFFFFFFE0];
	(erf) = vpow2.f32 v13;
	[tilespmem:s1+$0xFFFFFFE0] =	vst v18;
	v6 =	vpop (erf)  }
0x675: {  	v13 =	vsub.f32 v16, v7;
	v18 =	vmul.f32 $1.442695020e+00, v10;
	v16 =	vld [tilespmem:s15+$0x0];
	(erf) = vpow2.f32 v8;
	[tilespmem:s1+$0xFFFFFFA0] =	vst v6;
	s1 =	smov.u32 s0  }
0x676: {  	v9 =	vmul.f32 v9, v5;
	v6 =	vsub.f32 v15, v7;
	v15 =	vld [tilespmem:s15+$0x10];
	(erf) = vpow2.f32 v12  }
0x677: {  	v12 =	vsub.f32 v17, v7;
	v11 =	vsub.f32 v11, v7;
	(erf) = vpow2.f32 v18  }
0x678: {  	v8 =	vmul.f32 v13, v13;
	v17 =	vmul.f32 v6, v6;
	v10 =	vpop (erf)  }
0x679: {  	v13 =	vmul.f32 $1.442695020e+00, v9;
	v6 =	vmul.f32 v11, v11;
	v11 =	vsub.f32 v14, v7;
	[tilespmem:s0+$0x0] =	vst v10  }
0x67a: {  	v12 =	vmul.f32 v12, v12;
	v10 =	vsub.f32 v19, v7;
	v14 =	vsub.f32 v16, v7;
	v16 =	vpop (erf)  }
.Ltmp17:
0x67b: {  	v9 =	vsub.f32 v15, v7;
	v11 =	vmul.f32 v11, v11;
	[tilespmem:s0+$0xFFFFFFF0] =	vst v16;
	(erf) = vpow2.f32 v13;
	(pc) =	sbr.rel @p1 .LBB2_36-.Ltmp17, $4  }
0x67c: {  	v13 =	vmul.f32 v12, v5;
	(erf) = vpow2.f32 v20  }
0x67d: {  	v12 =	vmul.f32 v10, v10;
	v18 =	vmul.f32 v11, v5;
	v16 =	vpop (erf)  }
0x67e: {  	v10 =	vmul.f32 v14, v14;
	v15 =	vmul.f32 $1.442695020e+00, v13;
	[tilespmem:s0+$0xFFFFFF90] =	vst v16;
	v16 =	vpop (erf)  }
0x67f: {  	s15 =	sadd.s32 $0x80, s15;
	v13 =	vmul.f32 v17, v5;
	v14 =	vmul.f32 $1.442695020e+00, v18;
	[tilespmem:s0+$0xFFFFFFC0] =	vst v16;
	v11 =	vpop (erf)  }
0x680: {  	v7 =	vmul.f32 v12, v5  }
0x681: {  	(erf) = vpow2.f32 v15;
	v8 =	vmul.f32 v8, v5  }
0x682: {  	v10 =	vmul.f32 v10, v5;
	v9 =	vmul.f32 v9, v9  }
0x683: {  	v62 =	vmul.f32 $1.442695020e+00, v13;
	(erf) = vpow2.f32 v14  }
0x684: {  	v7 =	vmul.f32 $1.442695020e+00, v7;
	v8 =	vmul.f32 $1.442695020e+00, v8  }
0x685: {  	v10 =	vmul.f32 $1.442695020e+00, v10;
	v63 =	vmul.f32 v9, v5  }
0x686: {  	v5 =	vmul.f32 v6, v5;
	(erf) = vpow2.f32 v62  }
0x687: {  	(erf) = vpow2.f32 v8;
	v6 =	vmul.f32 $1.442695020e+00, v63  }
0x688: {  	(erf) = vpow2.f32 v7  }
0x689: {  	v5 =	vmul.f32 $1.442695020e+00, v5;
	(erf) = vpow2.f32 v10;
	v7 =	vpop (erf)  }
0x68a: {  	[tilespmem:s1+$0xFFFFFFD0] =	vst v7;
	v7 =	vpop (erf);
	(erf) = vpow2.f32 v6  }
0x68b: {  	[tilespmem:s1+$0xFFFFFFB0] =	vst v11;
	v6 =	vpop (erf);
	(erf) = vpow2.f32 v5  }
0x68c: {  	[tilespmem:s1+$0xFFFFFFE0] =	vst v7  }
0x68d: {  	s0 =	sadd.s32 $0x400, s0;
	v5 =	vpop (erf);
	[tilespmem:s1+$0xFFFFFFA0] =	vst v6  }
0x68e: {  	v7 =	vpop (erf);
	[tilespmem:s0+$0x0] =	vst v5  }
0x68f: {  	[tilespmem:s0+$0xFFFFFFF0] =	vst v7;
	v5 =	vpop (erf)  }
0x690: {  	v6 =	vpop (erf);
	[tilespmem:s0+$0xFFFFFF90] =	vst v5  }
0x691: {  	v5 =	vpop (erf);
	[tilespmem:s0+$0xFFFFFFC0] =	vst v6  }
0x692: {  	v6 =	vpop (erf);
	[tilespmem:s0+$0xFFFFFFB0] =	vst v5  }
0x693: {  	[tilespmem:s0+$0xFFFFFFD0] =	vst v6;
	v5 =	vpop (erf)  }
0x694: {  	[tilespmem:s0+$0xFFFFFFE0] =	vst v5;
	v5 =	vpop (erf)  }
0x695: {  	[tilespmem:s0+$0xFFFFFFA0] =	vst v5  }
0x696: {  	[hbm4b:s11+s6] =	stream.linear.scatter [tilespmem:s31], [sflag:$0x1], $0x2000, $0x38;
	[tilespmem:$0x7ED0] =	vst v63  }
0x697: {  	_ = 	snop  }
0x698: {  	[hbm4b:s13+s6] =	stream.linear.scatter [tilespmem:s2], [sflag:$0x1], $0x2000, $0x38;
	[tilespmem:$0x7ED0] =	vst v63  }
0x699: {  	_ =	swait.ge [sflag:s19], $0x1000  }
0x69a: {  	[sflag:s19] =	ssyncset.done $0x0  }
0x69b: {  	[sflag:s19] =	ssyncadd.s32 $0xFFFFF000  }
0x69c: {  	_ =	swait.ge [sflag:s19], $0x400  }
0x69d: {  	[sflag:s19] =	ssyncset.done $0x0  }
0x69e: {  	s5 =	sadd.s32 $0x1, s5;
	[sflag:s19] =	ssyncadd.s32 $0xFFFFFC00  }
0x69f: {  	p1 =	sne.s32 s5, s14;
	_ =	swait.ge [sflag:s19], $0x2000  }
.Ltmp18:
0x6a0: {  	[sflag:s19] =	ssyncset.done $0x0;
	(pc) =	sbr.rel @p1 .LBB2_1-.Ltmp18, $4  }
0x6a1: {  	[sflag:s19] =	ssyncadd.s32 $0xFFFFE000  }
0x6a2: {  	_ =	swait.ge [sflag:s19], $0x2000  }
0x6a3: {  	[sflag:s19] =	ssyncset.done $0x0  }
0x6a4: {  	[sflag:s19] =	ssyncadd.s32 $0xFFFFE000  }
0x6a5: {  	_ =	sfence.sel $0x180000  }
0x6a6: {  	[bflag:$0x0] =	sbarrier.arrive $0xFFFF  }
0x6a7: {  	_ =	strace $0x90000047  }
0x6a8: {  	s0 =	stileid.u32;
	[bflag:$0x2] =	sbarrier.arrive $0xFFFF  }
0x6a9: {  	p0 =	sne.s32 s0, $0x0;
	s0 =	rddreg [dreg:$0x9]  }
0x6aa: {  	s0 =	sadd.s32 @!p0 $0x100000, s0  }
0x6ab: {  	[sflag:s0] =	ssyncadd.tile.s32 @!p0 $0x1;
	_ =	shalt  }
.Lfunc_end2:
_tile_overlayer_lowered:
.L_overlay_start_2:
0x6ac: {  	(tag) =	ssettag $0x2  }
0x6ad: {  	s0 =	rddreg [dreg:$0x0];
	s2 =	stileid.u32  }
0x6ae: {  	s1 =	rddreg [dreg:$0x1];
	p0 =	sne.s32 s2, $0x0  }
0x6af: {  	s3 =	rddreg [dreg:$0x2];
	[bflag:$0x3] =	sbarrier.arrive $0xFFFF;
	s2 =	simm.s32 @!p0 $0x1C02  }
0x6b0: {  	[timem:s3], [sflag:s2] =	dma.local @!p0 [hbm:s0], s1  }
0x6b1: {  	s0 =	simm.s32 @!p0 $0x2  }
0x6b2: {  	_ =	swait.ge @!p0 [sflag:s0], s1  }
0x6b3: {  	s1 =	ssub.s32 @!p0 $0x0, s1;
	[sflag:s0] =	ssyncset.done @!p0 $0x0  }
0x6b4: {  	[sflag:s0] =	ssyncadd.s32 @!p0 s1  }
0x6b5: {  	[bflag:$0x3] =	sbarrier.arrive $0xFFFF  }
0x6b6: {  	_ =	shalt  }

</sc_bundles>
